<compile_context>
chip_gen: v7x
topology: tpu7x:2x2x1
jax: 0.10.2.dev20260603
libtpu: 0.0.44.dev20260713+nightly
codegen_flags: <defaults>
</compile_context>

<pallas_src>
import functools

import jax
import jax.numpy as jnp
from jax import lax
from jax.experimental import pallas as pl
from jax.experimental.pallas import tpu as pltpu
from jax.experimental.pallas import tpu_sc as plsc

_N = 10000
_E = 320000
_D = 128
_G = 64
_NC = 2
_NS = 16
_NW = _NC * _NS
_CH = 40
_EPT = 10000
_RPT = 624
_LAST = _N - _RPT * (_NS - 1)
_PADROWS = 16


_NCHUNK = _EPT // _CH
_NBUF = 5
_SEG = 125
_NSEG = _NCHUNK // _SEG


def _spmm_body(x_hbm, edge_hbm, out_hbm,
               sidx, didx, rows, agg, semg, sems, semi):
    cid = lax.axis_index("c")
    sid = lax.axis_index("s")
    wid = cid * _NS + sid
    base = sid * _RPT
    src_hbm = edge_hbm.at[0]
    dst_hbm = edge_hbm.at[1]

    def zstep(k, carry):
        rows[0][k // 8, pl.ds((k % 8) * 16, 16)] = jnp.zeros((16,), jnp.float32)
        return carry

    lax.fori_loop(0, _CH * 8, zstep, 0)

    def zcopy(off, n):
        pltpu.async_copy(rows[0].at[pl.ds(0, n)],
                         agg.at[pl.ds(base + off, n)], semg[0])

    def zcopy_wait(n):
        pltpu.make_async_copy(rows[0].at[pl.ds(0, n)],
                              agg.at[pl.ds(base, n)], semg[0]).wait()

    _zs = []
    for k in range(_RPT // _CH):
        _zs.append((k * _CH, _CH))
    _zs.append((_RPT - _RPT % _CH if _RPT % _CH else _RPT, _RPT % _CH))
    _zs = [(o, n) for o, n in _zs if n > 0]

    for o, n in _zs:
        zcopy(o, n)

    @pl.when(sid == _NS - 1)
    def _():
        extra = _LAST + _PADROWS - _RPT
        pltpu.async_copy(rows[0].at[pl.ds(0, extra)],
                         agg.at[pl.ds(base + _RPT, extra)], semg[0])

    for _, n in _zs:
        zcopy_wait(n)

    @pl.when(sid == _NS - 1)
    def _():
        zcopy_wait(_LAST + _PADROWS - _RPT)

    plsc.subcore_barrier()

    def gather(k, b, s):
        pltpu.async_copy(x_hbm.at[sidx[s].at[pl.ds(k * _CH, _CH)]],
                         rows[b], semg[b])

    def gather_wait(b):
        pltpu.make_async_copy(x_hbm.at[sidx[0].at[pl.ds(0, _CH)]],
                              rows[b], semg[b]).wait()

    def scatter(k, b, s):
        pltpu.async_copy(rows[b], agg.at[didx[s].at[pl.ds(k * _CH, _CH)]],
                         sems[b], add=True)

    def scatter_wait(b):
        pltpu.make_async_copy(rows[b], agg.at[didx[0].at[pl.ds(0, _CH)]],
                              sems[b]).wait()

    def load_idx(seg, s):
        segbase = wid * _EPT + seg * _SEG * _CH
        pltpu.async_copy(src_hbm.at[pl.ds(segbase, _SEG * _CH)],
                         sidx[s], semi[s])
        pltpu.async_copy(dst_hbm.at[pl.ds(segbase, _SEG * _CH)],
                         didx[s], semi[s])

    def wait_idx(s):
        pltpu.make_async_copy(src_hbm.at[pl.ds(0, _SEG * _CH)],
                              sidx[s], semi[s]).wait()
        pltpu.make_async_copy(dst_hbm.at[pl.ds(0, _SEG * _CH)],
                              didx[s], semi[s]).wait()

    _NITER = _SEG // _NBUF

    load_idx(0, 0)
    wait_idx(0)
    for b in range(_NBUF):
        gather(b, b, 0)

    for seg in range(_NSEG):
        s = seg % 2
        ns = (seg + 1) % 2
        if seg + 1 < _NSEG:
            load_idx(seg + 1, ns)

        def step(i, carry):
            k0 = i * _NBUF
            for b in range(_NBUF):
                gather_wait(b)
                scatter(k0 + b, b, s)
            for b in range(_NBUF):
                @pl.when(i < _NITER - 1)
                def _(b=b):
                    scatter_wait(b)
                    gather(k0 + _NBUF + b, b, s)
            return carry

        lax.fori_loop(0, _NITER, step, 0)

        if seg + 1 < _NSEG:
            wait_idx(ns)
            for b in range(_NBUF):
                scatter_wait(b)
                gather(b, b, ns)
        else:
            for b in range(_NBUF):
                scatter_wait(b)

    plsc.subcore_barrier()

    @pl.when(jnp.logical_and(cid == 0, sid < _NS - 1))
    def _():
        pltpu.sync_copy(agg.at[pl.ds(base, _RPT)],
                        out_hbm.at[0].at[pl.ds(base, _RPT)])

    @pl.when(jnp.logical_and(cid == 0, sid == _NS - 1))
    def _():
        pltpu.sync_copy(agg.at[pl.ds(_RPT * (_NS - 1), _LAST)],
                        out_hbm.at[0].at[pl.ds(_RPT * (_NS - 1), _LAST)])

    @pl.when(jnp.logical_and(cid == 1, sid < _NS - 1))
    def _():
        pltpu.sync_copy(agg.at[pl.ds(base, _RPT)],
                        out_hbm.at[1].at[pl.ds(base, _RPT)])

    @pl.when(jnp.logical_and(cid == 1, sid == _NS - 1))
    def _():
        pltpu.sync_copy(agg.at[pl.ds(_RPT * (_NS - 1), _LAST)],
                        out_hbm.at[1].at[pl.ds(_RPT * (_NS - 1), _LAST)])


@functools.cache
def _get_spmm_call():
    return pl.kernel(
        _spmm_body,
        out_type=jax.ShapeDtypeStruct((_NC, _N, _D), jnp.float32),
        mesh=plsc.VectorSubcoreMesh(core_axis_name="c", subcore_axis_name="s",
                                    num_cores=_NC, num_subcores=_NS),
        compiler_params=pltpu.CompilerParams(use_tc_tiling_on_sc=False),
        scratch_types=[
            [pltpu.VMEM((_SEG * _CH,), jnp.int32) for _ in range(2)],
            [pltpu.VMEM((_SEG * _CH,), jnp.int32) for _ in range(2)],
            [pltpu.VMEM((_CH, _D), jnp.float32) for _ in range(_NBUF)],
            pltpu.VMEM_SHARED((_N + _PADROWS, _D), jnp.float32),
            [pltpu.SemaphoreType.DMA for _ in range(_NBUF)],
            [pltpu.SemaphoreType.DMA for _ in range(_NBUF)],
            [pltpu.SemaphoreType.DMA for _ in range(2)],
        ],
    )


def _spmm_call(x, edge2):
    return _get_spmm_call()(x, edge2)


def _mlp_body(x_ref, a0_ref, a1_ref, w1_ref, b1_ref, w2_ref, b2_ref, o_ref):
    h = (x_ref[...] + a0_ref[...].reshape(_BR, _D)
         + a1_ref[...].reshape(_BR, _D))
    h = jnp.maximum(
        jnp.dot(h, w1_ref[...], preferred_element_type=jnp.float32)
        + b1_ref[...], 0.0)
    h = jnp.maximum(
        jnp.dot(h, w2_ref[...], preferred_element_type=jnp.float32)
        + b2_ref[...], 0.0)
    o_ref[...] = h


_BR = 2000
_NB = _N // _BR


def _mlp_tc(x, agg, w1, b1, w2, b2):
    row_spec = pl.BlockSpec((_BR, _D), lambda i: (i, 0))
    a0_spec = pl.BlockSpec((1, _BR, _D), lambda i: (0, i, 0))
    a1_spec = pl.BlockSpec((1, _BR, _D), lambda i: (1, i, 0))
    w_spec = pl.BlockSpec((_D, _D), lambda i: (0, 0))
    b_spec = pl.BlockSpec((1, _D), lambda i: (0, 0))
    return pl.pallas_call(
        _mlp_body,
        grid=(_NB,),
        in_specs=[row_spec, a0_spec, a1_spec, w_spec, b_spec, w_spec, b_spec],
        out_specs=row_spec,
        out_shape=jax.ShapeDtypeStruct((_N, _D), jnp.float32),
    )(x, agg, agg, w1, b1, w2, b2)


def _final_body(x_ref, a0_ref, a1_ref, w1_ref, b1_ref, w2_ref, b2_ref,
                bt_ref, wfc_ref, bfc_ref, o_ref, p1_ref, p2_ref):
    i = pl.program_id(0)

    @pl.when(i == 0)
    def _():
        p1_ref[...] = jnp.zeros_like(p1_ref)
        p2_ref[...] = jnp.zeros_like(p2_ref)

    x1b = x_ref[...]
    h = (x1b + a0_ref[...].reshape(_BR, _D)
         + a1_ref[...].reshape(_BR, _D))
    h = jnp.maximum(
        jnp.dot(h, w1_ref[...], preferred_element_type=jnp.float32)
        + b1_ref[...], 0.0)
    x2b = jnp.maximum(
        jnp.dot(h, w2_ref[...], preferred_element_type=jnp.float32)
        + b2_ref[...], 0.0)

    b2d = bt_ref[...].reshape(1, _BR)
    gids = lax.broadcasted_iota(jnp.int32, (_G, _BR), 0)
    pt = (gids == b2d).astype(jnp.float32)
    p1_ref[...] += jnp.dot(pt, x1b, preferred_element_type=jnp.float32)
    p2_ref[...] += jnp.dot(pt, x2b, preferred_element_type=jnp.float32)

    @pl.when(i == _NB - 1)
    def _():
        pooled = (
            jnp.dot(p1_ref[...], wfc_ref[0:_D, :],
                    preferred_element_type=jnp.float32)
            + jnp.dot(p2_ref[...], wfc_ref[_D:2 * _D, :],
                      preferred_element_type=jnp.float32)
            + bfc_ref[...])
        m = jnp.max(pooled, axis=-1, keepdims=True)
        lse = jnp.log(jnp.sum(jnp.exp(pooled - m), axis=-1, keepdims=True)) + m
        o_ref[...] = pooled - lse


def _final_tc(x1, agg, w1, b1, w2, b2, batch3, wfc, bfc):
    row_spec = pl.BlockSpec((_BR, _D), lambda i: (i, 0))
    a0_spec = pl.BlockSpec((1, _BR, _D), lambda i: (0, i, 0))
    a1_spec = pl.BlockSpec((1, _BR, _D), lambda i: (1, i, 0))
    w_spec = pl.BlockSpec((_D, _D), lambda i: (0, 0))
    b_spec = pl.BlockSpec((1, _D), lambda i: (0, 0))
    return pl.pallas_call(
        _final_body,
        grid=(_NB,),
        in_specs=[
            row_spec, a0_spec, a1_spec, w_spec, b_spec, w_spec, b_spec,
            pl.BlockSpec((1, 1, _BR), lambda i: (i, 0, 0)),
            pl.BlockSpec((2 * _D, _D), lambda i: (0, 0)),
            b_spec,
        ],
        out_specs=pl.BlockSpec((_G, _D), lambda i: (0, 0)),
        out_shape=jax.ShapeDtypeStruct((_G, _D), jnp.float32),
        scratch_shapes=[
            pltpu.VMEM((_G, _D), jnp.float32),
            pltpu.VMEM((_G, _D), jnp.float32),
        ],
    )(x1, agg, agg, w1, b1, w2, b2, batch3, wfc, bfc)


def kernel(x, edge_index, batch, W1_0, b1_0, W2_0, b2_0,
           W1_1, b1_1, W2_1, b2_1, Wfc, bfc):

    b1_0r = b1_0.reshape(1, _D)
    b2_0r = b2_0.reshape(1, _D)
    b1_1r = b1_1.reshape(1, _D)
    b2_1r = b2_1.reshape(1, _D)
    bfcr = bfc.reshape(1, _D)
    batch3 = batch.reshape(_NB, 1, _BR)

    agg1 = _spmm_call(x, edge_index)
    x1 = _mlp_tc(x, agg1, W1_0, b1_0r, W2_0, b2_0r)
    agg2 = _spmm_call(x1, edge_index)
    out = _final_tc(x1, agg2, W1_1, b1_1r, W2_1, b2_1r, batch3, Wfc, bfcr)
    return out

# --- scband reference (transcript-rebuilt; emitter-appended) ---
"""Pipeline reference for scband-ginjk-88244398063736 (READ-ONLY COPY).

The authoritative reference and input builder live on the scoring server;
editing this copy changes nothing except your own understanding.
"""

import jax, jax.numpy as jnp
import numpy as np

N = 10000
E = 320000
D = 128
H = 128
OUT = 128
G = 64


def _lin(key, fin, fout):
    kw, kb = jax.random.split(key)
    W = jax.random.normal(kw, (fin, fout), jnp.float32) / jnp.sqrt(fin)
    b = jax.random.normal(kb, (fout,), jnp.float32) * 0.01
    return W, b


def setup_inputs(seed: int = 0) -> dict:
    key = jax.random.key(seed)
    ks = jax.random.split(key, 10)
    x = jax.random.normal(ks[0], (N, D), jnp.float32)
    edge_index = jax.random.randint(ks[1], (2, E), 0, N, dtype=jnp.int32)
    batch = jnp.sort(jax.random.randint(ks[2], (N,), 0, G, dtype=jnp.int32))
    W1_0, b1_0 = _lin(ks[3], D, H)
    W2_0, b2_0 = _lin(ks[4], H, H)
    W1_1, b1_1 = _lin(ks[5], H, H)
    W2_1, b2_1 = _lin(ks[6], H, H)
    Wfc, bfc = _lin(ks[7], 2 * H, OUT)
    return {
        "x": x, "edge_index": edge_index, "batch": batch,
        "W1_0": W1_0, "b1_0": b1_0, "W2_0": W2_0, "b2_0": b2_0,
        "W1_1": W1_1, "b1_1": b1_1, "W2_1": W2_1, "b2_1": b2_1,
        "Wfc": Wfc, "bfc": bfc,
    }


def _gin_conv(x, edge_index, W1, b1, W2, b2):
    n = x.shape[0]
    src, dst = edge_index[0], edge_index[1]
    agg = jax.ops.segment_sum(x[src], dst, num_segments=n)
    h = x + agg  # (1 + eps) * x + agg, eps = 0
    h = jnp.maximum(h @ W1 + b1, 0.0)
    h = h @ W2 + b2
    return h


def reference(x, edge_index, batch, W1_0, b1_0, W2_0, b2_0, W1_1, b1_1, W2_1, b2_1, Wfc, bfc):
    x1 = jnp.maximum(_gin_conv(x, edge_index, W1_0, b1_0, W2_0, b2_0), 0.0)
    x2 = jnp.maximum(_gin_conv(x1, edge_index, W1_1, b1_1, W2_1, b2_1), 0.0)
    xc = jnp.concatenate([x1, x2], axis=-1)  # JumpingKnowledge(mode='cat')
    pooled = jax.ops.segment_sum(xc, batch, num_segments=G)  # global_add_pool
    out = pooled @ Wfc + bfc
    return jax.nn.log_softmax(out, axis=-1)

if __name__ == "__main__":
    import jax
    _d = setup_inputs()
    print(jax.jit(kernel)(*tuple(_d.values())))

</pallas_src>

<mosaic_0001>
#map = affine_map<(d0, d1) -> (0, 0)>
#map1 = affine_map<(d0, d1) -> (0, 0, 0)>
module attributes {stable_mosaic.version = 14 : i64} {
  func.func @_spmm_body(%arg0: i32, %arg1: i32, %arg2: memref<10000x128xf32, #tpu.memory_space<hbm>>, %arg3: memref<2x320000xi32, #tpu.memory_space<hbm>>, %arg4: memref<2x10000x128xf32, #tpu.memory_space<hbm>>, %arg5: memref<5000xi32, #tpu.memory_space<vmem>>, %arg6: memref<5000xi32, #tpu.memory_space<vmem>>, %arg7: memref<5000xi32, #tpu.memory_space<vmem>>, %arg8: memref<5000xi32, #tpu.memory_space<vmem>>, %arg9: memref<40x128xf32, #tpu.memory_space<vmem>>, %arg10: memref<40x128xf32, #tpu.memory_space<vmem>>, %arg11: memref<40x128xf32, #tpu.memory_space<vmem>>, %arg12: memref<40x128xf32, #tpu.memory_space<vmem>>, %arg13: memref<40x128xf32, #tpu.memory_space<vmem>>, %arg14: memref<10016x128xf32, #tpu.memory_space<vmem_shared>>, %arg15: memref<!tpu.dma_semaphore, #tpu.memory_space<semaphore_mem>>, %arg16: memref<!tpu.dma_semaphore, #tpu.memory_space<semaphore_mem>>, %arg17: memref<!tpu.dma_semaphore, #tpu.memory_space<semaphore_mem>>, %arg18: memref<!tpu.dma_semaphore, #tpu.memory_space<semaphore_mem>>, %arg19: memref<!tpu.dma_semaphore, #tpu.memory_space<semaphore_mem>>, %arg20: memref<!tpu.dma_semaphore, #tpu.memory_space<semaphore_mem>>, %arg21: memref<!tpu.dma_semaphore, #tpu.memory_space<semaphore_mem>>, %arg22: memref<!tpu.dma_semaphore, #tpu.memory_space<semaphore_mem>>, %arg23: memref<!tpu.dma_semaphore, #tpu.memory_space<semaphore_mem>>, %arg24: memref<!tpu.dma_semaphore, #tpu.memory_space<semaphore_mem>>, %arg25: memref<!tpu.dma_semaphore, #tpu.memory_space<semaphore_mem>>, %arg26: memref<!tpu.dma_semaphore, #tpu.memory_space<semaphore_mem>>) attributes {dimension_semantics = [#tpu.dimension_semantics<core_parallel>, #tpu.dimension_semantics<subcore_parallel>], iteration_bounds = array<i64: 2, 16>, scalar_prefetch = 0 : i64, scratch_operands = 22 : i64, tpu.core_type = #tpu.core_type<sc_vector_subcore>, window_params = [{transform_indices = #map}, {transform_indices = #map}, {transform_indices = #map1}]} {
    %mul3A = arith.constant 16 : i32
    %mul3A_0 = arith.muli %arg0, %mul3A : i32
    %add3A = arith.addi %mul3A_0, %arg1 : i32
    %mul3A_1 = arith.constant 624 : i32
    %mul3A_2 = arith.muli %arg1, %mul3A_1 : i32
    %scan3A = arith.constant 0 : i32
    %scan3A_3 = arith.constant 0 : i32
    %scan3A_4 = arith.constant 320 : i32
    %scan3A_5 = arith.addi %scan3A_3, %scan3A_4 : i32
    %scan3A_6 = arith.constant 1 : i32
    scf.for %scan3A_596 = %scan3A_3 to %scan3A_5 step %scan3A_6  : i32 {
      %broadcast_in_dim3A = arith.constant 0.000000e+00 : f32
      %broadcast_in_dim3A_597 = vector.broadcast %broadcast_in_dim3A : f32 to vector<16xf32>
      %jit3A = arith.constant 8 : i32
      %div3A = arith.divsi %scan3A_596, %jit3A : i32
      %sign3A = arith.constant 0 : i32
      %sign3A_598 = arith.cmpi sgt, %scan3A_596, %sign3A : i32
      %sign3A_599 = arith.extui %sign3A_598 : i1 to i32
      %sign3A_600 = arith.constant 0 : i32
      %sign3A_601 = arith.cmpi slt, %scan3A_596, %sign3A_600 : i32
      %sign3A_602 = arith.extui %sign3A_601 : i1 to i32
      %sign3A_603 = arith.subi %sign3A_599, %sign3A_602 : i32
      %sign3A_604 = arith.constant 0 : i32
      %sign3A_605 = arith.cmpi sgt, %jit3A, %sign3A_604 : i32
      %sign3A_606 = arith.extui %sign3A_605 : i1 to i32
      %sign3A_607 = arith.constant 0 : i32
      %sign3A_608 = arith.cmpi slt, %jit3A, %sign3A_607 : i32
      %sign3A_609 = arith.extui %sign3A_608 : i1 to i32
      %sign3A_610 = arith.subi %sign3A_606, %sign3A_609 : i32
      %ne3A = arith.cmpi ne, %sign3A_603, %sign3A_610 : i32
      %rem3A = arith.remsi %scan3A_596, %jit3A : i32
      %ne3A_611 = arith.constant 0 : i32
      %ne3A_612 = arith.cmpi ne, %rem3A, %ne3A_611 : i32
      %and3A_613 = arith.andi %ne3A, %ne3A_612 : i1
      %sub3A = arith.constant 1 : i32
      %sub3A_614 = arith.subi %div3A, %sub3A : i32
      %select_n3A = arith.select %and3A_613, %sub3A_614, %div3A : i32
      %jit3A_615 = arith.constant 8 : i32
      %eq3A_616 = arith.constant 0 : i32
      %eq3A_617 = arith.cmpi eq, %jit3A_615, %eq3A_616 : i32
      %jit3A_618 = arith.constant 1 : i32
      %select_n3A_619 = arith.select %eq3A_617, %jit3A_618, %jit3A_615 : i32
      %rem3A_620 = arith.remsi %scan3A_596, %select_n3A_619 : i32
      %ne3A_621 = arith.constant 0 : i32
      %ne3A_622 = arith.cmpi ne, %rem3A_620, %ne3A_621 : i32
      %lt3A_623 = arith.constant 0 : i32
      %lt3A_624 = arith.cmpi slt, %rem3A_620, %lt3A_623 : i32
      %lt3A_625 = arith.constant 0 : i32
      %lt3A_626 = arith.cmpi slt, %select_n3A_619, %lt3A_625 : i32
      %ne3A_627 = arith.xori %lt3A_624, %lt3A_626 : i1
      %and3A_628 = arith.andi %ne3A_627, %ne3A_622 : i1
      %add3A_629 = arith.addi %rem3A_620, %select_n3A_619 : i32
      %select_n3A_630 = arith.select %and3A_628, %add3A_629, %rem3A_620 : i32
      %mul3A_631 = arith.constant 16 : i32
      %mul3A_632 = arith.muli %select_n3A_630, %mul3A_631 : i32
      %swap3A = arith.index_cast %select_n3A : i32 to index
      %swap3A_633 = arith.index_cast %mul3A_632 : i32 to index
      %swap3A_634 = tpu.vector_load %arg9[%swap3A, %swap3A_633] {strides = array<i32>} : memref<40x128xf32, #tpu.memory_space<vmem>>, vector<1x16xf32>,
      %swap3A_635 = vector.shape_cast %swap3A_634 : vector<1x16xf32> to vector<16xf32>
      %swap3A_636 = vector.shape_cast %broadcast_in_dim3A_597 : vector<16xf32> to vector<1x16xf32>
      tpu.vector_store %arg9[%swap3A, %swap3A_633], %swap3A_636 {strides = array<i32>} : memref<40x128xf32, #tpu.memory_space<vmem>>, vector<1x16xf32>,
    }
    %scan3A_7 = arith.constant 320 : i32
    %add3A_8 = arith.constant 0 : i32
    %add3A_9 = arith.addi %mul3A_2, %add3A_8 : i32
    %dma_start3A = arith.constant 0 : i32
    %dma_start3A_10 = arith.constant 0 : i32
    %dma_start3A_11 = tpu.memref_slice %arg9[%dma_start3A, %dma_start3A_10] : memref<40x128xf32, #tpu.memory_space<vmem>> -> memref<40x128xf32, #tpu.memory_space<vmem>>
    %dma_start3A_12 = arith.constant 0 : i32
    %dma_start3A_13 = tpu.memref_slice %arg14[%add3A_9, %dma_start3A_12] : memref<10016x128xf32, #tpu.memory_space<vmem_shared>> -> memref<40x128xf32, #tpu.memory_space<vmem_shared>>
    %dma_start3A_14 = arith.constant 0 : i32
    %dma_start3A_15 = tpu.memref_slice %arg14[%add3A_9, %dma_start3A_14] : memref<10016x128xf32, #tpu.memory_space<vmem_shared>> -> memref<40x128xf32, #tpu.memory_space<vmem_shared>>
    %dma_start3A_16 = arith.constant 0 : i32
    %dma_start3A_17 = arith.constant 0 : i32
    %dma_start3A_18 = tpu.memref_slice %arg9[%dma_start3A_16, %dma_start3A_17] : memref<40x128xf32, #tpu.memory_space<vmem>> -> memref<40x128xf32, #tpu.memory_space<vmem>>
    tpu.enqueue_dma source(%dma_start3A_18 : memref<40x128xf32, #tpu.memory_space<vmem>>) target(%dma_start3A_15 : memref<40x128xf32, #tpu.memory_space<vmem_shared>>) target_semaphore(%arg15 : memref<!tpu.dma_semaphore, #tpu.memory_space<semaphore_mem>>)
    %add3A_19 = arith.constant 40 : i32
    %add3A_20 = arith.addi %mul3A_2, %add3A_19 : i32
    %dma_start3A_21 = arith.constant 0 : i32
    %dma_start3A_22 = arith.constant 0 : i32
    %dma_start3A_23 = tpu.memref_slice %arg9[%dma_start3A_21, %dma_start3A_22] : memref<40x128xf32, #tpu.memory_space<vmem>> -> memref<40x128xf32, #tpu.memory_space<vmem>>
    %dma_start3A_24 = arith.constant 0 : i32
    %dma_start3A_25 = tpu.memref_slice %arg14[%add3A_20, %dma_start3A_24] : memref<10016x128xf32, #tpu.memory_space<vmem_shared>> -> memref<40x128xf32, #tpu.memory_space<vmem_shared>>
    %dma_start3A_26 = arith.constant 0 : i32
    %dma_start3A_27 = tpu.memref_slice %arg14[%add3A_20, %dma_start3A_26] : memref<10016x128xf32, #tpu.memory_space<vmem_shared>> -> memref<40x128xf32, #tpu.memory_space<vmem_shared>>
    %dma_start3A_28 = arith.constant 0 : i32
    %dma_start3A_29 = arith.constant 0 : i32
    %dma_start3A_30 = tpu.memref_slice %arg9[%dma_start3A_28, %dma_start3A_29] : memref<40x128xf32, #tpu.memory_space<vmem>> -> memref<40x128xf32, #tpu.memory_space<vmem>>
    tpu.enqueue_dma source(%dma_start3A_30 : memref<40x128xf32, #tpu.memory_space<vmem>>) target(%dma_start3A_27 : memref<40x128xf32, #tpu.memory_space<vmem_shared>>) target_semaphore(%arg15 : memref<!tpu.dma_semaphore, #tpu.memory_space<semaphore_mem>>)
    %add3A_31 = arith.constant 80 : i32
    %add3A_32 = arith.addi %mul3A_2, %add3A_31 : i32
    %dma_start3A_33 = arith.constant 0 : i32
    %dma_start3A_34 = arith.constant 0 : i32
    %dma_start3A_35 = tpu.memref_slice %arg9[%dma_start3A_33, %dma_start3A_34] : memref<40x128xf32, #tpu.memory_space<vmem>> -> memref<40x128xf32, #tpu.memory_space<vmem>>
    %dma_start3A_36 = arith.constant 0 : i32
    %dma_start3A_37 = tpu.memref_slice %arg14[%add3A_32, %dma_start3A_36] : memref<10016x128xf32, #tpu.memory_space<vmem_shared>> -> memref<40x128xf32, #tpu.memory_space<vmem_shared>>
    %dma_start3A_38 = arith.constant 0 : i32
    %dma_start3A_39 = tpu.memref_slice %arg14[%add3A_32, %dma_start3A_38] : memref<10016x128xf32, #tpu.memory_space<vmem_shared>> -> memref<40x128xf32, #tpu.memory_space<vmem_shared>>
    %dma_start3A_40 = arith.constant 0 : i32
    %dma_start3A_41 = arith.constant 0 : i32
    %dma_start3A_42 = tpu.memref_slice %arg9[%dma_start3A_40, %dma_start3A_41] : memref<40x128xf32, #tpu.memory_space<vmem>> -> memref<40x128xf32, #tpu.memory_space<vmem>>
    tpu.enqueue_dma source(%dma_start3A_42 : memref<40x128xf32, #tpu.memory_space<vmem>>) target(%dma_start3A_39 : memref<40x128xf32, #tpu.memory_space<vmem_shared>>) target_semaphore(%arg15 : memref<!tpu.dma_semaphore, #tpu.memory_space<semaphore_mem>>)
    %add3A_43 = arith.constant 120 : i32
    %add3A_44 = arith.addi %mul3A_2, %add3A_43 : i32
    %dma_start3A_45 = arith.constant 0 : i32
    %dma_start3A_46 = arith.constant 0 : i32
    %dma_start3A_47 = tpu.memref_slice %arg9[%dma_start3A_45, %dma_start3A_46] : memref<40x128xf32, #tpu.memory_space<vmem>> -> memref<40x128xf32, #tpu.memory_space<vmem>>
    %dma_start3A_48 = arith.constant 0 : i32
    %dma_start3A_49 = tpu.memref_slice %arg14[%add3A_44, %dma_start3A_48] : memref<10016x128xf32, #tpu.memory_space<vmem_shared>> -> memref<40x128xf32, #tpu.memory_space<vmem_shared>>
    %dma_start3A_50 = arith.constant 0 : i32
    %dma_start3A_51 = tpu.memref_slice %arg14[%add3A_44, %dma_start3A_50] : memref<10016x128xf32, #tpu.memory_space<vmem_shared>> -> memref<40x128xf32, #tpu.memory_space<vmem_shared>>
    %dma_start3A_52 = arith.constant 0 : i32
    %dma_start3A_53 = arith.constant 0 : i32
    %dma_start3A_54 = tpu.memref_slice %arg9[%dma_start3A_52, %dma_start3A_53] : memref<40x128xf32, #tpu.memory_space<vmem>> -> memref<40x128xf32, #tpu.memory_space<vmem>>
    tpu.enqueue_dma source(%dma_start3A_54 : memref<40x128xf32, #tpu.memory_space<vmem>>) target(%dma_start3A_51 : memref<40x128xf32, #tpu.memory_space<vmem_shared>>) target_semaphore(%arg15 : memref<!tpu.dma_semaphore, #tpu.memory_space<semaphore_mem>>)
    %add3A_55 = arith.constant 160 : i32
    %add3A_56 = arith.addi %mul3A_2, %add3A_55 : i32
    %dma_start3A_57 = arith.constant 0 : i32
    %dma_start3A_58 = arith.constant 0 : i32
    %dma_start3A_59 = tpu.memref_slice %arg9[%dma_start3A_57, %dma_start3A_58] : memref<40x128xf32, #tpu.memory_space<vmem>> -> memref<40x128xf32, #tpu.memory_space<vmem>>
    %dma_start3A_60 = arith.constant 0 : i32
    %dma_start3A_61 = tpu.memref_slice %arg14[%add3A_56, %dma_start3A_60] : memref<10016x128xf32, #tpu.memory_space<vmem_shared>> -> memref<40x128xf32, #tpu.memory_space<vmem_shared>>
    %dma_start3A_62 = arith.constant 0 : i32
    %dma_start3A_63 = tpu.memref_slice %arg14[%add3A_56, %dma_start3A_62] : memref<10016x128xf32, #tpu.memory_space<vmem_shared>> -> memref<40x128xf32, #tpu.memory_space<vmem_shared>>
    %dma_start3A_64 = arith.constant 0 : i32
    %dma_start3A_65 = arith.constant 0 : i32
    %dma_start3A_66 = tpu.memref_slice %arg9[%dma_start3A_64, %dma_start3A_65] : memref<40x128xf32, #tpu.memory_space<vmem>> -> memref<40x128xf32, #tpu.memory_space<vmem>>
    tpu.enqueue_dma source(%dma_start3A_66 : memref<40x128xf32, #tpu.memory_space<vmem>>) target(%dma_start3A_63 : memref<40x128xf32, #tpu.memory_space<vmem_shared>>) target_semaphore(%arg15 : memref<!tpu.dma_semaphore, #tpu.memory_space<semaphore_mem>>)
    %add3A_67 = arith.constant 200 : i32
    %add3A_68 = arith.addi %mul3A_2, %add3A_67 : i32
    %dma_start3A_69 = arith.constant 0 : i32
    %dma_start3A_70 = arith.constant 0 : i32
    %dma_start3A_71 = tpu.memref_slice %arg9[%dma_start3A_69, %dma_start3A_70] : memref<40x128xf32, #tpu.memory_space<vmem>> -> memref<40x128xf32, #tpu.memory_space<vmem>>
    %dma_start3A_72 = arith.constant 0 : i32
    %dma_start3A_73 = tpu.memref_slice %arg14[%add3A_68, %dma_start3A_72] : memref<10016x128xf32, #tpu.memory_space<vmem_shared>> -> memref<40x128xf32, #tpu.memory_space<vmem_shared>>
    %dma_start3A_74 = arith.constant 0 : i32
    %dma_start3A_75 = tpu.memref_slice %arg14[%add3A_68, %dma_start3A_74] : memref<10016x128xf32, #tpu.memory_space<vmem_shared>> -> memref<40x128xf32, #tpu.memory_space<vmem_shared>>
    %dma_start3A_76 = arith.constant 0 : i32
    %dma_start3A_77 = arith.constant 0 : i32
    %dma_start3A_78 = tpu.memref_slice %arg9[%dma_start3A_76, %dma_start3A_77] : memref<40x128xf32, #tpu.memory_space<vmem>> -> memref<40x128xf32, #tpu.memory_space<vmem>>
    tpu.enqueue_dma source(%dma_start3A_78 : memref<40x128xf32, #tpu.memory_space<vmem>>) target(%dma_start3A_75 : memref<40x128xf32, #tpu.memory_space<vmem_shared>>) target_semaphore(%arg15 : memref<!tpu.dma_semaphore, #tpu.memory_space<semaphore_mem>>)
    %add3A_79 = arith.constant 240 : i32
    %add3A_80 = arith.addi %mul3A_2, %add3A_79 : i32
    %dma_start3A_81 = arith.constant 0 : i32
    %dma_start3A_82 = arith.constant 0 : i32
    %dma_start3A_83 = tpu.memref_slice %arg9[%dma_start3A_81, %dma_start3A_82] : memref<40x128xf32, #tpu.memory_space<vmem>> -> memref<40x128xf32, #tpu.memory_space<vmem>>
    %dma_start3A_84 = arith.constant 0 : i32
    %dma_start3A_85 = tpu.memref_slice %arg14[%add3A_80, %dma_start3A_84] : memref<10016x128xf32, #tpu.memory_space<vmem_shared>> -> memref<40x128xf32, #tpu.memory_space<vmem_shared>>
    %dma_start3A_86 = arith.constant 0 : i32
    %dma_start3A_87 = tpu.memref_slice %arg14[%add3A_80, %dma_start3A_86] : memref<10016x128xf32, #tpu.memory_space<vmem_shared>> -> memref<40x128xf32, #tpu.memory_space<vmem_shared>>
    %dma_start3A_88 = arith.constant 0 : i32
    %dma_start3A_89 = arith.constant 0 : i32
    %dma_start3A_90 = tpu.memref_slice %arg9[%dma_start3A_88, %dma_start3A_89] : memref<40x128xf32, #tpu.memory_space<vmem>> -> memref<40x128xf32, #tpu.memory_space<vmem>>
    tpu.enqueue_dma source(%dma_start3A_90 : memref<40x128xf32, #tpu.memory_space<vmem>>) target(%dma_start3A_87 : memref<40x128xf32, #tpu.memory_space<vmem_shared>>) target_semaphore(%arg15 : memref<!tpu.dma_semaphore, #tpu.memory_space<semaphore_mem>>)
    %add3A_91 = arith.constant 280 : i32
    %add3A_92 = arith.addi %mul3A_2, %add3A_91 : i32
    %dma_start3A_93 = arith.constant 0 : i32
    %dma_start3A_94 = arith.constant 0 : i32
    %dma_start3A_95 = tpu.memref_slice %arg9[%dma_start3A_93, %dma_start3A_94] : memref<40x128xf32, #tpu.memory_space<vmem>> -> memref<40x128xf32, #tpu.memory_space<vmem>>
    %dma_start3A_96 = arith.constant 0 : i32
    %dma_start3A_97 = tpu.memref_slice %arg14[%add3A_92, %dma_start3A_96] : memref<10016x128xf32, #tpu.memory_space<vmem_shared>> -> memref<40x128xf32, #tpu.memory_space<vmem_shared>>
    %dma_start3A_98 = arith.constant 0 : i32
    %dma_start3A_99 = tpu.memref_slice %arg14[%add3A_92, %dma_start3A_98] : memref<10016x128xf32, #tpu.memory_space<vmem_shared>> -> memref<40x128xf32, #tpu.memory_space<vmem_shared>>
    %dma_start3A_100 = arith.constant 0 : i32
    %dma_start3A_101 = arith.constant 0 : i32
    %dma_start3A_102 = tpu.memref_slice %arg9[%dma_start3A_100, %dma_start3A_101] : memref<40x128xf32, #tpu.memory_space<vmem>> -> memref<40x128xf32, #tpu.memory_space<vmem>>
    tpu.enqueue_dma source(%dma_start3A_102 : memref<40x128xf32, #tpu.memory_space<vmem>>) target(%dma_start3A_99 : memref<40x128xf32, #tpu.memory_space<vmem_shared>>) target_semaphore(%arg15 : memref<!tpu.dma_semaphore, #tpu.memory_space<semaphore_mem>>)
    %add3A_103 = arith.constant 320 : i32
    %add3A_104 = arith.addi %mul3A_2, %add3A_103 : i32
    %dma_start3A_105 = arith.constant 0 : i32
    %dma_start3A_106 = arith.constant 0 : i32
    %dma_start3A_107 = tpu.memref_slice %arg9[%dma_start3A_105, %dma_start3A_106] : memref<40x128xf32, #tpu.memory_space<vmem>> -> memref<40x128xf32, #tpu.memory_space<vmem>>
    %dma_start3A_108 = arith.constant 0 : i32
    %dma_start3A_109 = tpu.memref_slice %arg14[%add3A_104, %dma_start3A_108] : memref<10016x128xf32, #tpu.memory_space<vmem_shared>> -> memref<40x128xf32, #tpu.memory_space<vmem_shared>>
    %dma_start3A_110 = arith.constant 0 : i32
    %dma_start3A_111 = tpu.memref_slice %arg14[%add3A_104, %dma_start3A_110] : memref<10016x128xf32, #tpu.memory_space<vmem_shared>> -> memref<40x128xf32, #tpu.memory_space<vmem_shared>>
    %dma_start3A_112 = arith.constant 0 : i32
    %dma_start3A_113 = arith.constant 0 : i32
    %dma_start3A_114 = tpu.memref_slice %arg9[%dma_start3A_112, %dma_start3A_113] : memref<40x128xf32, #tpu.memory_space<vmem>> -> memref<40x128xf32, #tpu.memory_space<vmem>>
    tpu.enqueue_dma source(%dma_start3A_114 : memref<40x128xf32, #tpu.memory_space<vmem>>) target(%dma_start3A_111 : memref<40x128xf32, #tpu.memory_space<vmem_shared>>) target_semaphore(%arg15 : memref<!tpu.dma_semaphore, #tpu.memory_space<semaphore_mem>>)
    %add3A_115 = arith.constant 360 : i32
    %add3A_116 = arith.addi %mul3A_2, %add3A_115 : i32
    %dma_start3A_117 = arith.constant 0 : i32
    %dma_start3A_118 = arith.constant 0 : i32
    %dma_start3A_119 = tpu.memref_slice %arg9[%dma_start3A_117, %dma_start3A_118] : memref<40x128xf32, #tpu.memory_space<vmem>> -> memref<40x128xf32, #tpu.memory_space<vmem>>
    %dma_start3A_120 = arith.constant 0 : i32
    %dma_start3A_121 = tpu.memref_slice %arg14[%add3A_116, %dma_start3A_120] : memref<10016x128xf32, #tpu.memory_space<vmem_shared>> -> memref<40x128xf32, #tpu.memory_space<vmem_shared>>
    %dma_start3A_122 = arith.constant 0 : i32
    %dma_start3A_123 = tpu.memref_slice %arg14[%add3A_116, %dma_start3A_122] : memref<10016x128xf32, #tpu.memory_space<vmem_shared>> -> memref<40x128xf32, #tpu.memory_space<vmem_shared>>
    %dma_start3A_124 = arith.constant 0 : i32
    %dma_start3A_125 = arith.constant 0 : i32
    %dma_start3A_126 = tpu.memref_slice %arg9[%dma_start3A_124, %dma_start3A_125] : memref<40x128xf32, #tpu.memory_space<vmem>> -> memref<40x128xf32, #tpu.memory_space<vmem>>
    tpu.enqueue_dma source(%dma_start3A_126 : memref<40x128xf32, #tpu.memory_space<vmem>>) target(%dma_start3A_123 : memref<40x128xf32, #tpu.memory_space<vmem_shared>>) target_semaphore(%arg15 : memref<!tpu.dma_semaphore, #tpu.memory_space<semaphore_mem>>)
    %add3A_127 = arith.constant 400 : i32
    %add3A_128 = arith.addi %mul3A_2, %add3A_127 : i32
    %dma_start3A_129 = arith.constant 0 : i32
    %dma_start3A_130 = arith.constant 0 : i32
    %dma_start3A_131 = tpu.memref_slice %arg9[%dma_start3A_129, %dma_start3A_130] : memref<40x128xf32, #tpu.memory_space<vmem>> -> memref<40x128xf32, #tpu.memory_space<vmem>>
    %dma_start3A_132 = arith.constant 0 : i32
    %dma_start3A_133 = tpu.memref_slice %arg14[%add3A_128, %dma_start3A_132] : memref<10016x128xf32, #tpu.memory_space<vmem_shared>> -> memref<40x128xf32, #tpu.memory_space<vmem_shared>>
    %dma_start3A_134 = arith.constant 0 : i32
    %dma_start3A_135 = tpu.memref_slice %arg14[%add3A_128, %dma_start3A_134] : memref<10016x128xf32, #tpu.memory_space<vmem_shared>> -> memref<40x128xf32, #tpu.memory_space<vmem_shared>>
    %dma_start3A_136 = arith.constant 0 : i32
    %dma_start3A_137 = arith.constant 0 : i32
    %dma_start3A_138 = tpu.memref_slice %arg9[%dma_start3A_136, %dma_start3A_137] : memref<40x128xf32, #tpu.memory_space<vmem>> -> memref<40x128xf32, #tpu.memory_space<vmem>>
    tpu.enqueue_dma source(%dma_start3A_138 : memref<40x128xf32, #tpu.memory_space<vmem>>) target(%dma_start3A_135 : memref<40x128xf32, #tpu.memory_space<vmem_shared>>) target_semaphore(%arg15 : memref<!tpu.dma_semaphore, #tpu.memory_space<semaphore_mem>>)
    %add3A_139 = arith.constant 440 : i32
    %add3A_140 = arith.addi %mul3A_2, %add3A_139 : i32
    %dma_start3A_141 = arith.constant 0 : i32
    %dma_start3A_142 = arith.constant 0 : i32
    %dma_start3A_143 = tpu.memref_slice %arg9[%dma_start3A_141, %dma_start3A_142] : memref<40x128xf32, #tpu.memory_space<vmem>> -> memref<40x128xf32, #tpu.memory_space<vmem>>
    %dma_start3A_144 = arith.constant 0 : i32
    %dma_start3A_145 = tpu.memref_slice %arg14[%add3A_140, %dma_start3A_144] : memref<10016x128xf32, #tpu.memory_space<vmem_shared>> -> memref<40x128xf32, #tpu.memory_space<vmem_shared>>
    %dma_start3A_146 = arith.constant 0 : i32
    %dma_start3A_147 = tpu.memref_slice %arg14[%add3A_140, %dma_start3A_146] : memref<10016x128xf32, #tpu.memory_space<vmem_shared>> -> memref<40x128xf32, #tpu.memory_space<vmem_shared>>
    %dma_start3A_148 = arith.constant 0 : i32
    %dma_start3A_149 = arith.constant 0 : i32
    %dma_start3A_150 = tpu.memref_slice %arg9[%dma_start3A_148, %dma_start3A_149] : memref<40x128xf32, #tpu.memory_space<vmem>> -> memref<40x128xf32, #tpu.memory_space<vmem>>
    tpu.enqueue_dma source(%dma_start3A_150 : memref<40x128xf32, #tpu.memory_space<vmem>>) target(%dma_start3A_147 : memref<40x128xf32, #tpu.memory_space<vmem_shared>>) target_semaphore(%arg15 : memref<!tpu.dma_semaphore, #tpu.memory_space<semaphore_mem>>)
    %add3A_151 = arith.constant 480 : i32
    %add3A_152 = arith.addi %mul3A_2, %add3A_151 : i32
    %dma_start3A_153 = arith.constant 0 : i32
    %dma_start3A_154 = arith.constant 0 : i32
    %dma_start3A_155 = tpu.memref_slice %arg9[%dma_start3A_153, %dma_start3A_154] : memref<40x128xf32, #tpu.memory_space<vmem>> -> memref<40x128xf32, #tpu.memory_space<vmem>>
    %dma_start3A_156 = arith.constant 0 : i32
    %dma_start3A_157 = tpu.memref_slice %arg14[%add3A_152, %dma_start3A_156] : memref<10016x128xf32, #tpu.memory_space<vmem_shared>> -> memref<40x128xf32, #tpu.memory_space<vmem_shared>>
    %dma_start3A_158 = arith.constant 0 : i32
    %dma_start3A_159 = tpu.memref_slice %arg14[%add3A_152, %dma_start3A_158] : memref<10016x128xf32, #tpu.memory_space<vmem_shared>> -> memref<40x128xf32, #tpu.memory_space<vmem_shared>>
    %dma_start3A_160 = arith.constant 0 : i32
    %dma_start3A_161 = arith.constant 0 : i32
    %dma_start3A_162 = tpu.memref_slice %arg9[%dma_start3A_160, %dma_start3A_161] : memref<40x128xf32, #tpu.memory_space<vmem>> -> memref<40x128xf32, #tpu.memory_space<vmem>>
    tpu.enqueue_dma source(%dma_start3A_162 : memref<40x128xf32, #tpu.memory_space<vmem>>) target(%dma_start3A_159 : memref<40x128xf32, #tpu.memory_space<vmem_shared>>) target_semaphore(%arg15 : memref<!tpu.dma_semaphore, #tpu.memory_space<semaphore_mem>>)
    %add3A_163 = arith.constant 520 : i32
    %add3A_164 = arith.addi %mul3A_2, %add3A_163 : i32
    %dma_start3A_165 = arith.constant 0 : i32
    %dma_start3A_166 = arith.constant 0 : i32
    %dma_start3A_167 = tpu.memref_slice %arg9[%dma_start3A_165, %dma_start3A_166] : memref<40x128xf32, #tpu.memory_space<vmem>> -> memref<40x128xf32, #tpu.memory_space<vmem>>
    %dma_start3A_168 = arith.constant 0 : i32
    %dma_start3A_169 = tpu.memref_slice %arg14[%add3A_164, %dma_start3A_168] : memref<10016x128xf32, #tpu.memory_space<vmem_shared>> -> memref<40x128xf32, #tpu.memory_space<vmem_shared>>
    %dma_start3A_170 = arith.constant 0 : i32
    %dma_start3A_171 = tpu.memref_slice %arg14[%add3A_164, %dma_start3A_170] : memref<10016x128xf32, #tpu.memory_space<vmem_shared>> -> memref<40x128xf32, #tpu.memory_space<vmem_shared>>
    %dma_start3A_172 = arith.constant 0 : i32
    %dma_start3A_173 = arith.constant 0 : i32
    %dma_start3A_174 = tpu.memref_slice %arg9[%dma_start3A_172, %dma_start3A_173] : memref<40x128xf32, #tpu.memory_space<vmem>> -> memref<40x128xf32, #tpu.memory_space<vmem>>
    tpu.enqueue_dma source(%dma_start3A_174 : memref<40x128xf32, #tpu.memory_space<vmem>>) target(%dma_start3A_171 : memref<40x128xf32, #tpu.memory_space<vmem_shared>>) target_semaphore(%arg15 : memref<!tpu.dma_semaphore, #tpu.memory_space<semaphore_mem>>)
    %add3A_175 = arith.constant 560 : i32
    %add3A_176 = arith.addi %mul3A_2, %add3A_175 : i32
    %dma_start3A_177 = arith.constant 0 : i32
    %dma_start3A_178 = arith.constant 0 : i32
    %dma_start3A_179 = tpu.memref_slice %arg9[%dma_start3A_177, %dma_start3A_178] : memref<40x128xf32, #tpu.memory_space<vmem>> -> memref<40x128xf32, #tpu.memory_space<vmem>>
    %dma_start3A_180 = arith.constant 0 : i32
    %dma_start3A_181 = tpu.memref_slice %arg14[%add3A_176, %dma_start3A_180] : memref<10016x128xf32, #tpu.memory_space<vmem_shared>> -> memref<40x128xf32, #tpu.memory_space<vmem_shared>>
    %dma_start3A_182 = arith.constant 0 : i32
    %dma_start3A_183 = tpu.memref_slice %arg14[%add3A_176, %dma_start3A_182] : memref<10016x128xf32, #tpu.memory_space<vmem_shared>> -> memref<40x128xf32, #tpu.memory_space<vmem_shared>>
    %dma_start3A_184 = arith.constant 0 : i32
    %dma_start3A_185 = arith.constant 0 : i32
    %dma_start3A_186 = tpu.memref_slice %arg9[%dma_start3A_184, %dma_start3A_185] : memref<40x128xf32, #tpu.memory_space<vmem>> -> memref<40x128xf32, #tpu.memory_space<vmem>>
    tpu.enqueue_dma source(%dma_start3A_186 : memref<40x128xf32, #tpu.memory_space<vmem>>) target(%dma_start3A_183 : memref<40x128xf32, #tpu.memory_space<vmem_shared>>) target_semaphore(%arg15 : memref<!tpu.dma_semaphore, #tpu.memory_space<semaphore_mem>>)
    %add3A_187 = arith.constant 600 : i32
    %add3A_188 = arith.addi %mul3A_2, %add3A_187 : i32
    %dma_start3A_189 = arith.constant 0 : i32
    %dma_start3A_190 = arith.constant 0 : i32
    %dma_start3A_191 = tpu.memref_slice %arg9[%dma_start3A_189, %dma_start3A_190] : memref<40x128xf32, #tpu.memory_space<vmem>> -> memref<24x128xf32, #tpu.memory_space<vmem>>
    %dma_start3A_192 = arith.constant 0 : i32
    %dma_start3A_193 = tpu.memref_slice %arg14[%add3A_188, %dma_start3A_192] : memref<10016x128xf32, #tpu.memory_space<vmem_shared>> -> memref<24x128xf32, #tpu.memory_space<vmem_shared>>
    %dma_start3A_194 = arith.constant 0 : i32
    %dma_start3A_195 = tpu.memref_slice %arg14[%add3A_188, %dma_start3A_194] : memref<10016x128xf32, #tpu.memory_space<vmem_shared>> -> memref<24x128xf32, #tpu.memory_space<vmem_shared>>
    %dma_start3A_196 = arith.constant 0 : i32
    %dma_start3A_197 = arith.constant 0 : i32
    %dma_start3A_198 = tpu.memref_slice %arg9[%dma_start3A_196, %dma_start3A_197] : memref<40x128xf32, #tpu.memory_space<vmem>> -> memref<24x128xf32, #tpu.memory_space<vmem>>
    tpu.enqueue_dma source(%dma_start3A_198 : memref<24x128xf32, #tpu.memory_space<vmem>>) target(%dma_start3A_195 : memref<24x128xf32, #tpu.memory_space<vmem_shared>>) target_semaphore(%arg15 : memref<!tpu.dma_semaphore, #tpu.memory_space<semaphore_mem>>)
    %eq3A = arith.constant 15 : i32
    %eq3A_199 = arith.cmpi eq, %arg1, %eq3A : i32
    %convert_element_type3A = arith.extui %eq3A_199 : i1 to i32
    %cond3A = arith.constant 0 : i32
    %cond3A_200 = arith.cmpi ne, %convert_element_type3A, %cond3A : i32
    scf.if %cond3A_200 {
      %add3A_596 = arith.constant 624 : i32
      %add3A_597 = arith.addi %mul3A_2, %add3A_596 : i32
      %dma_start3A_598 = arith.constant 0 : i32
      %dma_start3A_599 = arith.constant 0 : i32
      %dma_start3A_600 = tpu.memref_slice %arg9[%dma_start3A_598, %dma_start3A_599] : memref<40x128xf32, #tpu.memory_space<vmem>> -> memref<32x128xf32, #tpu.memory_space<vmem>>
      %dma_start3A_601 = arith.constant 0 : i32
      %dma_start3A_602 = tpu.memref_slice %arg14[%add3A_597, %dma_start3A_601] : memref<10016x128xf32, #tpu.memory_space<vmem_shared>> -> memref<32x128xf32, #tpu.memory_space<vmem_shared>>
      %dma_start3A_603 = arith.constant 0 : i32
      %dma_start3A_604 = tpu.memref_slice %arg14[%add3A_597, %dma_start3A_603] : memref<10016x128xf32, #tpu.memory_space<vmem_shared>> -> memref<32x128xf32, #tpu.memory_space<vmem_shared>>
      %dma_start3A_605 = arith.constant 0 : i32
      %dma_start3A_606 = arith.constant 0 : i32
      %dma_start3A_607 = tpu.memref_slice %arg9[%dma_start3A_605, %dma_start3A_606] : memref<40x128xf32, #tpu.memory_space<vmem>> -> memref<32x128xf32, #tpu.memory_space<vmem>>
      tpu.enqueue_dma source(%dma_start3A_607 : memref<32x128xf32, #tpu.memory_space<vmem>>) target(%dma_start3A_604 : memref<32x128xf32, #tpu.memory_space<vmem_shared>>) target_semaphore(%arg15 : memref<!tpu.dma_semaphore, #tpu.memory_space<semaphore_mem>>)
    } else {
    }
    %dma_wait3A = arith.constant 0 : i32
    %dma_wait3A_201 = arith.constant 0 : i32
    %dma_wait3A_202 = tpu.memref_slice %arg9[%dma_wait3A, %dma_wait3A_201] : memref<40x128xf32, #tpu.memory_space<vmem>> -> memref<40x128xf32, #tpu.memory_space<vmem>>
    %dma_wait3A_203 = arith.constant 0 : i32
    %dma_wait3A_204 = tpu.memref_slice %arg14[%mul3A_2, %dma_wait3A_203] : memref<10016x128xf32, #tpu.memory_space<vmem_shared>> -> memref<40x128xf32, #tpu.memory_space<vmem_shared>>
    %dma_wait3A_205 = arith.constant 0 : i32
    %dma_wait3A_206 = tpu.memref_slice %arg14[%mul3A_2, %dma_wait3A_205] : memref<10016x128xf32, #tpu.memory_space<vmem_shared>> -> memref<40x128xf32, #tpu.memory_space<vmem_shared>>
    %dma_wait3A_207 = arith.constant 0 : i32
    %dma_wait3A_208 = arith.constant 0 : i32
    %dma_wait3A_209 = tpu.memref_slice %arg9[%dma_wait3A_207, %dma_wait3A_208] : memref<40x128xf32, #tpu.memory_space<vmem>> -> memref<40x128xf32, #tpu.memory_space<vmem>>
    tpu.wait_dma2 semaphore(%arg15 : memref<!tpu.dma_semaphore, #tpu.memory_space<semaphore_mem>>) src(%dma_wait3A_209 : memref<40x128xf32, #tpu.memory_space<vmem>>) dst(%dma_wait3A_206 : memref<40x128xf32, #tpu.memory_space<vmem_shared>>)
    %dma_wait3A_210 = arith.constant 0 : i32
    %dma_wait3A_211 = arith.constant 0 : i32
    %dma_wait3A_212 = tpu.memref_slice %arg9[%dma_wait3A_210, %dma_wait3A_211] : memref<40x128xf32, #tpu.memory_space<vmem>> -> memref<40x128xf32, #tpu.memory_space<vmem>>
    %dma_wait3A_213 = arith.constant 0 : i32
    %dma_wait3A_214 = tpu.memref_slice %arg14[%mul3A_2, %dma_wait3A_213] : memref<10016x128xf32, #tpu.memory_space<vmem_shared>> -> memref<40x128xf32, #tpu.memory_space<vmem_shared>>
    %dma_wait3A_215 = arith.constant 0 : i32
    %dma_wait3A_216 = tpu.memref_slice %arg14[%mul3A_2, %dma_wait3A_215] : memref<10016x128xf32, #tpu.memory_space<vmem_shared>> -> memref<40x128xf32, #tpu.memory_space<vmem_shared>>
    %dma_wait3A_217 = arith.constant 0 : i32
    %dma_wait3A_218 = arith.constant 0 : i32
    %dma_wait3A_219 = tpu.memref_slice %arg9[%dma_wait3A_217, %dma_wait3A_218] : memref<40x128xf32, #tpu.memory_space<vmem>> -> memref<40x128xf32, #tpu.memory_space<vmem>>
    tpu.wait_dma2 semaphore(%arg15 : memref<!tpu.dma_semaphore, #tpu.memory_space<semaphore_mem>>) src(%dma_wait3A_219 : memref<40x128xf32, #tpu.memory_space<vmem>>) dst(%dma_wait3A_216 : memref<40x128xf32, #tpu.memory_space<vmem_shared>>)
    %dma_wait3A_220 = arith.constant 0 : i32
    %dma_wait3A_221 = arith.constant 0 : i32
    %dma_wait3A_222 = tpu.memref_slice %arg9[%dma_wait3A_220, %dma_wait3A_221] : memref<40x128xf32, #tpu.memory_space<vmem>> -> memref<40x128xf32, #tpu.memory_space<vmem>>
    %dma_wait3A_223 = arith.constant 0 : i32
    %dma_wait3A_224 = tpu.memref_slice %arg14[%mul3A_2, %dma_wait3A_223] : memref<10016x128xf32, #tpu.memory_space<vmem_shared>> -> memref<40x128xf32, #tpu.memory_space<vmem_shared>>
    %dma_wait3A_225 = arith.constant 0 : i32
    %dma_wait3A_226 = tpu.memref_slice %arg14[%mul3A_2, %dma_wait3A_225] : memref<10016x128xf32, #tpu.memory_space<vmem_shared>> -> memref<40x128xf32, #tpu.memory_space<vmem_shared>>
    %dma_wait3A_227 = arith.constant 0 : i32
    %dma_wait3A_228 = arith.constant 0 : i32
    %dma_wait3A_229 = tpu.memref_slice %arg9[%dma_wait3A_227, %dma_wait3A_228] : memref<40x128xf32, #tpu.memory_space<vmem>> -> memref<40x128xf32, #tpu.memory_space<vmem>>
    tpu.wait_dma2 semaphore(%arg15 : memref<!tpu.dma_semaphore, #tpu.memory_space<semaphore_mem>>) src(%dma_wait3A_229 : memref<40x128xf32, #tpu.memory_space<vmem>>) dst(%dma_wait3A_226 : memref<40x128xf32, #tpu.memory_space<vmem_shared>>)
    %dma_wait3A_230 = arith.constant 0 : i32
    %dma_wait3A_231 = arith.constant 0 : i32
    %dma_wait3A_232 = tpu.memref_slice %arg9[%dma_wait3A_230, %dma_wait3A_231] : memref<40x128xf32, #tpu.memory_space<vmem>> -> memref<40x128xf32, #tpu.memory_space<vmem>>
    %dma_wait3A_233 = arith.constant 0 : i32
    %dma_wait3A_234 = tpu.memref_slice %arg14[%mul3A_2, %dma_wait3A_233] : memref<10016x128xf32, #tpu.memory_space<vmem_shared>> -> memref<40x128xf32, #tpu.memory_space<vmem_shared>>
    %dma_wait3A_235 = arith.constant 0 : i32
    %dma_wait3A_236 = tpu.memref_slice %arg14[%mul3A_2, %dma_wait3A_235] : memref<10016x128xf32, #tpu.memory_space<vmem_shared>> -> memref<40x128xf32, #tpu.memory_space<vmem_shared>>
    %dma_wait3A_237 = arith.constant 0 : i32
    %dma_wait3A_238 = arith.constant 0 : i32
    %dma_wait3A_239 = tpu.memref_slice %arg9[%dma_wait3A_237, %dma_wait3A_238] : memref<40x128xf32, #tpu.memory_space<vmem>> -> memref<40x128xf32, #tpu.memory_space<vmem>>
    tpu.wait_dma2 semaphore(%arg15 : memref<!tpu.dma_semaphore, #tpu.memory_space<semaphore_mem>>) src(%dma_wait3A_239 : memref<40x128xf32, #tpu.memory_space<vmem>>) dst(%dma_wait3A_236 : memref<40x128xf32, #tpu.memory_space<vmem_shared>>)
    %dma_wait3A_240 = arith.constant 0 : i32
    %dma_wait3A_241 = arith.constant 0 : i32
    %dma_wait3A_242 = tpu.memref_slice %arg9[%dma_wait3A_240, %dma_wait3A_241] : memref<40x128xf32, #tpu.memory_space<vmem>> -> memref<40x128xf32, #tpu.memory_space<vmem>>
    %dma_wait3A_243 = arith.constant 0 : i32
    %dma_wait3A_244 = tpu.memref_slice %arg14[%mul3A_2, %dma_wait3A_243] : memref<10016x128xf32, #tpu.memory_space<vmem_shared>> -> memref<40x128xf32, #tpu.memory_space<vmem_shared>>
    %dma_wait3A_245 = arith.constant 0 : i32
    %dma_wait3A_246 = tpu.memref_slice %arg14[%mul3A_2, %dma_wait3A_245] : memref<10016x128xf32, #tpu.memory_space<vmem_shared>> -> memref<40x128xf32, #tpu.memory_space<vmem_shared>>
    %dma_wait3A_247 = arith.constant 0 : i32
    %dma_wait3A_248 = arith.constant 0 : i32
    %dma_wait3A_249 = tpu.memref_slice %arg9[%dma_wait3A_247, %dma_wait3A_248] : memref<40x128xf32, #tpu.memory_space<vmem>> -> memref<40x128xf32, #tpu.memory_space<vmem>>
    tpu.wait_dma2 semaphore(%arg15 : memref<!tpu.dma_semaphore, #tpu.memory_space<semaphore_mem>>) src(%dma_wait3A_249 : memref<40x128xf32, #tpu.memory_space<vmem>>) dst(%dma_wait3A_246 : memref<40x128xf32, #tpu.memory_space<vmem_shared>>)
    %dma_wait3A_250 = arith.constant 0 : i32
    %dma_wait3A_251 = arith.constant 0 : i32
    %dma_wait3A_252 = tpu.memref_slice %arg9[%dma_wait3A_250, %dma_wait3A_251] : memref<40x128xf32, #tpu.memory_space<vmem>> -> memref<40x128xf32, #tpu.memory_space<vmem>>
    %dma_wait3A_253 = arith.constant 0 : i32
    %dma_wait3A_254 = tpu.memref_slice %arg14[%mul3A_2, %dma_wait3A_253] : memref<10016x128xf32, #tpu.memory_space<vmem_shared>> -> memref<40x128xf32, #tpu.memory_space<vmem_shared>>
    %dma_wait3A_255 = arith.constant 0 : i32
    %dma_wait3A_256 = tpu.memref_slice %arg14[%mul3A_2, %dma_wait3A_255] : memref<10016x128xf32, #tpu.memory_space<vmem_shared>> -> memref<40x128xf32, #tpu.memory_space<vmem_shared>>
    %dma_wait3A_257 = arith.constant 0 : i32
    %dma_wait3A_258 = arith.constant 0 : i32
    %dma_wait3A_259 = tpu.memref_slice %arg9[%dma_wait3A_257, %dma_wait3A_258] : memref<40x128xf32, #tpu.memory_space<vmem>> -> memref<40x128xf32, #tpu.memory_space<vmem>>
    tpu.wait_dma2 semaphore(%arg15 : memref<!tpu.dma_semaphore, #tpu.memory_space<semaphore_mem>>) src(%dma_wait3A_259 : memref<40x128xf32, #tpu.memory_space<vmem>>) dst(%dma_wait3A_256 : memref<40x128xf32, #tpu.memory_space<vmem_shared>>)
    %dma_wait3A_260 = arith.constant 0 : i32
    %dma_wait3A_261 = arith.constant 0 : i32
    %dma_wait3A_262 = tpu.memref_slice %arg9[%dma_wait3A_260, %dma_wait3A_261] : memref<40x128xf32, #tpu.memory_space<vmem>> -> memref<40x128xf32, #tpu.memory_space<vmem>>
    %dma_wait3A_263 = arith.constant 0 : i32
    %dma_wait3A_264 = tpu.memref_slice %arg14[%mul3A_2, %dma_wait3A_263] : memref<10016x128xf32, #tpu.memory_space<vmem_shared>> -> memref<40x128xf32, #tpu.memory_space<vmem_shared>>
    %dma_wait3A_265 = arith.constant 0 : i32
    %dma_wait3A_266 = tpu.memref_slice %arg14[%mul3A_2, %dma_wait3A_265] : memref<10016x128xf32, #tpu.memory_space<vmem_shared>> -> memref<40x128xf32, #tpu.memory_space<vmem_shared>>
    %dma_wait3A_267 = arith.constant 0 : i32
    %dma_wait3A_268 = arith.constant 0 : i32
    %dma_wait3A_269 = tpu.memref_slice %arg9[%dma_wait3A_267, %dma_wait3A_268] : memref<40x128xf32, #tpu.memory_space<vmem>> -> memref<40x128xf32, #tpu.memory_space<vmem>>
    tpu.wait_dma2 semaphore(%arg15 : memref<!tpu.dma_semaphore, #tpu.memory_space<semaphore_mem>>) src(%dma_wait3A_269 : memref<40x128xf32, #tpu.memory_space<vmem>>) dst(%dma_wait3A_266 : memref<40x128xf32, #tpu.memory_space<vmem_shared>>)
    %dma_wait3A_270 = arith.constant 0 : i32
    %dma_wait3A_271 = arith.constant 0 : i32
    %dma_wait3A_272 = tpu.memref_slice %arg9[%dma_wait3A_270, %dma_wait3A_271] : memref<40x128xf32, #tpu.memory_space<vmem>> -> memref<40x128xf32, #tpu.memory_space<vmem>>
    %dma_wait3A_273 = arith.constant 0 : i32
    %dma_wait3A_274 = tpu.memref_slice %arg14[%mul3A_2, %dma_wait3A_273] : memref<10016x128xf32, #tpu.memory_space<vmem_shared>> -> memref<40x128xf32, #tpu.memory_space<vmem_shared>>
    %dma_wait3A_275 = arith.constant 0 : i32
    %dma_wait3A_276 = tpu.memref_slice %arg14[%mul3A_2, %dma_wait3A_275] : memref<10016x128xf32, #tpu.memory_space<vmem_shared>> -> memref<40x128xf32, #tpu.memory_space<vmem_shared>>
    %dma_wait3A_277 = arith.constant 0 : i32
    %dma_wait3A_278 = arith.constant 0 : i32
    %dma_wait3A_279 = tpu.memref_slice %arg9[%dma_wait3A_277, %dma_wait3A_278] : memref<40x128xf32, #tpu.memory_space<vmem>> -> memref<40x128xf32, #tpu.memory_space<vmem>>
    tpu.wait_dma2 semaphore(%arg15 : memref<!tpu.dma_semaphore, #tpu.memory_space<semaphore_mem>>) src(%dma_wait3A_279 : memref<40x128xf32, #tpu.memory_space<vmem>>) dst(%dma_wait3A_276 : memref<40x128xf32, #tpu.memory_space<vmem_shared>>)
    %dma_wait3A_280 = arith.constant 0 : i32
    %dma_wait3A_281 = arith.constant 0 : i32
    %dma_wait3A_282 = tpu.memref_slice %arg9[%dma_wait3A_280, %dma_wait3A_281] : memref<40x128xf32, #tpu.memory_space<vmem>> -> memref<40x128xf32, #tpu.memory_space<vmem>>
    %dma_wait3A_283 = arith.constant 0 : i32
    %dma_wait3A_284 = tpu.memref_slice %arg14[%mul3A_2, %dma_wait3A_283] : memref<10016x128xf32, #tpu.memory_space<vmem_shared>> -> memref<40x128xf32, #tpu.memory_space<vmem_shared>>
    %dma_wait3A_285 = arith.constant 0 : i32
    %dma_wait3A_286 = tpu.memref_slice %arg14[%mul3A_2, %dma_wait3A_285] : memref<10016x128xf32, #tpu.memory_space<vmem_shared>> -> memref<40x128xf32, #tpu.memory_space<vmem_shared>>
    %dma_wait3A_287 = arith.constant 0 : i32
    %dma_wait3A_288 = arith.constant 0 : i32
    %dma_wait3A_289 = tpu.memref_slice %arg9[%dma_wait3A_287, %dma_wait3A_288] : memref<40x128xf32, #tpu.memory_space<vmem>> -> memref<40x128xf32, #tpu.memory_space<vmem>>
    tpu.wait_dma2 semaphore(%arg15 : memref<!tpu.dma_semaphore, #tpu.memory_space<semaphore_mem>>) src(%dma_wait3A_289 : memref<40x128xf32, #tpu.memory_space<vmem>>) dst(%dma_wait3A_286 : memref<40x128xf32, #tpu.memory_space<vmem_shared>>)
    %dma_wait3A_290 = arith.constant 0 : i32
    %dma_wait3A_291 = arith.constant 0 : i32
    %dma_wait3A_292 = tpu.memref_slice %arg9[%dma_wait3A_290, %dma_wait3A_291] : memref<40x128xf32, #tpu.memory_space<vmem>> -> memref<40x128xf32, #tpu.memory_space<vmem>>
    %dma_wait3A_293 = arith.constant 0 : i32
    %dma_wait3A_294 = tpu.memref_slice %arg14[%mul3A_2, %dma_wait3A_293] : memref<10016x128xf32, #tpu.memory_space<vmem_shared>> -> memref<40x128xf32, #tpu.memory_space<vmem_shared>>
    %dma_wait3A_295 = arith.constant 0 : i32
    %dma_wait3A_296 = tpu.memref_slice %arg14[%mul3A_2, %dma_wait3A_295] : memref<10016x128xf32, #tpu.memory_space<vmem_shared>> -> memref<40x128xf32, #tpu.memory_space<vmem_shared>>
    %dma_wait3A_297 = arith.constant 0 : i32
    %dma_wait3A_298 = arith.constant 0 : i32
    %dma_wait3A_299 = tpu.memref_slice %arg9[%dma_wait3A_297, %dma_wait3A_298] : memref<40x128xf32, #tpu.memory_space<vmem>> -> memref<40x128xf32, #tpu.memory_space<vmem>>
    tpu.wait_dma2 semaphore(%arg15 : memref<!tpu.dma_semaphore, #tpu.memory_space<semaphore_mem>>) src(%dma_wait3A_299 : memref<40x128xf32, #tpu.memory_space<vmem>>) dst(%dma_wait3A_296 : memref<40x128xf32, #tpu.memory_space<vmem_shared>>)
    %dma_wait3A_300 = arith.constant 0 : i32
    %dma_wait3A_301 = arith.constant 0 : i32
    %dma_wait3A_302 = tpu.memref_slice %arg9[%dma_wait3A_300, %dma_wait3A_301] : memref<40x128xf32, #tpu.memory_space<vmem>> -> memref<40x128xf32, #tpu.memory_space<vmem>>
    %dma_wait3A_303 = arith.constant 0 : i32
    %dma_wait3A_304 = tpu.memref_slice %arg14[%mul3A_2, %dma_wait3A_303] : memref<10016x128xf32, #tpu.memory_space<vmem_shared>> -> memref<40x128xf32, #tpu.memory_space<vmem_shared>>
    %dma_wait3A_305 = arith.constant 0 : i32
    %dma_wait3A_306 = tpu.memref_slice %arg14[%mul3A_2, %dma_wait3A_305] : memref<10016x128xf32, #tpu.memory_space<vmem_shared>> -> memref<40x128xf32, #tpu.memory_space<vmem_shared>>
    %dma_wait3A_307 = arith.constant 0 : i32
    %dma_wait3A_308 = arith.constant 0 : i32
    %dma_wait3A_309 = tpu.memref_slice %arg9[%dma_wait3A_307, %dma_wait3A_308] : memref<40x128xf32, #tpu.memory_space<vmem>> -> memref<40x128xf32, #tpu.memory_space<vmem>>
    tpu.wait_dma2 semaphore(%arg15 : memref<!tpu.dma_semaphore, #tpu.memory_space<semaphore_mem>>) src(%dma_wait3A_309 : memref<40x128xf32, #tpu.memory_space<vmem>>) dst(%dma_wait3A_306 : memref<40x128xf32, #tpu.memory_space<vmem_shared>>)
    %dma_wait3A_310 = arith.constant 0 : i32
    %dma_wait3A_311 = arith.constant 0 : i32
    %dma_wait3A_312 = tpu.memref_slice %arg9[%dma_wait3A_310, %dma_wait3A_311] : memref<40x128xf32, #tpu.memory_space<vmem>> -> memref<40x128xf32, #tpu.memory_space<vmem>>
    %dma_wait3A_313 = arith.constant 0 : i32
    %dma_wait3A_314 = tpu.memref_slice %arg14[%mul3A_2, %dma_wait3A_313] : memref<10016x128xf32, #tpu.memory_space<vmem_shared>> -> memref<40x128xf32, #tpu.memory_space<vmem_shared>>
    %dma_wait3A_315 = arith.constant 0 : i32
    %dma_wait3A_316 = tpu.memref_slice %arg14[%mul3A_2, %dma_wait3A_315] : memref<10016x128xf32, #tpu.memory_space<vmem_shared>> -> memref<40x128xf32, #tpu.memory_space<vmem_shared>>
    %dma_wait3A_317 = arith.constant 0 : i32
    %dma_wait3A_318 = arith.constant 0 : i32
    %dma_wait3A_319 = tpu.memref_slice %arg9[%dma_wait3A_317, %dma_wait3A_318] : memref<40x128xf32, #tpu.memory_space<vmem>> -> memref<40x128xf32, #tpu.memory_space<vmem>>
    tpu.wait_dma2 semaphore(%arg15 : memref<!tpu.dma_semaphore, #tpu.memory_space<semaphore_mem>>) src(%dma_wait3A_319 : memref<40x128xf32, #tpu.memory_space<vmem>>) dst(%dma_wait3A_316 : memref<40x128xf32, #tpu.memory_space<vmem_shared>>)
    %dma_wait3A_320 = arith.constant 0 : i32
    %dma_wait3A_321 = arith.constant 0 : i32
    %dma_wait3A_322 = tpu.memref_slice %arg9[%dma_wait3A_320, %dma_wait3A_321] : memref<40x128xf32, #tpu.memory_space<vmem>> -> memref<40x128xf32, #tpu.memory_space<vmem>>
    %dma_wait3A_323 = arith.constant 0 : i32
    %dma_wait3A_324 = tpu.memref_slice %arg14[%mul3A_2, %dma_wait3A_323] : memref<10016x128xf32, #tpu.memory_space<vmem_shared>> -> memref<40x128xf32, #tpu.memory_space<vmem_shared>>
    %dma_wait3A_325 = arith.constant 0 : i32
    %dma_wait3A_326 = tpu.memref_slice %arg14[%mul3A_2, %dma_wait3A_325] : memref<10016x128xf32, #tpu.memory_space<vmem_shared>> -> memref<40x128xf32, #tpu.memory_space<vmem_shared>>
    %dma_wait3A_327 = arith.constant 0 : i32
    %dma_wait3A_328 = arith.constant 0 : i32
    %dma_wait3A_329 = tpu.memref_slice %arg9[%dma_wait3A_327, %dma_wait3A_328] : memref<40x128xf32, #tpu.memory_space<vmem>> -> memref<40x128xf32, #tpu.memory_space<vmem>>
    tpu.wait_dma2 semaphore(%arg15 : memref<!tpu.dma_semaphore, #tpu.memory_space<semaphore_mem>>) src(%dma_wait3A_329 : memref<40x128xf32, #tpu.memory_space<vmem>>) dst(%dma_wait3A_326 : memref<40x128xf32, #tpu.memory_space<vmem_shared>>)
    %dma_wait3A_330 = arith.constant 0 : i32
    %dma_wait3A_331 = arith.constant 0 : i32
    %dma_wait3A_332 = tpu.memref_slice %arg9[%dma_wait3A_330, %dma_wait3A_331] : memref<40x128xf32, #tpu.memory_space<vmem>> -> memref<40x128xf32, #tpu.memory_space<vmem>>
    %dma_wait3A_333 = arith.constant 0 : i32
    %dma_wait3A_334 = tpu.memref_slice %arg14[%mul3A_2, %dma_wait3A_333] : memref<10016x128xf32, #tpu.memory_space<vmem_shared>> -> memref<40x128xf32, #tpu.memory_space<vmem_shared>>
    %dma_wait3A_335 = arith.constant 0 : i32
    %dma_wait3A_336 = tpu.memref_slice %arg14[%mul3A_2, %dma_wait3A_335] : memref<10016x128xf32, #tpu.memory_space<vmem_shared>> -> memref<40x128xf32, #tpu.memory_space<vmem_shared>>
    %dma_wait3A_337 = arith.constant 0 : i32
    %dma_wait3A_338 = arith.constant 0 : i32
    %dma_wait3A_339 = tpu.memref_slice %arg9[%dma_wait3A_337, %dma_wait3A_338] : memref<40x128xf32, #tpu.memory_space<vmem>> -> memref<40x128xf32, #tpu.memory_space<vmem>>
    tpu.wait_dma2 semaphore(%arg15 : memref<!tpu.dma_semaphore, #tpu.memory_space<semaphore_mem>>) src(%dma_wait3A_339 : memref<40x128xf32, #tpu.memory_space<vmem>>) dst(%dma_wait3A_336 : memref<40x128xf32, #tpu.memory_space<vmem_shared>>)
    %dma_wait3A_340 = arith.constant 0 : i32
    %dma_wait3A_341 = arith.constant 0 : i32
    %dma_wait3A_342 = tpu.memref_slice %arg9[%dma_wait3A_340, %dma_wait3A_341] : memref<40x128xf32, #tpu.memory_space<vmem>> -> memref<40x128xf32, #tpu.memory_space<vmem>>
    %dma_wait3A_343 = arith.constant 0 : i32
    %dma_wait3A_344 = tpu.memref_slice %arg14[%mul3A_2, %dma_wait3A_343] : memref<10016x128xf32, #tpu.memory_space<vmem_shared>> -> memref<40x128xf32, #tpu.memory_space<vmem_shared>>
    %dma_wait3A_345 = arith.constant 0 : i32
    %dma_wait3A_346 = tpu.memref_slice %arg14[%mul3A_2, %dma_wait3A_345] : memref<10016x128xf32, #tpu.memory_space<vmem_shared>> -> memref<40x128xf32, #tpu.memory_space<vmem_shared>>
    %dma_wait3A_347 = arith.constant 0 : i32
    %dma_wait3A_348 = arith.constant 0 : i32
    %dma_wait3A_349 = tpu.memref_slice %arg9[%dma_wait3A_347, %dma_wait3A_348] : memref<40x128xf32, #tpu.memory_space<vmem>> -> memref<40x128xf32, #tpu.memory_space<vmem>>
    tpu.wait_dma2 semaphore(%arg15 : memref<!tpu.dma_semaphore, #tpu.memory_space<semaphore_mem>>) src(%dma_wait3A_349 : memref<40x128xf32, #tpu.memory_space<vmem>>) dst(%dma_wait3A_346 : memref<40x128xf32, #tpu.memory_space<vmem_shared>>)
    %dma_wait3A_350 = arith.constant 0 : i32
    %dma_wait3A_351 = arith.constant 0 : i32
    %dma_wait3A_352 = tpu.memref_slice %arg9[%dma_wait3A_350, %dma_wait3A_351] : memref<40x128xf32, #tpu.memory_space<vmem>> -> memref<24x128xf32, #tpu.memory_space<vmem>>
    %dma_wait3A_353 = arith.constant 0 : i32
    %dma_wait3A_354 = tpu.memref_slice %arg14[%mul3A_2, %dma_wait3A_353] : memref<10016x128xf32, #tpu.memory_space<vmem_shared>> -> memref<24x128xf32, #tpu.memory_space<vmem_shared>>
    %dma_wait3A_355 = arith.constant 0 : i32
    %dma_wait3A_356 = tpu.memref_slice %arg14[%mul3A_2, %dma_wait3A_355] : memref<10016x128xf32, #tpu.memory_space<vmem_shared>> -> memref<24x128xf32, #tpu.memory_space<vmem_shared>>
    %dma_wait3A_357 = arith.constant 0 : i32
    %dma_wait3A_358 = arith.constant 0 : i32
    %dma_wait3A_359 = tpu.memref_slice %arg9[%dma_wait3A_357, %dma_wait3A_358] : memref<40x128xf32, #tpu.memory_space<vmem>> -> memref<24x128xf32, #tpu.memory_space<vmem>>
    tpu.wait_dma2 semaphore(%arg15 : memref<!tpu.dma_semaphore, #tpu.memory_space<semaphore_mem>>) src(%dma_wait3A_359 : memref<24x128xf32, #tpu.memory_space<vmem>>) dst(%dma_wait3A_356 : memref<24x128xf32, #tpu.memory_space<vmem_shared>>)
    %eq3A_360 = arith.constant 15 : i32
    %eq3A_361 = arith.cmpi eq, %arg1, %eq3A_360 : i32
    %convert_element_type3A_362 = arith.extui %eq3A_361 : i1 to i32
    %cond3A_363 = arith.constant 0 : i32
    %cond3A_364 = arith.cmpi ne, %convert_element_type3A_362, %cond3A_363 : i32
    scf.if %cond3A_364 {
      %dma_wait3A_596 = arith.constant 0 : i32
      %dma_wait3A_597 = arith.constant 0 : i32
      %dma_wait3A_598 = tpu.memref_slice %arg9[%dma_wait3A_596, %dma_wait3A_597] : memref<40x128xf32, #tpu.memory_space<vmem>> -> memref<32x128xf32, #tpu.memory_space<vmem>>
      %dma_wait3A_599 = arith.constant 0 : i32
      %dma_wait3A_600 = tpu.memref_slice %arg14[%mul3A_2, %dma_wait3A_599] : memref<10016x128xf32, #tpu.memory_space<vmem_shared>> -> memref<32x128xf32, #tpu.memory_space<vmem_shared>>
      %dma_wait3A_601 = arith.constant 0 : i32
      %dma_wait3A_602 = tpu.memref_slice %arg14[%mul3A_2, %dma_wait3A_601] : memref<10016x128xf32, #tpu.memory_space<vmem_shared>> -> memref<32x128xf32, #tpu.memory_space<vmem_shared>>
      %dma_wait3A_603 = arith.constant 0 : i32
      %dma_wait3A_604 = arith.constant 0 : i32
      %dma_wait3A_605 = tpu.memref_slice %arg9[%dma_wait3A_603, %dma_wait3A_604] : memref<40x128xf32, #tpu.memory_space<vmem>> -> memref<32x128xf32, #tpu.memory_space<vmem>>
      tpu.wait_dma2 semaphore(%arg15 : memref<!tpu.dma_semaphore, #tpu.memory_space<semaphore_mem>>) src(%dma_wait3A_605 : memref<32x128xf32, #tpu.memory_space<vmem>>) dst(%dma_wait3A_602 : memref<32x128xf32, #tpu.memory_space<vmem_shared>>)
    } else {
    }
    %barrier3A = arith.constant 0 : index
    tpu.barrier barrier_id(%barrier3A)
    %mul3A_365 = arith.constant 10000 : i32
    %mul3A_366 = arith.muli %add3A, %mul3A_365 : i32
    %add3A_367 = arith.constant 0 : i32
    %add3A_368 = arith.addi %mul3A_366, %add3A_367 : i32
    %dma_start3A_369 = arith.constant 0 : i32
    %dma_start3A_370 = arith.constant 0 : i32
    %dma_start3A_371 = tpu.memref_slice %arg3[%dma_start3A_369, %dma_start3A_370] : memref<2x320000xi32, #tpu.memory_space<hbm>> -> memref<1x320000xi32, #tpu.memory_space<hbm>>
    %dma_start3A_372 = tpu.memref_squeeze %dma_start3A_371 : memref<1x320000xi32, #tpu.memory_space<hbm>> -> memref<320000xi32, #tpu.memory_space<hbm>>
    %dma_start3A_373 = tpu.memref_slice %dma_start3A_372[%add3A_368] : memref<320000xi32, #tpu.memory_space<hbm>> -> memref<5000xi32, #tpu.memory_space<hbm>>
    %dma_start3A_374 = arith.constant 0 : i32
    %dma_start3A_375 = tpu.memref_slice %arg3[%dma_start3A_369, %dma_start3A_374] : memref<2x320000xi32, #tpu.memory_space<hbm>> -> memref<1x320000xi32, #tpu.memory_space<hbm>>
    %dma_start3A_376 = tpu.memref_squeeze %dma_start3A_375 : memref<1x320000xi32, #tpu.memory_space<hbm>> -> memref<320000xi32, #tpu.memory_space<hbm>>
    %dma_start3A_377 = tpu.memref_slice %dma_start3A_376[%add3A_368] : memref<320000xi32, #tpu.memory_space<hbm>> -> memref<5000xi32, #tpu.memory_space<hbm>>
    tpu.enqueue_dma source(%dma_start3A_377 : memref<5000xi32, #tpu.memory_space<hbm>>) target(%arg5 : memref<5000xi32, #tpu.memory_space<vmem>>) target_semaphore(%arg25 : memref<!tpu.dma_semaphore, #tpu.memory_space<semaphore_mem>>)
    %dma_start3A_378 = arith.constant 1 : i32
    %dma_start3A_379 = arith.constant 0 : i32
    %dma_start3A_380 = tpu.memref_slice %arg3[%dma_start3A_378, %dma_start3A_379] : memref<2x320000xi32, #tpu.memory_space<hbm>> -> memref<1x320000xi32, #tpu.memory_space<hbm>>
    %dma_start3A_381 = tpu.memref_squeeze %dma_start3A_380 : memref<1x320000xi32, #tpu.memory_space<hbm>> -> memref<320000xi32, #tpu.memory_space<hbm>>
    %dma_start3A_382 = tpu.memref_slice %dma_start3A_381[%add3A_368] : memref<320000xi32, #tpu.memory_space<hbm>> -> memref<5000xi32, #tpu.memory_space<hbm>>
    %dma_start3A_383 = arith.constant 0 : i32
    %dma_start3A_384 = tpu.memref_slice %arg3[%dma_start3A_378, %dma_start3A_383] : memref<2x320000xi32, #tpu.memory_space<hbm>> -> memref<1x320000xi32, #tpu.memory_space<hbm>>
    %dma_start3A_385 = tpu.memref_squeeze %dma_start3A_384 : memref<1x320000xi32, #tpu.memory_space<hbm>> -> memref<320000xi32, #tpu.memory_space<hbm>>
    %dma_start3A_386 = tpu.memref_slice %dma_start3A_385[%add3A_368] : memref<320000xi32, #tpu.memory_space<hbm>> -> memref<5000xi32, #tpu.memory_space<hbm>>
    tpu.enqueue_dma source(%dma_start3A_386 : memref<5000xi32, #tpu.memory_space<hbm>>) target(%arg7 : memref<5000xi32, #tpu.memory_space<vmem>>) target_semaphore(%arg25 : memref<!tpu.dma_semaphore, #tpu.memory_space<semaphore_mem>>)
    %dma_wait3A_387 = arith.constant 0 : i32
    %dma_wait3A_388 = arith.constant 0 : i32
    %dma_wait3A_389 = tpu.memref_slice %arg3[%dma_wait3A_387, %dma_wait3A_388] : memref<2x320000xi32, #tpu.memory_space<hbm>> -> memref<1x320000xi32, #tpu.memory_space<hbm>>
    %dma_wait3A_390 = tpu.memref_squeeze %dma_wait3A_389 : memref<1x320000xi32, #tpu.memory_space<hbm>> -> memref<320000xi32, #tpu.memory_space<hbm>>
    %dma_wait3A_391 = arith.constant 0 : i32
    %dma_wait3A_392 = tpu.memref_slice %dma_wait3A_390[%dma_wait3A_391] : memref<320000xi32, #tpu.memory_space<hbm>> -> memref<5000xi32, #tpu.memory_space<hbm>>
    %dma_wait3A_393 = arith.constant 0 : i32
    %dma_wait3A_394 = tpu.memref_slice %arg3[%dma_wait3A_387, %dma_wait3A_393] : memref<2x320000xi32, #tpu.memory_space<hbm>> -> memref<1x320000xi32, #tpu.memory_space<hbm>>
    %dma_wait3A_395 = tpu.memref_squeeze %dma_wait3A_394 : memref<1x320000xi32, #tpu.memory_space<hbm>> -> memref<320000xi32, #tpu.memory_space<hbm>>
    %dma_wait3A_396 = arith.constant 0 : i32
    %dma_wait3A_397 = tpu.memref_slice %dma_wait3A_395[%dma_wait3A_396] : memref<320000xi32, #tpu.memory_space<hbm>> -> memref<5000xi32, #tpu.memory_space<hbm>>
    tpu.wait_dma2 semaphore(%arg25 : memref<!tpu.dma_semaphore, #tpu.memory_space<semaphore_mem>>) src(%dma_wait3A_397 : memref<5000xi32, #tpu.memory_space<hbm>>) dst(%arg5 : memref<5000xi32, #tpu.memory_space<vmem>>)
    %dma_wait3A_398 = arith.constant 1 : i32
    %dma_wait3A_399 = arith.constant 0 : i32
    %dma_wait3A_400 = tpu.memref_slice %arg3[%dma_wait3A_398, %dma_wait3A_399] : memref<2x320000xi32, #tpu.memory_space<hbm>> -> memref<1x320000xi32, #tpu.memory_space<hbm>>
    %dma_wait3A_401 = tpu.memref_squeeze %dma_wait3A_400 : memref<1x320000xi32, #tpu.memory_space<hbm>> -> memref<320000xi32, #tpu.memory_space<hbm>>
    %dma_wait3A_402 = arith.constant 0 : i32
    %dma_wait3A_403 = tpu.memref_slice %dma_wait3A_401[%dma_wait3A_402] : memref<320000xi32, #tpu.memory_space<hbm>> -> memref<5000xi32, #tpu.memory_space<hbm>>
    %dma_wait3A_404 = arith.constant 0 : i32
    %dma_wait3A_405 = tpu.memref_slice %arg3[%dma_wait3A_398, %dma_wait3A_404] : memref<2x320000xi32, #tpu.memory_space<hbm>> -> memref<1x320000xi32, #tpu.memory_space<hbm>>
    %dma_wait3A_406 = tpu.memref_squeeze %dma_wait3A_405 : memref<1x320000xi32, #tpu.memory_space<hbm>> -> memref<320000xi32, #tpu.memory_space<hbm>>
    %dma_wait3A_407 = arith.constant 0 : i32
    %dma_wait3A_408 = tpu.memref_slice %dma_wait3A_406[%dma_wait3A_407] : memref<320000xi32, #tpu.memory_space<hbm>> -> memref<5000xi32, #tpu.memory_space<hbm>>
    tpu.wait_dma2 semaphore(%arg25 : memref<!tpu.dma_semaphore, #tpu.memory_space<semaphore_mem>>) src(%dma_wait3A_408 : memref<5000xi32, #tpu.memory_space<hbm>>) dst(%arg7 : memref<5000xi32, #tpu.memory_space<vmem>>)
    %dma_start3A_409 = arith.constant 0 : i32
    %dma_start3A_410 = tpu.memref_slice %arg5[%dma_start3A_409] : memref<5000xi32, #tpu.memory_space<vmem>> -> memref<40xi32, #tpu.memory_space<vmem>>
    %dma_start3A_411 = arith.constant 0 : i32
    %dma_start3A_412 = arith.constant 0 : i32
    %dma_start3A_413 = tpu.memref_slice %arg2[%dma_start3A_411, %dma_start3A_412] : memref<10000x128xf32, #tpu.memory_space<hbm>> -> memref<10000x128xf32, #tpu.memory_space<hbm>>
    tpu.enqueue_indirect_dma source(%dma_start3A_413 : memref<10000x128xf32, #tpu.memory_space<hbm>>) target(%arg9 : memref<40x128xf32, #tpu.memory_space<vmem>>) offsets(%dma_start3A_410 : memref<40xi32, #tpu.memory_space<vmem>>) semaphore(%arg15 : memref<!tpu.dma_semaphore, #tpu.memory_space<semaphore_mem>>)
    %dma_start3A_414 = arith.constant 40 : i32
    %dma_start3A_415 = tpu.memref_slice %arg5[%dma_start3A_414] : memref<5000xi32, #tpu.memory_space<vmem>> -> memref<40xi32, #tpu.memory_space<vmem>>
    %dma_start3A_416 = arith.constant 0 : i32
    %dma_start3A_417 = arith.constant 0 : i32
    %dma_start3A_418 = tpu.memref_slice %arg2[%dma_start3A_416, %dma_start3A_417] : memref<10000x128xf32, #tpu.memory_space<hbm>> -> memref<10000x128xf32, #tpu.memory_space<hbm>>
    tpu.enqueue_indirect_dma source(%dma_start3A_418 : memref<10000x128xf32, #tpu.memory_space<hbm>>) target(%arg10 : memref<40x128xf32, #tpu.memory_space<vmem>>) offsets(%dma_start3A_415 : memref<40xi32, #tpu.memory_space<vmem>>) semaphore(%arg16 : memref<!tpu.dma_semaphore, #tpu.memory_space<semaphore_mem>>)
    %dma_start3A_419 = arith.constant 80 : i32
    %dma_start3A_420 = tpu.memref_slice %arg5[%dma_start3A_419] : memref<5000xi32, #tpu.memory_space<vmem>> -> memref<40xi32, #tpu.memory_space<vmem>>
    %dma_start3A_421 = arith.constant 0 : i32
    %dma_start3A_422 = arith.constant 0 : i32
    %dma_start3A_423 = tpu.memref_slice %arg2[%dma_start3A_421, %dma_start3A_422] : memref<10000x128xf32, #tpu.memory_space<hbm>> -> memref<10000x128xf32, #tpu.memory_space<hbm>>
    tpu.enqueue_indirect_dma source(%dma_start3A_423 : memref<10000x128xf32, #tpu.memory_space<hbm>>) target(%arg11 : memref<40x128xf32, #tpu.memory_space<vmem>>) offsets(%dma_start3A_420 : memref<40xi32, #tpu.memory_space<vmem>>) semaphore(%arg17 : memref<!tpu.dma_semaphore, #tpu.memory_space<semaphore_mem>>)
    %dma_start3A_424 = arith.constant 120 : i32
    %dma_start3A_425 = tpu.memref_slice %arg5[%dma_start3A_424] : memref<5000xi32, #tpu.memory_space<vmem>> -> memref<40xi32, #tpu.memory_space<vmem>>
    %dma_start3A_426 = arith.constant 0 : i32
    %dma_start3A_427 = arith.constant 0 : i32
    %dma_start3A_428 = tpu.memref_slice %arg2[%dma_start3A_426, %dma_start3A_427] : memref<10000x128xf32, #tpu.memory_space<hbm>> -> memref<10000x128xf32, #tpu.memory_space<hbm>>
    tpu.enqueue_indirect_dma source(%dma_start3A_428 : memref<10000x128xf32, #tpu.memory_space<hbm>>) target(%arg12 : memref<40x128xf32, #tpu.memory_space<vmem>>) offsets(%dma_start3A_425 : memref<40xi32, #tpu.memory_space<vmem>>) semaphore(%arg18 : memref<!tpu.dma_semaphore, #tpu.memory_space<semaphore_mem>>)
    %dma_start3A_429 = arith.constant 160 : i32
    %dma_start3A_430 = tpu.memref_slice %arg5[%dma_start3A_429] : memref<5000xi32, #tpu.memory_space<vmem>> -> memref<40xi32, #tpu.memory_space<vmem>>
    %dma_start3A_431 = arith.constant 0 : i32
    %dma_start3A_432 = arith.constant 0 : i32
    %dma_start3A_433 = tpu.memref_slice %arg2[%dma_start3A_431, %dma_start3A_432] : memref<10000x128xf32, #tpu.memory_space<hbm>> -> memref<10000x128xf32, #tpu.memory_space<hbm>>
    tpu.enqueue_indirect_dma source(%dma_start3A_433 : memref<10000x128xf32, #tpu.memory_space<hbm>>) target(%arg13 : memref<40x128xf32, #tpu.memory_space<vmem>>) offsets(%dma_start3A_430 : memref<40xi32, #tpu.memory_space<vmem>>) semaphore(%arg19 : memref<!tpu.dma_semaphore, #tpu.memory_space<semaphore_mem>>)
    %mul3A_434 = arith.constant 10000 : i32
    %mul3A_435 = arith.muli %add3A, %mul3A_434 : i32
    %add3A_436 = arith.constant 5000 : i32
    %add3A_437 = arith.addi %mul3A_435, %add3A_436 : i32
    %dma_start3A_438 = arith.constant 0 : i32
    %dma_start3A_439 = arith.constant 0 : i32
    %dma_start3A_440 = tpu.memref_slice %arg3[%dma_start3A_438, %dma_start3A_439] : memref<2x320000xi32, #tpu.memory_space<hbm>> -> memref<1x320000xi32, #tpu.memory_space<hbm>>
    %dma_start3A_441 = tpu.memref_squeeze %dma_start3A_440 : memref<1x320000xi32, #tpu.memory_space<hbm>> -> memref<320000xi32, #tpu.memory_space<hbm>>
    %dma_start3A_442 = tpu.memref_slice %dma_start3A_441[%add3A_437] : memref<320000xi32, #tpu.memory_space<hbm>> -> memref<5000xi32, #tpu.memory_space<hbm>>
    %dma_start3A_443 = arith.constant 0 : i32
    %dma_start3A_444 = tpu.memref_slice %arg3[%dma_start3A_438, %dma_start3A_443] : memref<2x320000xi32, #tpu.memory_space<hbm>> -> memref<1x320000xi32, #tpu.memory_space<hbm>>
    %dma_start3A_445 = tpu.memref_squeeze %dma_start3A_444 : memref<1x320000xi32, #tpu.memory_space<hbm>> -> memref<320000xi32, #tpu.memory_space<hbm>>
    %dma_start3A_446 = tpu.memref_slice %dma_start3A_445[%add3A_437] : memref<320000xi32, #tpu.memory_space<hbm>> -> memref<5000xi32, #tpu.memory_space<hbm>>
    tpu.enqueue_dma source(%dma_start3A_446 : memref<5000xi32, #tpu.memory_space<hbm>>) target(%arg6 : memref<5000xi32, #tpu.memory_space<vmem>>) target_semaphore(%arg26 : memref<!tpu.dma_semaphore, #tpu.memory_space<semaphore_mem>>)
    %dma_start3A_447 = arith.constant 1 : i32
    %dma_start3A_448 = arith.constant 0 : i32
    %dma_start3A_449 = tpu.memref_slice %arg3[%dma_start3A_447, %dma_start3A_448] : memref<2x320000xi32, #tpu.memory_space<hbm>> -> memref<1x320000xi32, #tpu.memory_space<hbm>>
    %dma_start3A_450 = tpu.memref_squeeze %dma_start3A_449 : memref<1x320000xi32, #tpu.memory_space<hbm>> -> memref<320000xi32, #tpu.memory_space<hbm>>
    %dma_start3A_451 = tpu.memref_slice %dma_start3A_450[%add3A_437] : memref<320000xi32, #tpu.memory_space<hbm>> -> memref<5000xi32, #tpu.memory_space<hbm>>
    %dma_start3A_452 = arith.constant 0 : i32
    %dma_start3A_453 = tpu.memref_slice %arg3[%dma_start3A_447, %dma_start3A_452] : memref<2x320000xi32, #tpu.memory_space<hbm>> -> memref<1x320000xi32, #tpu.memory_space<hbm>>
    %dma_start3A_454 = tpu.memref_squeeze %dma_start3A_453 : memref<1x320000xi32, #tpu.memory_space<hbm>> -> memref<320000xi32, #tpu.memory_space<hbm>>
    %dma_start3A_455 = tpu.memref_slice %dma_start3A_454[%add3A_437] : memref<320000xi32, #tpu.memory_space<hbm>> -> memref<5000xi32, #tpu.memory_space<hbm>>
    tpu.enqueue_dma source(%dma_start3A_455 : memref<5000xi32, #tpu.memory_space<hbm>>) target(%arg8 : memref<5000xi32, #tpu.memory_space<vmem>>) target_semaphore(%arg26 : memref<!tpu.dma_semaphore, #tpu.memory_space<semaphore_mem>>)
    %scan3A_456 = arith.constant 0 : i32
    %scan3A_457 = arith.constant 0 : i32
    %scan3A_458 = arith.constant 25 : i32
    %scan3A_459 = arith.addi %scan3A_457, %scan3A_458 : i32
    %scan3A_460 = arith.constant 1 : i32
    scf.for %scan3A_596 = %scan3A_457 to %scan3A_459 step %scan3A_460  : i32 {
      %mul3A_597 = arith.constant 5 : i32
      %mul3A_598 = arith.muli %scan3A_596, %mul3A_597 : i32
      %dma_wait3A_599 = arith.constant 0 : i32
      %dma_wait3A_600 = tpu.memref_slice %arg5[%dma_wait3A_599] : memref<5000xi32, #tpu.memory_space<vmem>> -> memref<40xi32, #tpu.memory_space<vmem>>
      %dma_wait3A_601 = arith.constant 0 : i32
      %dma_wait3A_602 = arith.constant 0 : i32
      %dma_wait3A_603 = tpu.memref_slice %arg2[%dma_wait3A_601, %dma_wait3A_602] : memref<10000x128xf32, #tpu.memory_space<hbm>> -> memref<10000x128xf32, #tpu.memory_space<hbm>>
      tpu.wait_indirect_dma semaphore(%arg15 : memref<!tpu.dma_semaphore, #tpu.memory_space<semaphore_mem>>) src(%dma_wait3A_603 : memref<10000x128xf32, #tpu.memory_space<hbm>>) dst(%arg9 : memref<40x128xf32, #tpu.memory_space<vmem>>)
      %add3A_604 = arith.constant 0 : i32
      %add3A_605 = arith.addi %mul3A_598, %add3A_604 : i32
      %mul3A_606 = arith.constant 40 : i32
      %mul3A_607 = arith.muli %add3A_605, %mul3A_606 : i32
      %dma_start3A_608 = tpu.memref_slice %arg7[%mul3A_607] : memref<5000xi32, #tpu.memory_space<vmem>> -> memref<40xi32, #tpu.memory_space<vmem>>
      %dma_start3A_609 = arith.constant 0 : i32
      %dma_start3A_610 = arith.constant 0 : i32
      %dma_start3A_611 = tpu.memref_slice %arg14[%dma_start3A_609, %dma_start3A_610] : memref<10016x128xf32, #tpu.memory_space<vmem_shared>> -> memref<10016x128xf32, #tpu.memory_space<vmem_shared>>
      tpu.enqueue_indirect_dma source(%arg9 : memref<40x128xf32, #tpu.memory_space<vmem>>) target(%dma_start3A_611 : memref<10016x128xf32, #tpu.memory_space<vmem_shared>>) offsets(%dma_start3A_608 : memref<40xi32, #tpu.memory_space<vmem>>) semaphore(%arg20 : memref<!tpu.dma_semaphore, #tpu.memory_space<semaphore_mem>>) {add = true}
      %dma_wait3A_612 = arith.constant 0 : i32
      %dma_wait3A_613 = tpu.memref_slice %arg5[%dma_wait3A_612] : memref<5000xi32, #tpu.memory_space<vmem>> -> memref<40xi32, #tpu.memory_space<vmem>>
      %dma_wait3A_614 = arith.constant 0 : i32
      %dma_wait3A_615 = arith.constant 0 : i32
      %dma_wait3A_616 = tpu.memref_slice %arg2[%dma_wait3A_614, %dma_wait3A_615] : memref<10000x128xf32, #tpu.memory_space<hbm>> -> memref<10000x128xf32, #tpu.memory_space<hbm>>
      tpu.wait_indirect_dma semaphore(%arg16 : memref<!tpu.dma_semaphore, #tpu.memory_space<semaphore_mem>>) src(%dma_wait3A_616 : memref<10000x128xf32, #tpu.memory_space<hbm>>) dst(%arg10 : memref<40x128xf32, #tpu.memory_space<vmem>>)
      %add3A_617 = arith.constant 1 : i32
      %add3A_618 = arith.addi %mul3A_598, %add3A_617 : i32
      %mul3A_619 = arith.constant 40 : i32
      %mul3A_620 = arith.muli %add3A_618, %mul3A_619 : i32
      %dma_start3A_621 = tpu.memref_slice %arg7[%mul3A_620] : memref<5000xi32, #tpu.memory_space<vmem>> -> memref<40xi32, #tpu.memory_space<vmem>>
      %dma_start3A_622 = arith.constant 0 : i32
      %dma_start3A_623 = arith.constant 0 : i32
      %dma_start3A_624 = tpu.memref_slice %arg14[%dma_start3A_622, %dma_start3A_623] : memref<10016x128xf32, #tpu.memory_space<vmem_shared>> -> memref<10016x128xf32, #tpu.memory_space<vmem_shared>>
      tpu.enqueue_indirect_dma source(%arg10 : memref<40x128xf32, #tpu.memory_space<vmem>>) target(%dma_start3A_624 : memref<10016x128xf32, #tpu.memory_space<vmem_shared>>) offsets(%dma_start3A_621 : memref<40xi32, #tpu.memory_space<vmem>>) semaphore(%arg21 : memref<!tpu.dma_semaphore, #tpu.memory_space<semaphore_mem>>) {add = true}
      %dma_wait3A_625 = arith.constant 0 : i32
      %dma_wait3A_626 = tpu.memref_slice %arg5[%dma_wait3A_625] : memref<5000xi32, #tpu.memory_space<vmem>> -> memref<40xi32, #tpu.memory_space<vmem>>
      %dma_wait3A_627 = arith.constant 0 : i32
      %dma_wait3A_628 = arith.constant 0 : i32
      %dma_wait3A_629 = tpu.memref_slice %arg2[%dma_wait3A_627, %dma_wait3A_628] : memref<10000x128xf32, #tpu.memory_space<hbm>> -> memref<10000x128xf32, #tpu.memory_space<hbm>>
      tpu.wait_indirect_dma semaphore(%arg17 : memref<!tpu.dma_semaphore, #tpu.memory_space<semaphore_mem>>) src(%dma_wait3A_629 : memref<10000x128xf32, #tpu.memory_space<hbm>>) dst(%arg11 : memref<40x128xf32, #tpu.memory_space<vmem>>)
      %add3A_630 = arith.constant 2 : i32
      %add3A_631 = arith.addi %mul3A_598, %add3A_630 : i32
      %mul3A_632 = arith.constant 40 : i32
      %mul3A_633 = arith.muli %add3A_631, %mul3A_632 : i32
      %dma_start3A_634 = tpu.memref_slice %arg7[%mul3A_633] : memref<5000xi32, #tpu.memory_space<vmem>> -> memref<40xi32, #tpu.memory_space<vmem>>
      %dma_start3A_635 = arith.constant 0 : i32
      %dma_start3A_636 = arith.constant 0 : i32
      %dma_start3A_637 = tpu.memref_slice %arg14[%dma_start3A_635, %dma_start3A_636] : memref<10016x128xf32, #tpu.memory_space<vmem_shared>> -> memref<10016x128xf32, #tpu.memory_space<vmem_shared>>
      tpu.enqueue_indirect_dma source(%arg11 : memref<40x128xf32, #tpu.memory_space<vmem>>) target(%dma_start3A_637 : memref<10016x128xf32, #tpu.memory_space<vmem_shared>>) offsets(%dma_start3A_634 : memref<40xi32, #tpu.memory_space<vmem>>) semaphore(%arg22 : memref<!tpu.dma_semaphore, #tpu.memory_space<semaphore_mem>>) {add = true}
      %dma_wait3A_638 = arith.constant 0 : i32
      %dma_wait3A_639 = tpu.memref_slice %arg5[%dma_wait3A_638] : memref<5000xi32, #tpu.memory_space<vmem>> -> memref<40xi32, #tpu.memory_space<vmem>>
      %dma_wait3A_640 = arith.constant 0 : i32
      %dma_wait3A_641 = arith.constant 0 : i32
      %dma_wait3A_642 = tpu.memref_slice %arg2[%dma_wait3A_640, %dma_wait3A_641] : memref<10000x128xf32, #tpu.memory_space<hbm>> -> memref<10000x128xf32, #tpu.memory_space<hbm>>
      tpu.wait_indirect_dma semaphore(%arg18 : memref<!tpu.dma_semaphore, #tpu.memory_space<semaphore_mem>>) src(%dma_wait3A_642 : memref<10000x128xf32, #tpu.memory_space<hbm>>) dst(%arg12 : memref<40x128xf32, #tpu.memory_space<vmem>>)
      %add3A_643 = arith.constant 3 : i32
      %add3A_644 = arith.addi %mul3A_598, %add3A_643 : i32
      %mul3A_645 = arith.constant 40 : i32
      %mul3A_646 = arith.muli %add3A_644, %mul3A_645 : i32
      %dma_start3A_647 = tpu.memref_slice %arg7[%mul3A_646] : memref<5000xi32, #tpu.memory_space<vmem>> -> memref<40xi32, #tpu.memory_space<vmem>>
      %dma_start3A_648 = arith.constant 0 : i32
      %dma_start3A_649 = arith.constant 0 : i32
      %dma_start3A_650 = tpu.memref_slice %arg14[%dma_start3A_648, %dma_start3A_649] : memref<10016x128xf32, #tpu.memory_space<vmem_shared>> -> memref<10016x128xf32, #tpu.memory_space<vmem_shared>>
      tpu.enqueue_indirect_dma source(%arg12 : memref<40x128xf32, #tpu.memory_space<vmem>>) target(%dma_start3A_650 : memref<10016x128xf32, #tpu.memory_space<vmem_shared>>) offsets(%dma_start3A_647 : memref<40xi32, #tpu.memory_space<vmem>>) semaphore(%arg23 : memref<!tpu.dma_semaphore, #tpu.memory_space<semaphore_mem>>) {add = true}
      %dma_wait3A_651 = arith.constant 0 : i32
      %dma_wait3A_652 = tpu.memref_slice %arg5[%dma_wait3A_651] : memref<5000xi32, #tpu.memory_space<vmem>> -> memref<40xi32, #tpu.memory_space<vmem>>
      %dma_wait3A_653 = arith.constant 0 : i32
      %dma_wait3A_654 = arith.constant 0 : i32
      %dma_wait3A_655 = tpu.memref_slice %arg2[%dma_wait3A_653, %dma_wait3A_654] : memref<10000x128xf32, #tpu.memory_space<hbm>> -> memref<10000x128xf32, #tpu.memory_space<hbm>>
      tpu.wait_indirect_dma semaphore(%arg19 : memref<!tpu.dma_semaphore, #tpu.memory_space<semaphore_mem>>) src(%dma_wait3A_655 : memref<10000x128xf32, #tpu.memory_space<hbm>>) dst(%arg13 : memref<40x128xf32, #tpu.memory_space<vmem>>)
      %add3A_656 = arith.constant 4 : i32
      %add3A_657 = arith.addi %mul3A_598, %add3A_656 : i32
      %mul3A_658 = arith.constant 40 : i32
      %mul3A_659 = arith.muli %add3A_657, %mul3A_658 : i32
      %dma_start3A_660 = tpu.memref_slice %arg7[%mul3A_659] : memref<5000xi32, #tpu.memory_space<vmem>> -> memref<40xi32, #tpu.memory_space<vmem>>
      %dma_start3A_661 = arith.constant 0 : i32
      %dma_start3A_662 = arith.constant 0 : i32
      %dma_start3A_663 = tpu.memref_slice %arg14[%dma_start3A_661, %dma_start3A_662] : memref<10016x128xf32, #tpu.memory_space<vmem_shared>> -> memref<10016x128xf32, #tpu.memory_space<vmem_shared>>
      tpu.enqueue_indirect_dma source(%arg13 : memref<40x128xf32, #tpu.memory_space<vmem>>) target(%dma_start3A_663 : memref<10016x128xf32, #tpu.memory_space<vmem_shared>>) offsets(%dma_start3A_660 : memref<40xi32, #tpu.memory_space<vmem>>) semaphore(%arg24 : memref<!tpu.dma_semaphore, #tpu.memory_space<semaphore_mem>>) {add = true}
      %lt3A_664 = arith.constant 24 : i32
      %lt3A_665 = arith.cmpi slt, %scan3A_596, %lt3A_664 : i32
      %convert_element_type3A_666 = arith.extui %lt3A_665 : i1 to i32
      %cond3A_667 = arith.constant 0 : i32
      %cond3A_668 = arith.cmpi ne, %convert_element_type3A_666, %cond3A_667 : i32
      scf.if %cond3A_668 {
        %dma_wait3A_689 = arith.constant 0 : i32
        %dma_wait3A_690 = tpu.memref_slice %arg7[%dma_wait3A_689] : memref<5000xi32, #tpu.memory_space<vmem>> -> memref<40xi32, #tpu.memory_space<vmem>>
        %dma_wait3A_691 = arith.constant 0 : i32
        %dma_wait3A_692 = arith.constant 0 : i32
        %dma_wait3A_693 = tpu.memref_slice %arg14[%dma_wait3A_691, %dma_wait3A_692] : memref<10016x128xf32, #tpu.memory_space<vmem_shared>> -> memref<10016x128xf32, #tpu.memory_space<vmem_shared>>
        tpu.wait_indirect_dma semaphore(%arg20 : memref<!tpu.dma_semaphore, #tpu.memory_space<semaphore_mem>>) src(%arg9 : memref<40x128xf32, #tpu.memory_space<vmem>>) dst(%dma_wait3A_693 : memref<10016x128xf32, #tpu.memory_space<vmem_shared>>)
        %add3A_694 = arith.constant 5 : i32
        %add3A_695 = arith.addi %mul3A_598, %add3A_694 : i32
        %add3A_696 = arith.constant 0 : i32
        %add3A_697 = arith.addi %add3A_695, %add3A_696 : i32
        %mul3A_698 = arith.constant 40 : i32
        %mul3A_699 = arith.muli %add3A_697, %mul3A_698 : i32
        %dma_start3A_700 = tpu.memref_slice %arg5[%mul3A_699] : memref<5000xi32, #tpu.memory_space<vmem>> -> memref<40xi32, #tpu.memory_space<vmem>>
        %dma_start3A_701 = arith.constant 0 : i32
        %dma_start3A_702 = arith.constant 0 : i32
        %dma_start3A_703 = tpu.memref_slice %arg2[%dma_start3A_701, %dma_start3A_702] : memref<10000x128xf32, #tpu.memory_space<hbm>> -> memref<10000x128xf32, #tpu.memory_space<hbm>>
        tpu.enqueue_indirect_dma source(%dma_start3A_703 : memref<10000x128xf32, #tpu.memory_space<hbm>>) target(%arg9 : memref<40x128xf32, #tpu.memory_space<vmem>>) offsets(%dma_start3A_700 : memref<40xi32, #tpu.memory_space<vmem>>) semaphore(%arg15 : memref<!tpu.dma_semaphore, #tpu.memory_space<semaphore_mem>>)
      } else {
      }
      %lt3A_669 = arith.constant 24 : i32
      %lt3A_670 = arith.cmpi slt, %scan3A_596, %lt3A_669 : i32
      %convert_element_type3A_671 = arith.extui %lt3A_670 : i1 to i32
      %cond3A_672 = arith.constant 0 : i32
      %cond3A_673 = arith.cmpi ne, %convert_element_type3A_671, %cond3A_672 : i32
      scf.if %cond3A_673 {
        %dma_wait3A_689 = arith.constant 0 : i32
        %dma_wait3A_690 = tpu.memref_slice %arg7[%dma_wait3A_689] : memref<5000xi32, #tpu.memory_space<vmem>> -> memref<40xi32, #tpu.memory_space<vmem>>
        %dma_wait3A_691 = arith.constant 0 : i32
        %dma_wait3A_692 = arith.constant 0 : i32
        %dma_wait3A_693 = tpu.memref_slice %arg14[%dma_wait3A_691, %dma_wait3A_692] : memref<10016x128xf32, #tpu.memory_space<vmem_shared>> -> memref<10016x128xf32, #tpu.memory_space<vmem_shared>>
        tpu.wait_indirect_dma semaphore(%arg21 : memref<!tpu.dma_semaphore, #tpu.memory_space<semaphore_mem>>) src(%arg10 : memref<40x128xf32, #tpu.memory_space<vmem>>) dst(%dma_wait3A_693 : memref<10016x128xf32, #tpu.memory_space<vmem_shared>>)
        %add3A_694 = arith.constant 5 : i32
        %add3A_695 = arith.addi %mul3A_598, %add3A_694 : i32
        %add3A_696 = arith.constant 1 : i32
        %add3A_697 = arith.addi %add3A_695, %add3A_696 : i32
        %mul3A_698 = arith.constant 40 : i32
        %mul3A_699 = arith.muli %add3A_697, %mul3A_698 : i32
        %dma_start3A_700 = tpu.memref_slice %arg5[%mul3A_699] : memref<5000xi32, #tpu.memory_space<vmem>> -> memref<40xi32, #tpu.memory_space<vmem>>
        %dma_start3A_701 = arith.constant 0 : i32
        %dma_start3A_702 = arith.constant 0 : i32
        %dma_start3A_703 = tpu.memref_slice %arg2[%dma_start3A_701, %dma_start3A_702] : memref<10000x128xf32, #tpu.memory_space<hbm>> -> memref<10000x128xf32, #tpu.memory_space<hbm>>
        tpu.enqueue_indirect_dma source(%dma_start3A_703 : memref<10000x128xf32, #tpu.memory_space<hbm>>) target(%arg10 : memref<40x128xf32, #tpu.memory_space<vmem>>) offsets(%dma_start3A_700 : memref<40xi32, #tpu.memory_space<vmem>>) semaphore(%arg16 : memref<!tpu.dma_semaphore, #tpu.memory_space<semaphore_mem>>)
      } else {
      }
      %lt3A_674 = arith.constant 24 : i32
      %lt3A_675 = arith.cmpi slt, %scan3A_596, %lt3A_674 : i32
      %convert_element_type3A_676 = arith.extui %lt3A_675 : i1 to i32
      %cond3A_677 = arith.constant 0 : i32
      %cond3A_678 = arith.cmpi ne, %convert_element_type3A_676, %cond3A_677 : i32
      scf.if %cond3A_678 {
        %dma_wait3A_689 = arith.constant 0 : i32
        %dma_wait3A_690 = tpu.memref_slice %arg7[%dma_wait3A_689] : memref<5000xi32, #tpu.memory_space<vmem>> -> memref<40xi32, #tpu.memory_space<vmem>>
        %dma_wait3A_691 = arith.constant 0 : i32
        %dma_wait3A_692 = arith.constant 0 : i32
        %dma_wait3A_693 = tpu.memref_slice %arg14[%dma_wait3A_691, %dma_wait3A_692] : memref<10016x128xf32, #tpu.memory_space<vmem_shared>> -> memref<10016x128xf32, #tpu.memory_space<vmem_shared>>
        tpu.wait_indirect_dma semaphore(%arg22 : memref<!tpu.dma_semaphore, #tpu.memory_space<semaphore_mem>>) src(%arg11 : memref<40x128xf32, #tpu.memory_space<vmem>>) dst(%dma_wait3A_693 : memref<10016x128xf32, #tpu.memory_space<vmem_shared>>)
        %add3A_694 = arith.constant 5 : i32
        %add3A_695 = arith.addi %mul3A_598, %add3A_694 : i32
        %add3A_696 = arith.constant 2 : i32
        %add3A_697 = arith.addi %add3A_695, %add3A_696 : i32
        %mul3A_698 = arith.constant 40 : i32
        %mul3A_699 = arith.muli %add3A_697, %mul3A_698 : i32
        %dma_start3A_700 = tpu.memref_slice %arg5[%mul3A_699] : memref<5000xi32, #tpu.memory_space<vmem>> -> memref<40xi32, #tpu.memory_space<vmem>>
        %dma_start3A_701 = arith.constant 0 : i32
        %dma_start3A_702 = arith.constant 0 : i32
        %dma_start3A_703 = tpu.memref_slice %arg2[%dma_start3A_701, %dma_start3A_702] : memref<10000x128xf32, #tpu.memory_space<hbm>> -> memref<10000x128xf32, #tpu.memory_space<hbm>>
        tpu.enqueue_indirect_dma source(%dma_start3A_703 : memref<10000x128xf32, #tpu.memory_space<hbm>>) target(%arg11 : memref<40x128xf32, #tpu.memory_space<vmem>>) offsets(%dma_start3A_700 : memref<40xi32, #tpu.memory_space<vmem>>) semaphore(%arg17 : memref<!tpu.dma_semaphore, #tpu.memory_space<semaphore_mem>>)
      } else {
      }
      %lt3A_679 = arith.constant 24 : i32
      %lt3A_680 = arith.cmpi slt, %scan3A_596, %lt3A_679 : i32
      %convert_element_type3A_681 = arith.extui %lt3A_680 : i1 to i32
      %cond3A_682 = arith.constant 0 : i32
      %cond3A_683 = arith.cmpi ne, %convert_element_type3A_681, %cond3A_682 : i32
      scf.if %cond3A_683 {
        %dma_wait3A_689 = arith.constant 0 : i32
        %dma_wait3A_690 = tpu.memref_slice %arg7[%dma_wait3A_689] : memref<5000xi32, #tpu.memory_space<vmem>> -> memref<40xi32, #tpu.memory_space<vmem>>
        %dma_wait3A_691 = arith.constant 0 : i32
        %dma_wait3A_692 = arith.constant 0 : i32
        %dma_wait3A_693 = tpu.memref_slice %arg14[%dma_wait3A_691, %dma_wait3A_692] : memref<10016x128xf32, #tpu.memory_space<vmem_shared>> -> memref<10016x128xf32, #tpu.memory_space<vmem_shared>>
        tpu.wait_indirect_dma semaphore(%arg23 : memref<!tpu.dma_semaphore, #tpu.memory_space<semaphore_mem>>) src(%arg12 : memref<40x128xf32, #tpu.memory_space<vmem>>) dst(%dma_wait3A_693 : memref<10016x128xf32, #tpu.memory_space<vmem_shared>>)
        %add3A_694 = arith.constant 5 : i32
        %add3A_695 = arith.addi %mul3A_598, %add3A_694 : i32
        %add3A_696 = arith.constant 3 : i32
        %add3A_697 = arith.addi %add3A_695, %add3A_696 : i32
        %mul3A_698 = arith.constant 40 : i32
        %mul3A_699 = arith.muli %add3A_697, %mul3A_698 : i32
        %dma_start3A_700 = tpu.memref_slice %arg5[%mul3A_699] : memref<5000xi32, #tpu.memory_space<vmem>> -> memref<40xi32, #tpu.memory_space<vmem>>
        %dma_start3A_701 = arith.constant 0 : i32
        %dma_start3A_702 = arith.constant 0 : i32
        %dma_start3A_703 = tpu.memref_slice %arg2[%dma_start3A_701, %dma_start3A_702] : memref<10000x128xf32, #tpu.memory_space<hbm>> -> memref<10000x128xf32, #tpu.memory_space<hbm>>
        tpu.enqueue_indirect_dma source(%dma_start3A_703 : memref<10000x128xf32, #tpu.memory_space<hbm>>) target(%arg12 : memref<40x128xf32, #tpu.memory_space<vmem>>) offsets(%dma_start3A_700 : memref<40xi32, #tpu.memory_space<vmem>>) semaphore(%arg18 : memref<!tpu.dma_semaphore, #tpu.memory_space<semaphore_mem>>)
      } else {
      }
      %lt3A_684 = arith.constant 24 : i32
      %lt3A_685 = arith.cmpi slt, %scan3A_596, %lt3A_684 : i32
      %convert_element_type3A_686 = arith.extui %lt3A_685 : i1 to i32
      %cond3A_687 = arith.constant 0 : i32
      %cond3A_688 = arith.cmpi ne, %convert_element_type3A_686, %cond3A_687 : i32
      scf.if %cond3A_688 {
        %dma_wait3A_689 = arith.constant 0 : i32
        %dma_wait3A_690 = tpu.memref_slice %arg7[%dma_wait3A_689] : memref<5000xi32, #tpu.memory_space<vmem>> -> memref<40xi32, #tpu.memory_space<vmem>>
        %dma_wait3A_691 = arith.constant 0 : i32
        %dma_wait3A_692 = arith.constant 0 : i32
        %dma_wait3A_693 = tpu.memref_slice %arg14[%dma_wait3A_691, %dma_wait3A_692] : memref<10016x128xf32, #tpu.memory_space<vmem_shared>> -> memref<10016x128xf32, #tpu.memory_space<vmem_shared>>
        tpu.wait_indirect_dma semaphore(%arg24 : memref<!tpu.dma_semaphore, #tpu.memory_space<semaphore_mem>>) src(%arg13 : memref<40x128xf32, #tpu.memory_space<vmem>>) dst(%dma_wait3A_693 : memref<10016x128xf32, #tpu.memory_space<vmem_shared>>)
        %add3A_694 = arith.constant 5 : i32
        %add3A_695 = arith.addi %mul3A_598, %add3A_694 : i32
        %add3A_696 = arith.constant 4 : i32
        %add3A_697 = arith.addi %add3A_695, %add3A_696 : i32
        %mul3A_698 = arith.constant 40 : i32
        %mul3A_699 = arith.muli %add3A_697, %mul3A_698 : i32
        %dma_start3A_700 = tpu.memref_slice %arg5[%mul3A_699] : memref<5000xi32, #tpu.memory_space<vmem>> -> memref<40xi32, #tpu.memory_space<vmem>>
        %dma_start3A_701 = arith.constant 0 : i32
        %dma_start3A_702 = arith.constant 0 : i32
        %dma_start3A_703 = tpu.memref_slice %arg2[%dma_start3A_701, %dma_start3A_702] : memref<10000x128xf32, #tpu.memory_space<hbm>> -> memref<10000x128xf32, #tpu.memory_space<hbm>>
        tpu.enqueue_indirect_dma source(%dma_start3A_703 : memref<10000x128xf32, #tpu.memory_space<hbm>>) target(%arg13 : memref<40x128xf32, #tpu.memory_space<vmem>>) offsets(%dma_start3A_700 : memref<40xi32, #tpu.memory_space<vmem>>) semaphore(%arg19 : memref<!tpu.dma_semaphore, #tpu.memory_space<semaphore_mem>>)
      } else {
      }
    }
    %scan3A_461 = arith.constant 25 : i32
    %dma_wait3A_462 = arith.constant 0 : i32
    %dma_wait3A_463 = arith.constant 0 : i32
    %dma_wait3A_464 = tpu.memref_slice %arg3[%dma_wait3A_462, %dma_wait3A_463] : memref<2x320000xi32, #tpu.memory_space<hbm>> -> memref<1x320000xi32, #tpu.memory_space<hbm>>
    %dma_wait3A_465 = tpu.memref_squeeze %dma_wait3A_464 : memref<1x320000xi32, #tpu.memory_space<hbm>> -> memref<320000xi32, #tpu.memory_space<hbm>>
    %dma_wait3A_466 = arith.constant 0 : i32
    %dma_wait3A_467 = tpu.memref_slice %dma_wait3A_465[%dma_wait3A_466] : memref<320000xi32, #tpu.memory_space<hbm>> -> memref<5000xi32, #tpu.memory_space<hbm>>
    %dma_wait3A_468 = arith.constant 0 : i32
    %dma_wait3A_469 = tpu.memref_slice %arg3[%dma_wait3A_462, %dma_wait3A_468] : memref<2x320000xi32, #tpu.memory_space<hbm>> -> memref<1x320000xi32, #tpu.memory_space<hbm>>
    %dma_wait3A_470 = tpu.memref_squeeze %dma_wait3A_469 : memref<1x320000xi32, #tpu.memory_space<hbm>> -> memref<320000xi32, #tpu.memory_space<hbm>>
    %dma_wait3A_471 = arith.constant 0 : i32
    %dma_wait3A_472 = tpu.memref_slice %dma_wait3A_470[%dma_wait3A_471] : memref<320000xi32, #tpu.memory_space<hbm>> -> memref<5000xi32, #tpu.memory_space<hbm>>
    tpu.wait_dma2 semaphore(%arg26 : memref<!tpu.dma_semaphore, #tpu.memory_space<semaphore_mem>>) src(%dma_wait3A_472 : memref<5000xi32, #tpu.memory_space<hbm>>) dst(%arg6 : memref<5000xi32, #tpu.memory_space<vmem>>)
    %dma_wait3A_473 = arith.constant 1 : i32
    %dma_wait3A_474 = arith.constant 0 : i32
    %dma_wait3A_475 = tpu.memref_slice %arg3[%dma_wait3A_473, %dma_wait3A_474] : memref<2x320000xi32, #tpu.memory_space<hbm>> -> memref<1x320000xi32, #tpu.memory_space<hbm>>
    %dma_wait3A_476 = tpu.memref_squeeze %dma_wait3A_475 : memref<1x320000xi32, #tpu.memory_space<hbm>> -> memref<320000xi32, #tpu.memory_space<hbm>>
    %dma_wait3A_477 = arith.constant 0 : i32
    %dma_wait3A_478 = tpu.memref_slice %dma_wait3A_476[%dma_wait3A_477] : memref<320000xi32, #tpu.memory_space<hbm>> -> memref<5000xi32, #tpu.memory_space<hbm>>
    %dma_wait3A_479 = arith.constant 0 : i32
    %dma_wait3A_480 = tpu.memref_slice %arg3[%dma_wait3A_473, %dma_wait3A_479] : memref<2x320000xi32, #tpu.memory_space<hbm>> -> memref<1x320000xi32, #tpu.memory_space<hbm>>
    %dma_wait3A_481 = tpu.memref_squeeze %dma_wait3A_480 : memref<1x320000xi32, #tpu.memory_space<hbm>> -> memref<320000xi32, #tpu.memory_space<hbm>>
    %dma_wait3A_482 = arith.constant 0 : i32
    %dma_wait3A_483 = tpu.memref_slice %dma_wait3A_481[%dma_wait3A_482] : memref<320000xi32, #tpu.memory_space<hbm>> -> memref<5000xi32, #tpu.memory_space<hbm>>
    tpu.wait_dma2 semaphore(%arg26 : memref<!tpu.dma_semaphore, #tpu.memory_space<semaphore_mem>>) src(%dma_wait3A_483 : memref<5000xi32, #tpu.memory_space<hbm>>) dst(%arg8 : memref<5000xi32, #tpu.memory_space<vmem>>)
    %dma_wait3A_484 = arith.constant 0 : i32
    %dma_wait3A_485 = tpu.memref_slice %arg7[%dma_wait3A_484] : memref<5000xi32, #tpu.memory_space<vmem>> -> memref<40xi32, #tpu.memory_space<vmem>>
    %dma_wait3A_486 = arith.constant 0 : i32
    %dma_wait3A_487 = arith.constant 0 : i32
    %dma_wait3A_488 = tpu.memref_slice %arg14[%dma_wait3A_486, %dma_wait3A_487] : memref<10016x128xf32, #tpu.memory_space<vmem_shared>> -> memref<10016x128xf32, #tpu.memory_space<vmem_shared>>
    tpu.wait_indirect_dma semaphore(%arg20 : memref<!tpu.dma_semaphore, #tpu.memory_space<semaphore_mem>>) src(%arg9 : memref<40x128xf32, #tpu.memory_space<vmem>>) dst(%dma_wait3A_488 : memref<10016x128xf32, #tpu.memory_space<vmem_shared>>)
    %dma_start3A_489 = arith.constant 0 : i32
    %dma_start3A_490 = tpu.memref_slice %arg6[%dma_start3A_489] : memref<5000xi32, #tpu.memory_space<vmem>> -> memref<40xi32, #tpu.memory_space<vmem>>
    %dma_start3A_491 = arith.constant 0 : i32
    %dma_start3A_492 = arith.constant 0 : i32
    %dma_start3A_493 = tpu.memref_slice %arg2[%dma_start3A_491, %dma_start3A_492] : memref<10000x128xf32, #tpu.memory_space<hbm>> -> memref<10000x128xf32, #tpu.memory_space<hbm>>
    tpu.enqueue_indirect_dma source(%dma_start3A_493 : memref<10000x128xf32, #tpu.memory_space<hbm>>) target(%arg9 : memref<40x128xf32, #tpu.memory_space<vmem>>) offsets(%dma_start3A_490 : memref<40xi32, #tpu.memory_space<vmem>>) semaphore(%arg15 : memref<!tpu.dma_semaphore, #tpu.memory_space<semaphore_mem>>)
    %dma_wait3A_494 = arith.constant 0 : i32
    %dma_wait3A_495 = tpu.memref_slice %arg7[%dma_wait3A_494] : memref<5000xi32, #tpu.memory_space<vmem>> -> memref<40xi32, #tpu.memory_space<vmem>>
    %dma_wait3A_496 = arith.constant 0 : i32
    %dma_wait3A_497 = arith.constant 0 : i32
    %dma_wait3A_498 = tpu.memref_slice %arg14[%dma_wait3A_496, %dma_wait3A_497] : memref<10016x128xf32, #tpu.memory_space<vmem_shared>> -> memref<10016x128xf32, #tpu.memory_space<vmem_shared>>
    tpu.wait_indirect_dma semaphore(%arg21 : memref<!tpu.dma_semaphore, #tpu.memory_space<semaphore_mem>>) src(%arg10 : memref<40x128xf32, #tpu.memory_space<vmem>>) dst(%dma_wait3A_498 : memref<10016x128xf32, #tpu.memory_space<vmem_shared>>)
    %dma_start3A_499 = arith.constant 40 : i32
    %dma_start3A_500 = tpu.memref_slice %arg6[%dma_start3A_499] : memref<5000xi32, #tpu.memory_space<vmem>> -> memref<40xi32, #tpu.memory_space<vmem>>
    %dma_start3A_501 = arith.constant 0 : i32
    %dma_start3A_502 = arith.constant 0 : i32
    %dma_start3A_503 = tpu.memref_slice %arg2[%dma_start3A_501, %dma_start3A_502] : memref<10000x128xf32, #tpu.memory_space<hbm>> -> memref<10000x128xf32, #tpu.memory_space<hbm>>
    tpu.enqueue_indirect_dma source(%dma_start3A_503 : memref<10000x128xf32, #tpu.memory_space<hbm>>) target(%arg10 : memref<40x128xf32, #tpu.memory_space<vmem>>) offsets(%dma_start3A_500 : memref<40xi32, #tpu.memory_space<vmem>>) semaphore(%arg16 : memref<!tpu.dma_semaphore, #tpu.memory_space<semaphore_mem>>)
    %dma_wait3A_504 = arith.constant 0 : i32
    %dma_wait3A_505 = tpu.memref_slice %arg7[%dma_wait3A_504] : memref<5000xi32, #tpu.memory_space<vmem>> -> memref<40xi32, #tpu.memory_space<vmem>>
    %dma_wait3A_506 = arith.constant 0 : i32
    %dma_wait3A_507 = arith.constant 0 : i32
    %dma_wait3A_508 = tpu.memref_slice %arg14[%dma_wait3A_506, %dma_wait3A_507] : memref<10016x128xf32, #tpu.memory_space<vmem_shared>> -> memref<10016x128xf32, #tpu.memory_space<vmem_shared>>
    tpu.wait_indirect_dma semaphore(%arg22 : memref<!tpu.dma_semaphore, #tpu.memory_space<semaphore_mem>>) src(%arg11 : memref<40x128xf32, #tpu.memory_space<vmem>>) dst(%dma_wait3A_508 : memref<10016x128xf32, #tpu.memory_space<vmem_shared>>)
    %dma_start3A_509 = arith.constant 80 : i32
    %dma_start3A_510 = tpu.memref_slice %arg6[%dma_start3A_509] : memref<5000xi32, #tpu.memory_space<vmem>> -> memref<40xi32, #tpu.memory_space<vmem>>
    %dma_start3A_511 = arith.constant 0 : i32
    %dma_start3A_512 = arith.constant 0 : i32
    %dma_start3A_513 = tpu.memref_slice %arg2[%dma_start3A_511, %dma_start3A_512] : memref<10000x128xf32, #tpu.memory_space<hbm>> -> memref<10000x128xf32, #tpu.memory_space<hbm>>
    tpu.enqueue_indirect_dma source(%dma_start3A_513 : memref<10000x128xf32, #tpu.memory_space<hbm>>) target(%arg11 : memref<40x128xf32, #tpu.memory_space<vmem>>) offsets(%dma_start3A_510 : memref<40xi32, #tpu.memory_space<vmem>>) semaphore(%arg17 : memref<!tpu.dma_semaphore, #tpu.memory_space<semaphore_mem>>)
    %dma_wait3A_514 = arith.constant 0 : i32
    %dma_wait3A_515 = tpu.memref_slice %arg7[%dma_wait3A_514] : memref<5000xi32, #tpu.memory_space<vmem>> -> memref<40xi32, #tpu.memory_space<vmem>>
    %dma_wait3A_516 = arith.constant 0 : i32
    %dma_wait3A_517 = arith.constant 0 : i32
    %dma_wait3A_518 = tpu.memref_slice %arg14[%dma_wait3A_516, %dma_wait3A_517] : memref<10016x128xf32, #tpu.memory_space<vmem_shared>> -> memref<10016x128xf32, #tpu.memory_space<vmem_shared>>
    tpu.wait_indirect_dma semaphore(%arg23 : memref<!tpu.dma_semaphore, #tpu.memory_space<semaphore_mem>>) src(%arg12 : memref<40x128xf32, #tpu.memory_space<vmem>>) dst(%dma_wait3A_518 : memref<10016x128xf32, #tpu.memory_space<vmem_shared>>)
    %dma_start3A_519 = arith.constant 120 : i32
    %dma_start3A_520 = tpu.memref_slice %arg6[%dma_start3A_519] : memref<5000xi32, #tpu.memory_space<vmem>> -> memref<40xi32, #tpu.memory_space<vmem>>
    %dma_start3A_521 = arith.constant 0 : i32
    %dma_start3A_522 = arith.constant 0 : i32
    %dma_start3A_523 = tpu.memref_slice %arg2[%dma_start3A_521, %dma_start3A_522] : memref<10000x128xf32, #tpu.memory_space<hbm>> -> memref<10000x128xf32, #tpu.memory_space<hbm>>
    tpu.enqueue_indirect_dma source(%dma_start3A_523 : memref<10000x128xf32, #tpu.memory_space<hbm>>) target(%arg12 : memref<40x128xf32, #tpu.memory_space<vmem>>) offsets(%dma_start3A_520 : memref<40xi32, #tpu.memory_space<vmem>>) semaphore(%arg18 : memref<!tpu.dma_semaphore, #tpu.memory_space<semaphore_mem>>)
    %dma_wait3A_524 = arith.constant 0 : i32
    %dma_wait3A_525 = tpu.memref_slice %arg7[%dma_wait3A_524] : memref<5000xi32, #tpu.memory_space<vmem>> -> memref<40xi32, #tpu.memory_space<vmem>>
    %dma_wait3A_526 = arith.constant 0 : i32
    %dma_wait3A_527 = arith.constant 0 : i32
    %dma_wait3A_528 = tpu.memref_slice %arg14[%dma_wait3A_526, %dma_wait3A_527] : memref<10016x128xf32, #tpu.memory_space<vmem_shared>> -> memref<10016x128xf32, #tpu.memory_space<vmem_shared>>
    tpu.wait_indirect_dma semaphore(%arg24 : memref<!tpu.dma_semaphore, #tpu.memory_space<semaphore_mem>>) src(%arg13 : memref<40x128xf32, #tpu.memory_space<vmem>>) dst(%dma_wait3A_528 : memref<10016x128xf32, #tpu.memory_space<vmem_shared>>)
    %dma_start3A_529 = arith.constant 160 : i32
    %dma_start3A_530 = tpu.memref_slice %arg6[%dma_start3A_529] : memref<5000xi32, #tpu.memory_space<vmem>> -> memref<40xi32, #tpu.memory_space<vmem>>
    %dma_start3A_531 = arith.constant 0 : i32
    %dma_start3A_532 = arith.constant 0 : i32
    %dma_start3A_533 = tpu.memref_slice %arg2[%dma_start3A_531, %dma_start3A_532] : memref<10000x128xf32, #tpu.memory_space<hbm>> -> memref<10000x128xf32, #tpu.memory_space<hbm>>
    tpu.enqueue_indirect_dma source(%dma_start3A_533 : memref<10000x128xf32, #tpu.memory_space<hbm>>) target(%arg13 : memref<40x128xf32, #tpu.memory_space<vmem>>) offsets(%dma_start3A_530 : memref<40xi32, #tpu.memory_space<vmem>>) semaphore(%arg19 : memref<!tpu.dma_semaphore, #tpu.memory_space<semaphore_mem>>)
    %scan3A_534 = arith.constant 0 : i32
    %scan3A_535 = arith.constant 0 : i32
    %scan3A_536 = arith.constant 25 : i32
    %scan3A_537 = arith.addi %scan3A_535, %scan3A_536 : i32
    %scan3A_538 = arith.constant 1 : i32
    scf.for %scan3A_596 = %scan3A_535 to %scan3A_537 step %scan3A_538  : i32 {
      %mul3A_597 = arith.constant 5 : i32
      %mul3A_598 = arith.muli %scan3A_596, %mul3A_597 : i32
      %dma_wait3A_599 = arith.constant 0 : i32
      %dma_wait3A_600 = tpu.memref_slice %arg5[%dma_wait3A_599] : memref<5000xi32, #tpu.memory_space<vmem>> -> memref<40xi32, #tpu.memory_space<vmem>>
      %dma_wait3A_601 = arith.constant 0 : i32
      %dma_wait3A_602 = arith.constant 0 : i32
      %dma_wait3A_603 = tpu.memref_slice %arg2[%dma_wait3A_601, %dma_wait3A_602] : memref<10000x128xf32, #tpu.memory_space<hbm>> -> memref<10000x128xf32, #tpu.memory_space<hbm>>
      tpu.wait_indirect_dma semaphore(%arg15 : memref<!tpu.dma_semaphore, #tpu.memory_space<semaphore_mem>>) src(%dma_wait3A_603 : memref<10000x128xf32, #tpu.memory_space<hbm>>) dst(%arg9 : memref<40x128xf32, #tpu.memory_space<vmem>>)
      %add3A_604 = arith.constant 0 : i32
      %add3A_605 = arith.addi %mul3A_598, %add3A_604 : i32
      %mul3A_606 = arith.constant 40 : i32
      %mul3A_607 = arith.muli %add3A_605, %mul3A_606 : i32
      %dma_start3A_608 = tpu.memref_slice %arg8[%mul3A_607] : memref<5000xi32, #tpu.memory_space<vmem>> -> memref<40xi32, #tpu.memory_space<vmem>>
      %dma_start3A_609 = arith.constant 0 : i32
      %dma_start3A_610 = arith.constant 0 : i32
      %dma_start3A_611 = tpu.memref_slice %arg14[%dma_start3A_609, %dma_start3A_610] : memref<10016x128xf32, #tpu.memory_space<vmem_shared>> -> memref<10016x128xf32, #tpu.memory_space<vmem_shared>>
      tpu.enqueue_indirect_dma source(%arg9 : memref<40x128xf32, #tpu.memory_space<vmem>>) target(%dma_start3A_611 : memref<10016x128xf32, #tpu.memory_space<vmem_shared>>) offsets(%dma_start3A_608 : memref<40xi32, #tpu.memory_space<vmem>>) semaphore(%arg20 : memref<!tpu.dma_semaphore, #tpu.memory_space<semaphore_mem>>) {add = true}
      %dma_wait3A_612 = arith.constant 0 : i32
      %dma_wait3A_613 = tpu.memref_slice %arg5[%dma_wait3A_612] : memref<5000xi32, #tpu.memory_space<vmem>> -> memref<40xi32, #tpu.memory_space<vmem>>
      %dma_wait3A_614 = arith.constant 0 : i32
      %dma_wait3A_615 = arith.constant 0 : i32
      %dma_wait3A_616 = tpu.memref_slice %arg2[%dma_wait3A_614, %dma_wait3A_615] : memref<10000x128xf32, #tpu.memory_space<hbm>> -> memref<10000x128xf32, #tpu.memory_space<hbm>>
      tpu.wait_indirect_dma semaphore(%arg16 : memref<!tpu.dma_semaphore, #tpu.memory_space<semaphore_mem>>) src(%dma_wait3A_616 : memref<10000x128xf32, #tpu.memory_space<hbm>>) dst(%arg10 : memref<40x128xf32, #tpu.memory_space<vmem>>)
      %add3A_617 = arith.constant 1 : i32
      %add3A_618 = arith.addi %mul3A_598, %add3A_617 : i32
      %mul3A_619 = arith.constant 40 : i32
      %mul3A_620 = arith.muli %add3A_618, %mul3A_619 : i32
      %dma_start3A_621 = tpu.memref_slice %arg8[%mul3A_620] : memref<5000xi32, #tpu.memory_space<vmem>> -> memref<40xi32, #tpu.memory_space<vmem>>
      %dma_start3A_622 = arith.constant 0 : i32
      %dma_start3A_623 = arith.constant 0 : i32
      %dma_start3A_624 = tpu.memref_slice %arg14[%dma_start3A_622, %dma_start3A_623] : memref<10016x128xf32, #tpu.memory_space<vmem_shared>> -> memref<10016x128xf32, #tpu.memory_space<vmem_shared>>
      tpu.enqueue_indirect_dma source(%arg10 : memref<40x128xf32, #tpu.memory_space<vmem>>) target(%dma_start3A_624 : memref<10016x128xf32, #tpu.memory_space<vmem_shared>>) offsets(%dma_start3A_621 : memref<40xi32, #tpu.memory_space<vmem>>) semaphore(%arg21 : memref<!tpu.dma_semaphore, #tpu.memory_space<semaphore_mem>>) {add = true}
      %dma_wait3A_625 = arith.constant 0 : i32
      %dma_wait3A_626 = tpu.memref_slice %arg5[%dma_wait3A_625] : memref<5000xi32, #tpu.memory_space<vmem>> -> memref<40xi32, #tpu.memory_space<vmem>>
      %dma_wait3A_627 = arith.constant 0 : i32
      %dma_wait3A_628 = arith.constant 0 : i32
      %dma_wait3A_629 = tpu.memref_slice %arg2[%dma_wait3A_627, %dma_wait3A_628] : memref<10000x128xf32, #tpu.memory_space<hbm>> -> memref<10000x128xf32, #tpu.memory_space<hbm>>
      tpu.wait_indirect_dma semaphore(%arg17 : memref<!tpu.dma_semaphore, #tpu.memory_space<semaphore_mem>>) src(%dma_wait3A_629 : memref<10000x128xf32, #tpu.memory_space<hbm>>) dst(%arg11 : memref<40x128xf32, #tpu.memory_space<vmem>>)
      %add3A_630 = arith.constant 2 : i32
      %add3A_631 = arith.addi %mul3A_598, %add3A_630 : i32
      %mul3A_632 = arith.constant 40 : i32
      %mul3A_633 = arith.muli %add3A_631, %mul3A_632 : i32
      %dma_start3A_634 = tpu.memref_slice %arg8[%mul3A_633] : memref<5000xi32, #tpu.memory_space<vmem>> -> memref<40xi32, #tpu.memory_space<vmem>>
      %dma_start3A_635 = arith.constant 0 : i32
      %dma_start3A_636 = arith.constant 0 : i32
      %dma_start3A_637 = tpu.memref_slice %arg14[%dma_start3A_635, %dma_start3A_636] : memref<10016x128xf32, #tpu.memory_space<vmem_shared>> -> memref<10016x128xf32, #tpu.memory_space<vmem_shared>>
      tpu.enqueue_indirect_dma source(%arg11 : memref<40x128xf32, #tpu.memory_space<vmem>>) target(%dma_start3A_637 : memref<10016x128xf32, #tpu.memory_space<vmem_shared>>) offsets(%dma_start3A_634 : memref<40xi32, #tpu.memory_space<vmem>>) semaphore(%arg22 : memref<!tpu.dma_semaphore, #tpu.memory_space<semaphore_mem>>) {add = true}
      %dma_wait3A_638 = arith.constant 0 : i32
      %dma_wait3A_639 = tpu.memref_slice %arg5[%dma_wait3A_638] : memref<5000xi32, #tpu.memory_space<vmem>> -> memref<40xi32, #tpu.memory_space<vmem>>
      %dma_wait3A_640 = arith.constant 0 : i32
      %dma_wait3A_641 = arith.constant 0 : i32
      %dma_wait3A_642 = tpu.memref_slice %arg2[%dma_wait3A_640, %dma_wait3A_641] : memref<10000x128xf32, #tpu.memory_space<hbm>> -> memref<10000x128xf32, #tpu.memory_space<hbm>>
      tpu.wait_indirect_dma semaphore(%arg18 : memref<!tpu.dma_semaphore, #tpu.memory_space<semaphore_mem>>) src(%dma_wait3A_642 : memref<10000x128xf32, #tpu.memory_space<hbm>>) dst(%arg12 : memref<40x128xf32, #tpu.memory_space<vmem>>)
      %add3A_643 = arith.constant 3 : i32
      %add3A_644 = arith.addi %mul3A_598, %add3A_643 : i32
      %mul3A_645 = arith.constant 40 : i32
      %mul3A_646 = arith.muli %add3A_644, %mul3A_645 : i32
      %dma_start3A_647 = tpu.memref_slice %arg8[%mul3A_646] : memref<5000xi32, #tpu.memory_space<vmem>> -> memref<40xi32, #tpu.memory_space<vmem>>
      %dma_start3A_648 = arith.constant 0 : i32
      %dma_start3A_649 = arith.constant 0 : i32
      %dma_start3A_650 = tpu.memref_slice %arg14[%dma_start3A_648, %dma_start3A_649] : memref<10016x128xf32, #tpu.memory_space<vmem_shared>> -> memref<10016x128xf32, #tpu.memory_space<vmem_shared>>
      tpu.enqueue_indirect_dma source(%arg12 : memref<40x128xf32, #tpu.memory_space<vmem>>) target(%dma_start3A_650 : memref<10016x128xf32, #tpu.memory_space<vmem_shared>>) offsets(%dma_start3A_647 : memref<40xi32, #tpu.memory_space<vmem>>) semaphore(%arg23 : memref<!tpu.dma_semaphore, #tpu.memory_space<semaphore_mem>>) {add = true}
      %dma_wait3A_651 = arith.constant 0 : i32
      %dma_wait3A_652 = tpu.memref_slice %arg5[%dma_wait3A_651] : memref<5000xi32, #tpu.memory_space<vmem>> -> memref<40xi32, #tpu.memory_space<vmem>>
      %dma_wait3A_653 = arith.constant 0 : i32
      %dma_wait3A_654 = arith.constant 0 : i32
      %dma_wait3A_655 = tpu.memref_slice %arg2[%dma_wait3A_653, %dma_wait3A_654] : memref<10000x128xf32, #tpu.memory_space<hbm>> -> memref<10000x128xf32, #tpu.memory_space<hbm>>
      tpu.wait_indirect_dma semaphore(%arg19 : memref<!tpu.dma_semaphore, #tpu.memory_space<semaphore_mem>>) src(%dma_wait3A_655 : memref<10000x128xf32, #tpu.memory_space<hbm>>) dst(%arg13 : memref<40x128xf32, #tpu.memory_space<vmem>>)
      %add3A_656 = arith.constant 4 : i32
      %add3A_657 = arith.addi %mul3A_598, %add3A_656 : i32
      %mul3A_658 = arith.constant 40 : i32
      %mul3A_659 = arith.muli %add3A_657, %mul3A_658 : i32
      %dma_start3A_660 = tpu.memref_slice %arg8[%mul3A_659] : memref<5000xi32, #tpu.memory_space<vmem>> -> memref<40xi32, #tpu.memory_space<vmem>>
      %dma_start3A_661 = arith.constant 0 : i32
      %dma_start3A_662 = arith.constant 0 : i32
      %dma_start3A_663 = tpu.memref_slice %arg14[%dma_start3A_661, %dma_start3A_662] : memref<10016x128xf32, #tpu.memory_space<vmem_shared>> -> memref<10016x128xf32, #tpu.memory_space<vmem_shared>>
      tpu.enqueue_indirect_dma source(%arg13 : memref<40x128xf32, #tpu.memory_space<vmem>>) target(%dma_start3A_663 : memref<10016x128xf32, #tpu.memory_space<vmem_shared>>) offsets(%dma_start3A_660 : memref<40xi32, #tpu.memory_space<vmem>>) semaphore(%arg24 : memref<!tpu.dma_semaphore, #tpu.memory_space<semaphore_mem>>) {add = true}
      %lt3A_664 = arith.constant 24 : i32
      %lt3A_665 = arith.cmpi slt, %scan3A_596, %lt3A_664 : i32
      %convert_element_type3A_666 = arith.extui %lt3A_665 : i1 to i32
      %cond3A_667 = arith.constant 0 : i32
      %cond3A_668 = arith.cmpi ne, %convert_element_type3A_666, %cond3A_667 : i32
      scf.if %cond3A_668 {
        %dma_wait3A_689 = arith.constant 0 : i32
        %dma_wait3A_690 = tpu.memref_slice %arg7[%dma_wait3A_689] : memref<5000xi32, #tpu.memory_space<vmem>> -> memref<40xi32, #tpu.memory_space<vmem>>
        %dma_wait3A_691 = arith.constant 0 : i32
        %dma_wait3A_692 = arith.constant 0 : i32
        %dma_wait3A_693 = tpu.memref_slice %arg14[%dma_wait3A_691, %dma_wait3A_692] : memref<10016x128xf32, #tpu.memory_space<vmem_shared>> -> memref<10016x128xf32, #tpu.memory_space<vmem_shared>>
        tpu.wait_indirect_dma semaphore(%arg20 : memref<!tpu.dma_semaphore, #tpu.memory_space<semaphore_mem>>) src(%arg9 : memref<40x128xf32, #tpu.memory_space<vmem>>) dst(%dma_wait3A_693 : memref<10016x128xf32, #tpu.memory_space<vmem_shared>>)
        %add3A_694 = arith.constant 5 : i32
        %add3A_695 = arith.addi %mul3A_598, %add3A_694 : i32
        %add3A_696 = arith.constant 0 : i32
        %add3A_697 = arith.addi %add3A_695, %add3A_696 : i32
        %mul3A_698 = arith.constant 40 : i32
        %mul3A_699 = arith.muli %add3A_697, %mul3A_698 : i32
        %dma_start3A_700 = tpu.memref_slice %arg6[%mul3A_699] : memref<5000xi32, #tpu.memory_space<vmem>> -> memref<40xi32, #tpu.memory_space<vmem>>
        %dma_start3A_701 = arith.constant 0 : i32
        %dma_start3A_702 = arith.constant 0 : i32
        %dma_start3A_703 = tpu.memref_slice %arg2[%dma_start3A_701, %dma_start3A_702] : memref<10000x128xf32, #tpu.memory_space<hbm>> -> memref<10000x128xf32, #tpu.memory_space<hbm>>
        tpu.enqueue_indirect_dma source(%dma_start3A_703 : memref<10000x128xf32, #tpu.memory_space<hbm>>) target(%arg9 : memref<40x128xf32, #tpu.memory_space<vmem>>) offsets(%dma_start3A_700 : memref<40xi32, #tpu.memory_space<vmem>>) semaphore(%arg15 : memref<!tpu.dma_semaphore, #tpu.memory_space<semaphore_mem>>)
      } else {
      }
      %lt3A_669 = arith.constant 24 : i32
      %lt3A_670 = arith.cmpi slt, %scan3A_596, %lt3A_669 : i32
      %convert_element_type3A_671 = arith.extui %lt3A_670 : i1 to i32
      %cond3A_672 = arith.constant 0 : i32
      %cond3A_673 = arith.cmpi ne, %convert_element_type3A_671, %cond3A_672 : i32
      scf.if %cond3A_673 {
        %dma_wait3A_689 = arith.constant 0 : i32
        %dma_wait3A_690 = tpu.memref_slice %arg7[%dma_wait3A_689] : memref<5000xi32, #tpu.memory_space<vmem>> -> memref<40xi32, #tpu.memory_space<vmem>>
        %dma_wait3A_691 = arith.constant 0 : i32
        %dma_wait3A_692 = arith.constant 0 : i32
        %dma_wait3A_693 = tpu.memref_slice %arg14[%dma_wait3A_691, %dma_wait3A_692] : memref<10016x128xf32, #tpu.memory_space<vmem_shared>> -> memref<10016x128xf32, #tpu.memory_space<vmem_shared>>
        tpu.wait_indirect_dma semaphore(%arg21 : memref<!tpu.dma_semaphore, #tpu.memory_space<semaphore_mem>>) src(%arg10 : memref<40x128xf32, #tpu.memory_space<vmem>>) dst(%dma_wait3A_693 : memref<10016x128xf32, #tpu.memory_space<vmem_shared>>)
        %add3A_694 = arith.constant 5 : i32
        %add3A_695 = arith.addi %mul3A_598, %add3A_694 : i32
        %add3A_696 = arith.constant 1 : i32
        %add3A_697 = arith.addi %add3A_695, %add3A_696 : i32
        %mul3A_698 = arith.constant 40 : i32
        %mul3A_699 = arith.muli %add3A_697, %mul3A_698 : i32
        %dma_start3A_700 = tpu.memref_slice %arg6[%mul3A_699] : memref<5000xi32, #tpu.memory_space<vmem>> -> memref<40xi32, #tpu.memory_space<vmem>>
        %dma_start3A_701 = arith.constant 0 : i32
        %dma_start3A_702 = arith.constant 0 : i32
        %dma_start3A_703 = tpu.memref_slice %arg2[%dma_start3A_701, %dma_start3A_702] : memref<10000x128xf32, #tpu.memory_space<hbm>> -> memref<10000x128xf32, #tpu.memory_space<hbm>>
        tpu.enqueue_indirect_dma source(%dma_start3A_703 : memref<10000x128xf32, #tpu.memory_space<hbm>>) target(%arg10 : memref<40x128xf32, #tpu.memory_space<vmem>>) offsets(%dma_start3A_700 : memref<40xi32, #tpu.memory_space<vmem>>) semaphore(%arg16 : memref<!tpu.dma_semaphore, #tpu.memory_space<semaphore_mem>>)
      } else {
      }
      %lt3A_674 = arith.constant 24 : i32
      %lt3A_675 = arith.cmpi slt, %scan3A_596, %lt3A_674 : i32
      %convert_element_type3A_676 = arith.extui %lt3A_675 : i1 to i32
      %cond3A_677 = arith.constant 0 : i32
      %cond3A_678 = arith.cmpi ne, %convert_element_type3A_676, %cond3A_677 : i32
      scf.if %cond3A_678 {
        %dma_wait3A_689 = arith.constant 0 : i32
        %dma_wait3A_690 = tpu.memref_slice %arg7[%dma_wait3A_689] : memref<5000xi32, #tpu.memory_space<vmem>> -> memref<40xi32, #tpu.memory_space<vmem>>
        %dma_wait3A_691 = arith.constant 0 : i32
        %dma_wait3A_692 = arith.constant 0 : i32
        %dma_wait3A_693 = tpu.memref_slice %arg14[%dma_wait3A_691, %dma_wait3A_692] : memref<10016x128xf32, #tpu.memory_space<vmem_shared>> -> memref<10016x128xf32, #tpu.memory_space<vmem_shared>>
        tpu.wait_indirect_dma semaphore(%arg22 : memref<!tpu.dma_semaphore, #tpu.memory_space<semaphore_mem>>) src(%arg11 : memref<40x128xf32, #tpu.memory_space<vmem>>) dst(%dma_wait3A_693 : memref<10016x128xf32, #tpu.memory_space<vmem_shared>>)
        %add3A_694 = arith.constant 5 : i32
        %add3A_695 = arith.addi %mul3A_598, %add3A_694 : i32
        %add3A_696 = arith.constant 2 : i32
        %add3A_697 = arith.addi %add3A_695, %add3A_696 : i32
        %mul3A_698 = arith.constant 40 : i32
        %mul3A_699 = arith.muli %add3A_697, %mul3A_698 : i32
        %dma_start3A_700 = tpu.memref_slice %arg6[%mul3A_699] : memref<5000xi32, #tpu.memory_space<vmem>> -> memref<40xi32, #tpu.memory_space<vmem>>
        %dma_start3A_701 = arith.constant 0 : i32
        %dma_start3A_702 = arith.constant 0 : i32
        %dma_start3A_703 = tpu.memref_slice %arg2[%dma_start3A_701, %dma_start3A_702] : memref<10000x128xf32, #tpu.memory_space<hbm>> -> memref<10000x128xf32, #tpu.memory_space<hbm>>
        tpu.enqueue_indirect_dma source(%dma_start3A_703 : memref<10000x128xf32, #tpu.memory_space<hbm>>) target(%arg11 : memref<40x128xf32, #tpu.memory_space<vmem>>) offsets(%dma_start3A_700 : memref<40xi32, #tpu.memory_space<vmem>>) semaphore(%arg17 : memref<!tpu.dma_semaphore, #tpu.memory_space<semaphore_mem>>)
      } else {
      }
      %lt3A_679 = arith.constant 24 : i32
      %lt3A_680 = arith.cmpi slt, %scan3A_596, %lt3A_679 : i32
      %convert_element_type3A_681 = arith.extui %lt3A_680 : i1 to i32
      %cond3A_682 = arith.constant 0 : i32
      %cond3A_683 = arith.cmpi ne, %convert_element_type3A_681, %cond3A_682 : i32
      scf.if %cond3A_683 {
        %dma_wait3A_689 = arith.constant 0 : i32
        %dma_wait3A_690 = tpu.memref_slice %arg7[%dma_wait3A_689] : memref<5000xi32, #tpu.memory_space<vmem>> -> memref<40xi32, #tpu.memory_space<vmem>>
        %dma_wait3A_691 = arith.constant 0 : i32
        %dma_wait3A_692 = arith.constant 0 : i32
        %dma_wait3A_693 = tpu.memref_slice %arg14[%dma_wait3A_691, %dma_wait3A_692] : memref<10016x128xf32, #tpu.memory_space<vmem_shared>> -> memref<10016x128xf32, #tpu.memory_space<vmem_shared>>
        tpu.wait_indirect_dma semaphore(%arg23 : memref<!tpu.dma_semaphore, #tpu.memory_space<semaphore_mem>>) src(%arg12 : memref<40x128xf32, #tpu.memory_space<vmem>>) dst(%dma_wait3A_693 : memref<10016x128xf32, #tpu.memory_space<vmem_shared>>)
        %add3A_694 = arith.constant 5 : i32
        %add3A_695 = arith.addi %mul3A_598, %add3A_694 : i32
        %add3A_696 = arith.constant 3 : i32
        %add3A_697 = arith.addi %add3A_695, %add3A_696 : i32
        %mul3A_698 = arith.constant 40 : i32
        %mul3A_699 = arith.muli %add3A_697, %mul3A_698 : i32
        %dma_start3A_700 = tpu.memref_slice %arg6[%mul3A_699] : memref<5000xi32, #tpu.memory_space<vmem>> -> memref<40xi32, #tpu.memory_space<vmem>>
        %dma_start3A_701 = arith.constant 0 : i32
        %dma_start3A_702 = arith.constant 0 : i32
        %dma_start3A_703 = tpu.memref_slice %arg2[%dma_start3A_701, %dma_start3A_702] : memref<10000x128xf32, #tpu.memory_space<hbm>> -> memref<10000x128xf32, #tpu.memory_space<hbm>>
        tpu.enqueue_indirect_dma source(%dma_start3A_703 : memref<10000x128xf32, #tpu.memory_space<hbm>>) target(%arg12 : memref<40x128xf32, #tpu.memory_space<vmem>>) offsets(%dma_start3A_700 : memref<40xi32, #tpu.memory_space<vmem>>) semaphore(%arg18 : memref<!tpu.dma_semaphore, #tpu.memory_space<semaphore_mem>>)
      } else {
      }
      %lt3A_684 = arith.constant 24 : i32
      %lt3A_685 = arith.cmpi slt, %scan3A_596, %lt3A_684 : i32
      %convert_element_type3A_686 = arith.extui %lt3A_685 : i1 to i32
      %cond3A_687 = arith.constant 0 : i32
      %cond3A_688 = arith.cmpi ne, %convert_element_type3A_686, %cond3A_687 : i32
      scf.if %cond3A_688 {
        %dma_wait3A_689 = arith.constant 0 : i32
        %dma_wait3A_690 = tpu.memref_slice %arg7[%dma_wait3A_689] : memref<5000xi32, #tpu.memory_space<vmem>> -> memref<40xi32, #tpu.memory_space<vmem>>
        %dma_wait3A_691 = arith.constant 0 : i32
        %dma_wait3A_692 = arith.constant 0 : i32
        %dma_wait3A_693 = tpu.memref_slice %arg14[%dma_wait3A_691, %dma_wait3A_692] : memref<10016x128xf32, #tpu.memory_space<vmem_shared>> -> memref<10016x128xf32, #tpu.memory_space<vmem_shared>>
        tpu.wait_indirect_dma semaphore(%arg24 : memref<!tpu.dma_semaphore, #tpu.memory_space<semaphore_mem>>) src(%arg13 : memref<40x128xf32, #tpu.memory_space<vmem>>) dst(%dma_wait3A_693 : memref<10016x128xf32, #tpu.memory_space<vmem_shared>>)
        %add3A_694 = arith.constant 5 : i32
        %add3A_695 = arith.addi %mul3A_598, %add3A_694 : i32
        %add3A_696 = arith.constant 4 : i32
        %add3A_697 = arith.addi %add3A_695, %add3A_696 : i32
        %mul3A_698 = arith.constant 40 : i32
        %mul3A_699 = arith.muli %add3A_697, %mul3A_698 : i32
        %dma_start3A_700 = tpu.memref_slice %arg6[%mul3A_699] : memref<5000xi32, #tpu.memory_space<vmem>> -> memref<40xi32, #tpu.memory_space<vmem>>
        %dma_start3A_701 = arith.constant 0 : i32
        %dma_start3A_702 = arith.constant 0 : i32
        %dma_start3A_703 = tpu.memref_slice %arg2[%dma_start3A_701, %dma_start3A_702] : memref<10000x128xf32, #tpu.memory_space<hbm>> -> memref<10000x128xf32, #tpu.memory_space<hbm>>
        tpu.enqueue_indirect_dma source(%dma_start3A_703 : memref<10000x128xf32, #tpu.memory_space<hbm>>) target(%arg13 : memref<40x128xf32, #tpu.memory_space<vmem>>) offsets(%dma_start3A_700 : memref<40xi32, #tpu.memory_space<vmem>>) semaphore(%arg19 : memref<!tpu.dma_semaphore, #tpu.memory_space<semaphore_mem>>)
      } else {
      }
    }
    %scan3A_539 = arith.constant 25 : i32
    %dma_wait3A_540 = arith.constant 0 : i32
    %dma_wait3A_541 = tpu.memref_slice %arg7[%dma_wait3A_540] : memref<5000xi32, #tpu.memory_space<vmem>> -> memref<40xi32, #tpu.memory_space<vmem>>
    %dma_wait3A_542 = arith.constant 0 : i32
    %dma_wait3A_543 = arith.constant 0 : i32
    %dma_wait3A_544 = tpu.memref_slice %arg14[%dma_wait3A_542, %dma_wait3A_543] : memref<10016x128xf32, #tpu.memory_space<vmem_shared>> -> memref<10016x128xf32, #tpu.memory_space<vmem_shared>>
    tpu.wait_indirect_dma semaphore(%arg20 : memref<!tpu.dma_semaphore, #tpu.memory_space<semaphore_mem>>) src(%arg9 : memref<40x128xf32, #tpu.memory_space<vmem>>) dst(%dma_wait3A_544 : memref<10016x128xf32, #tpu.memory_space<vmem_shared>>)
    %dma_wait3A_545 = arith.constant 0 : i32
    %dma_wait3A_546 = tpu.memref_slice %arg7[%dma_wait3A_545] : memref<5000xi32, #tpu.memory_space<vmem>> -> memref<40xi32, #tpu.memory_space<vmem>>
    %dma_wait3A_547 = arith.constant 0 : i32
    %dma_wait3A_548 = arith.constant 0 : i32
    %dma_wait3A_549 = tpu.memref_slice %arg14[%dma_wait3A_547, %dma_wait3A_548] : memref<10016x128xf32, #tpu.memory_space<vmem_shared>> -> memref<10016x128xf32, #tpu.memory_space<vmem_shared>>
    tpu.wait_indirect_dma semaphore(%arg21 : memref<!tpu.dma_semaphore, #tpu.memory_space<semaphore_mem>>) src(%arg10 : memref<40x128xf32, #tpu.memory_space<vmem>>) dst(%dma_wait3A_549 : memref<10016x128xf32, #tpu.memory_space<vmem_shared>>)
    %dma_wait3A_550 = arith.constant 0 : i32
    %dma_wait3A_551 = tpu.memref_slice %arg7[%dma_wait3A_550] : memref<5000xi32, #tpu.memory_space<vmem>> -> memref<40xi32, #tpu.memory_space<vmem>>
    %dma_wait3A_552 = arith.constant 0 : i32
    %dma_wait3A_553 = arith.constant 0 : i32
    %dma_wait3A_554 = tpu.memref_slice %arg14[%dma_wait3A_552, %dma_wait3A_553] : memref<10016x128xf32, #tpu.memory_space<vmem_shared>> -> memref<10016x128xf32, #tpu.memory_space<vmem_shared>>
    tpu.wait_indirect_dma semaphore(%arg22 : memref<!tpu.dma_semaphore, #tpu.memory_space<semaphore_mem>>) src(%arg11 : memref<40x128xf32, #tpu.memory_space<vmem>>) dst(%dma_wait3A_554 : memref<10016x128xf32, #tpu.memory_space<vmem_shared>>)
    %dma_wait3A_555 = arith.constant 0 : i32
    %dma_wait3A_556 = tpu.memref_slice %arg7[%dma_wait3A_555] : memref<5000xi32, #tpu.memory_space<vmem>> -> memref<40xi32, #tpu.memory_space<vmem>>
    %dma_wait3A_557 = arith.constant 0 : i32
    %dma_wait3A_558 = arith.constant 0 : i32
    %dma_wait3A_559 = tpu.memref_slice %arg14[%dma_wait3A_557, %dma_wait3A_558] : memref<10016x128xf32, #tpu.memory_space<vmem_shared>> -> memref<10016x128xf32, #tpu.memory_space<vmem_shared>>
    tpu.wait_indirect_dma semaphore(%arg23 : memref<!tpu.dma_semaphore, #tpu.memory_space<semaphore_mem>>) src(%arg12 : memref<40x128xf32, #tpu.memory_space<vmem>>) dst(%dma_wait3A_559 : memref<10016x128xf32, #tpu.memory_space<vmem_shared>>)
    %dma_wait3A_560 = arith.constant 0 : i32
    %dma_wait3A_561 = tpu.memref_slice %arg7[%dma_wait3A_560] : memref<5000xi32, #tpu.memory_space<vmem>> -> memref<40xi32, #tpu.memory_space<vmem>>
    %dma_wait3A_562 = arith.constant 0 : i32
    %dma_wait3A_563 = arith.constant 0 : i32
    %dma_wait3A_564 = tpu.memref_slice %arg14[%dma_wait3A_562, %dma_wait3A_563] : memref<10016x128xf32, #tpu.memory_space<vmem_shared>> -> memref<10016x128xf32, #tpu.memory_space<vmem_shared>>
    tpu.wait_indirect_dma semaphore(%arg24 : memref<!tpu.dma_semaphore, #tpu.memory_space<semaphore_mem>>) src(%arg13 : memref<40x128xf32, #tpu.memory_space<vmem>>) dst(%dma_wait3A_564 : memref<10016x128xf32, #tpu.memory_space<vmem_shared>>)
    %barrier3A_565 = arith.constant 0 : index
    tpu.barrier barrier_id(%barrier3A_565)
    %eq3A_566 = arith.constant 0 : i32
    %eq3A_567 = arith.cmpi eq, %arg0, %eq3A_566 : i32
    %lt3A = arith.constant 15 : i32
    %lt3A_568 = arith.cmpi slt, %arg1, %lt3A : i32
    %and3A = arith.andi %eq3A_567, %lt3A_568 : i1
    %convert_element_type3A_569 = arith.extui %and3A : i1 to i32
    %cond3A_570 = arith.constant 0 : i32
    %cond3A_571 = arith.cmpi ne, %convert_element_type3A_569, %cond3A_570 : i32
    scf.if %cond3A_571 {
      %run_scoped3A = arith.constant 0 : i32
      "tpu.region"() ({
        %run_scoped3A_596 = tpu.sem_alloc : memref<!tpu.dma_semaphore, #tpu.memory_space<semaphore_mem>>
        %dma_start3A_597 = arith.constant 0 : i32
        %dma_start3A_598 = arith.constant 0 : i32
        %dma_start3A_599 = tpu.memref_slice %arg4[%run_scoped3A, %dma_start3A_597, %dma_start3A_598] : memref<2x10000x128xf32, #tpu.memory_space<hbm>> -> memref<1x10000x128xf32, #tpu.memory_space<hbm>>
        %dma_start3A_600 = tpu.memref_squeeze %dma_start3A_599 : memref<1x10000x128xf32, #tpu.memory_space<hbm>> -> memref<10000x128xf32, #tpu.memory_space<hbm>>
        %dma_start3A_601 = arith.constant 0 : i32
        %dma_start3A_602 = tpu.memref_slice %dma_start3A_600[%mul3A_2, %dma_start3A_601] : memref<10000x128xf32, #tpu.memory_space<hbm>> -> memref<624x128xf32, #tpu.memory_space<hbm>>
        %dma_start3A_603 = arith.constant 0 : i32
        %dma_start3A_604 = tpu.memref_slice %arg14[%mul3A_2, %dma_start3A_603] : memref<10016x128xf32, #tpu.memory_space<vmem_shared>> -> memref<624x128xf32, #tpu.memory_space<vmem_shared>>
        tpu.enqueue_dma source(%dma_start3A_604 : memref<624x128xf32, #tpu.memory_space<vmem_shared>>) target(%dma_start3A_602 : memref<624x128xf32, #tpu.memory_space<hbm>>) target_semaphore(%run_scoped3A_596 : memref<!tpu.dma_semaphore, #tpu.memory_space<semaphore_mem>>)
        %dma_wait3A_605 = arith.constant 0 : i32
        %dma_wait3A_606 = arith.constant 0 : i32
        %dma_wait3A_607 = tpu.memref_slice %arg4[%run_scoped3A, %dma_wait3A_605, %dma_wait3A_606] : memref<2x10000x128xf32, #tpu.memory_space<hbm>> -> memref<1x10000x128xf32, #tpu.memory_space<hbm>>
        %dma_wait3A_608 = tpu.memref_squeeze %dma_wait3A_607 : memref<1x10000x128xf32, #tpu.memory_space<hbm>> -> memref<10000x128xf32, #tpu.memory_space<hbm>>
        %dma_wait3A_609 = arith.constant 0 : i32
        %dma_wait3A_610 = tpu.memref_slice %dma_wait3A_608[%mul3A_2, %dma_wait3A_609] : memref<10000x128xf32, #tpu.memory_space<hbm>> -> memref<624x128xf32, #tpu.memory_space<hbm>>
        %dma_wait3A_611 = arith.constant 0 : i32
        %dma_wait3A_612 = tpu.memref_slice %arg14[%mul3A_2, %dma_wait3A_611] : memref<10016x128xf32, #tpu.memory_space<vmem_shared>> -> memref<624x128xf32, #tpu.memory_space<vmem_shared>>
        tpu.wait_dma2 semaphore(%run_scoped3A_596 : memref<!tpu.dma_semaphore, #tpu.memory_space<semaphore_mem>>) src(%dma_wait3A_612 : memref<624x128xf32, #tpu.memory_space<vmem_shared>>) dst(%dma_wait3A_610 : memref<624x128xf32, #tpu.memory_space<hbm>>)
        tpu.yield
      }) : () -> ()
    } else {
    }
    %eq3A_572 = arith.constant 0 : i32
    %eq3A_573 = arith.cmpi eq, %arg0, %eq3A_572 : i32
    %eq3A_574 = arith.constant 15 : i32
    %eq3A_575 = arith.cmpi eq, %arg1, %eq3A_574 : i32
    %and3A_576 = arith.andi %eq3A_573, %eq3A_575 : i1
    %convert_element_type3A_577 = arith.extui %and3A_576 : i1 to i32
    %cond3A_578 = arith.constant 0 : i32
    %cond3A_579 = arith.cmpi ne, %convert_element_type3A_577, %cond3A_578 : i32
    scf.if %cond3A_579 {
      %run_scoped3A = arith.constant 0 : i32
      "tpu.region"() ({
        %run_scoped3A_596 = tpu.sem_alloc : memref<!tpu.dma_semaphore, #tpu.memory_space<semaphore_mem>>
        %dma_start3A_597 = arith.constant 0 : i32
        %dma_start3A_598 = arith.constant 0 : i32
        %dma_start3A_599 = tpu.memref_slice %arg4[%run_scoped3A, %dma_start3A_597, %dma_start3A_598] : memref<2x10000x128xf32, #tpu.memory_space<hbm>> -> memref<1x10000x128xf32, #tpu.memory_space<hbm>>
        %dma_start3A_600 = tpu.memref_squeeze %dma_start3A_599 : memref<1x10000x128xf32, #tpu.memory_space<hbm>> -> memref<10000x128xf32, #tpu.memory_space<hbm>>
        %dma_start3A_601 = arith.constant 9360 : i32
        %dma_start3A_602 = arith.constant 0 : i32
        %dma_start3A_603 = tpu.memref_slice %dma_start3A_600[%dma_start3A_601, %dma_start3A_602] : memref<10000x128xf32, #tpu.memory_space<hbm>> -> memref<640x128xf32, #tpu.memory_space<hbm>>
        %dma_start3A_604 = arith.constant 9360 : i32
        %dma_start3A_605 = arith.constant 0 : i32
        %dma_start3A_606 = tpu.memref_slice %arg14[%dma_start3A_604, %dma_start3A_605] : memref<10016x128xf32, #tpu.memory_space<vmem_shared>> -> memref<640x128xf32, #tpu.memory_space<vmem_shared>>
        tpu.enqueue_dma source(%dma_start3A_606 : memref<640x128xf32, #tpu.memory_space<vmem_shared>>) target(%dma_start3A_603 : memref<640x128xf32, #tpu.memory_space<hbm>>) target_semaphore(%run_scoped3A_596 : memref<!tpu.dma_semaphore, #tpu.memory_space<semaphore_mem>>)
        %dma_wait3A_607 = arith.constant 0 : i32
        %dma_wait3A_608 = arith.constant 0 : i32
        %dma_wait3A_609 = tpu.memref_slice %arg4[%run_scoped3A, %dma_wait3A_607, %dma_wait3A_608] : memref<2x10000x128xf32, #tpu.memory_space<hbm>> -> memref<1x10000x128xf32, #tpu.memory_space<hbm>>
        %dma_wait3A_610 = tpu.memref_squeeze %dma_wait3A_609 : memref<1x10000x128xf32, #tpu.memory_space<hbm>> -> memref<10000x128xf32, #tpu.memory_space<hbm>>
        %dma_wait3A_611 = arith.constant 9360 : i32
        %dma_wait3A_612 = arith.constant 0 : i32
        %dma_wait3A_613 = tpu.memref_slice %dma_wait3A_610[%dma_wait3A_611, %dma_wait3A_612] : memref<10000x128xf32, #tpu.memory_space<hbm>> -> memref<640x128xf32, #tpu.memory_space<hbm>>
        %dma_wait3A_614 = arith.constant 9360 : i32
        %dma_wait3A_615 = arith.constant 0 : i32
        %dma_wait3A_616 = tpu.memref_slice %arg14[%dma_wait3A_614, %dma_wait3A_615] : memref<10016x128xf32, #tpu.memory_space<vmem_shared>> -> memref<640x128xf32, #tpu.memory_space<vmem_shared>>
        tpu.wait_dma2 semaphore(%run_scoped3A_596 : memref<!tpu.dma_semaphore, #tpu.memory_space<semaphore_mem>>) src(%dma_wait3A_616 : memref<640x128xf32, #tpu.memory_space<vmem_shared>>) dst(%dma_wait3A_613 : memref<640x128xf32, #tpu.memory_space<hbm>>)
        tpu.yield
      }) : () -> ()
    } else {
    }
    %eq3A_580 = arith.constant 1 : i32
    %eq3A_581 = arith.cmpi eq, %arg0, %eq3A_580 : i32
    %lt3A_582 = arith.constant 15 : i32
    %lt3A_583 = arith.cmpi slt, %arg1, %lt3A_582 : i32
    %and3A_584 = arith.andi %eq3A_581, %lt3A_583 : i1
    %convert_element_type3A_585 = arith.extui %and3A_584 : i1 to i32
    %cond3A_586 = arith.constant 0 : i32
    %cond3A_587 = arith.cmpi ne, %convert_element_type3A_585, %cond3A_586 : i32
    scf.if %cond3A_587 {
      %run_scoped3A = arith.constant 1 : i32
      "tpu.region"() ({
        %run_scoped3A_596 = tpu.sem_alloc : memref<!tpu.dma_semaphore, #tpu.memory_space<semaphore_mem>>
        %dma_start3A_597 = arith.constant 0 : i32
        %dma_start3A_598 = arith.constant 0 : i32
        %dma_start3A_599 = tpu.memref_slice %arg4[%run_scoped3A, %dma_start3A_597, %dma_start3A_598] : memref<2x10000x128xf32, #tpu.memory_space<hbm>> -> memref<1x10000x128xf32, #tpu.memory_space<hbm>>
        %dma_start3A_600 = tpu.memref_squeeze %dma_start3A_599 : memref<1x10000x128xf32, #tpu.memory_space<hbm>> -> memref<10000x128xf32, #tpu.memory_space<hbm>>
        %dma_start3A_601 = arith.constant 0 : i32
        %dma_start3A_602 = tpu.memref_slice %dma_start3A_600[%mul3A_2, %dma_start3A_601] : memref<10000x128xf32, #tpu.memory_space<hbm>> -> memref<624x128xf32, #tpu.memory_space<hbm>>
        %dma_start3A_603 = arith.constant 0 : i32
        %dma_start3A_604 = tpu.memref_slice %arg14[%mul3A_2, %dma_start3A_603] : memref<10016x128xf32, #tpu.memory_space<vmem_shared>> -> memref<624x128xf32, #tpu.memory_space<vmem_shared>>
        tpu.enqueue_dma source(%dma_start3A_604 : memref<624x128xf32, #tpu.memory_space<vmem_shared>>) target(%dma_start3A_602 : memref<624x128xf32, #tpu.memory_space<hbm>>) target_semaphore(%run_scoped3A_596 : memref<!tpu.dma_semaphore, #tpu.memory_space<semaphore_mem>>)
        %dma_wait3A_605 = arith.constant 0 : i32
        %dma_wait3A_606 = arith.constant 0 : i32
        %dma_wait3A_607 = tpu.memref_slice %arg4[%run_scoped3A, %dma_wait3A_605, %dma_wait3A_606] : memref<2x10000x128xf32, #tpu.memory_space<hbm>> -> memref<1x10000x128xf32, #tpu.memory_space<hbm>>
        %dma_wait3A_608 = tpu.memref_squeeze %dma_wait3A_607 : memref<1x10000x128xf32, #tpu.memory_space<hbm>> -> memref<10000x128xf32, #tpu.memory_space<hbm>>
        %dma_wait3A_609 = arith.constant 0 : i32
        %dma_wait3A_610 = tpu.memref_slice %dma_wait3A_608[%mul3A_2, %dma_wait3A_609] : memref<10000x128xf32, #tpu.memory_space<hbm>> -> memref<624x128xf32, #tpu.memory_space<hbm>>
        %dma_wait3A_611 = arith.constant 0 : i32
        %dma_wait3A_612 = tpu.memref_slice %arg14[%mul3A_2, %dma_wait3A_611] : memref<10016x128xf32, #tpu.memory_space<vmem_shared>> -> memref<624x128xf32, #tpu.memory_space<vmem_shared>>
        tpu.wait_dma2 semaphore(%run_scoped3A_596 : memref<!tpu.dma_semaphore, #tpu.memory_space<semaphore_mem>>) src(%dma_wait3A_612 : memref<624x128xf32, #tpu.memory_space<vmem_shared>>) dst(%dma_wait3A_610 : memref<624x128xf32, #tpu.memory_space<hbm>>)
        tpu.yield
      }) : () -> ()
    } else {
    }
    %eq3A_588 = arith.constant 1 : i32
    %eq3A_589 = arith.cmpi eq, %arg0, %eq3A_588 : i32
    %eq3A_590 = arith.constant 15 : i32
    %eq3A_591 = arith.cmpi eq, %arg1, %eq3A_590 : i32
    %and3A_592 = arith.andi %eq3A_589, %eq3A_591 : i1
    %convert_element_type3A_593 = arith.extui %and3A_592 : i1 to i32
    %cond3A_594 = arith.constant 0 : i32
    %cond3A_595 = arith.cmpi ne, %convert_element_type3A_593, %cond3A_594 : i32
    scf.if %cond3A_595 {
      %run_scoped3A = arith.constant 1 : i32
      "tpu.region"() ({
        %run_scoped3A_596 = tpu.sem_alloc : memref<!tpu.dma_semaphore, #tpu.memory_space<semaphore_mem>>
        %dma_start3A_597 = arith.constant 0 : i32
        %dma_start3A_598 = arith.constant 0 : i32
        %dma_start3A_599 = tpu.memref_slice %arg4[%run_scoped3A, %dma_start3A_597, %dma_start3A_598] : memref<2x10000x128xf32, #tpu.memory_space<hbm>> -> memref<1x10000x128xf32, #tpu.memory_space<hbm>>
        %dma_start3A_600 = tpu.memref_squeeze %dma_start3A_599 : memref<1x10000x128xf32, #tpu.memory_space<hbm>> -> memref<10000x128xf32, #tpu.memory_space<hbm>>
        %dma_start3A_601 = arith.constant 9360 : i32
        %dma_start3A_602 = arith.constant 0 : i32
        %dma_start3A_603 = tpu.memref_slice %dma_start3A_600[%dma_start3A_601, %dma_start3A_602] : memref<10000x128xf32, #tpu.memory_space<hbm>> -> memref<640x128xf32, #tpu.memory_space<hbm>>
        %dma_start3A_604 = arith.constant 9360 : i32
        %dma_start3A_605 = arith.constant 0 : i32
        %dma_start3A_606 = tpu.memref_slice %arg14[%dma_start3A_604, %dma_start3A_605] : memref<10016x128xf32, #tpu.memory_space<vmem_shared>> -> memref<640x128xf32, #tpu.memory_space<vmem_shared>>
        tpu.enqueue_dma source(%dma_start3A_606 : memref<640x128xf32, #tpu.memory_space<vmem_shared>>) target(%dma_start3A_603 : memref<640x128xf32, #tpu.memory_space<hbm>>) target_semaphore(%run_scoped3A_596 : memref<!tpu.dma_semaphore, #tpu.memory_space<semaphore_mem>>)
        %dma_wait3A_607 = arith.constant 0 : i32
        %dma_wait3A_608 = arith.constant 0 : i32
        %dma_wait3A_609 = tpu.memref_slice %arg4[%run_scoped3A, %dma_wait3A_607, %dma_wait3A_608] : memref<2x10000x128xf32, #tpu.memory_space<hbm>> -> memref<1x10000x128xf32, #tpu.memory_space<hbm>>
        %dma_wait3A_610 = tpu.memref_squeeze %dma_wait3A_609 : memref<1x10000x128xf32, #tpu.memory_space<hbm>> -> memref<10000x128xf32, #tpu.memory_space<hbm>>
        %dma_wait3A_611 = arith.constant 9360 : i32
        %dma_wait3A_612 = arith.constant 0 : i32
        %dma_wait3A_613 = tpu.memref_slice %dma_wait3A_610[%dma_wait3A_611, %dma_wait3A_612] : memref<10000x128xf32, #tpu.memory_space<hbm>> -> memref<640x128xf32, #tpu.memory_space<hbm>>
        %dma_wait3A_614 = arith.constant 9360 : i32
        %dma_wait3A_615 = arith.constant 0 : i32
        %dma_wait3A_616 = tpu.memref_slice %arg14[%dma_wait3A_614, %dma_wait3A_615] : memref<10016x128xf32, #tpu.memory_space<vmem_shared>> -> memref<640x128xf32, #tpu.memory_space<vmem_shared>>
        tpu.wait_dma2 semaphore(%run_scoped3A_596 : memref<!tpu.dma_semaphore, #tpu.memory_space<semaphore_mem>>) src(%dma_wait3A_616 : memref<640x128xf32, #tpu.memory_space<vmem_shared>>) dst(%dma_wait3A_613 : memref<640x128xf32, #tpu.memory_space<hbm>>)
        tpu.yield
      }) : () -> ()
    } else {
    }
    return
  }
}

#map = affine_map<(d0, d1) -> (0, 0)>
#map1 = affine_map<(d0, d1) -> (0, 0, 0)>
module attributes {stable_mosaic.version = 14 : i64} {
  func.func @_spmm_body(%arg0: i32, %arg1: i32, %arg2: memref<10000x128xf32, #tpu.memory_space<hbm>>, %arg3: memref<2x320000xi32, #tpu.memory_space<hbm>>, %arg4: memref<2x10000x128xf32, #tpu.memory_space<hbm>>, %arg5: memref<5000xi32, #tpu.memory_space<vmem>>, %arg6: memref<5000xi32, #tpu.memory_space<vmem>>, %arg7: memref<5000xi32, #tpu.memory_space<vmem>>, %arg8: memref<5000xi32, #tpu.memory_space<vmem>>, %arg9: memref<40x128xf32, #tpu.memory_space<vmem>>, %arg10: memref<40x128xf32, #tpu.memory_space<vmem>>, %arg11: memref<40x128xf32, #tpu.memory_space<vmem>>, %arg12: memref<40x128xf32, #tpu.memory_space<vmem>>, %arg13: memref<40x128xf32, #tpu.memory_space<vmem>>, %arg14: memref<10016x128xf32, #tpu.memory_space<vmem_shared>>, %arg15: memref<!tpu.dma_semaphore, #tpu.memory_space<semaphore_mem>>, %arg16: memref<!tpu.dma_semaphore, #tpu.memory_space<semaphore_mem>>, %arg17: memref<!tpu.dma_semaphore, #tpu.memory_space<semaphore_mem>>, %arg18: memref<!tpu.dma_semaphore, #tpu.memory_space<semaphore_mem>>, %arg19: memref<!tpu.dma_semaphore, #tpu.memory_space<semaphore_mem>>, %arg20: memref<!tpu.dma_semaphore, #tpu.memory_space<semaphore_mem>>, %arg21: memref<!tpu.dma_semaphore, #tpu.memory_space<semaphore_mem>>, %arg22: memref<!tpu.dma_semaphore, #tpu.memory_space<semaphore_mem>>, %arg23: memref<!tpu.dma_semaphore, #tpu.memory_space<semaphore_mem>>, %arg24: memref<!tpu.dma_semaphore, #tpu.memory_space<semaphore_mem>>, %arg25: memref<!tpu.dma_semaphore, #tpu.memory_space<semaphore_mem>>, %arg26: memref<!tpu.dma_semaphore, #tpu.memory_space<semaphore_mem>>) attributes {dimension_semantics = [#tpu.dimension_semantics<core_parallel>, #tpu.dimension_semantics<subcore_parallel>], iteration_bounds = array<i64: 2, 16>, scalar_prefetch = 0 : i64, scratch_operands = 22 : i64, tpu.core_type = #tpu.core_type<sc_vector_subcore>, window_params = [{transform_indices = #map}, {transform_indices = #map}, {transform_indices = #map1}]} {
    %mul3A = arith.constant 16 : i32
    %mul3A_0 = arith.muli %arg0, %mul3A : i32
    %add3A = arith.addi %mul3A_0, %arg1 : i32
    %mul3A_1 = arith.constant 624 : i32
    %mul3A_2 = arith.muli %arg1, %mul3A_1 : i32
    %scan3A = arith.constant 0 : i32
    %scan3A_3 = arith.constant 0 : i32
    %scan3A_4 = arith.constant 320 : i32
    %scan3A_5 = arith.addi %scan3A_3, %scan3A_4 : i32
    %scan3A_6 = arith.constant 1 : i32
    scf.for %scan3A_596 = %scan3A_3 to %scan3A_5 step %scan3A_6  : i32 {
      %broadcast_in_dim3A = arith.constant 0.000000e+00 : f32
      %broadcast_in_dim3A_597 = vector.broadcast %broadcast_in_dim3A : f32 to vector<16xf32>
      %jit3A = arith.constant 8 : i32
      %div3A = arith.divsi %scan3A_596, %jit3A : i32
      %sign3A = arith.constant 0 : i32
      %sign3A_598 = arith.cmpi sgt, %scan3A_596, %sign3A : i32
      %sign3A_599 = arith.extui %sign3A_598 : i1 to i32
      %sign3A_600 = arith.constant 0 : i32
      %sign3A_601 = arith.cmpi slt, %scan3A_596, %sign3A_600 : i32
      %sign3A_602 = arith.extui %sign3A_601 : i1 to i32
      %sign3A_603 = arith.subi %sign3A_599, %sign3A_602 : i32
      %sign3A_604 = arith.constant 0 : i32
      %sign3A_605 = arith.cmpi sgt, %jit3A, %sign3A_604 : i32
      %sign3A_606 = arith.extui %sign3A_605 : i1 to i32
      %sign3A_607 = arith.constant 0 : i32
      %sign3A_608 = arith.cmpi slt, %jit3A, %sign3A_607 : i32
      %sign3A_609 = arith.extui %sign3A_608 : i1 to i32
      %sign3A_610 = arith.subi %sign3A_606, %sign3A_609 : i32
      %ne3A = arith.cmpi ne, %sign3A_603, %sign3A_610 : i32
      %rem3A = arith.remsi %scan3A_596, %jit3A : i32
      %ne3A_611 = arith.constant 0 : i32
      %ne3A_612 = arith.cmpi ne, %rem3A, %ne3A_611 : i32
      %and3A_613 = arith.andi %ne3A, %ne3A_612 : i1
      %sub3A = arith.constant 1 : i32
      %sub3A_614 = arith.subi %div3A, %sub3A : i32
      %select_n3A = arith.select %and3A_613, %sub3A_614, %div3A : i32
      %jit3A_615 = arith.constant 8 : i32
      %eq3A_616 = arith.constant 0 : i32
      %eq3A_617 = arith.cmpi eq, %jit3A_615, %eq3A_616 : i32
      %jit3A_618 = arith.constant 1 : i32
      %select_n3A_619 = arith.select %eq3A_617, %jit3A_618, %jit3A_615 : i32
      %rem3A_620 = arith.remsi %scan3A_596, %select_n3A_619 : i32
      %ne3A_621 = arith.constant 0 : i32
      %ne3A_622 = arith.cmpi ne, %rem3A_620, %ne3A_621 : i32
      %lt3A_623 = arith.constant 0 : i32
      %lt3A_624 = arith.cmpi slt, %rem3A_620, %lt3A_623 : i32
      %lt3A_625 = arith.constant 0 : i32
      %lt3A_626 = arith.cmpi slt, %select_n3A_619, %lt3A_625 : i32
      %ne3A_627 = arith.xori %lt3A_624, %lt3A_626 : i1
      %and3A_628 = arith.andi %ne3A_627, %ne3A_622 : i1
      %add3A_629 = arith.addi %rem3A_620, %select_n3A_619 : i32
      %select_n3A_630 = arith.select %and3A_628, %add3A_629, %rem3A_620 : i32
      %mul3A_631 = arith.constant 16 : i32
      %mul3A_632 = arith.muli %select_n3A_630, %mul3A_631 : i32
      %swap3A = arith.index_cast %select_n3A : i32 to index
      %swap3A_633 = arith.index_cast %mul3A_632 : i32 to index
      %swap3A_634 = tpu.vector_load %arg9[%swap3A, %swap3A_633] {strides = array<i32>} : memref<40x128xf32, #tpu.memory_space<vmem>>, vector<1x16xf32>,
      %swap3A_635 = vector.shape_cast %swap3A_634 : vector<1x16xf32> to vector<16xf32>
      %swap3A_636 = vector.shape_cast %broadcast_in_dim3A_597 : vector<16xf32> to vector<1x16xf32>
      tpu.vector_store %arg9[%swap3A, %swap3A_633], %swap3A_636 {strides = array<i32>} : memref<40x128xf32, #tpu.memory_space<vmem>>, vector<1x16xf32>,
    }
    %scan3A_7 = arith.constant 320 : i32
    %add3A_8 = arith.constant 0 : i32
    %add3A_9 = arith.addi %mul3A_2, %add3A_8 : i32
    %dma_start3A = arith.constant 0 : i32
    %dma_start3A_10 = arith.constant 0 : i32
    %dma_start3A_11 = tpu.memref_slice %arg9[%dma_start3A, %dma_start3A_10] : memref<40x128xf32, #tpu.memory_space<vmem>> -> memref<40x128xf32, #tpu.memory_space<vmem>>
    %dma_start3A_12 = arith.constant 0 : i32
    %dma_start3A_13 = tpu.memref_slice %arg14[%add3A_9, %dma_start3A_12] : memref<10016x128xf32, #tpu.memory_space<vmem_shared>> -> memref<40x128xf32, #tpu.memory_space<vmem_shared>>
    %dma_start3A_14 = arith.constant 0 : i32
    %dma_start3A_15 = tpu.memref_slice %arg14[%add3A_9, %dma_start3A_14] : memref<10016x128xf32, #tpu.memory_space<vmem_shared>> -> memref<40x128xf32, #tpu.memory_space<vmem_shared>>
    %dma_start3A_16 = arith.constant 0 : i32
    %dma_start3A_17 = arith.constant 0 : i32
    %dma_start3A_18 = tpu.memref_slice %arg9[%dma_start3A_16, %dma_start3A_17] : memref<40x128xf32, #tpu.memory_space<vmem>> -> memref<40x128xf32, #tpu.memory_space<vmem>>
    tpu.enqueue_dma source(%dma_start3A_18 : memref<40x128xf32, #tpu.memory_space<vmem>>) target(%dma_start3A_15 : memref<40x128xf32, #tpu.memory_space<vmem_shared>>) target_semaphore(%arg15 : memref<!tpu.dma_semaphore, #tpu.memory_space<semaphore_mem>>)
    %add3A_19 = arith.constant 40 : i32
    %add3A_20 = arith.addi %mul3A_2, %add3A_19 : i32
    %dma_start3A_21 = arith.constant 0 : i32
    %dma_start3A_22 = arith.constant 0 : i32
    %dma_start3A_23 = tpu.memref_slice %arg9[%dma_start3A_21, %dma_start3A_22] : memref<40x128xf32, #tpu.memory_space<vmem>> -> memref<40x128xf32, #tpu.memory_space<vmem>>
    %dma_start3A_24 = arith.constant 0 : i32
    %dma_start3A_25 = tpu.memref_slice %arg14[%add3A_20, %dma_start3A_24] : memref<10016x128xf32, #tpu.memory_space<vmem_shared>> -> memref<40x128xf32, #tpu.memory_space<vmem_shared>>
    %dma_start3A_26 = arith.constant 0 : i32
    %dma_start3A_27 = tpu.memref_slice %arg14[%add3A_20, %dma_start3A_26] : memref<10016x128xf32, #tpu.memory_space<vmem_shared>> -> memref<40x128xf32, #tpu.memory_space<vmem_shared>>
    %dma_start3A_28 = arith.constant 0 : i32
    %dma_start3A_29 = arith.constant 0 : i32
    %dma_start3A_30 = tpu.memref_slice %arg9[%dma_start3A_28, %dma_start3A_29] : memref<40x128xf32, #tpu.memory_space<vmem>> -> memref<40x128xf32, #tpu.memory_space<vmem>>
    tpu.enqueue_dma source(%dma_start3A_30 : memref<40x128xf32, #tpu.memory_space<vmem>>) target(%dma_start3A_27 : memref<40x128xf32, #tpu.memory_space<vmem_shared>>) target_semaphore(%arg15 : memref<!tpu.dma_semaphore, #tpu.memory_space<semaphore_mem>>)
    %add3A_31 = arith.constant 80 : i32
    %add3A_32 = arith.addi %mul3A_2, %add3A_31 : i32
    %dma_start3A_33 = arith.constant 0 : i32
    %dma_start3A_34 = arith.constant 0 : i32
    %dma_start3A_35 = tpu.memref_slice %arg9[%dma_start3A_33, %dma_start3A_34] : memref<40x128xf32, #tpu.memory_space<vmem>> -> memref<40x128xf32, #tpu.memory_space<vmem>>
    %dma_start3A_36 = arith.constant 0 : i32
    %dma_start3A_37 = tpu.memref_slice %arg14[%add3A_32, %dma_start3A_36] : memref<10016x128xf32, #tpu.memory_space<vmem_shared>> -> memref<40x128xf32, #tpu.memory_space<vmem_shared>>
    %dma_start3A_38 = arith.constant 0 : i32
    %dma_start3A_39 = tpu.memref_slice %arg14[%add3A_32, %dma_start3A_38] : memref<10016x128xf32, #tpu.memory_space<vmem_shared>> -> memref<40x128xf32, #tpu.memory_space<vmem_shared>>
    %dma_start3A_40 = arith.constant 0 : i32
    %dma_start3A_41 = arith.constant 0 : i32
    %dma_start3A_42 = tpu.memref_slice %arg9[%dma_start3A_40, %dma_start3A_41] : memref<40x128xf32, #tpu.memory_space<vmem>> -> memref<40x128xf32, #tpu.memory_space<vmem>>
    tpu.enqueue_dma source(%dma_start3A_42 : memref<40x128xf32, #tpu.memory_space<vmem>>) target(%dma_start3A_39 : memref<40x128xf32, #tpu.memory_space<vmem_shared>>) target_semaphore(%arg15 : memref<!tpu.dma_semaphore, #tpu.memory_space<semaphore_mem>>)
    %add3A_43 = arith.constant 120 : i32
    %add3A_44 = arith.addi %mul3A_2, %add3A_43 : i32
    %dma_start3A_45 = arith.constant 0 : i32
    %dma_start3A_46 = arith.constant 0 : i32
    %dma_start3A_47 = tpu.memref_slice %arg9[%dma_start3A_45, %dma_start3A_46] : memref<40x128xf32, #tpu.memory_space<vmem>> -> memref<40x128xf32, #tpu.memory_space<vmem>>
    %dma_start3A_48 = arith.constant 0 : i32
    %dma_start3A_49 = tpu.memref_slice %arg14[%add3A_44, %dma_start3A_48] : memref<10016x128xf32, #tpu.memory_space<vmem_shared>> -> memref<40x128xf32, #tpu.memory_space<vmem_shared>>
    %dma_start3A_50 = arith.constant 0 : i32
    %dma_start3A_51 = tpu.memref_slice %arg14[%add3A_44, %dma_start3A_50] : memref<10016x128xf32, #tpu.memory_space<vmem_shared>> -> memref<40x128xf32, #tpu.memory_space<vmem_shared>>
    %dma_start3A_52 = arith.constant 0 : i32
    %dma_start3A_53 = arith.constant 0 : i32
    %dma_start3A_54 = tpu.memref_slice %arg9[%dma_start3A_52, %dma_start3A_53] : memref<40x128xf32, #tpu.memory_space<vmem>> -> memref<40x128xf32, #tpu.memory_space<vmem>>
    tpu.enqueue_dma source(%dma_start3A_54 : memref<40x128xf32, #tpu.memory_space<vmem>>) target(%dma_start3A_51 : memref<40x128xf32, #tpu.memory_space<vmem_shared>>) target_semaphore(%arg15 : memref<!tpu.dma_semaphore, #tpu.memory_space<semaphore_mem>>)
    %add3A_55 = arith.constant 160 : i32
    %add3A_56 = arith.addi %mul3A_2, %add3A_55 : i32
    %dma_start3A_57 = arith.constant 0 : i32
    %dma_start3A_58 = arith.constant 0 : i32
    %dma_start3A_59 = tpu.memref_slice %arg9[%dma_start3A_57, %dma_start3A_58] : memref<40x128xf32, #tpu.memory_space<vmem>> -> memref<40x128xf32, #tpu.memory_space<vmem>>
    %dma_start3A_60 = arith.constant 0 : i32
    %dma_start3A_61 = tpu.memref_slice %arg14[%add3A_56, %dma_start3A_60] : memref<10016x128xf32, #tpu.memory_space<vmem_shared>> -> memref<40x128xf32, #tpu.memory_space<vmem_shared>>
    %dma_start3A_62 = arith.constant 0 : i32
    %dma_start3A_63 = tpu.memref_slice %arg14[%add3A_56, %dma_start3A_62] : memref<10016x128xf32, #tpu.memory_space<vmem_shared>> -> memref<40x128xf32, #tpu.memory_space<vmem_shared>>
    %dma_start3A_64 = arith.constant 0 : i32
    %dma_start3A_65 = arith.constant 0 : i32
    %dma_start3A_66 = tpu.memref_slice %arg9[%dma_start3A_64, %dma_start3A_65] : memref<40x128xf32, #tpu.memory_space<vmem>> -> memref<40x128xf32, #tpu.memory_space<vmem>>
    tpu.enqueue_dma source(%dma_start3A_66 : memref<40x128xf32, #tpu.memory_space<vmem>>) target(%dma_start3A_63 : memref<40x128xf32, #tpu.memory_space<vmem_shared>>) target_semaphore(%arg15 : memref<!tpu.dma_semaphore, #tpu.memory_space<semaphore_mem>>)
    %add3A_67 = arith.constant 200 : i32
    %add3A_68 = arith.addi %mul3A_2, %add3A_67 : i32
    %dma_start3A_69 = arith.constant 0 : i32
    %dma_start3A_70 = arith.constant 0 : i32
    %dma_start3A_71 = tpu.memref_slice %arg9[%dma_start3A_69, %dma_start3A_70] : memref<40x128xf32, #tpu.memory_space<vmem>> -> memref<40x128xf32, #tpu.memory_space<vmem>>
    %dma_start3A_72 = arith.constant 0 : i32
    %dma_start3A_73 = tpu.memref_slice %arg14[%add3A_68, %dma_start3A_72] : memref<10016x128xf32, #tpu.memory_space<vmem_shared>> -> memref<40x128xf32, #tpu.memory_space<vmem_shared>>
    %dma_start3A_74 = arith.constant 0 : i32
    %dma_start3A_75 = tpu.memref_slice %arg14[%add3A_68, %dma_start3A_74] : memref<10016x128xf32, #tpu.memory_space<vmem_shared>> -> memref<40x128xf32, #tpu.memory_space<vmem_shared>>
    %dma_start3A_76 = arith.constant 0 : i32
    %dma_start3A_77 = arith.constant 0 : i32
    %dma_start3A_78 = tpu.memref_slice %arg9[%dma_start3A_76, %dma_start3A_77] : memref<40x128xf32, #tpu.memory_space<vmem>> -> memref<40x128xf32, #tpu.memory_space<vmem>>
    tpu.enqueue_dma source(%dma_start3A_78 : memref<40x128xf32, #tpu.memory_space<vmem>>) target(%dma_start3A_75 : memref<40x128xf32, #tpu.memory_space<vmem_shared>>) target_semaphore(%arg15 : memref<!tpu.dma_semaphore, #tpu.memory_space<semaphore_mem>>)
    %add3A_79 = arith.constant 240 : i32
    %add3A_80 = arith.addi %mul3A_2, %add3A_79 : i32
    %dma_start3A_81 = arith.constant 0 : i32
    %dma_start3A_82 = arith.constant 0 : i32
    %dma_start3A_83 = tpu.memref_slice %arg9[%dma_start3A_81, %dma_start3A_82] : memref<40x128xf32, #tpu.memory_space<vmem>> -> memref<40x128xf32, #tpu.memory_space<vmem>>
    %dma_start3A_84 = arith.constant 0 : i32
    %dma_start3A_85 = tpu.memref_slice %arg14[%add3A_80, %dma_start3A_84] : memref<10016x128xf32, #tpu.memory_space<vmem_shared>> -> memref<40x128xf32, #tpu.memory_space<vmem_shared>>
    %dma_start3A_86 = arith.constant 0 : i32
    %dma_start3A_87 = tpu.memref_slice %arg14[%add3A_80, %dma_start3A_86] : memref<10016x128xf32, #tpu.memory_space<vmem_shared>> -> memref<40x128xf32, #tpu.memory_space<vmem_shared>>
    %dma_start3A_88 = arith.constant 0 : i32
    %dma_start3A_89 = arith.constant 0 : i32
    %dma_start3A_90 = tpu.memref_slice %arg9[%dma_start3A_88, %dma_start3A_89] : memref<40x128xf32, #tpu.memory_space<vmem>> -> memref<40x128xf32, #tpu.memory_space<vmem>>
    tpu.enqueue_dma source(%dma_start3A_90 : memref<40x128xf32, #tpu.memory_space<vmem>>) target(%dma_start3A_87 : memref<40x128xf32, #tpu.memory_space<vmem_shared>>) target_semaphore(%arg15 : memref<!tpu.dma_semaphore, #tpu.memory_space<semaphore_mem>>)
    %add3A_91 = arith.constant 280 : i32
    %add3A_92 = arith.addi %mul3A_2, %add3A_91 : i32
    %dma_start3A_93 = arith.constant 0 : i32
    %dma_start3A_94 = arith.constant 0 : i32
    %dma_start3A_95 = tpu.memref_slice %arg9[%dma_start3A_93, %dma_start3A_94] : memref<40x128xf32, #tpu.memory_space<vmem>> -> memref<40x128xf32, #tpu.memory_space<vmem>>
    %dma_start3A_96 = arith.constant 0 : i32
    %dma_start3A_97 = tpu.memref_slice %arg14[%add3A_92, %dma_start3A_96] : memref<10016x128xf32, #tpu.memory_space<vmem_shared>> -> memref<40x128xf32, #tpu.memory_space<vmem_shared>>
    %dma_start3A_98 = arith.constant 0 : i32
    %dma_start3A_99 = tpu.memref_slice %arg14[%add3A_92, %dma_start3A_98] : memref<10016x128xf32, #tpu.memory_space<vmem_shared>> -> memref<40x128xf32, #tpu.memory_space<vmem_shared>>
    %dma_start3A_100 = arith.constant 0 : i32
    %dma_start3A_101 = arith.constant 0 : i32
    %dma_start3A_102 = tpu.memref_slice %arg9[%dma_start3A_100, %dma_start3A_101] : memref<40x128xf32, #tpu.memory_space<vmem>> -> memref<40x128xf32, #tpu.memory_space<vmem>>
    tpu.enqueue_dma source(%dma_start3A_102 : memref<40x128xf32, #tpu.memory_space<vmem>>) target(%dma_start3A_99 : memref<40x128xf32, #tpu.memory_space<vmem_shared>>) target_semaphore(%arg15 : memref<!tpu.dma_semaphore, #tpu.memory_space<semaphore_mem>>)
    %add3A_103 = arith.constant 320 : i32
    %add3A_104 = arith.addi %mul3A_2, %add3A_103 : i32
    %dma_start3A_105 = arith.constant 0 : i32
    %dma_start3A_106 = arith.constant 0 : i32
    %dma_start3A_107 = tpu.memref_slice %arg9[%dma_start3A_105, %dma_start3A_106] : memref<40x128xf32, #tpu.memory_space<vmem>> -> memref<40x128xf32, #tpu.memory_space<vmem>>
    %dma_start3A_108 = arith.constant 0 : i32
    %dma_start3A_109 = tpu.memref_slice %arg14[%add3A_104, %dma_start3A_108] : memref<10016x128xf32, #tpu.memory_space<vmem_shared>> -> memref<40x128xf32, #tpu.memory_space<vmem_shared>>
    %dma_start3A_110 = arith.constant 0 : i32
    %dma_start3A_111 = tpu.memref_slice %arg14[%add3A_104, %dma_start3A_110] : memref<10016x128xf32, #tpu.memory_space<vmem_shared>> -> memref<40x128xf32, #tpu.memory_space<vmem_shared>>
    %dma_start3A_112 = arith.constant 0 : i32
    %dma_start3A_113 = arith.constant 0 : i32
    %dma_start3A_114 = tpu.memref_slice %arg9[%dma_start3A_112, %dma_start3A_113] : memref<40x128xf32, #tpu.memory_space<vmem>> -> memref<40x128xf32, #tpu.memory_space<vmem>>
    tpu.enqueue_dma source(%dma_start3A_114 : memref<40x128xf32, #tpu.memory_space<vmem>>) target(%dma_start3A_111 : memref<40x128xf32, #tpu.memory_space<vmem_shared>>) target_semaphore(%arg15 : memref<!tpu.dma_semaphore, #tpu.memory_space<semaphore_mem>>)
    %add3A_115 = arith.constant 360 : i32
    %add3A_116 = arith.addi %mul3A_2, %add3A_115 : i32
    %dma_start3A_117 = arith.constant 0 : i32
    %dma_start3A_118 = arith.constant 0 : i32
    %dma_start3A_119 = tpu.memref_slice %arg9[%dma_start3A_117, %dma_start3A_118] : memref<40x128xf32, #tpu.memory_space<vmem>> -> memref<40x128xf32, #tpu.memory_space<vmem>>
    %dma_start3A_120 = arith.constant 0 : i32
    %dma_start3A_121 = tpu.memref_slice %arg14[%add3A_116, %dma_start3A_120] : memref<10016x128xf32, #tpu.memory_space<vmem_shared>> -> memref<40x128xf32, #tpu.memory_space<vmem_shared>>
    %dma_start3A_122 = arith.constant 0 : i32
    %dma_start3A_123 = tpu.memref_slice %arg14[%add3A_116, %dma_start3A_122] : memref<10016x128xf32, #tpu.memory_space<vmem_shared>> -> memref<40x128xf32, #tpu.memory_space<vmem_shared>>
    %dma_start3A_124 = arith.constant 0 : i32
    %dma_start3A_125 = arith.constant 0 : i32
    %dma_start3A_126 = tpu.memref_slice %arg9[%dma_start3A_124, %dma_start3A_125] : memref<40x128xf32, #tpu.memory_space<vmem>> -> memref<40x128xf32, #tpu.memory_space<vmem>>
    tpu.enqueue_dma source(%dma_start3A_126 : memref<40x128xf32, #tpu.memory_space<vmem>>) target(%dma_start3A_123 : memref<40x128xf32, #tpu.memory_space<vmem_shared>>) target_semaphore(%arg15 : memref<!tpu.dma_semaphore, #tpu.memory_space<semaphore_mem>>)
    %add3A_127 = arith.constant 400 : i32
    %add3A_128 = arith.addi %mul3A_2, %add3A_127 : i32
    %dma_start3A_129 = arith.constant 0 : i32
    %dma_start3A_130 = arith.constant 0 : i32
    %dma_start3A_131 = tpu.memref_slice %arg9[%dma_start3A_129, %dma_start3A_130] : memref<40x128xf32, #tpu.memory_space<vmem>> -> memref<40x128xf32, #tpu.memory_space<vmem>>
    %dma_start3A_132 = arith.constant 0 : i32
    %dma_start3A_133 = tpu.memref_slice %arg14[%add3A_128, %dma_start3A_132] : memref<10016x128xf32, #tpu.memory_space<vmem_shared>> -> memref<40x128xf32, #tpu.memory_space<vmem_shared>>
    %dma_start3A_134 = arith.constant 0 : i32
    %dma_start3A_135 = tpu.memref_slice %arg14[%add3A_128, %dma_start3A_134] : memref<10016x128xf32, #tpu.memory_space<vmem_shared>> -> memref<40x128xf32, #tpu.memory_space<vmem_shared>>
    %dma_start3A_136 = arith.constant 0 : i32
    %dma_start3A_137 = arith.constant 0 : i32
    %dma_start3A_138 = tpu.memref_slice %arg9[%dma_start3A_136, %dma_start3A_137] : memref<40x128xf32, #tpu.memory_space<vmem>> -> memref<40x128xf32, #tpu.memory_space<vmem>>
    tpu.enqueue_dma source(%dma_start3A_138 : memref<40x128xf32, #tpu.memory_space<vmem>>) target(%dma_start3A_135 : memref<40x128xf32, #tpu.memory_space<vmem_shared>>) target_semaphore(%arg15 : memref<!tpu.dma_semaphore, #tpu.memory_space<semaphore_mem>>)
    %add3A_139 = arith.constant 440 : i32
    %add3A_140 = arith.addi %mul3A_2, %add3A_139 : i32
    %dma_start3A_141 = arith.constant 0 : i32
    %dma_start3A_142 = arith.constant 0 : i32
    %dma_start3A_143 = tpu.memref_slice %arg9[%dma_start3A_141, %dma_start3A_142] : memref<40x128xf32, #tpu.memory_space<vmem>> -> memref<40x128xf32, #tpu.memory_space<vmem>>
    %dma_start3A_144 = arith.constant 0 : i32
    %dma_start3A_145 = tpu.memref_slice %arg14[%add3A_140, %dma_start3A_144] : memref<10016x128xf32, #tpu.memory_space<vmem_shared>> -> memref<40x128xf32, #tpu.memory_space<vmem_shared>>
    %dma_start3A_146 = arith.constant 0 : i32
    %dma_start3A_147 = tpu.memref_slice %arg14[%add3A_140, %dma_start3A_146] : memref<10016x128xf32, #tpu.memory_space<vmem_shared>> -> memref<40x128xf32, #tpu.memory_space<vmem_shared>>
    %dma_start3A_148 = arith.constant 0 : i32
    %dma_start3A_149 = arith.constant 0 : i32
    %dma_start3A_150 = tpu.memref_slice %arg9[%dma_start3A_148, %dma_start3A_149] : memref<40x128xf32, #tpu.memory_space<vmem>> -> memref<40x128xf32, #tpu.memory_space<vmem>>
    tpu.enqueue_dma source(%dma_start3A_150 : memref<40x128xf32, #tpu.memory_space<vmem>>) target(%dma_start3A_147 : memref<40x128xf32, #tpu.memory_space<vmem_shared>>) target_semaphore(%arg15 : memref<!tpu.dma_semaphore, #tpu.memory_space<semaphore_mem>>)
    %add3A_151 = arith.constant 480 : i32
    %add3A_152 = arith.addi %mul3A_2, %add3A_151 : i32
    %dma_start3A_153 = arith.constant 0 : i32
    %dma_start3A_154 = arith.constant 0 : i32
    %dma_start3A_155 = tpu.memref_slice %arg9[%dma_start3A_153, %dma_start3A_154] : memref<40x128xf32, #tpu.memory_space<vmem>> -> memref<40x128xf32, #tpu.memory_space<vmem>>
    %dma_start3A_156 = arith.constant 0 : i32
    %dma_start3A_157 = tpu.memref_slice %arg14[%add3A_152, %dma_start3A_156] : memref<10016x128xf32, #tpu.memory_space<vmem_shared>> -> memref<40x128xf32, #tpu.memory_space<vmem_shared>>
    %dma_start3A_158 = arith.constant 0 : i32
    %dma_start3A_159 = tpu.memref_slice %arg14[%add3A_152, %dma_start3A_158] : memref<10016x128xf32, #tpu.memory_space<vmem_shared>> -> memref<40x128xf32, #tpu.memory_space<vmem_shared>>
    %dma_start3A_160 = arith.constant 0 : i32
    %dma_start3A_161 = arith.constant 0 : i32
    %dma_start3A_162 = tpu.memref_slice %arg9[%dma_start3A_160, %dma_start3A_161] : memref<40x128xf32, #tpu.memory_space<vmem>> -> memref<40x128xf32, #tpu.memory_space<vmem>>
    tpu.enqueue_dma source(%dma_start3A_162 : memref<40x128xf32, #tpu.memory_space<vmem>>) target(%dma_start3A_159 : memref<40x128xf32, #tpu.memory_space<vmem_shared>>) target_semaphore(%arg15 : memref<!tpu.dma_semaphore, #tpu.memory_space<semaphore_mem>>)
    %add3A_163 = arith.constant 520 : i32
    %add3A_164 = arith.addi %mul3A_2, %add3A_163 : i32
    %dma_start3A_165 = arith.constant 0 : i32
    %dma_start3A_166 = arith.constant 0 : i32
    %dma_start3A_167 = tpu.memref_slice %arg9[%dma_start3A_165, %dma_start3A_166] : memref<40x128xf32, #tpu.memory_space<vmem>> -> memref<40x128xf32, #tpu.memory_space<vmem>>
    %dma_start3A_168 = arith.constant 0 : i32
    %dma_start3A_169 = tpu.memref_slice %arg14[%add3A_164, %dma_start3A_168] : memref<10016x128xf32, #tpu.memory_space<vmem_shared>> -> memref<40x128xf32, #tpu.memory_space<vmem_shared>>
    %dma_start3A_170 = arith.constant 0 : i32
    %dma_start3A_171 = tpu.memref_slice %arg14[%add3A_164, %dma_start3A_170] : memref<10016x128xf32, #tpu.memory_space<vmem_shared>> -> memref<40x128xf32, #tpu.memory_space<vmem_shared>>
    %dma_start3A_172 = arith.constant 0 : i32
    %dma_start3A_173 = arith.constant 0 : i32
    %dma_start3A_174 = tpu.memref_slice %arg9[%dma_start3A_172, %dma_start3A_173] : memref<40x128xf32, #tpu.memory_space<vmem>> -> memref<40x128xf32, #tpu.memory_space<vmem>>
    tpu.enqueue_dma source(%dma_start3A_174 : memref<40x128xf32, #tpu.memory_space<vmem>>) target(%dma_start3A_171 : memref<40x128xf32, #tpu.memory_space<vmem_shared>>) target_semaphore(%arg15 : memref<!tpu.dma_semaphore, #tpu.memory_space<semaphore_mem>>)
    %add3A_175 = arith.constant 560 : i32
    %add3A_176 = arith.addi %mul3A_2, %add3A_175 : i32
    %dma_start3A_177 = arith.constant 0 : i32
    %dma_start3A_178 = arith.constant 0 : i32
    %dma_start3A_179 = tpu.memref_slice %arg9[%dma_start3A_177, %dma_start3A_178] : memref<40x128xf32, #tpu.memory_space<vmem>> -> memref<40x128xf32, #tpu.memory_space<vmem>>
    %dma_start3A_180 = arith.constant 0 : i32
    %dma_start3A_181 = tpu.memref_slice %arg14[%add3A_176, %dma_start3A_180] : memref<10016x128xf32, #tpu.memory_space<vmem_shared>> -> memref<40x128xf32, #tpu.memory_space<vmem_shared>>
    %dma_start3A_182 = arith.constant 0 : i32
    %dma_start3A_183 = tpu.memref_slice %arg14[%add3A_176, %dma_start3A_182] : memref<10016x128xf32, #tpu.memory_space<vmem_shared>> -> memref<40x128xf32, #tpu.memory_space<vmem_shared>>
    %dma_start3A_184 = arith.constant 0 : i32
    %dma_start3A_185 = arith.constant 0 : i32
    %dma_start3A_186 = tpu.memref_slice %arg9[%dma_start3A_184, %dma_start3A_185] : memref<40x128xf32, #tpu.memory_space<vmem>> -> memref<40x128xf32, #tpu.memory_space<vmem>>
    tpu.enqueue_dma source(%dma_start3A_186 : memref<40x128xf32, #tpu.memory_space<vmem>>) target(%dma_start3A_183 : memref<40x128xf32, #tpu.memory_space<vmem_shared>>) target_semaphore(%arg15 : memref<!tpu.dma_semaphore, #tpu.memory_space<semaphore_mem>>)
    %add3A_187 = arith.constant 600 : i32
    %add3A_188 = arith.addi %mul3A_2, %add3A_187 : i32
    %dma_start3A_189 = arith.constant 0 : i32
    %dma_start3A_190 = arith.constant 0 : i32
    %dma_start3A_191 = tpu.memref_slice %arg9[%dma_start3A_189, %dma_start3A_190] : memref<40x128xf32, #tpu.memory_space<vmem>> -> memref<24x128xf32, #tpu.memory_space<vmem>>
    %dma_start3A_192 = arith.constant 0 : i32
    %dma_start3A_193 = tpu.memref_slice %arg14[%add3A_188, %dma_start3A_192] : memref<10016x128xf32, #tpu.memory_space<vmem_shared>> -> memref<24x128xf32, #tpu.memory_space<vmem_shared>>
    %dma_start3A_194 = arith.constant 0 : i32
    %dma_start3A_195 = tpu.memref_slice %arg14[%add3A_188, %dma_start3A_194] : memref<10016x128xf32, #tpu.memory_space<vmem_shared>> -> memref<24x128xf32, #tpu.memory_space<vmem_shared>>
    %dma_start3A_196 = arith.constant 0 : i32
    %dma_start3A_197 = arith.constant 0 : i32
    %dma_start3A_198 = tpu.memref_slice %arg9[%dma_start3A_196, %dma_start3A_197] : memref<40x128xf32, #tpu.memory_space<vmem>> -> memref<24x128xf32, #tpu.memory_space<vmem>>
    tpu.enqueue_dma source(%dma_start3A_198 : memref<24x128xf32, #tpu.memory_space<vmem>>) target(%dma_start3A_195 : memref<24x128xf32, #tpu.memory_space<vmem_shared>>) target_semaphore(%arg15 : memref<!tpu.dma_semaphore, #tpu.memory_space<semaphore_mem>>)
    %eq3A = arith.constant 15 : i32
    %eq3A_199 = arith.cmpi eq, %arg1, %eq3A : i32
    %convert_element_type3A = arith.extui %eq3A_199 : i1 to i32
    %cond3A = arith.constant 0 : i32
    %cond3A_200 = arith.cmpi ne, %convert_element_type3A, %cond3A : i32
    scf.if %cond3A_200 {
      %add3A_596 = arith.constant 624 : i32
      %add3A_597 = arith.addi %mul3A_2, %add3A_596 : i32
      %dma_start3A_598 = arith.constant 0 : i32
      %dma_start3A_599 = arith.constant 0 : i32
      %dma_start3A_600 = tpu.memref_slice %arg9[%dma_start3A_598, %dma_start3A_599] : memref<40x128xf32, #tpu.memory_space<vmem>> -> memref<32x128xf32, #tpu.memory_space<vmem>>
      %dma_start3A_601 = arith.constant 0 : i32
      %dma_start3A_602 = tpu.memref_slice %arg14[%add3A_597, %dma_start3A_601] : memref<10016x128xf32, #tpu.memory_space<vmem_shared>> -> memref<32x128xf32, #tpu.memory_space<vmem_shared>>
      %dma_start3A_603 = arith.constant 0 : i32
      %dma_start3A_604 = tpu.memref_slice %arg14[%add3A_597, %dma_start3A_603] : memref<10016x128xf32, #tpu.memory_space<vmem_shared>> -> memref<32x128xf32, #tpu.memory_space<vmem_shared>>
      %dma_start3A_605 = arith.constant 0 : i32
      %dma_start3A_606 = arith.constant 0 : i32
      %dma_start3A_607 = tpu.memref_slice %arg9[%dma_start3A_605, %dma_start3A_606] : memref<40x128xf32, #tpu.memory_space<vmem>> -> memref<32x128xf32, #tpu.memory_space<vmem>>
      tpu.enqueue_dma source(%dma_start3A_607 : memref<32x128xf32, #tpu.memory_space<vmem>>) target(%dma_start3A_604 : memref<32x128xf32, #tpu.memory_space<vmem_shared>>) target_semaphore(%arg15 : memref<!tpu.dma_semaphore, #tpu.memory_space<semaphore_mem>>)
    } else {
    }
    %dma_wait3A = arith.constant 0 : i32
    %dma_wait3A_201 = arith.constant 0 : i32
    %dma_wait3A_202 = tpu.memref_slice %arg9[%dma_wait3A, %dma_wait3A_201] : memref<40x128xf32, #tpu.memory_space<vmem>> -> memref<40x128xf32, #tpu.memory_space<vmem>>
    %dma_wait3A_203 = arith.constant 0 : i32
    %dma_wait3A_204 = tpu.memref_slice %arg14[%mul3A_2, %dma_wait3A_203] : memref<10016x128xf32, #tpu.memory_space<vmem_shared>> -> memref<40x128xf32, #tpu.memory_space<vmem_shared>>
    %dma_wait3A_205 = arith.constant 0 : i32
    %dma_wait3A_206 = tpu.memref_slice %arg14[%mul3A_2, %dma_wait3A_205] : memref<10016x128xf32, #tpu.memory_space<vmem_shared>> -> memref<40x128xf32, #tpu.memory_space<vmem_shared>>
    %dma_wait3A_207 = arith.constant 0 : i32
    %dma_wait3A_208 = arith.constant 0 : i32
    %dma_wait3A_209 = tpu.memref_slice %arg9[%dma_wait3A_207, %dma_wait3A_208] : memref<40x128xf32, #tpu.memory_space<vmem>> -> memref<40x128xf32, #tpu.memory_space<vmem>>
    tpu.wait_dma2 semaphore(%arg15 : memref<!tpu.dma_semaphore, #tpu.memory_space<semaphore_mem>>) src(%dma_wait3A_209 : memref<40x128xf32, #tpu.memory_space<vmem>>) dst(%dma_wait3A_206 : memref<40x128xf32, #tpu.memory_space<vmem_shared>>)
    %dma_wait3A_210 = arith.constant 0 : i32
    %dma_wait3A_211 = arith.constant 0 : i32
    %dma_wait3A_212 = tpu.memref_slice %arg9[%dma_wait3A_210, %dma_wait3A_211] : memref<40x128xf32, #tpu.memory_space<vmem>> -> memref<40x128xf32, #tpu.memory_space<vmem>>
    %dma_wait3A_213 = arith.constant 0 : i32
    %dma_wait3A_214 = tpu.memref_slice %arg14[%mul3A_2, %dma_wait3A_213] : memref<10016x128xf32, #tpu.memory_space<vmem_shared>> -> memref<40x128xf32, #tpu.memory_space<vmem_shared>>
    %dma_wait3A_215 = arith.constant 0 : i32
    %dma_wait3A_216 = tpu.memref_slice %arg14[%mul3A_2, %dma_wait3A_215] : memref<10016x128xf32, #tpu.memory_space<vmem_shared>> -> memref<40x128xf32, #tpu.memory_space<vmem_shared>>
    %dma_wait3A_217 = arith.constant 0 : i32
    %dma_wait3A_218 = arith.constant 0 : i32
    %dma_wait3A_219 = tpu.memref_slice %arg9[%dma_wait3A_217, %dma_wait3A_218] : memref<40x128xf32, #tpu.memory_space<vmem>> -> memref<40x128xf32, #tpu.memory_space<vmem>>
    tpu.wait_dma2 semaphore(%arg15 : memref<!tpu.dma_semaphore, #tpu.memory_space<semaphore_mem>>) src(%dma_wait3A_219 : memref<40x128xf32, #tpu.memory_space<vmem>>) dst(%dma_wait3A_216 : memref<40x128xf32, #tpu.memory_space<vmem_shared>>)
    %dma_wait3A_220 = arith.constant 0 : i32
    %dma_wait3A_221 = arith.constant 0 : i32
    %dma_wait3A_222 = tpu.memref_slice %arg9[%dma_wait3A_220, %dma_wait3A_221] : memref<40x128xf32, #tpu.memory_space<vmem>> -> memref<40x128xf32, #tpu.memory_space<vmem>>
    %dma_wait3A_223 = arith.constant 0 : i32
    %dma_wait3A_224 = tpu.memref_slice %arg14[%mul3A_2, %dma_wait3A_223] : memref<10016x128xf32, #tpu.memory_space<vmem_shared>> -> memref<40x128xf32, #tpu.memory_space<vmem_shared>>
    %dma_wait3A_225 = arith.constant 0 : i32
    %dma_wait3A_226 = tpu.memref_slice %arg14[%mul3A_2, %dma_wait3A_225] : memref<10016x128xf32, #tpu.memory_space<vmem_shared>> -> memref<40x128xf32, #tpu.memory_space<vmem_shared>>
    %dma_wait3A_227 = arith.constant 0 : i32
    %dma_wait3A_228 = arith.constant 0 : i32
    %dma_wait3A_229 = tpu.memref_slice %arg9[%dma_wait3A_227, %dma_wait3A_228] : memref<40x128xf32, #tpu.memory_space<vmem>> -> memref<40x128xf32, #tpu.memory_space<vmem>>
    tpu.wait_dma2 semaphore(%arg15 : memref<!tpu.dma_semaphore, #tpu.memory_space<semaphore_mem>>) src(%dma_wait3A_229 : memref<40x128xf32, #tpu.memory_space<vmem>>) dst(%dma_wait3A_226 : memref<40x128xf32, #tpu.memory_space<vmem_shared>>)
    %dma_wait3A_230 = arith.constant 0 : i32
    %dma_wait3A_231 = arith.constant 0 : i32
    %dma_wait3A_232 = tpu.memref_slice %arg9[%dma_wait3A_230, %dma_wait3A_231] : memref<40x128xf32, #tpu.memory_space<vmem>> -> memref<40x128xf32, #tpu.memory_space<vmem>>
    %dma_wait3A_233 = arith.constant 0 : i32
    %dma_wait3A_234 = tpu.memref_slice %arg14[%mul3A_2, %dma_wait3A_233] : memref<10016x128xf32, #tpu.memory_space<vmem_shared>> -> memref<40x128xf32, #tpu.memory_space<vmem_shared>>
    %dma_wait3A_235 = arith.constant 0 : i32
    %dma_wait3A_236 = tpu.memref_slice %arg14[%mul3A_2, %dma_wait3A_235] : memref<10016x128xf32, #tpu.memory_space<vmem_shared>> -> memref<40x128xf32, #tpu.memory_space<vmem_shared>>
    %dma_wait3A_237 = arith.constant 0 : i32
    %dma_wait3A_238 = arith.constant 0 : i32
    %dma_wait3A_239 = tpu.memref_slice %arg9[%dma_wait3A_237, %dma_wait3A_238] : memref<40x128xf32, #tpu.memory_space<vmem>> -> memref<40x128xf32, #tpu.memory_space<vmem>>
    tpu.wait_dma2 semaphore(%arg15 : memref<!tpu.dma_semaphore, #tpu.memory_space<semaphore_mem>>) src(%dma_wait3A_239 : memref<40x128xf32, #tpu.memory_space<vmem>>) dst(%dma_wait3A_236 : memref<40x128xf32, #tpu.memory_space<vmem_shared>>)
    %dma_wait3A_240 = arith.constant 0 : i32
    %dma_wait3A_241 = arith.constant 0 : i32
    %dma_wait3A_242 = tpu.memref_slice %arg9[%dma_wait3A_240, %dma_wait3A_241] : memref<40x128xf32, #tpu.memory_space<vmem>> -> memref<40x128xf32, #tpu.memory_space<vmem>>
    %dma_wait3A_243 = arith.constant 0 : i32
    %dma_wait3A_244 = tpu.memref_slice %arg14[%mul3A_2, %dma_wait3A_243] : memref<10016x128xf32, #tpu.memory_space<vmem_shared>> -> memref<40x128xf32, #tpu.memory_space<vmem_shared>>
    %dma_wait3A_245 = arith.constant 0 : i32
    %dma_wait3A_246 = tpu.memref_slice %arg14[%mul3A_2, %dma_wait3A_245] : memref<10016x128xf32, #tpu.memory_space<vmem_shared>> -> memref<40x128xf32, #tpu.memory_space<vmem_shared>>
    %dma_wait3A_247 = arith.constant 0 : i32
    %dma_wait3A_248 = arith.constant 0 : i32
    %dma_wait3A_249 = tpu.memref_slice %arg9[%dma_wait3A_247, %dma_wait3A_248] : memref<40x128xf32, #tpu.memory_space<vmem>> -> memref<40x128xf32, #tpu.memory_space<vmem>>
    tpu.wait_dma2 semaphore(%arg15 : memref<!tpu.dma_semaphore, #tpu.memory_space<semaphore_mem>>) src(%dma_wait3A_249 : memref<40x128xf32, #tpu.memory_space<vmem>>) dst(%dma_wait3A_246 : memref<40x128xf32, #tpu.memory_space<vmem_shared>>)
    %dma_wait3A_250 = arith.constant 0 : i32
    %dma_wait3A_251 = arith.constant 0 : i32
    %dma_wait3A_252 = tpu.memref_slice %arg9[%dma_wait3A_250, %dma_wait3A_251] : memref<40x128xf32, #tpu.memory_space<vmem>> -> memref<40x128xf32, #tpu.memory_space<vmem>>
    %dma_wait3A_253 = arith.constant 0 : i32
    %dma_wait3A_254 = tpu.memref_slice %arg14[%mul3A_2, %dma_wait3A_253] : memref<10016x128xf32, #tpu.memory_space<vmem_shared>> -> memref<40x128xf32, #tpu.memory_space<vmem_shared>>
    %dma_wait3A_255 = arith.constant 0 : i32
    %dma_wait3A_256 = tpu.memref_slice %arg14[%mul3A_2, %dma_wait3A_255] : memref<10016x128xf32, #tpu.memory_space<vmem_shared>> -> memref<40x128xf32, #tpu.memory_space<vmem_shared>>
    %dma_wait3A_257 = arith.constant 0 : i32
    %dma_wait3A_258 = arith.constant 0 : i32
    %dma_wait3A_259 = tpu.memref_slice %arg9[%dma_wait3A_257, %dma_wait3A_258] : memref<40x128xf32, #tpu.memory_space<vmem>> -> memref<40x128xf32, #tpu.memory_space<vmem>>
    tpu.wait_dma2 semaphore(%arg15 : memref<!tpu.dma_semaphore, #tpu.memory_space<semaphore_mem>>) src(%dma_wait3A_259 : memref<40x128xf32, #tpu.memory_space<vmem>>) dst(%dma_wait3A_256 : memref<40x128xf32, #tpu.memory_space<vmem_shared>>)
    %dma_wait3A_260 = arith.constant 0 : i32
    %dma_wait3A_261 = arith.constant 0 : i32
    %dma_wait3A_262 = tpu.memref_slice %arg9[%dma_wait3A_260, %dma_wait3A_261] : memref<40x128xf32, #tpu.memory_space<vmem>> -> memref<40x128xf32, #tpu.memory_space<vmem>>
    %dma_wait3A_263 = arith.constant 0 : i32
    %dma_wait3A_264 = tpu.memref_slice %arg14[%mul3A_2, %dma_wait3A_263] : memref<10016x128xf32, #tpu.memory_space<vmem_shared>> -> memref<40x128xf32, #tpu.memory_space<vmem_shared>>
    %dma_wait3A_265 = arith.constant 0 : i32
    %dma_wait3A_266 = tpu.memref_slice %arg14[%mul3A_2, %dma_wait3A_265] : memref<10016x128xf32, #tpu.memory_space<vmem_shared>> -> memref<40x128xf32, #tpu.memory_space<vmem_shared>>
    %dma_wait3A_267 = arith.constant 0 : i32
    %dma_wait3A_268 = arith.constant 0 : i32
    %dma_wait3A_269 = tpu.memref_slice %arg9[%dma_wait3A_267, %dma_wait3A_268] : memref<40x128xf32, #tpu.memory_space<vmem>> -> memref<40x128xf32, #tpu.memory_space<vmem>>
    tpu.wait_dma2 semaphore(%arg15 : memref<!tpu.dma_semaphore, #tpu.memory_space<semaphore_mem>>) src(%dma_wait3A_269 : memref<40x128xf32, #tpu.memory_space<vmem>>) dst(%dma_wait3A_266 : memref<40x128xf32, #tpu.memory_space<vmem_shared>>)
    %dma_wait3A_270 = arith.constant 0 : i32
    %dma_wait3A_271 = arith.constant 0 : i32
    %dma_wait3A_272 = tpu.memref_slice %arg9[%dma_wait3A_270, %dma_wait3A_271] : memref<40x128xf32, #tpu.memory_space<vmem>> -> memref<40x128xf32, #tpu.memory_space<vmem>>
    %dma_wait3A_273 = arith.constant 0 : i32
    %dma_wait3A_274 = tpu.memref_slice %arg14[%mul3A_2, %dma_wait3A_273] : memref<10016x128xf32, #tpu.memory_space<vmem_shared>> -> memref<40x128xf32, #tpu.memory_space<vmem_shared>>
    %dma_wait3A_275 = arith.constant 0 : i32
    %dma_wait3A_276 = tpu.memref_slice %arg14[%mul3A_2, %dma_wait3A_275] : memref<10016x128xf32, #tpu.memory_space<vmem_shared>> -> memref<40x128xf32, #tpu.memory_space<vmem_shared>>
    %dma_wait3A_277 = arith.constant 0 : i32
    %dma_wait3A_278 = arith.constant 0 : i32
    %dma_wait3A_279 = tpu.memref_slice %arg9[%dma_wait3A_277, %dma_wait3A_278] : memref<40x128xf32, #tpu.memory_space<vmem>> -> memref<40x128xf32, #tpu.memory_space<vmem>>
    tpu.wait_dma2 semaphore(%arg15 : memref<!tpu.dma_semaphore, #tpu.memory_space<semaphore_mem>>) src(%dma_wait3A_279 : memref<40x128xf32, #tpu.memory_space<vmem>>) dst(%dma_wait3A_276 : memref<40x128xf32, #tpu.memory_space<vmem_shared>>)
    %dma_wait3A_280 = arith.constant 0 : i32
    %dma_wait3A_281 = arith.constant 0 : i32
    %dma_wait3A_282 = tpu.memref_slice %arg9[%dma_wait3A_280, %dma_wait3A_281] : memref<40x128xf32, #tpu.memory_space<vmem>> -> memref<40x128xf32, #tpu.memory_space<vmem>>
    %dma_wait3A_283 = arith.constant 0 : i32
    %dma_wait3A_284 = tpu.memref_slice %arg14[%mul3A_2, %dma_wait3A_283] : memref<10016x128xf32, #tpu.memory_space<vmem_shared>> -> memref<40x128xf32, #tpu.memory_space<vmem_shared>>
    %dma_wait3A_285 = arith.constant 0 : i32
    %dma_wait3A_286 = tpu.memref_slice %arg14[%mul3A_2, %dma_wait3A_285] : memref<10016x128xf32, #tpu.memory_space<vmem_shared>> -> memref<40x128xf32, #tpu.memory_space<vmem_shared>>
    %dma_wait3A_287 = arith.constant 0 : i32
    %dma_wait3A_288 = arith.constant 0 : i32
    %dma_wait3A_289 = tpu.memref_slice %arg9[%dma_wait3A_287, %dma_wait3A_288] : memref<40x128xf32, #tpu.memory_space<vmem>> -> memref<40x128xf32, #tpu.memory_space<vmem>>
    tpu.wait_dma2 semaphore(%arg15 : memref<!tpu.dma_semaphore, #tpu.memory_space<semaphore_mem>>) src(%dma_wait3A_289 : memref<40x128xf32, #tpu.memory_space<vmem>>) dst(%dma_wait3A_286 : memref<40x128xf32, #tpu.memory_space<vmem_shared>>)
    %dma_wait3A_290 = arith.constant 0 : i32
    %dma_wait3A_291 = arith.constant 0 : i32
    %dma_wait3A_292 = tpu.memref_slice %arg9[%dma_wait3A_290, %dma_wait3A_291] : memref<40x128xf32, #tpu.memory_space<vmem>> -> memref<40x128xf32, #tpu.memory_space<vmem>>
    %dma_wait3A_293 = arith.constant 0 : i32
    %dma_wait3A_294 = tpu.memref_slice %arg14[%mul3A_2, %dma_wait3A_293] : memref<10016x128xf32, #tpu.memory_space<vmem_shared>> -> memref<40x128xf32, #tpu.memory_space<vmem_shared>>
    %dma_wait3A_295 = arith.constant 0 : i32
    %dma_wait3A_296 = tpu.memref_slice %arg14[%mul3A_2, %dma_wait3A_295] : memref<10016x128xf32, #tpu.memory_space<vmem_shared>> -> memref<40x128xf32, #tpu.memory_space<vmem_shared>>
    %dma_wait3A_297 = arith.constant 0 : i32
    %dma_wait3A_298 = arith.constant 0 : i32
    %dma_wait3A_299 = tpu.memref_slice %arg9[%dma_wait3A_297, %dma_wait3A_298] : memref<40x128xf32, #tpu.memory_space<vmem>> -> memref<40x128xf32, #tpu.memory_space<vmem>>
    tpu.wait_dma2 semaphore(%arg15 : memref<!tpu.dma_semaphore, #tpu.memory_space<semaphore_mem>>) src(%dma_wait3A_299 : memref<40x128xf32, #tpu.memory_space<vmem>>) dst(%dma_wait3A_296 : memref<40x128xf32, #tpu.memory_space<vmem_shared>>)
    %dma_wait3A_300 = arith.constant 0 : i32
    %dma_wait3A_301 = arith.constant 0 : i32
    %dma_wait3A_302 = tpu.memref_slice %arg9[%dma_wait3A_300, %dma_wait3A_301] : memref<40x128xf32, #tpu.memory_space<vmem>> -> memref<40x128xf32, #tpu.memory_space<vmem>>
    %dma_wait3A_303 = arith.constant 0 : i32
    %dma_wait3A_304 = tpu.memref_slice %arg14[%mul3A_2, %dma_wait3A_303] : memref<10016x128xf32, #tpu.memory_space<vmem_shared>> -> memref<40x128xf32, #tpu.memory_space<vmem_shared>>
    %dma_wait3A_305 = arith.constant 0 : i32
    %dma_wait3A_306 = tpu.memref_slice %arg14[%mul3A_2, %dma_wait3A_305] : memref<10016x128xf32, #tpu.memory_space<vmem_shared>> -> memref<40x128xf32, #tpu.memory_space<vmem_shared>>
    %dma_wait3A_307 = arith.constant 0 : i32
    %dma_wait3A_308 = arith.constant 0 : i32
    %dma_wait3A_309 = tpu.memref_slice %arg9[%dma_wait3A_307, %dma_wait3A_308] : memref<40x128xf32, #tpu.memory_space<vmem>> -> memref<40x128xf32, #tpu.memory_space<vmem>>
    tpu.wait_dma2 semaphore(%arg15 : memref<!tpu.dma_semaphore, #tpu.memory_space<semaphore_mem>>) src(%dma_wait3A_309 : memref<40x128xf32, #tpu.memory_space<vmem>>) dst(%dma_wait3A_306 : memref<40x128xf32, #tpu.memory_space<vmem_shared>>)
    %dma_wait3A_310 = arith.constant 0 : i32
    %dma_wait3A_311 = arith.constant 0 : i32
    %dma_wait3A_312 = tpu.memref_slice %arg9[%dma_wait3A_310, %dma_wait3A_311] : memref<40x128xf32, #tpu.memory_space<vmem>> -> memref<40x128xf32, #tpu.memory_space<vmem>>
    %dma_wait3A_313 = arith.constant 0 : i32
    %dma_wait3A_314 = tpu.memref_slice %arg14[%mul3A_2, %dma_wait3A_313] : memref<10016x128xf32, #tpu.memory_space<vmem_shared>> -> memref<40x128xf32, #tpu.memory_space<vmem_shared>>
    %dma_wait3A_315 = arith.constant 0 : i32
    %dma_wait3A_316 = tpu.memref_slice %arg14[%mul3A_2, %dma_wait3A_315] : memref<10016x128xf32, #tpu.memory_space<vmem_shared>> -> memref<40x128xf32, #tpu.memory_space<vmem_shared>>
    %dma_wait3A_317 = arith.constant 0 : i32
    %dma_wait3A_318 = arith.constant 0 : i32
    %dma_wait3A_319 = tpu.memref_slice %arg9[%dma_wait3A_317, %dma_wait3A_318] : memref<40x128xf32, #tpu.memory_space<vmem>> -> memref<40x128xf32, #tpu.memory_space<vmem>>
    tpu.wait_dma2 semaphore(%arg15 : memref<!tpu.dma_semaphore, #tpu.memory_space<semaphore_mem>>) src(%dma_wait3A_319 : memref<40x128xf32, #tpu.memory_space<vmem>>) dst(%dma_wait3A_316 : memref<40x128xf32, #tpu.memory_space<vmem_shared>>)
    %dma_wait3A_320 = arith.constant 0 : i32
    %dma_wait3A_321 = arith.constant 0 : i32
    %dma_wait3A_322 = tpu.memref_slice %arg9[%dma_wait3A_320, %dma_wait3A_321] : memref<40x128xf32, #tpu.memory_space<vmem>> -> memref<40x128xf32, #tpu.memory_space<vmem>>
    %dma_wait3A_323 = arith.constant 0 : i32
    %dma_wait3A_324 = tpu.memref_slice %arg14[%mul3A_2, %dma_wait3A_323] : memref<10016x128xf32, #tpu.memory_space<vmem_shared>> -> memref<40x128xf32, #tpu.memory_space<vmem_shared>>
    %dma_wait3A_325 = arith.constant 0 : i32
    %dma_wait3A_326 = tpu.memref_slice %arg14[%mul3A_2, %dma_wait3A_325] : memref<10016x128xf32, #tpu.memory_space<vmem_shared>> -> memref<40x128xf32, #tpu.memory_space<vmem_shared>>
    %dma_wait3A_327 = arith.constant 0 : i32
    %dma_wait3A_328 = arith.constant 0 : i32
    %dma_wait3A_329 = tpu.memref_slice %arg9[%dma_wait3A_327, %dma_wait3A_328] : memref<40x128xf32, #tpu.memory_space<vmem>> -> memref<40x128xf32, #tpu.memory_space<vmem>>
    tpu.wait_dma2 semaphore(%arg15 : memref<!tpu.dma_semaphore, #tpu.memory_space<semaphore_mem>>) src(%dma_wait3A_329 : memref<40x128xf32, #tpu.memory_space<vmem>>) dst(%dma_wait3A_326 : memref<40x128xf32, #tpu.memory_space<vmem_shared>>)
    %dma_wait3A_330 = arith.constant 0 : i32
    %dma_wait3A_331 = arith.constant 0 : i32
    %dma_wait3A_332 = tpu.memref_slice %arg9[%dma_wait3A_330, %dma_wait3A_331] : memref<40x128xf32, #tpu.memory_space<vmem>> -> memref<40x128xf32, #tpu.memory_space<vmem>>
    %dma_wait3A_333 = arith.constant 0 : i32
    %dma_wait3A_334 = tpu.memref_slice %arg14[%mul3A_2, %dma_wait3A_333] : memref<10016x128xf32, #tpu.memory_space<vmem_shared>> -> memref<40x128xf32, #tpu.memory_space<vmem_shared>>
    %dma_wait3A_335 = arith.constant 0 : i32
    %dma_wait3A_336 = tpu.memref_slice %arg14[%mul3A_2, %dma_wait3A_335] : memref<10016x128xf32, #tpu.memory_space<vmem_shared>> -> memref<40x128xf32, #tpu.memory_space<vmem_shared>>
    %dma_wait3A_337 = arith.constant 0 : i32
    %dma_wait3A_338 = arith.constant 0 : i32
    %dma_wait3A_339 = tpu.memref_slice %arg9[%dma_wait3A_337, %dma_wait3A_338] : memref<40x128xf32, #tpu.memory_space<vmem>> -> memref<40x128xf32, #tpu.memory_space<vmem>>
    tpu.wait_dma2 semaphore(%arg15 : memref<!tpu.dma_semaphore, #tpu.memory_space<semaphore_mem>>) src(%dma_wait3A_339 : memref<40x128xf32, #tpu.memory_space<vmem>>) dst(%dma_wait3A_336 : memref<40x128xf32, #tpu.memory_space<vmem_shared>>)
    %dma_wait3A_340 = arith.constant 0 : i32
    %dma_wait3A_341 = arith.constant 0 : i32
    %dma_wait3A_342 = tpu.memref_slice %arg9[%dma_wait3A_340, %dma_wait3A_341] : memref<40x128xf32, #tpu.memory_space<vmem>> -> memref<40x128xf32, #tpu.memory_space<vmem>>
    %dma_wait3A_343 = arith.constant 0 : i32
    %dma_wait3A_344 = tpu.memref_slice %arg14[%mul3A_2, %dma_wait3A_343] : memref<10016x128xf32, #tpu.memory_space<vmem_shared>> -> memref<40x128xf32, #tpu.memory_space<vmem_shared>>
    %dma_wait3A_345 = arith.constant 0 : i32
    %dma_wait3A_346 = tpu.memref_slice %arg14[%mul3A_2, %dma_wait3A_345] : memref<10016x128xf32, #tpu.memory_space<vmem_shared>> -> memref<40x128xf32, #tpu.memory_space<vmem_shared>>
    %dma_wait3A_347 = arith.constant 0 : i32
    %dma_wait3A_348 = arith.constant 0 : i32
    %dma_wait3A_349 = tpu.memref_slice %arg9[%dma_wait3A_347, %dma_wait3A_348] : memref<40x128xf32, #tpu.memory_space<vmem>> -> memref<40x128xf32, #tpu.memory_space<vmem>>
    tpu.wait_dma2 semaphore(%arg15 : memref<!tpu.dma_semaphore, #tpu.memory_space<semaphore_mem>>) src(%dma_wait3A_349 : memref<40x128xf32, #tpu.memory_space<vmem>>) dst(%dma_wait3A_346 : memref<40x128xf32, #tpu.memory_space<vmem_shared>>)
    %dma_wait3A_350 = arith.constant 0 : i32
    %dma_wait3A_351 = arith.constant 0 : i32
    %dma_wait3A_352 = tpu.memref_slice %arg9[%dma_wait3A_350, %dma_wait3A_351] : memref<40x128xf32, #tpu.memory_space<vmem>> -> memref<24x128xf32, #tpu.memory_space<vmem>>
    %dma_wait3A_353 = arith.constant 0 : i32
    %dma_wait3A_354 = tpu.memref_slice %arg14[%mul3A_2, %dma_wait3A_353] : memref<10016x128xf32, #tpu.memory_space<vmem_shared>> -> memref<24x128xf32, #tpu.memory_space<vmem_shared>>
    %dma_wait3A_355 = arith.constant 0 : i32
    %dma_wait3A_356 = tpu.memref_slice %arg14[%mul3A_2, %dma_wait3A_355] : memref<10016x128xf32, #tpu.memory_space<vmem_shared>> -> memref<24x128xf32, #tpu.memory_space<vmem_shared>>
    %dma_wait3A_357 = arith.constant 0 : i32
    %dma_wait3A_358 = arith.constant 0 : i32
    %dma_wait3A_359 = tpu.memref_slice %arg9[%dma_wait3A_357, %dma_wait3A_358] : memref<40x128xf32, #tpu.memory_space<vmem>> -> memref<24x128xf32, #tpu.memory_space<vmem>>
    tpu.wait_dma2 semaphore(%arg15 : memref<!tpu.dma_semaphore, #tpu.memory_space<semaphore_mem>>) src(%dma_wait3A_359 : memref<24x128xf32, #tpu.memory_space<vmem>>) dst(%dma_wait3A_356 : memref<24x128xf32, #tpu.memory_space<vmem_shared>>)
    %eq3A_360 = arith.constant 15 : i32
    %eq3A_361 = arith.cmpi eq, %arg1, %eq3A_360 : i32
    %convert_element_type3A_362 = arith.extui %eq3A_361 : i1 to i32
    %cond3A_363 = arith.constant 0 : i32
    %cond3A_364 = arith.cmpi ne, %convert_element_type3A_362, %cond3A_363 : i32
    scf.if %cond3A_364 {
      %dma_wait3A_596 = arith.constant 0 : i32
      %dma_wait3A_597 = arith.constant 0 : i32
      %dma_wait3A_598 = tpu.memref_slice %arg9[%dma_wait3A_596, %dma_wait3A_597] : memref<40x128xf32, #tpu.memory_space<vmem>> -> memref<32x128xf32, #tpu.memory_space<vmem>>
      %dma_wait3A_599 = arith.constant 0 : i32
      %dma_wait3A_600 = tpu.memref_slice %arg14[%mul3A_2, %dma_wait3A_599] : memref<10016x128xf32, #tpu.memory_space<vmem_shared>> -> memref<32x128xf32, #tpu.memory_space<vmem_shared>>
      %dma_wait3A_601 = arith.constant 0 : i32
      %dma_wait3A_602 = tpu.memref_slice %arg14[%mul3A_2, %dma_wait3A_601] : memref<10016x128xf32, #tpu.memory_space<vmem_shared>> -> memref<32x128xf32, #tpu.memory_space<vmem_shared>>
      %dma_wait3A_603 = arith.constant 0 : i32
      %dma_wait3A_604 = arith.constant 0 : i32
      %dma_wait3A_605 = tpu.memref_slice %arg9[%dma_wait3A_603, %dma_wait3A_604] : memref<40x128xf32, #tpu.memory_space<vmem>> -> memref<32x128xf32, #tpu.memory_space<vmem>>
      tpu.wait_dma2 semaphore(%arg15 : memref<!tpu.dma_semaphore, #tpu.memory_space<semaphore_mem>>) src(%dma_wait3A_605 : memref<32x128xf32, #tpu.memory_space<vmem>>) dst(%dma_wait3A_602 : memref<32x128xf32, #tpu.memory_space<vmem_shared>>)
    } else {
    }
    %barrier3A = arith.constant 0 : index
    tpu.barrier barrier_id(%barrier3A)
    %mul3A_365 = arith.constant 10000 : i32
    %mul3A_366 = arith.muli %add3A, %mul3A_365 : i32
    %add3A_367 = arith.constant 0 : i32
    %add3A_368 = arith.addi %mul3A_366, %add3A_367 : i32
    %dma_start3A_369 = arith.constant 0 : i32
    %dma_start3A_370 = arith.constant 0 : i32
    %dma_start3A_371 = tpu.memref_slice %arg3[%dma_start3A_369, %dma_start3A_370] : memref<2x320000xi32, #tpu.memory_space<hbm>> -> memref<1x320000xi32, #tpu.memory_space<hbm>>
    %dma_start3A_372 = tpu.memref_squeeze %dma_start3A_371 : memref<1x320000xi32, #tpu.memory_space<hbm>> -> memref<320000xi32, #tpu.memory_space<hbm>>
    %dma_start3A_373 = tpu.memref_slice %dma_start3A_372[%add3A_368] : memref<320000xi32, #tpu.memory_space<hbm>> -> memref<5000xi32, #tpu.memory_space<hbm>>
    %dma_start3A_374 = arith.constant 0 : i32
    %dma_start3A_375 = tpu.memref_slice %arg3[%dma_start3A_369, %dma_start3A_374] : memref<2x320000xi32, #tpu.memory_space<hbm>> -> memref<1x320000xi32, #tpu.memory_space<hbm>>
    %dma_start3A_376 = tpu.memref_squeeze %dma_start3A_375 : memref<1x320000xi32, #tpu.memory_space<hbm>> -> memref<320000xi32, #tpu.memory_space<hbm>>
    %dma_start3A_377 = tpu.memref_slice %dma_start3A_376[%add3A_368] : memref<320000xi32, #tpu.memory_space<hbm>> -> memref<5000xi32, #tpu.memory_space<hbm>>
    tpu.enqueue_dma source(%dma_start3A_377 : memref<5000xi32, #tpu.memory_space<hbm>>) target(%arg5 : memref<5000xi32, #tpu.memory_space<vmem>>) target_semaphore(%arg25 : memref<!tpu.dma_semaphore, #tpu.memory_space<semaphore_mem>>)
    %dma_start3A_378 = arith.constant 1 : i32
    %dma_start3A_379 = arith.constant 0 : i32
    %dma_start3A_380 = tpu.memref_slice %arg3[%dma_start3A_378, %dma_start3A_379] : memref<2x320000xi32, #tpu.memory_space<hbm>> -> memref<1x320000xi32, #tpu.memory_space<hbm>>
    %dma_start3A_381 = tpu.memref_squeeze %dma_start3A_380 : memref<1x320000xi32, #tpu.memory_space<hbm>> -> memref<320000xi32, #tpu.memory_space<hbm>>
    %dma_start3A_382 = tpu.memref_slice %dma_start3A_381[%add3A_368] : memref<320000xi32, #tpu.memory_space<hbm>> -> memref<5000xi32, #tpu.memory_space<hbm>>
    %dma_start3A_383 = arith.constant 0 : i32
    %dma_start3A_384 = tpu.memref_slice %arg3[%dma_start3A_378, %dma_start3A_383] : memref<2x320000xi32, #tpu.memory_space<hbm>> -> memref<1x320000xi32, #tpu.memory_space<hbm>>
    %dma_start3A_385 = tpu.memref_squeeze %dma_start3A_384 : memref<1x320000xi32, #tpu.memory_space<hbm>> -> memref<320000xi32, #tpu.memory_space<hbm>>
    %dma_start3A_386 = tpu.memref_slice %dma_start3A_385[%add3A_368] : memref<320000xi32, #tpu.memory_space<hbm>> -> memref<5000xi32, #tpu.memory_space<hbm>>
    tpu.enqueue_dma source(%dma_start3A_386 : memref<5000xi32, #tpu.memory_space<hbm>>) target(%arg7 : memref<5000xi32, #tpu.memory_space<vmem>>) target_semaphore(%arg25 : memref<!tpu.dma_semaphore, #tpu.memory_space<semaphore_mem>>)
    %dma_wait3A_387 = arith.constant 0 : i32
    %dma_wait3A_388 = arith.constant 0 : i32
    %dma_wait3A_389 = tpu.memref_slice %arg3[%dma_wait3A_387, %dma_wait3A_388] : memref<2x320000xi32, #tpu.memory_space<hbm>> -> memref<1x320000xi32, #tpu.memory_space<hbm>>
    %dma_wait3A_390 = tpu.memref_squeeze %dma_wait3A_389 : memref<1x320000xi32, #tpu.memory_space<hbm>> -> memref<320000xi32, #tpu.memory_space<hbm>>
    %dma_wait3A_391 = arith.constant 0 : i32
    %dma_wait3A_392 = tpu.memref_slice %dma_wait3A_390[%dma_wait3A_391] : memref<320000xi32, #tpu.memory_space<hbm>> -> memref<5000xi32, #tpu.memory_space<hbm>>
    %dma_wait3A_393 = arith.constant 0 : i32
    %dma_wait3A_394 = tpu.memref_slice %arg3[%dma_wait3A_387, %dma_wait3A_393] : memref<2x320000xi32, #tpu.memory_space<hbm>> -> memref<1x320000xi32, #tpu.memory_space<hbm>>
    %dma_wait3A_395 = tpu.memref_squeeze %dma_wait3A_394 : memref<1x320000xi32, #tpu.memory_space<hbm>> -> memref<320000xi32, #tpu.memory_space<hbm>>
    %dma_wait3A_396 = arith.constant 0 : i32
    %dma_wait3A_397 = tpu.memref_slice %dma_wait3A_395[%dma_wait3A_396] : memref<320000xi32, #tpu.memory_space<hbm>> -> memref<5000xi32, #tpu.memory_space<hbm>>
    tpu.wait_dma2 semaphore(%arg25 : memref<!tpu.dma_semaphore, #tpu.memory_space<semaphore_mem>>) src(%dma_wait3A_397 : memref<5000xi32, #tpu.memory_space<hbm>>) dst(%arg5 : memref<5000xi32, #tpu.memory_space<vmem>>)
    %dma_wait3A_398 = arith.constant 1 : i32
    %dma_wait3A_399 = arith.constant 0 : i32
    %dma_wait3A_400 = tpu.memref_slice %arg3[%dma_wait3A_398, %dma_wait3A_399] : memref<2x320000xi32, #tpu.memory_space<hbm>> -> memref<1x320000xi32, #tpu.memory_space<hbm>>
    %dma_wait3A_401 = tpu.memref_squeeze %dma_wait3A_400 : memref<1x320000xi32, #tpu.memory_space<hbm>> -> memref<320000xi32, #tpu.memory_space<hbm>>
    %dma_wait3A_402 = arith.constant 0 : i32
    %dma_wait3A_403 = tpu.memref_slice %dma_wait3A_401[%dma_wait3A_402] : memref<320000xi32, #tpu.memory_space<hbm>> -> memref<5000xi32, #tpu.memory_space<hbm>>
    %dma_wait3A_404 = arith.constant 0 : i32
    %dma_wait3A_405 = tpu.memref_slice %arg3[%dma_wait3A_398, %dma_wait3A_404] : memref<2x320000xi32, #tpu.memory_space<hbm>> -> memref<1x320000xi32, #tpu.memory_space<hbm>>
    %dma_wait3A_406 = tpu.memref_squeeze %dma_wait3A_405 : memref<1x320000xi32, #tpu.memory_space<hbm>> -> memref<320000xi32, #tpu.memory_space<hbm>>
    %dma_wait3A_407 = arith.constant 0 : i32
    %dma_wait3A_408 = tpu.memref_slice %dma_wait3A_406[%dma_wait3A_407] : memref<320000xi32, #tpu.memory_space<hbm>> -> memref<5000xi32, #tpu.memory_space<hbm>>
    tpu.wait_dma2 semaphore(%arg25 : memref<!tpu.dma_semaphore, #tpu.memory_space<semaphore_mem>>) src(%dma_wait3A_408 : memref<5000xi32, #tpu.memory_space<hbm>>) dst(%arg7 : memref<5000xi32, #tpu.memory_space<vmem>>)
    %dma_start3A_409 = arith.constant 0 : i32
    %dma_start3A_410 = tpu.memref_slice %arg5[%dma_start3A_409] : memref<5000xi32, #tpu.memory_space<vmem>> -> memref<40xi32, #tpu.memory_space<vmem>>
    %dma_start3A_411 = arith.constant 0 : i32
    %dma_start3A_412 = arith.constant 0 : i32
    %dma_start3A_413 = tpu.memref_slice %arg2[%dma_start3A_411, %dma_start3A_412] : memref<10000x128xf32, #tpu.memory_space<hbm>> -> memref<10000x128xf32, #tpu.memory_space<hbm>>
    tpu.enqueue_indirect_dma source(%dma_start3A_413 : memref<10000x128xf32, #tpu.memory_space<hbm>>) target(%arg9 : memref<40x128xf32, #tpu.memory_space<vmem>>) offsets(%dma_start3A_410 : memref<40xi32, #tpu.memory_space<vmem>>) semaphore(%arg15 : memref<!tpu.dma_semaphore, #tpu.memory_space<semaphore_mem>>)
    %dma_start3A_414 = arith.constant 40 : i32
    %dma_start3A_415 = tpu.memref_slice %arg5[%dma_start3A_414] : memref<5000xi32, #tpu.memory_space<vmem>> -> memref<40xi32, #tpu.memory_space<vmem>>
    %dma_start3A_416 = arith.constant 0 : i32
    %dma_start3A_417 = arith.constant 0 : i32
    %dma_start3A_418 = tpu.memref_slice %arg2[%dma_start3A_416, %dma_start3A_417] : memref<10000x128xf32, #tpu.memory_space<hbm>> -> memref<10000x128xf32, #tpu.memory_space<hbm>>
    tpu.enqueue_indirect_dma source(%dma_start3A_418 : memref<10000x128xf32, #tpu.memory_space<hbm>>) target(%arg10 : memref<40x128xf32, #tpu.memory_space<vmem>>) offsets(%dma_start3A_415 : memref<40xi32, #tpu.memory_space<vmem>>) semaphore(%arg16 : memref<!tpu.dma_semaphore, #tpu.memory_space<semaphore_mem>>)
    %dma_start3A_419 = arith.constant 80 : i32
    %dma_start3A_420 = tpu.memref_slice %arg5[%dma_start3A_419] : memref<5000xi32, #tpu.memory_space<vmem>> -> memref<40xi32, #tpu.memory_space<vmem>>
    %dma_start3A_421 = arith.constant 0 : i32
    %dma_start3A_422 = arith.constant 0 : i32
    %dma_start3A_423 = tpu.memref_slice %arg2[%dma_start3A_421, %dma_start3A_422] : memref<10000x128xf32, #tpu.memory_space<hbm>> -> memref<10000x128xf32, #tpu.memory_space<hbm>>
    tpu.enqueue_indirect_dma source(%dma_start3A_423 : memref<10000x128xf32, #tpu.memory_space<hbm>>) target(%arg11 : memref<40x128xf32, #tpu.memory_space<vmem>>) offsets(%dma_start3A_420 : memref<40xi32, #tpu.memory_space<vmem>>) semaphore(%arg17 : memref<!tpu.dma_semaphore, #tpu.memory_space<semaphore_mem>>)
    %dma_start3A_424 = arith.constant 120 : i32
    %dma_start3A_425 = tpu.memref_slice %arg5[%dma_start3A_424] : memref<5000xi32, #tpu.memory_space<vmem>> -> memref<40xi32, #tpu.memory_space<vmem>>
    %dma_start3A_426 = arith.constant 0 : i32
    %dma_start3A_427 = arith.constant 0 : i32
    %dma_start3A_428 = tpu.memref_slice %arg2[%dma_start3A_426, %dma_start3A_427] : memref<10000x128xf32, #tpu.memory_space<hbm>> -> memref<10000x128xf32, #tpu.memory_space<hbm>>
    tpu.enqueue_indirect_dma source(%dma_start3A_428 : memref<10000x128xf32, #tpu.memory_space<hbm>>) target(%arg12 : memref<40x128xf32, #tpu.memory_space<vmem>>) offsets(%dma_start3A_425 : memref<40xi32, #tpu.memory_space<vmem>>) semaphore(%arg18 : memref<!tpu.dma_semaphore, #tpu.memory_space<semaphore_mem>>)
    %dma_start3A_429 = arith.constant 160 : i32
    %dma_start3A_430 = tpu.memref_slice %arg5[%dma_start3A_429] : memref<5000xi32, #tpu.memory_space<vmem>> -> memref<40xi32, #tpu.memory_space<vmem>>
    %dma_start3A_431 = arith.constant 0 : i32
    %dma_start3A_432 = arith.constant 0 : i32
    %dma_start3A_433 = tpu.memref_slice %arg2[%dma_start3A_431, %dma_start3A_432] : memref<10000x128xf32, #tpu.memory_space<hbm>> -> memref<10000x128xf32, #tpu.memory_space<hbm>>
    tpu.enqueue_indirect_dma source(%dma_start3A_433 : memref<10000x128xf32, #tpu.memory_space<hbm>>) target(%arg13 : memref<40x128xf32, #tpu.memory_space<vmem>>) offsets(%dma_start3A_430 : memref<40xi32, #tpu.memory_space<vmem>>) semaphore(%arg19 : memref<!tpu.dma_semaphore, #tpu.memory_space<semaphore_mem>>)
    %mul3A_434 = arith.constant 10000 : i32
    %mul3A_435 = arith.muli %add3A, %mul3A_434 : i32
    %add3A_436 = arith.constant 5000 : i32
    %add3A_437 = arith.addi %mul3A_435, %add3A_436 : i32
    %dma_start3A_438 = arith.constant 0 : i32
    %dma_start3A_439 = arith.constant 0 : i32
    %dma_start3A_440 = tpu.memref_slice %arg3[%dma_start3A_438, %dma_start3A_439] : memref<2x320000xi32, #tpu.memory_space<hbm>> -> memref<1x320000xi32, #tpu.memory_space<hbm>>
    %dma_start3A_441 = tpu.memref_squeeze %dma_start3A_440 : memref<1x320000xi32, #tpu.memory_space<hbm>> -> memref<320000xi32, #tpu.memory_space<hbm>>
    %dma_start3A_442 = tpu.memref_slice %dma_start3A_441[%add3A_437] : memref<320000xi32, #tpu.memory_space<hbm>> -> memref<5000xi32, #tpu.memory_space<hbm>>
    %dma_start3A_443 = arith.constant 0 : i32
    %dma_start3A_444 = tpu.memref_slice %arg3[%dma_start3A_438, %dma_start3A_443] : memref<2x320000xi32, #tpu.memory_space<hbm>> -> memref<1x320000xi32, #tpu.memory_space<hbm>>
    %dma_start3A_445 = tpu.memref_squeeze %dma_start3A_444 : memref<1x320000xi32, #tpu.memory_space<hbm>> -> memref<320000xi32, #tpu.memory_space<hbm>>
    %dma_start3A_446 = tpu.memref_slice %dma_start3A_445[%add3A_437] : memref<320000xi32, #tpu.memory_space<hbm>> -> memref<5000xi32, #tpu.memory_space<hbm>>
    tpu.enqueue_dma source(%dma_start3A_446 : memref<5000xi32, #tpu.memory_space<hbm>>) target(%arg6 : memref<5000xi32, #tpu.memory_space<vmem>>) target_semaphore(%arg26 : memref<!tpu.dma_semaphore, #tpu.memory_space<semaphore_mem>>)
    %dma_start3A_447 = arith.constant 1 : i32
    %dma_start3A_448 = arith.constant 0 : i32
    %dma_start3A_449 = tpu.memref_slice %arg3[%dma_start3A_447, %dma_start3A_448] : memref<2x320000xi32, #tpu.memory_space<hbm>> -> memref<1x320000xi32, #tpu.memory_space<hbm>>
    %dma_start3A_450 = tpu.memref_squeeze %dma_start3A_449 : memref<1x320000xi32, #tpu.memory_space<hbm>> -> memref<320000xi32, #tpu.memory_space<hbm>>
    %dma_start3A_451 = tpu.memref_slice %dma_start3A_450[%add3A_437] : memref<320000xi32, #tpu.memory_space<hbm>> -> memref<5000xi32, #tpu.memory_space<hbm>>
    %dma_start3A_452 = arith.constant 0 : i32
    %dma_start3A_453 = tpu.memref_slice %arg3[%dma_start3A_447, %dma_start3A_452] : memref<2x320000xi32, #tpu.memory_space<hbm>> -> memref<1x320000xi32, #tpu.memory_space<hbm>>
    %dma_start3A_454 = tpu.memref_squeeze %dma_start3A_453 : memref<1x320000xi32, #tpu.memory_space<hbm>> -> memref<320000xi32, #tpu.memory_space<hbm>>
    %dma_start3A_455 = tpu.memref_slice %dma_start3A_454[%add3A_437] : memref<320000xi32, #tpu.memory_space<hbm>> -> memref<5000xi32, #tpu.memory_space<hbm>>
    tpu.enqueue_dma source(%dma_start3A_455 : memref<5000xi32, #tpu.memory_space<hbm>>) target(%arg8 : memref<5000xi32, #tpu.memory_space<vmem>>) target_semaphore(%arg26 : memref<!tpu.dma_semaphore, #tpu.memory_space<semaphore_mem>>)
    %scan3A_456 = arith.constant 0 : i32
    %scan3A_457 = arith.constant 0 : i32
    %scan3A_458 = arith.constant 25 : i32
    %scan3A_459 = arith.addi %scan3A_457, %scan3A_458 : i32
    %scan3A_460 = arith.constant 1 : i32
    scf.for %scan3A_596 = %scan3A_457 to %scan3A_459 step %scan3A_460  : i32 {
      %mul3A_597 = arith.constant 5 : i32
      %mul3A_598 = arith.muli %scan3A_596, %mul3A_597 : i32
      %dma_wait3A_599 = arith.constant 0 : i32
      %dma_wait3A_600 = tpu.memref_slice %arg5[%dma_wait3A_599] : memref<5000xi32, #tpu.memory_space<vmem>> -> memref<40xi32, #tpu.memory_space<vmem>>
      %dma_wait3A_601 = arith.constant 0 : i32
      %dma_wait3A_602 = arith.constant 0 : i32
      %dma_wait3A_603 = tpu.memref_slice %arg2[%dma_wait3A_601, %dma_wait3A_602] : memref<10000x128xf32, #tpu.memory_space<hbm>> -> memref<10000x128xf32, #tpu.memory_space<hbm>>
      tpu.wait_indirect_dma semaphore(%arg15 : memref<!tpu.dma_semaphore, #tpu.memory_space<semaphore_mem>>) src(%dma_wait3A_603 : memref<10000x128xf32, #tpu.memory_space<hbm>>) dst(%arg9 : memref<40x128xf32, #tpu.memory_space<vmem>>)
      %add3A_604 = arith.constant 0 : i32
      %add3A_605 = arith.addi %mul3A_598, %add3A_604 : i32
      %mul3A_606 = arith.constant 40 : i32
      %mul3A_607 = arith.muli %add3A_605, %mul3A_606 : i32
      %dma_start3A_608 = tpu.memref_slice %arg7[%mul3A_607] : memref<5000xi32, #tpu.memory_space<vmem>> -> memref<40xi32, #tpu.memory_space<vmem>>
      %dma_start3A_609 = arith.constant 0 : i32
      %dma_start3A_610 = arith.constant 0 : i32
      %dma_start3A_611 = tpu.memref_slice %arg14[%dma_start3A_609, %dma_start3A_610] : memref<10016x128xf32, #tpu.memory_space<vmem_shared>> -> memref<10016x128xf32, #tpu.memory_space<vmem_shared>>
      tpu.enqueue_indirect_dma source(%arg9 : memref<40x128xf32, #tpu.memory_space<vmem>>) target(%dma_start3A_611 : memref<10016x128xf32, #tpu.memory_space<vmem_shared>>) offsets(%dma_start3A_608 : memref<40xi32, #tpu.memory_space<vmem>>) semaphore(%arg20 : memref<!tpu.dma_semaphore, #tpu.memory_space<semaphore_mem>>) {add = true}
      %dma_wait3A_612 = arith.constant 0 : i32
      %dma_wait3A_613 = tpu.memref_slice %arg5[%dma_wait3A_612] : memref<5000xi32, #tpu.memory_space<vmem>> -> memref<40xi32, #tpu.memory_space<vmem>>
      %dma_wait3A_614 = arith.constant 0 : i32
      %dma_wait3A_615 = arith.constant 0 : i32
      %dma_wait3A_616 = tpu.memref_slice %arg2[%dma_wait3A_614, %dma_wait3A_615] : memref<10000x128xf32, #tpu.memory_space<hbm>> -> memref<10000x128xf32, #tpu.memory_space<hbm>>
      tpu.wait_indirect_dma semaphore(%arg16 : memref<!tpu.dma_semaphore, #tpu.memory_space<semaphore_mem>>) src(%dma_wait3A_616 : memref<10000x128xf32, #tpu.memory_space<hbm>>) dst(%arg10 : memref<40x128xf32, #tpu.memory_space<vmem>>)
      %add3A_617 = arith.constant 1 : i32
      %add3A_618 = arith.addi %mul3A_598, %add3A_617 : i32
      %mul3A_619 = arith.constant 40 : i32
      %mul3A_620 = arith.muli %add3A_618, %mul3A_619 : i32
      %dma_start3A_621 = tpu.memref_slice %arg7[%mul3A_620] : memref<5000xi32, #tpu.memory_space<vmem>> -> memref<40xi32, #tpu.memory_space<vmem>>
      %dma_start3A_622 = arith.constant 0 : i32
      %dma_start3A_623 = arith.constant 0 : i32
      %dma_start3A_624 = tpu.memref_slice %arg14[%dma_start3A_622, %dma_start3A_623] : memref<10016x128xf32, #tpu.memory_space<vmem_shared>> -> memref<10016x128xf32, #tpu.memory_space<vmem_shared>>
      tpu.enqueue_indirect_dma source(%arg10 : memref<40x128xf32, #tpu.memory_space<vmem>>) target(%dma_start3A_624 : memref<10016x128xf32, #tpu.memory_space<vmem_shared>>) offsets(%dma_start3A_621 : memref<40xi32, #tpu.memory_space<vmem>>) semaphore(%arg21 : memref<!tpu.dma_semaphore, #tpu.memory_space<semaphore_mem>>) {add = true}
      %dma_wait3A_625 = arith.constant 0 : i32
      %dma_wait3A_626 = tpu.memref_slice %arg5[%dma_wait3A_625] : memref<5000xi32, #tpu.memory_space<vmem>> -> memref<40xi32, #tpu.memory_space<vmem>>
      %dma_wait3A_627 = arith.constant 0 : i32
      %dma_wait3A_628 = arith.constant 0 : i32
      %dma_wait3A_629 = tpu.memref_slice %arg2[%dma_wait3A_627, %dma_wait3A_628] : memref<10000x128xf32, #tpu.memory_space<hbm>> -> memref<10000x128xf32, #tpu.memory_space<hbm>>
      tpu.wait_indirect_dma semaphore(%arg17 : memref<!tpu.dma_semaphore, #tpu.memory_space<semaphore_mem>>) src(%dma_wait3A_629 : memref<10000x128xf32, #tpu.memory_space<hbm>>) dst(%arg11 : memref<40x128xf32, #tpu.memory_space<vmem>>)
      %add3A_630 = arith.constant 2 : i32
      %add3A_631 = arith.addi %mul3A_598, %add3A_630 : i32
      %mul3A_632 = arith.constant 40 : i32
      %mul3A_633 = arith.muli %add3A_631, %mul3A_632 : i32
      %dma_start3A_634 = tpu.memref_slice %arg7[%mul3A_633] : memref<5000xi32, #tpu.memory_space<vmem>> -> memref<40xi32, #tpu.memory_space<vmem>>
      %dma_start3A_635 = arith.constant 0 : i32
      %dma_start3A_636 = arith.constant 0 : i32
      %dma_start3A_637 = tpu.memref_slice %arg14[%dma_start3A_635, %dma_start3A_636] : memref<10016x128xf32, #tpu.memory_space<vmem_shared>> -> memref<10016x128xf32, #tpu.memory_space<vmem_shared>>
      tpu.enqueue_indirect_dma source(%arg11 : memref<40x128xf32, #tpu.memory_space<vmem>>) target(%dma_start3A_637 : memref<10016x128xf32, #tpu.memory_space<vmem_shared>>) offsets(%dma_start3A_634 : memref<40xi32, #tpu.memory_space<vmem>>) semaphore(%arg22 : memref<!tpu.dma_semaphore, #tpu.memory_space<semaphore_mem>>) {add = true}
      %dma_wait3A_638 = arith.constant 0 : i32
      %dma_wait3A_639 = tpu.memref_slice %arg5[%dma_wait3A_638] : memref<5000xi32, #tpu.memory_space<vmem>> -> memref<40xi32, #tpu.memory_space<vmem>>
      %dma_wait3A_640 = arith.constant 0 : i32
      %dma_wait3A_641 = arith.constant 0 : i32
      %dma_wait3A_642 = tpu.memref_slice %arg2[%dma_wait3A_640, %dma_wait3A_641] : memref<10000x128xf32, #tpu.memory_space<hbm>> -> memref<10000x128xf32, #tpu.memory_space<hbm>>
      tpu.wait_indirect_dma semaphore(%arg18 : memref<!tpu.dma_semaphore, #tpu.memory_space<semaphore_mem>>) src(%dma_wait3A_642 : memref<10000x128xf32, #tpu.memory_space<hbm>>) dst(%arg12 : memref<40x128xf32, #tpu.memory_space<vmem>>)
      %add3A_643 = arith.constant 3 : i32
      %add3A_644 = arith.addi %mul3A_598, %add3A_643 : i32
      %mul3A_645 = arith.constant 40 : i32
      %mul3A_646 = arith.muli %add3A_644, %mul3A_645 : i32
      %dma_start3A_647 = tpu.memref_slice %arg7[%mul3A_646] : memref<5000xi32, #tpu.memory_space<vmem>> -> memref<40xi32, #tpu.memory_space<vmem>>
      %dma_start3A_648 = arith.constant 0 : i32
      %dma_start3A_649 = arith.constant 0 : i32
      %dma_start3A_650 = tpu.memref_slice %arg14[%dma_start3A_648, %dma_start3A_649] : memref<10016x128xf32, #tpu.memory_space<vmem_shared>> -> memref<10016x128xf32, #tpu.memory_space<vmem_shared>>
      tpu.enqueue_indirect_dma source(%arg12 : memref<40x128xf32, #tpu.memory_space<vmem>>) target(%dma_start3A_650 : memref<10016x128xf32, #tpu.memory_space<vmem_shared>>) offsets(%dma_start3A_647 : memref<40xi32, #tpu.memory_space<vmem>>) semaphore(%arg23 : memref<!tpu.dma_semaphore, #tpu.memory_space<semaphore_mem>>) {add = true}
      %dma_wait3A_651 = arith.constant 0 : i32
      %dma_wait3A_652 = tpu.memref_slice %arg5[%dma_wait3A_651] : memref<5000xi32, #tpu.memory_space<vmem>> -> memref<40xi32, #tpu.memory_space<vmem>>
      %dma_wait3A_653 = arith.constant 0 : i32
      %dma_wait3A_654 = arith.constant 0 : i32
      %dma_wait3A_655 = tpu.memref_slice %arg2[%dma_wait3A_653, %dma_wait3A_654] : memref<10000x128xf32, #tpu.memory_space<hbm>> -> memref<10000x128xf32, #tpu.memory_space<hbm>>
      tpu.wait_indirect_dma semaphore(%arg19 : memref<!tpu.dma_semaphore, #tpu.memory_space<semaphore_mem>>) src(%dma_wait3A_655 : memref<10000x128xf32, #tpu.memory_space<hbm>>) dst(%arg13 : memref<40x128xf32, #tpu.memory_space<vmem>>)
      %add3A_656 = arith.constant 4 : i32
      %add3A_657 = arith.addi %mul3A_598, %add3A_656 : i32
      %mul3A_658 = arith.constant 40 : i32
      %mul3A_659 = arith.muli %add3A_657, %mul3A_658 : i32
      %dma_start3A_660 = tpu.memref_slice %arg7[%mul3A_659] : memref<5000xi32, #tpu.memory_space<vmem>> -> memref<40xi32, #tpu.memory_space<vmem>>
      %dma_start3A_661 = arith.constant 0 : i32
      %dma_start3A_662 = arith.constant 0 : i32
      %dma_start3A_663 = tpu.memref_slice %arg14[%dma_start3A_661, %dma_start3A_662] : memref<10016x128xf32, #tpu.memory_space<vmem_shared>> -> memref<10016x128xf32, #tpu.memory_space<vmem_shared>>
      tpu.enqueue_indirect_dma source(%arg13 : memref<40x128xf32, #tpu.memory_space<vmem>>) target(%dma_start3A_663 : memref<10016x128xf32, #tpu.memory_space<vmem_shared>>) offsets(%dma_start3A_660 : memref<40xi32, #tpu.memory_space<vmem>>) semaphore(%arg24 : memref<!tpu.dma_semaphore, #tpu.memory_space<semaphore_mem>>) {add = true}
      %lt3A_664 = arith.constant 24 : i32
      %lt3A_665 = arith.cmpi slt, %scan3A_596, %lt3A_664 : i32
      %convert_element_type3A_666 = arith.extui %lt3A_665 : i1 to i32
      %cond3A_667 = arith.constant 0 : i32
      %cond3A_668 = arith.cmpi ne, %convert_element_type3A_666, %cond3A_667 : i32
      scf.if %cond3A_668 {
        %dma_wait3A_689 = arith.constant 0 : i32
        %dma_wait3A_690 = tpu.memref_slice %arg7[%dma_wait3A_689] : memref<5000xi32, #tpu.memory_space<vmem>> -> memref<40xi32, #tpu.memory_space<vmem>>
        %dma_wait3A_691 = arith.constant 0 : i32
        %dma_wait3A_692 = arith.constant 0 : i32
        %dma_wait3A_693 = tpu.memref_slice %arg14[%dma_wait3A_691, %dma_wait3A_692] : memref<10016x128xf32, #tpu.memory_space<vmem_shared>> -> memref<10016x128xf32, #tpu.memory_space<vmem_shared>>
        tpu.wait_indirect_dma semaphore(%arg20 : memref<!tpu.dma_semaphore, #tpu.memory_space<semaphore_mem>>) src(%arg9 : memref<40x128xf32, #tpu.memory_space<vmem>>) dst(%dma_wait3A_693 : memref<10016x128xf32, #tpu.memory_space<vmem_shared>>)
        %add3A_694 = arith.constant 5 : i32
        %add3A_695 = arith.addi %mul3A_598, %add3A_694 : i32
        %add3A_696 = arith.constant 0 : i32
        %add3A_697 = arith.addi %add3A_695, %add3A_696 : i32
        %mul3A_698 = arith.constant 40 : i32
        %mul3A_699 = arith.muli %add3A_697, %mul3A_698 : i32
        %dma_start3A_700 = tpu.memref_slice %arg5[%mul3A_699] : memref<5000xi32, #tpu.memory_space<vmem>> -> memref<40xi32, #tpu.memory_space<vmem>>
        %dma_start3A_701 = arith.constant 0 : i32
        %dma_start3A_702 = arith.constant 0 : i32
        %dma_start3A_703 = tpu.memref_slice %arg2[%dma_start3A_701, %dma_start3A_702] : memref<10000x128xf32, #tpu.memory_space<hbm>> -> memref<10000x128xf32, #tpu.memory_space<hbm>>
        tpu.enqueue_indirect_dma source(%dma_start3A_703 : memref<10000x128xf32, #tpu.memory_space<hbm>>) target(%arg9 : memref<40x128xf32, #tpu.memory_space<vmem>>) offsets(%dma_start3A_700 : memref<40xi32, #tpu.memory_space<vmem>>) semaphore(%arg15 : memref<!tpu.dma_semaphore, #tpu.memory_space<semaphore_mem>>)
      } else {
      }
      %lt3A_669 = arith.constant 24 : i32
      %lt3A_670 = arith.cmpi slt, %scan3A_596, %lt3A_669 : i32
      %convert_element_type3A_671 = arith.extui %lt3A_670 : i1 to i32
      %cond3A_672 = arith.constant 0 : i32
      %cond3A_673 = arith.cmpi ne, %convert_element_type3A_671, %cond3A_672 : i32
      scf.if %cond3A_673 {
        %dma_wait3A_689 = arith.constant 0 : i32
        %dma_wait3A_690 = tpu.memref_slice %arg7[%dma_wait3A_689] : memref<5000xi32, #tpu.memory_space<vmem>> -> memref<40xi32, #tpu.memory_space<vmem>>
        %dma_wait3A_691 = arith.constant 0 : i32
        %dma_wait3A_692 = arith.constant 0 : i32
        %dma_wait3A_693 = tpu.memref_slice %arg14[%dma_wait3A_691, %dma_wait3A_692] : memref<10016x128xf32, #tpu.memory_space<vmem_shared>> -> memref<10016x128xf32, #tpu.memory_space<vmem_shared>>
        tpu.wait_indirect_dma semaphore(%arg21 : memref<!tpu.dma_semaphore, #tpu.memory_space<semaphore_mem>>) src(%arg10 : memref<40x128xf32, #tpu.memory_space<vmem>>) dst(%dma_wait3A_693 : memref<10016x128xf32, #tpu.memory_space<vmem_shared>>)
        %add3A_694 = arith.constant 5 : i32
        %add3A_695 = arith.addi %mul3A_598, %add3A_694 : i32
        %add3A_696 = arith.constant 1 : i32
        %add3A_697 = arith.addi %add3A_695, %add3A_696 : i32
        %mul3A_698 = arith.constant 40 : i32
        %mul3A_699 = arith.muli %add3A_697, %mul3A_698 : i32
        %dma_start3A_700 = tpu.memref_slice %arg5[%mul3A_699] : memref<5000xi32, #tpu.memory_space<vmem>> -> memref<40xi32, #tpu.memory_space<vmem>>
        %dma_start3A_701 = arith.constant 0 : i32
        %dma_start3A_702 = arith.constant 0 : i32
        %dma_start3A_703 = tpu.memref_slice %arg2[%dma_start3A_701, %dma_start3A_702] : memref<10000x128xf32, #tpu.memory_space<hbm>> -> memref<10000x128xf32, #tpu.memory_space<hbm>>
        tpu.enqueue_indirect_dma source(%dma_start3A_703 : memref<10000x128xf32, #tpu.memory_space<hbm>>) target(%arg10 : memref<40x128xf32, #tpu.memory_space<vmem>>) offsets(%dma_start3A_700 : memref<40xi32, #tpu.memory_space<vmem>>) semaphore(%arg16 : memref<!tpu.dma_semaphore, #tpu.memory_space<semaphore_mem>>)
      } else {
      }
      %lt3A_674 = arith.constant 24 : i32
      %lt3A_675 = arith.cmpi slt, %scan3A_596, %lt3A_674 : i32
      %convert_element_type3A_676 = arith.extui %lt3A_675 : i1 to i32
      %cond3A_677 = arith.constant 0 : i32
      %cond3A_678 = arith.cmpi ne, %convert_element_type3A_676, %cond3A_677 : i32
      scf.if %cond3A_678 {
        %dma_wait3A_689 = arith.constant 0 : i32
        %dma_wait3A_690 = tpu.memref_slice %arg7[%dma_wait3A_689] : memref<5000xi32, #tpu.memory_space<vmem>> -> memref<40xi32, #tpu.memory_space<vmem>>
        %dma_wait3A_691 = arith.constant 0 : i32
        %dma_wait3A_692 = arith.constant 0 : i32
        %dma_wait3A_693 = tpu.memref_slice %arg14[%dma_wait3A_691, %dma_wait3A_692] : memref<10016x128xf32, #tpu.memory_space<vmem_shared>> -> memref<10016x128xf32, #tpu.memory_space<vmem_shared>>
        tpu.wait_indirect_dma semaphore(%arg22 : memref<!tpu.dma_semaphore, #tpu.memory_space<semaphore_mem>>) src(%arg11 : memref<40x128xf32, #tpu.memory_space<vmem>>) dst(%dma_wait3A_693 : memref<10016x128xf32, #tpu.memory_space<vmem_shared>>)
        %add3A_694 = arith.constant 5 : i32
        %add3A_695 = arith.addi %mul3A_598, %add3A_694 : i32
        %add3A_696 = arith.constant 2 : i32
        %add3A_697 = arith.addi %add3A_695, %add3A_696 : i32
        %mul3A_698 = arith.constant 40 : i32
        %mul3A_699 = arith.muli %add3A_697, %mul3A_698 : i32
        %dma_start3A_700 = tpu.memref_slice %arg5[%mul3A_699] : memref<5000xi32, #tpu.memory_space<vmem>> -> memref<40xi32, #tpu.memory_space<vmem>>
        %dma_start3A_701 = arith.constant 0 : i32
        %dma_start3A_702 = arith.constant 0 : i32
        %dma_start3A_703 = tpu.memref_slice %arg2[%dma_start3A_701, %dma_start3A_702] : memref<10000x128xf32, #tpu.memory_space<hbm>> -> memref<10000x128xf32, #tpu.memory_space<hbm>>
        tpu.enqueue_indirect_dma source(%dma_start3A_703 : memref<10000x128xf32, #tpu.memory_space<hbm>>) target(%arg11 : memref<40x128xf32, #tpu.memory_space<vmem>>) offsets(%dma_start3A_700 : memref<40xi32, #tpu.memory_space<vmem>>) semaphore(%arg17 : memref<!tpu.dma_semaphore, #tpu.memory_space<semaphore_mem>>)
      } else {
      }
      %lt3A_679 = arith.constant 24 : i32
      %lt3A_680 = arith.cmpi slt, %scan3A_596, %lt3A_679 : i32
      %convert_element_type3A_681 = arith.extui %lt3A_680 : i1 to i32
      %cond3A_682 = arith.constant 0 : i32
      %cond3A_683 = arith.cmpi ne, %convert_element_type3A_681, %cond3A_682 : i32
      scf.if %cond3A_683 {
        %dma_wait3A_689 = arith.constant 0 : i32
        %dma_wait3A_690 = tpu.memref_slice %arg7[%dma_wait3A_689] : memref<5000xi32, #tpu.memory_space<vmem>> -> memref<40xi32, #tpu.memory_space<vmem>>
        %dma_wait3A_691 = arith.constant 0 : i32
        %dma_wait3A_692 = arith.constant 0 : i32
        %dma_wait3A_693 = tpu.memref_slice %arg14[%dma_wait3A_691, %dma_wait3A_692] : memref<10016x128xf32, #tpu.memory_space<vmem_shared>> -> memref<10016x128xf32, #tpu.memory_space<vmem_shared>>
        tpu.wait_indirect_dma semaphore(%arg23 : memref<!tpu.dma_semaphore, #tpu.memory_space<semaphore_mem>>) src(%arg12 : memref<40x128xf32, #tpu.memory_space<vmem>>) dst(%dma_wait3A_693 : memref<10016x128xf32, #tpu.memory_space<vmem_shared>>)
        %add3A_694 = arith.constant 5 : i32
        %add3A_695 = arith.addi %mul3A_598, %add3A_694 : i32
        %add3A_696 = arith.constant 3 : i32
        %add3A_697 = arith.addi %add3A_695, %add3A_696 : i32
        %mul3A_698 = arith.constant 40 : i32
        %mul3A_699 = arith.muli %add3A_697, %mul3A_698 : i32
        %dma_start3A_700 = tpu.memref_slice %arg5[%mul3A_699] : memref<5000xi32, #tpu.memory_space<vmem>> -> memref<40xi32, #tpu.memory_space<vmem>>
        %dma_start3A_701 = arith.constant 0 : i32
        %dma_start3A_702 = arith.constant 0 : i32
        %dma_start3A_703 = tpu.memref_slice %arg2[%dma_start3A_701, %dma_start3A_702] : memref<10000x128xf32, #tpu.memory_space<hbm>> -> memref<10000x128xf32, #tpu.memory_space<hbm>>
        tpu.enqueue_indirect_dma source(%dma_start3A_703 : memref<10000x128xf32, #tpu.memory_space<hbm>>) target(%arg12 : memref<40x128xf32, #tpu.memory_space<vmem>>) offsets(%dma_start3A_700 : memref<40xi32, #tpu.memory_space<vmem>>) semaphore(%arg18 : memref<!tpu.dma_semaphore, #tpu.memory_space<semaphore_mem>>)
      } else {
      }
      %lt3A_684 = arith.constant 24 : i32
      %lt3A_685 = arith.cmpi slt, %scan3A_596, %lt3A_684 : i32
      %convert_element_type3A_686 = arith.extui %lt3A_685 : i1 to i32
      %cond3A_687 = arith.constant 0 : i32
      %cond3A_688 = arith.cmpi ne, %convert_element_type3A_686, %cond3A_687 : i32
      scf.if %cond3A_688 {
        %dma_wait3A_689 = arith.constant 0 : i32
        %dma_wait3A_690 = tpu.memref_slice %arg7[%dma_wait3A_689] : memref<5000xi32, #tpu.memory_space<vmem>> -> memref<40xi32, #tpu.memory_space<vmem>>
        %dma_wait3A_691 = arith.constant 0 : i32
        %dma_wait3A_692 = arith.constant 0 : i32
        %dma_wait3A_693 = tpu.memref_slice %arg14[%dma_wait3A_691, %dma_wait3A_692] : memref<10016x128xf32, #tpu.memory_space<vmem_shared>> -> memref<10016x128xf32, #tpu.memory_space<vmem_shared>>
        tpu.wait_indirect_dma semaphore(%arg24 : memref<!tpu.dma_semaphore, #tpu.memory_space<semaphore_mem>>) src(%arg13 : memref<40x128xf32, #tpu.memory_space<vmem>>) dst(%dma_wait3A_693 : memref<10016x128xf32, #tpu.memory_space<vmem_shared>>)
        %add3A_694 = arith.constant 5 : i32
        %add3A_695 = arith.addi %mul3A_598, %add3A_694 : i32
        %add3A_696 = arith.constant 4 : i32
        %add3A_697 = arith.addi %add3A_695, %add3A_696 : i32
        %mul3A_698 = arith.constant 40 : i32
        %mul3A_699 = arith.muli %add3A_697, %mul3A_698 : i32
        %dma_start3A_700 = tpu.memref_slice %arg5[%mul3A_699] : memref<5000xi32, #tpu.memory_space<vmem>> -> memref<40xi32, #tpu.memory_space<vmem>>
        %dma_start3A_701 = arith.constant 0 : i32
        %dma_start3A_702 = arith.constant 0 : i32
        %dma_start3A_703 = tpu.memref_slice %arg2[%dma_start3A_701, %dma_start3A_702] : memref<10000x128xf32, #tpu.memory_space<hbm>> -> memref<10000x128xf32, #tpu.memory_space<hbm>>
        tpu.enqueue_indirect_dma source(%dma_start3A_703 : memref<10000x128xf32, #tpu.memory_space<hbm>>) target(%arg13 : memref<40x128xf32, #tpu.memory_space<vmem>>) offsets(%dma_start3A_700 : memref<40xi32, #tpu.memory_space<vmem>>) semaphore(%arg19 : memref<!tpu.dma_semaphore, #tpu.memory_space<semaphore_mem>>)
      } else {
      }
    }
    %scan3A_461 = arith.constant 25 : i32
    %dma_wait3A_462 = arith.constant 0 : i32
    %dma_wait3A_463 = arith.constant 0 : i32
    %dma_wait3A_464 = tpu.memref_slice %arg3[%dma_wait3A_462, %dma_wait3A_463] : memref<2x320000xi32, #tpu.memory_space<hbm>> -> memref<1x320000xi32, #tpu.memory_space<hbm>>
    %dma_wait3A_465 = tpu.memref_squeeze %dma_wait3A_464 : memref<1x320000xi32, #tpu.memory_space<hbm>> -> memref<320000xi32, #tpu.memory_space<hbm>>
    %dma_wait3A_466 = arith.constant 0 : i32
    %dma_wait3A_467 = tpu.memref_slice %dma_wait3A_465[%dma_wait3A_466] : memref<320000xi32, #tpu.memory_space<hbm>> -> memref<5000xi32, #tpu.memory_space<hbm>>
    %dma_wait3A_468 = arith.constant 0 : i32
    %dma_wait3A_469 = tpu.memref_slice %arg3[%dma_wait3A_462, %dma_wait3A_468] : memref<2x320000xi32, #tpu.memory_space<hbm>> -> memref<1x320000xi32, #tpu.memory_space<hbm>>
    %dma_wait3A_470 = tpu.memref_squeeze %dma_wait3A_469 : memref<1x320000xi32, #tpu.memory_space<hbm>> -> memref<320000xi32, #tpu.memory_space<hbm>>
    %dma_wait3A_471 = arith.constant 0 : i32
    %dma_wait3A_472 = tpu.memref_slice %dma_wait3A_470[%dma_wait3A_471] : memref<320000xi32, #tpu.memory_space<hbm>> -> memref<5000xi32, #tpu.memory_space<hbm>>
    tpu.wait_dma2 semaphore(%arg26 : memref<!tpu.dma_semaphore, #tpu.memory_space<semaphore_mem>>) src(%dma_wait3A_472 : memref<5000xi32, #tpu.memory_space<hbm>>) dst(%arg6 : memref<5000xi32, #tpu.memory_space<vmem>>)
    %dma_wait3A_473 = arith.constant 1 : i32
    %dma_wait3A_474 = arith.constant 0 : i32
    %dma_wait3A_475 = tpu.memref_slice %arg3[%dma_wait3A_473, %dma_wait3A_474] : memref<2x320000xi32, #tpu.memory_space<hbm>> -> memref<1x320000xi32, #tpu.memory_space<hbm>>
    %dma_wait3A_476 = tpu.memref_squeeze %dma_wait3A_475 : memref<1x320000xi32, #tpu.memory_space<hbm>> -> memref<320000xi32, #tpu.memory_space<hbm>>
    %dma_wait3A_477 = arith.constant 0 : i32
    %dma_wait3A_478 = tpu.memref_slice %dma_wait3A_476[%dma_wait3A_477] : memref<320000xi32, #tpu.memory_space<hbm>> -> memref<5000xi32, #tpu.memory_space<hbm>>
    %dma_wait3A_479 = arith.constant 0 : i32
    %dma_wait3A_480 = tpu.memref_slice %arg3[%dma_wait3A_473, %dma_wait3A_479] : memref<2x320000xi32, #tpu.memory_space<hbm>> -> memref<1x320000xi32, #tpu.memory_space<hbm>>
    %dma_wait3A_481 = tpu.memref_squeeze %dma_wait3A_480 : memref<1x320000xi32, #tpu.memory_space<hbm>> -> memref<320000xi32, #tpu.memory_space<hbm>>
    %dma_wait3A_482 = arith.constant 0 : i32
    %dma_wait3A_483 = tpu.memref_slice %dma_wait3A_481[%dma_wait3A_482] : memref<320000xi32, #tpu.memory_space<hbm>> -> memref<5000xi32, #tpu.memory_space<hbm>>
    tpu.wait_dma2 semaphore(%arg26 : memref<!tpu.dma_semaphore, #tpu.memory_space<semaphore_mem>>) src(%dma_wait3A_483 : memref<5000xi32, #tpu.memory_space<hbm>>) dst(%arg8 : memref<5000xi32, #tpu.memory_space<vmem>>)
    %dma_wait3A_484 = arith.constant 0 : i32
    %dma_wait3A_485 = tpu.memref_slice %arg7[%dma_wait3A_484] : memref<5000xi32, #tpu.memory_space<vmem>> -> memref<40xi32, #tpu.memory_space<vmem>>
    %dma_wait3A_486 = arith.constant 0 : i32
    %dma_wait3A_487 = arith.constant 0 : i32
    %dma_wait3A_488 = tpu.memref_slice %arg14[%dma_wait3A_486, %dma_wait3A_487] : memref<10016x128xf32, #tpu.memory_space<vmem_shared>> -> memref<10016x128xf32, #tpu.memory_space<vmem_shared>>
    tpu.wait_indirect_dma semaphore(%arg20 : memref<!tpu.dma_semaphore, #tpu.memory_space<semaphore_mem>>) src(%arg9 : memref<40x128xf32, #tpu.memory_space<vmem>>) dst(%dma_wait3A_488 : memref<10016x128xf32, #tpu.memory_space<vmem_shared>>)
    %dma_start3A_489 = arith.constant 0 : i32
    %dma_start3A_490 = tpu.memref_slice %arg6[%dma_start3A_489] : memref<5000xi32, #tpu.memory_space<vmem>> -> memref<40xi32, #tpu.memory_space<vmem>>
    %dma_start3A_491 = arith.constant 0 : i32
    %dma_start3A_492 = arith.constant 0 : i32
    %dma_start3A_493 = tpu.memref_slice %arg2[%dma_start3A_491, %dma_start3A_492] : memref<10000x128xf32, #tpu.memory_space<hbm>> -> memref<10000x128xf32, #tpu.memory_space<hbm>>
    tpu.enqueue_indirect_dma source(%dma_start3A_493 : memref<10000x128xf32, #tpu.memory_space<hbm>>) target(%arg9 : memref<40x128xf32, #tpu.memory_space<vmem>>) offsets(%dma_start3A_490 : memref<40xi32, #tpu.memory_space<vmem>>) semaphore(%arg15 : memref<!tpu.dma_semaphore, #tpu.memory_space<semaphore_mem>>)
    %dma_wait3A_494 = arith.constant 0 : i32
    %dma_wait3A_495 = tpu.memref_slice %arg7[%dma_wait3A_494] : memref<5000xi32, #tpu.memory_space<vmem>> -> memref<40xi32, #tpu.memory_space<vmem>>
    %dma_wait3A_496 = arith.constant 0 : i32
    %dma_wait3A_497 = arith.constant 0 : i32
    %dma_wait3A_498 = tpu.memref_slice %arg14[%dma_wait3A_496, %dma_wait3A_497] : memref<10016x128xf32, #tpu.memory_space<vmem_shared>> -> memref<10016x128xf32, #tpu.memory_space<vmem_shared>>
    tpu.wait_indirect_dma semaphore(%arg21 : memref<!tpu.dma_semaphore, #tpu.memory_space<semaphore_mem>>) src(%arg10 : memref<40x128xf32, #tpu.memory_space<vmem>>) dst(%dma_wait3A_498 : memref<10016x128xf32, #tpu.memory_space<vmem_shared>>)
    %dma_start3A_499 = arith.constant 40 : i32
    %dma_start3A_500 = tpu.memref_slice %arg6[%dma_start3A_499] : memref<5000xi32, #tpu.memory_space<vmem>> -> memref<40xi32, #tpu.memory_space<vmem>>
    %dma_start3A_501 = arith.constant 0 : i32
    %dma_start3A_502 = arith.constant 0 : i32
    %dma_start3A_503 = tpu.memref_slice %arg2[%dma_start3A_501, %dma_start3A_502] : memref<10000x128xf32, #tpu.memory_space<hbm>> -> memref<10000x128xf32, #tpu.memory_space<hbm>>
    tpu.enqueue_indirect_dma source(%dma_start3A_503 : memref<10000x128xf32, #tpu.memory_space<hbm>>) target(%arg10 : memref<40x128xf32, #tpu.memory_space<vmem>>) offsets(%dma_start3A_500 : memref<40xi32, #tpu.memory_space<vmem>>) semaphore(%arg16 : memref<!tpu.dma_semaphore, #tpu.memory_space<semaphore_mem>>)
    %dma_wait3A_504 = arith.constant 0 : i32
    %dma_wait3A_505 = tpu.memref_slice %arg7[%dma_wait3A_504] : memref<5000xi32, #tpu.memory_space<vmem>> -> memref<40xi32, #tpu.memory_space<vmem>>
    %dma_wait3A_506 = arith.constant 0 : i32
    %dma_wait3A_507 = arith.constant 0 : i32
    %dma_wait3A_508 = tpu.memref_slice %arg14[%dma_wait3A_506, %dma_wait3A_507] : memref<10016x128xf32, #tpu.memory_space<vmem_shared>> -> memref<10016x128xf32, #tpu.memory_space<vmem_shared>>
    tpu.wait_indirect_dma semaphore(%arg22 : memref<!tpu.dma_semaphore, #tpu.memory_space<semaphore_mem>>) src(%arg11 : memref<40x128xf32, #tpu.memory_space<vmem>>) dst(%dma_wait3A_508 : memref<10016x128xf32, #tpu.memory_space<vmem_shared>>)
    %dma_start3A_509 = arith.constant 80 : i32
    %dma_start3A_510 = tpu.memref_slice %arg6[%dma_start3A_509] : memref<5000xi32, #tpu.memory_space<vmem>> -> memref<40xi32, #tpu.memory_space<vmem>>
    %dma_start3A_511 = arith.constant 0 : i32
    %dma_start3A_512 = arith.constant 0 : i32
    %dma_start3A_513 = tpu.memref_slice %arg2[%dma_start3A_511, %dma_start3A_512] : memref<10000x128xf32, #tpu.memory_space<hbm>> -> memref<10000x128xf32, #tpu.memory_space<hbm>>
    tpu.enqueue_indirect_dma source(%dma_start3A_513 : memref<10000x128xf32, #tpu.memory_space<hbm>>) target(%arg11 : memref<40x128xf32, #tpu.memory_space<vmem>>) offsets(%dma_start3A_510 : memref<40xi32, #tpu.memory_space<vmem>>) semaphore(%arg17 : memref<!tpu.dma_semaphore, #tpu.memory_space<semaphore_mem>>)
    %dma_wait3A_514 = arith.constant 0 : i32
    %dma_wait3A_515 = tpu.memref_slice %arg7[%dma_wait3A_514] : memref<5000xi32, #tpu.memory_space<vmem>> -> memref<40xi32, #tpu.memory_space<vmem>>
    %dma_wait3A_516 = arith.constant 0 : i32
    %dma_wait3A_517 = arith.constant 0 : i32
    %dma_wait3A_518 = tpu.memref_slice %arg14[%dma_wait3A_516, %dma_wait3A_517] : memref<10016x128xf32, #tpu.memory_space<vmem_shared>> -> memref<10016x128xf32, #tpu.memory_space<vmem_shared>>
    tpu.wait_indirect_dma semaphore(%arg23 : memref<!tpu.dma_semaphore, #tpu.memory_space<semaphore_mem>>) src(%arg12 : memref<40x128xf32, #tpu.memory_space<vmem>>) dst(%dma_wait3A_518 : memref<10016x128xf32, #tpu.memory_space<vmem_shared>>)
    %dma_start3A_519 = arith.constant 120 : i32
    %dma_start3A_520 = tpu.memref_slice %arg6[%dma_start3A_519] : memref<5000xi32, #tpu.memory_space<vmem>> -> memref<40xi32, #tpu.memory_space<vmem>>
    %dma_start3A_521 = arith.constant 0 : i32
    %dma_start3A_522 = arith.constant 0 : i32
    %dma_start3A_523 = tpu.memref_slice %arg2[%dma_start3A_521, %dma_start3A_522] : memref<10000x128xf32, #tpu.memory_space<hbm>> -> memref<10000x128xf32, #tpu.memory_space<hbm>>
    tpu.enqueue_indirect_dma source(%dma_start3A_523 : memref<10000x128xf32, #tpu.memory_space<hbm>>) target(%arg12 : memref<40x128xf32, #tpu.memory_space<vmem>>) offsets(%dma_start3A_520 : memref<40xi32, #tpu.memory_space<vmem>>) semaphore(%arg18 : memref<!tpu.dma_semaphore, #tpu.memory_space<semaphore_mem>>)
    %dma_wait3A_524 = arith.constant 0 : i32
    %dma_wait3A_525 = tpu.memref_slice %arg7[%dma_wait3A_524] : memref<5000xi32, #tpu.memory_space<vmem>> -> memref<40xi32, #tpu.memory_space<vmem>>
    %dma_wait3A_526 = arith.constant 0 : i32
    %dma_wait3A_527 = arith.constant 0 : i32
    %dma_wait3A_528 = tpu.memref_slice %arg14[%dma_wait3A_526, %dma_wait3A_527] : memref<10016x128xf32, #tpu.memory_space<vmem_shared>> -> memref<10016x128xf32, #tpu.memory_space<vmem_shared>>
    tpu.wait_indirect_dma semaphore(%arg24 : memref<!tpu.dma_semaphore, #tpu.memory_space<semaphore_mem>>) src(%arg13 : memref<40x128xf32, #tpu.memory_space<vmem>>) dst(%dma_wait3A_528 : memref<10016x128xf32, #tpu.memory_space<vmem_shared>>)
    %dma_start3A_529 = arith.constant 160 : i32
    %dma_start3A_530 = tpu.memref_slice %arg6[%dma_start3A_529] : memref<5000xi32, #tpu.memory_space<vmem>> -> memref<40xi32, #tpu.memory_space<vmem>>
    %dma_start3A_531 = arith.constant 0 : i32
    %dma_start3A_532 = arith.constant 0 : i32
    %dma_start3A_533 = tpu.memref_slice %arg2[%dma_start3A_531, %dma_start3A_532] : memref<10000x128xf32, #tpu.memory_space<hbm>> -> memref<10000x128xf32, #tpu.memory_space<hbm>>
    tpu.enqueue_indirect_dma source(%dma_start3A_533 : memref<10000x128xf32, #tpu.memory_space<hbm>>) target(%arg13 : memref<40x128xf32, #tpu.memory_space<vmem>>) offsets(%dma_start3A_530 : memref<40xi32, #tpu.memory_space<vmem>>) semaphore(%arg19 : memref<!tpu.dma_semaphore, #tpu.memory_space<semaphore_mem>>)
    %scan3A_534 = arith.constant 0 : i32
    %scan3A_535 = arith.constant 0 : i32
    %scan3A_536 = arith.constant 25 : i32
    %scan3A_537 = arith.addi %scan3A_535, %scan3A_536 : i32
    %scan3A_538 = arith.constant 1 : i32
    scf.for %scan3A_596 = %scan3A_535 to %scan3A_537 step %scan3A_538  : i32 {
      %mul3A_597 = arith.constant 5 : i32
      %mul3A_598 = arith.muli %scan3A_596, %mul3A_597 : i32
      %dma_wait3A_599 = arith.constant 0 : i32
      %dma_wait3A_600 = tpu.memref_slice %arg5[%dma_wait3A_599] : memref<5000xi32, #tpu.memory_space<vmem>> -> memref<40xi32, #tpu.memory_space<vmem>>
      %dma_wait3A_601 = arith.constant 0 : i32
      %dma_wait3A_602 = arith.constant 0 : i32
      %dma_wait3A_603 = tpu.memref_slice %arg2[%dma_wait3A_601, %dma_wait3A_602] : memref<10000x128xf32, #tpu.memory_space<hbm>> -> memref<10000x128xf32, #tpu.memory_space<hbm>>
      tpu.wait_indirect_dma semaphore(%arg15 : memref<!tpu.dma_semaphore, #tpu.memory_space<semaphore_mem>>) src(%dma_wait3A_603 : memref<10000x128xf32, #tpu.memory_space<hbm>>) dst(%arg9 : memref<40x128xf32, #tpu.memory_space<vmem>>)
      %add3A_604 = arith.constant 0 : i32
      %add3A_605 = arith.addi %mul3A_598, %add3A_604 : i32
      %mul3A_606 = arith.constant 40 : i32
      %mul3A_607 = arith.muli %add3A_605, %mul3A_606 : i32
      %dma_start3A_608 = tpu.memref_slice %arg8[%mul3A_607] : memref<5000xi32, #tpu.memory_space<vmem>> -> memref<40xi32, #tpu.memory_space<vmem>>
      %dma_start3A_609 = arith.constant 0 : i32
      %dma_start3A_610 = arith.constant 0 : i32
      %dma_start3A_611 = tpu.memref_slice %arg14[%dma_start3A_609, %dma_start3A_610] : memref<10016x128xf32, #tpu.memory_space<vmem_shared>> -> memref<10016x128xf32, #tpu.memory_space<vmem_shared>>
      tpu.enqueue_indirect_dma source(%arg9 : memref<40x128xf32, #tpu.memory_space<vmem>>) target(%dma_start3A_611 : memref<10016x128xf32, #tpu.memory_space<vmem_shared>>) offsets(%dma_start3A_608 : memref<40xi32, #tpu.memory_space<vmem>>) semaphore(%arg20 : memref<!tpu.dma_semaphore, #tpu.memory_space<semaphore_mem>>) {add = true}
      %dma_wait3A_612 = arith.constant 0 : i32
      %dma_wait3A_613 = tpu.memref_slice %arg5[%dma_wait3A_612] : memref<5000xi32, #tpu.memory_space<vmem>> -> memref<40xi32, #tpu.memory_space<vmem>>
      %dma_wait3A_614 = arith.constant 0 : i32
      %dma_wait3A_615 = arith.constant 0 : i32
      %dma_wait3A_616 = tpu.memref_slice %arg2[%dma_wait3A_614, %dma_wait3A_615] : memref<10000x128xf32, #tpu.memory_space<hbm>> -> memref<10000x128xf32, #tpu.memory_space<hbm>>
      tpu.wait_indirect_dma semaphore(%arg16 : memref<!tpu.dma_semaphore, #tpu.memory_space<semaphore_mem>>) src(%dma_wait3A_616 : memref<10000x128xf32, #tpu.memory_space<hbm>>) dst(%arg10 : memref<40x128xf32, #tpu.memory_space<vmem>>)
      %add3A_617 = arith.constant 1 : i32
      %add3A_618 = arith.addi %mul3A_598, %add3A_617 : i32
      %mul3A_619 = arith.constant 40 : i32
      %mul3A_620 = arith.muli %add3A_618, %mul3A_619 : i32
      %dma_start3A_621 = tpu.memref_slice %arg8[%mul3A_620] : memref<5000xi32, #tpu.memory_space<vmem>> -> memref<40xi32, #tpu.memory_space<vmem>>
      %dma_start3A_622 = arith.constant 0 : i32
      %dma_start3A_623 = arith.constant 0 : i32
      %dma_start3A_624 = tpu.memref_slice %arg14[%dma_start3A_622, %dma_start3A_623] : memref<10016x128xf32, #tpu.memory_space<vmem_shared>> -> memref<10016x128xf32, #tpu.memory_space<vmem_shared>>
      tpu.enqueue_indirect_dma source(%arg10 : memref<40x128xf32, #tpu.memory_space<vmem>>) target(%dma_start3A_624 : memref<10016x128xf32, #tpu.memory_space<vmem_shared>>) offsets(%dma_start3A_621 : memref<40xi32, #tpu.memory_space<vmem>>) semaphore(%arg21 : memref<!tpu.dma_semaphore, #tpu.memory_space<semaphore_mem>>) {add = true}
      %dma_wait3A_625 = arith.constant 0 : i32
      %dma_wait3A_626 = tpu.memref_slice %arg5[%dma_wait3A_625] : memref<5000xi32, #tpu.memory_space<vmem>> -> memref<40xi32, #tpu.memory_space<vmem>>
      %dma_wait3A_627 = arith.constant 0 : i32
      %dma_wait3A_628 = arith.constant 0 : i32
      %dma_wait3A_629 = tpu.memref_slice %arg2[%dma_wait3A_627, %dma_wait3A_628] : memref<10000x128xf32, #tpu.memory_space<hbm>> -> memref<10000x128xf32, #tpu.memory_space<hbm>>
      tpu.wait_indirect_dma semaphore(%arg17 : memref<!tpu.dma_semaphore, #tpu.memory_space<semaphore_mem>>) src(%dma_wait3A_629 : memref<10000x128xf32, #tpu.memory_space<hbm>>) dst(%arg11 : memref<40x128xf32, #tpu.memory_space<vmem>>)
      %add3A_630 = arith.constant 2 : i32
      %add3A_631 = arith.addi %mul3A_598, %add3A_630 : i32
      %mul3A_632 = arith.constant 40 : i32
      %mul3A_633 = arith.muli %add3A_631, %mul3A_632 : i32
      %dma_start3A_634 = tpu.memref_slice %arg8[%mul3A_633] : memref<5000xi32, #tpu.memory_space<vmem>> -> memref<40xi32, #tpu.memory_space<vmem>>
      %dma_start3A_635 = arith.constant 0 : i32
      %dma_start3A_636 = arith.constant 0 : i32
      %dma_start3A_637 = tpu.memref_slice %arg14[%dma_start3A_635, %dma_start3A_636] : memref<10016x128xf32, #tpu.memory_space<vmem_shared>> -> memref<10016x128xf32, #tpu.memory_space<vmem_shared>>
      tpu.enqueue_indirect_dma source(%arg11 : memref<40x128xf32, #tpu.memory_space<vmem>>) target(%dma_start3A_637 : memref<10016x128xf32, #tpu.memory_space<vmem_shared>>) offsets(%dma_start3A_634 : memref<40xi32, #tpu.memory_space<vmem>>) semaphore(%arg22 : memref<!tpu.dma_semaphore, #tpu.memory_space<semaphore_mem>>) {add = true}
      %dma_wait3A_638 = arith.constant 0 : i32
      %dma_wait3A_639 = tpu.memref_slice %arg5[%dma_wait3A_638] : memref<5000xi32, #tpu.memory_space<vmem>> -> memref<40xi32, #tpu.memory_space<vmem>>
      %dma_wait3A_640 = arith.constant 0 : i32
      %dma_wait3A_641 = arith.constant 0 : i32
      %dma_wait3A_642 = tpu.memref_slice %arg2[%dma_wait3A_640, %dma_wait3A_641] : memref<10000x128xf32, #tpu.memory_space<hbm>> -> memref<10000x128xf32, #tpu.memory_space<hbm>>
      tpu.wait_indirect_dma semaphore(%arg18 : memref<!tpu.dma_semaphore, #tpu.memory_space<semaphore_mem>>) src(%dma_wait3A_642 : memref<10000x128xf32, #tpu.memory_space<hbm>>) dst(%arg12 : memref<40x128xf32, #tpu.memory_space<vmem>>)
      %add3A_643 = arith.constant 3 : i32
      %add3A_644 = arith.addi %mul3A_598, %add3A_643 : i32
      %mul3A_645 = arith.constant 40 : i32
      %mul3A_646 = arith.muli %add3A_644, %mul3A_645 : i32
      %dma_start3A_647 = tpu.memref_slice %arg8[%mul3A_646] : memref<5000xi32, #tpu.memory_space<vmem>> -> memref<40xi32, #tpu.memory_space<vmem>>
      %dma_start3A_648 = arith.constant 0 : i32
      %dma_start3A_649 = arith.constant 0 : i32
      %dma_start3A_650 = tpu.memref_slice %arg14[%dma_start3A_648, %dma_start3A_649] : memref<10016x128xf32, #tpu.memory_space<vmem_shared>> -> memref<10016x128xf32, #tpu.memory_space<vmem_shared>>
      tpu.enqueue_indirect_dma source(%arg12 : memref<40x128xf32, #tpu.memory_space<vmem>>) target(%dma_start3A_650 : memref<10016x128xf32, #tpu.memory_space<vmem_shared>>) offsets(%dma_start3A_647 : memref<40xi32, #tpu.memory_space<vmem>>) semaphore(%arg23 : memref<!tpu.dma_semaphore, #tpu.memory_space<semaphore_mem>>) {add = true}
      %dma_wait3A_651 = arith.constant 0 : i32
      %dma_wait3A_652 = tpu.memref_slice %arg5[%dma_wait3A_651] : memref<5000xi32, #tpu.memory_space<vmem>> -> memref<40xi32, #tpu.memory_space<vmem>>
      %dma_wait3A_653 = arith.constant 0 : i32
      %dma_wait3A_654 = arith.constant 0 : i32
      %dma_wait3A_655 = tpu.memref_slice %arg2[%dma_wait3A_653, %dma_wait3A_654] : memref<10000x128xf32, #tpu.memory_space<hbm>> -> memref<10000x128xf32, #tpu.memory_space<hbm>>
      tpu.wait_indirect_dma semaphore(%arg19 : memref<!tpu.dma_semaphore, #tpu.memory_space<semaphore_mem>>) src(%dma_wait3A_655 : memref<10000x128xf32, #tpu.memory_space<hbm>>) dst(%arg13 : memref<40x128xf32, #tpu.memory_space<vmem>>)
      %add3A_656 = arith.constant 4 : i32
      %add3A_657 = arith.addi %mul3A_598, %add3A_656 : i32
      %mul3A_658 = arith.constant 40 : i32
      %mul3A_659 = arith.muli %add3A_657, %mul3A_658 : i32
      %dma_start3A_660 = tpu.memref_slice %arg8[%mul3A_659] : memref<5000xi32, #tpu.memory_space<vmem>> -> memref<40xi32, #tpu.memory_space<vmem>>
      %dma_start3A_661 = arith.constant 0 : i32
      %dma_start3A_662 = arith.constant 0 : i32
      %dma_start3A_663 = tpu.memref_slice %arg14[%dma_start3A_661, %dma_start3A_662] : memref<10016x128xf32, #tpu.memory_space<vmem_shared>> -> memref<10016x128xf32, #tpu.memory_space<vmem_shared>>
      tpu.enqueue_indirect_dma source(%arg13 : memref<40x128xf32, #tpu.memory_space<vmem>>) target(%dma_start3A_663 : memref<10016x128xf32, #tpu.memory_space<vmem_shared>>) offsets(%dma_start3A_660 : memref<40xi32, #tpu.memory_space<vmem>>) semaphore(%arg24 : memref<!tpu.dma_semaphore, #tpu.memory_space<semaphore_mem>>) {add = true}
      %lt3A_664 = arith.constant 24 : i32
      %lt3A_665 = arith.cmpi slt, %scan3A_596, %lt3A_664 : i32
      %convert_element_type3A_666 = arith.extui %lt3A_665 : i1 to i32
      %cond3A_667 = arith.constant 0 : i32
      %cond3A_668 = arith.cmpi ne, %convert_element_type3A_666, %cond3A_667 : i32
      scf.if %cond3A_668 {
        %dma_wait3A_689 = arith.constant 0 : i32
        %dma_wait3A_690 = tpu.memref_slice %arg7[%dma_wait3A_689] : memref<5000xi32, #tpu.memory_space<vmem>> -> memref<40xi32, #tpu.memory_space<vmem>>
        %dma_wait3A_691 = arith.constant 0 : i32
        %dma_wait3A_692 = arith.constant 0 : i32
        %dma_wait3A_693 = tpu.memref_slice %arg14[%dma_wait3A_691, %dma_wait3A_692] : memref<10016x128xf32, #tpu.memory_space<vmem_shared>> -> memref<10016x128xf32, #tpu.memory_space<vmem_shared>>
        tpu.wait_indirect_dma semaphore(%arg20 : memref<!tpu.dma_semaphore, #tpu.memory_space<semaphore_mem>>) src(%arg9 : memref<40x128xf32, #tpu.memory_space<vmem>>) dst(%dma_wait3A_693 : memref<10016x128xf32, #tpu.memory_space<vmem_shared>>)
        %add3A_694 = arith.constant 5 : i32
        %add3A_695 = arith.addi %mul3A_598, %add3A_694 : i32
        %add3A_696 = arith.constant 0 : i32
        %add3A_697 = arith.addi %add3A_695, %add3A_696 : i32
        %mul3A_698 = arith.constant 40 : i32
        %mul3A_699 = arith.muli %add3A_697, %mul3A_698 : i32
        %dma_start3A_700 = tpu.memref_slice %arg6[%mul3A_699] : memref<5000xi32, #tpu.memory_space<vmem>> -> memref<40xi32, #tpu.memory_space<vmem>>
        %dma_start3A_701 = arith.constant 0 : i32
        %dma_start3A_702 = arith.constant 0 : i32
        %dma_start3A_703 = tpu.memref_slice %arg2[%dma_start3A_701, %dma_start3A_702] : memref<10000x128xf32, #tpu.memory_space<hbm>> -> memref<10000x128xf32, #tpu.memory_space<hbm>>
        tpu.enqueue_indirect_dma source(%dma_start3A_703 : memref<10000x128xf32, #tpu.memory_space<hbm>>) target(%arg9 : memref<40x128xf32, #tpu.memory_space<vmem>>) offsets(%dma_start3A_700 : memref<40xi32, #tpu.memory_space<vmem>>) semaphore(%arg15 : memref<!tpu.dma_semaphore, #tpu.memory_space<semaphore_mem>>)
      } else {
      }
      %lt3A_669 = arith.constant 24 : i32
      %lt3A_670 = arith.cmpi slt, %scan3A_596, %lt3A_669 : i32
      %convert_element_type3A_671 = arith.extui %lt3A_670 : i1 to i32
      %cond3A_672 = arith.constant 0 : i32
      %cond3A_673 = arith.cmpi ne, %convert_element_type3A_671, %cond3A_672 : i32
      scf.if %cond3A_673 {
        %dma_wait3A_689 = arith.constant 0 : i32
        %dma_wait3A_690 = tpu.memref_slice %arg7[%dma_wait3A_689] : memref<5000xi32, #tpu.memory_space<vmem>> -> memref<40xi32, #tpu.memory_space<vmem>>
        %dma_wait3A_691 = arith.constant 0 : i32
        %dma_wait3A_692 = arith.constant 0 : i32
        %dma_wait3A_693 = tpu.memref_slice %arg14[%dma_wait3A_691, %dma_wait3A_692] : memref<10016x128xf32, #tpu.memory_space<vmem_shared>> -> memref<10016x128xf32, #tpu.memory_space<vmem_shared>>
        tpu.wait_indirect_dma semaphore(%arg21 : memref<!tpu.dma_semaphore, #tpu.memory_space<semaphore_mem>>) src(%arg10 : memref<40x128xf32, #tpu.memory_space<vmem>>) dst(%dma_wait3A_693 : memref<10016x128xf32, #tpu.memory_space<vmem_shared>>)
        %add3A_694 = arith.constant 5 : i32
        %add3A_695 = arith.addi %mul3A_598, %add3A_694 : i32
        %add3A_696 = arith.constant 1 : i32
        %add3A_697 = arith.addi %add3A_695, %add3A_696 : i32
        %mul3A_698 = arith.constant 40 : i32
        %mul3A_699 = arith.muli %add3A_697, %mul3A_698 : i32
        %dma_start3A_700 = tpu.memref_slice %arg6[%mul3A_699] : memref<5000xi32, #tpu.memory_space<vmem>> -> memref<40xi32, #tpu.memory_space<vmem>>
        %dma_start3A_701 = arith.constant 0 : i32
        %dma_start3A_702 = arith.constant 0 : i32
        %dma_start3A_703 = tpu.memref_slice %arg2[%dma_start3A_701, %dma_start3A_702] : memref<10000x128xf32, #tpu.memory_space<hbm>> -> memref<10000x128xf32, #tpu.memory_space<hbm>>
        tpu.enqueue_indirect_dma source(%dma_start3A_703 : memref<10000x128xf32, #tpu.memory_space<hbm>>) target(%arg10 : memref<40x128xf32, #tpu.memory_space<vmem>>) offsets(%dma_start3A_700 : memref<40xi32, #tpu.memory_space<vmem>>) semaphore(%arg16 : memref<!tpu.dma_semaphore, #tpu.memory_space<semaphore_mem>>)
      } else {
      }
      %lt3A_674 = arith.constant 24 : i32
      %lt3A_675 = arith.cmpi slt, %scan3A_596, %lt3A_674 : i32
      %convert_element_type3A_676 = arith.extui %lt3A_675 : i1 to i32
      %cond3A_677 = arith.constant 0 : i32
      %cond3A_678 = arith.cmpi ne, %convert_element_type3A_676, %cond3A_677 : i32
      scf.if %cond3A_678 {
        %dma_wait3A_689 = arith.constant 0 : i32
        %dma_wait3A_690 = tpu.memref_slice %arg7[%dma_wait3A_689] : memref<5000xi32, #tpu.memory_space<vmem>> -> memref<40xi32, #tpu.memory_space<vmem>>
        %dma_wait3A_691 = arith.constant 0 : i32
        %dma_wait3A_692 = arith.constant 0 : i32
        %dma_wait3A_693 = tpu.memref_slice %arg14[%dma_wait3A_691, %dma_wait3A_692] : memref<10016x128xf32, #tpu.memory_space<vmem_shared>> -> memref<10016x128xf32, #tpu.memory_space<vmem_shared>>
        tpu.wait_indirect_dma semaphore(%arg22 : memref<!tpu.dma_semaphore, #tpu.memory_space<semaphore_mem>>) src(%arg11 : memref<40x128xf32, #tpu.memory_space<vmem>>) dst(%dma_wait3A_693 : memref<10016x128xf32, #tpu.memory_space<vmem_shared>>)
        %add3A_694 = arith.constant 5 : i32
        %add3A_695 = arith.addi %mul3A_598, %add3A_694 : i32
        %add3A_696 = arith.constant 2 : i32
        %add3A_697 = arith.addi %add3A_695, %add3A_696 : i32
        %mul3A_698 = arith.constant 40 : i32
        %mul3A_699 = arith.muli %add3A_697, %mul3A_698 : i32
        %dma_start3A_700 = tpu.memref_slice %arg6[%mul3A_699] : memref<5000xi32, #tpu.memory_space<vmem>> -> memref<40xi32, #tpu.memory_space<vmem>>
        %dma_start3A_701 = arith.constant 0 : i32
        %dma_start3A_702 = arith.constant 0 : i32
        %dma_start3A_703 = tpu.memref_slice %arg2[%dma_start3A_701, %dma_start3A_702] : memref<10000x128xf32, #tpu.memory_space<hbm>> -> memref<10000x128xf32, #tpu.memory_space<hbm>>
        tpu.enqueue_indirect_dma source(%dma_start3A_703 : memref<10000x128xf32, #tpu.memory_space<hbm>>) target(%arg11 : memref<40x128xf32, #tpu.memory_space<vmem>>) offsets(%dma_start3A_700 : memref<40xi32, #tpu.memory_space<vmem>>) semaphore(%arg17 : memref<!tpu.dma_semaphore, #tpu.memory_space<semaphore_mem>>)
      } else {
      }
      %lt3A_679 = arith.constant 24 : i32
      %lt3A_680 = arith.cmpi slt, %scan3A_596, %lt3A_679 : i32
      %convert_element_type3A_681 = arith.extui %lt3A_680 : i1 to i32
      %cond3A_682 = arith.constant 0 : i32
      %cond3A_683 = arith.cmpi ne, %convert_element_type3A_681, %cond3A_682 : i32
      scf.if %cond3A_683 {
        %dma_wait3A_689 = arith.constant 0 : i32
        %dma_wait3A_690 = tpu.memref_slice %arg7[%dma_wait3A_689] : memref<5000xi32, #tpu.memory_space<vmem>> -> memref<40xi32, #tpu.memory_space<vmem>>
        %dma_wait3A_691 = arith.constant 0 : i32
        %dma_wait3A_692 = arith.constant 0 : i32
        %dma_wait3A_693 = tpu.memref_slice %arg14[%dma_wait3A_691, %dma_wait3A_692] : memref<10016x128xf32, #tpu.memory_space<vmem_shared>> -> memref<10016x128xf32, #tpu.memory_space<vmem_shared>>
        tpu.wait_indirect_dma semaphore(%arg23 : memref<!tpu.dma_semaphore, #tpu.memory_space<semaphore_mem>>) src(%arg12 : memref<40x128xf32, #tpu.memory_space<vmem>>) dst(%dma_wait3A_693 : memref<10016x128xf32, #tpu.memory_space<vmem_shared>>)
        %add3A_694 = arith.constant 5 : i32
        %add3A_695 = arith.addi %mul3A_598, %add3A_694 : i32
        %add3A_696 = arith.constant 3 : i32
        %add3A_697 = arith.addi %add3A_695, %add3A_696 : i32
        %mul3A_698 = arith.constant 40 : i32
        %mul3A_699 = arith.muli %add3A_697, %mul3A_698 : i32
        %dma_start3A_700 = tpu.memref_slice %arg6[%mul3A_699] : memref<5000xi32, #tpu.memory_space<vmem>> -> memref<40xi32, #tpu.memory_space<vmem>>
        %dma_start3A_701 = arith.constant 0 : i32
        %dma_start3A_702 = arith.constant 0 : i32
        %dma_start3A_703 = tpu.memref_slice %arg2[%dma_start3A_701, %dma_start3A_702] : memref<10000x128xf32, #tpu.memory_space<hbm>> -> memref<10000x128xf32, #tpu.memory_space<hbm>>
        tpu.enqueue_indirect_dma source(%dma_start3A_703 : memref<10000x128xf32, #tpu.memory_space<hbm>>) target(%arg12 : memref<40x128xf32, #tpu.memory_space<vmem>>) offsets(%dma_start3A_700 : memref<40xi32, #tpu.memory_space<vmem>>) semaphore(%arg18 : memref<!tpu.dma_semaphore, #tpu.memory_space<semaphore_mem>>)
      } else {
      }
      %lt3A_684 = arith.constant 24 : i32
      %lt3A_685 = arith.cmpi slt, %scan3A_596, %lt3A_684 : i32
      %convert_element_type3A_686 = arith.extui %lt3A_685 : i1 to i32
      %cond3A_687 = arith.constant 0 : i32
      %cond3A_688 = arith.cmpi ne, %convert_element_type3A_686, %cond3A_687 : i32
      scf.if %cond3A_688 {
        %dma_wait3A_689 = arith.constant 0 : i32
        %dma_wait3A_690 = tpu.memref_slice %arg7[%dma_wait3A_689] : memref<5000xi32, #tpu.memory_space<vmem>> -> memref<40xi32, #tpu.memory_space<vmem>>
        %dma_wait3A_691 = arith.constant 0 : i32
        %dma_wait3A_692 = arith.constant 0 : i32
        %dma_wait3A_693 = tpu.memref_slice %arg14[%dma_wait3A_691, %dma_wait3A_692] : memref<10016x128xf32, #tpu.memory_space<vmem_shared>> -> memref<10016x128xf32, #tpu.memory_space<vmem_shared>>
        tpu.wait_indirect_dma semaphore(%arg24 : memref<!tpu.dma_semaphore, #tpu.memory_space<semaphore_mem>>) src(%arg13 : memref<40x128xf32, #tpu.memory_space<vmem>>) dst(%dma_wait3A_693 : memref<10016x128xf32, #tpu.memory_space<vmem_shared>>)
        %add3A_694 = arith.constant 5 : i32
        %add3A_695 = arith.addi %mul3A_598, %add3A_694 : i32
        %add3A_696 = arith.constant 4 : i32
        %add3A_697 = arith.addi %add3A_695, %add3A_696 : i32
        %mul3A_698 = arith.constant 40 : i32
        %mul3A_699 = arith.muli %add3A_697, %mul3A_698 : i32
        %dma_start3A_700 = tpu.memref_slice %arg6[%mul3A_699] : memref<5000xi32, #tpu.memory_space<vmem>> -> memref<40xi32, #tpu.memory_space<vmem>>
        %dma_start3A_701 = arith.constant 0 : i32
        %dma_start3A_702 = arith.constant 0 : i32
        %dma_start3A_703 = tpu.memref_slice %arg2[%dma_start3A_701, %dma_start3A_702] : memref<10000x128xf32, #tpu.memory_space<hbm>> -> memref<10000x128xf32, #tpu.memory_space<hbm>>
        tpu.enqueue_indirect_dma source(%dma_start3A_703 : memref<10000x128xf32, #tpu.memory_space<hbm>>) target(%arg13 : memref<40x128xf32, #tpu.memory_space<vmem>>) offsets(%dma_start3A_700 : memref<40xi32, #tpu.memory_space<vmem>>) semaphore(%arg19 : memref<!tpu.dma_semaphore, #tpu.memory_space<semaphore_mem>>)
      } else {
      }
    }
    %scan3A_539 = arith.constant 25 : i32
    %dma_wait3A_540 = arith.constant 0 : i32
    %dma_wait3A_541 = tpu.memref_slice %arg7[%dma_wait3A_540] : memref<5000xi32, #tpu.memory_space<vmem>> -> memref<40xi32, #tpu.memory_space<vmem>>
    %dma_wait3A_542 = arith.constant 0 : i32
    %dma_wait3A_543 = arith.constant 0 : i32
    %dma_wait3A_544 = tpu.memref_slice %arg14[%dma_wait3A_542, %dma_wait3A_543] : memref<10016x128xf32, #tpu.memory_space<vmem_shared>> -> memref<10016x128xf32, #tpu.memory_space<vmem_shared>>
    tpu.wait_indirect_dma semaphore(%arg20 : memref<!tpu.dma_semaphore, #tpu.memory_space<semaphore_mem>>) src(%arg9 : memref<40x128xf32, #tpu.memory_space<vmem>>) dst(%dma_wait3A_544 : memref<10016x128xf32, #tpu.memory_space<vmem_shared>>)
    %dma_wait3A_545 = arith.constant 0 : i32
    %dma_wait3A_546 = tpu.memref_slice %arg7[%dma_wait3A_545] : memref<5000xi32, #tpu.memory_space<vmem>> -> memref<40xi32, #tpu.memory_space<vmem>>
    %dma_wait3A_547 = arith.constant 0 : i32
    %dma_wait3A_548 = arith.constant 0 : i32
    %dma_wait3A_549 = tpu.memref_slice %arg14[%dma_wait3A_547, %dma_wait3A_548] : memref<10016x128xf32, #tpu.memory_space<vmem_shared>> -> memref<10016x128xf32, #tpu.memory_space<vmem_shared>>
    tpu.wait_indirect_dma semaphore(%arg21 : memref<!tpu.dma_semaphore, #tpu.memory_space<semaphore_mem>>) src(%arg10 : memref<40x128xf32, #tpu.memory_space<vmem>>) dst(%dma_wait3A_549 : memref<10016x128xf32, #tpu.memory_space<vmem_shared>>)
    %dma_wait3A_550 = arith.constant 0 : i32
    %dma_wait3A_551 = tpu.memref_slice %arg7[%dma_wait3A_550] : memref<5000xi32, #tpu.memory_space<vmem>> -> memref<40xi32, #tpu.memory_space<vmem>>
    %dma_wait3A_552 = arith.constant 0 : i32
    %dma_wait3A_553 = arith.constant 0 : i32
    %dma_wait3A_554 = tpu.memref_slice %arg14[%dma_wait3A_552, %dma_wait3A_553] : memref<10016x128xf32, #tpu.memory_space<vmem_shared>> -> memref<10016x128xf32, #tpu.memory_space<vmem_shared>>
    tpu.wait_indirect_dma semaphore(%arg22 : memref<!tpu.dma_semaphore, #tpu.memory_space<semaphore_mem>>) src(%arg11 : memref<40x128xf32, #tpu.memory_space<vmem>>) dst(%dma_wait3A_554 : memref<10016x128xf32, #tpu.memory_space<vmem_shared>>)
    %dma_wait3A_555 = arith.constant 0 : i32
    %dma_wait3A_556 = tpu.memref_slice %arg7[%dma_wait3A_555] : memref<5000xi32, #tpu.memory_space<vmem>> -> memref<40xi32, #tpu.memory_space<vmem>>
    %dma_wait3A_557 = arith.constant 0 : i32
    %dma_wait3A_558 = arith.constant 0 : i32
    %dma_wait3A_559 = tpu.memref_slice %arg14[%dma_wait3A_557, %dma_wait3A_558] : memref<10016x128xf32, #tpu.memory_space<vmem_shared>> -> memref<10016x128xf32, #tpu.memory_space<vmem_shared>>
    tpu.wait_indirect_dma semaphore(%arg23 : memref<!tpu.dma_semaphore, #tpu.memory_space<semaphore_mem>>) src(%arg12 : memref<40x128xf32, #tpu.memory_space<vmem>>) dst(%dma_wait3A_559 : memref<10016x128xf32, #tpu.memory_space<vmem_shared>>)
    %dma_wait3A_560 = arith.constant 0 : i32
    %dma_wait3A_561 = tpu.memref_slice %arg7[%dma_wait3A_560] : memref<5000xi32, #tpu.memory_space<vmem>> -> memref<40xi32, #tpu.memory_space<vmem>>
    %dma_wait3A_562 = arith.constant 0 : i32
    %dma_wait3A_563 = arith.constant 0 : i32
    %dma_wait3A_564 = tpu.memref_slice %arg14[%dma_wait3A_562, %dma_wait3A_563] : memref<10016x128xf32, #tpu.memory_space<vmem_shared>> -> memref<10016x128xf32, #tpu.memory_space<vmem_shared>>
    tpu.wait_indirect_dma semaphore(%arg24 : memref<!tpu.dma_semaphore, #tpu.memory_space<semaphore_mem>>) src(%arg13 : memref<40x128xf32, #tpu.memory_space<vmem>>) dst(%dma_wait3A_564 : memref<10016x128xf32, #tpu.memory_space<vmem_shared>>)
    %barrier3A_565 = arith.constant 0 : index
    tpu.barrier barrier_id(%barrier3A_565)
    %eq3A_566 = arith.constant 0 : i32
    %eq3A_567 = arith.cmpi eq, %arg0, %eq3A_566 : i32
    %lt3A = arith.constant 15 : i32
    %lt3A_568 = arith.cmpi slt, %arg1, %lt3A : i32
    %and3A = arith.andi %eq3A_567, %lt3A_568 : i1
    %convert_element_type3A_569 = arith.extui %and3A : i1 to i32
    %cond3A_570 = arith.constant 0 : i32
    %cond3A_571 = arith.cmpi ne, %convert_element_type3A_569, %cond3A_570 : i32
    scf.if %cond3A_571 {
      %run_scoped3A = arith.constant 0 : i32
      "tpu.region"() ({
        %run_scoped3A_596 = tpu.sem_alloc : memref<!tpu.dma_semaphore, #tpu.memory_space<semaphore_mem>>
        %dma_start3A_597 = arith.constant 0 : i32
        %dma_start3A_598 = arith.constant 0 : i32
        %dma_start3A_599 = tpu.memref_slice %arg4[%run_scoped3A, %dma_start3A_597, %dma_start3A_598] : memref<2x10000x128xf32, #tpu.memory_space<hbm>> -> memref<1x10000x128xf32, #tpu.memory_space<hbm>>
        %dma_start3A_600 = tpu.memref_squeeze %dma_start3A_599 : memref<1x10000x128xf32, #tpu.memory_space<hbm>> -> memref<10000x128xf32, #tpu.memory_space<hbm>>
        %dma_start3A_601 = arith.constant 0 : i32
        %dma_start3A_602 = tpu.memref_slice %dma_start3A_600[%mul3A_2, %dma_start3A_601] : memref<10000x128xf32, #tpu.memory_space<hbm>> -> memref<624x128xf32, #tpu.memory_space<hbm>>
        %dma_start3A_603 = arith.constant 0 : i32
        %dma_start3A_604 = tpu.memref_slice %arg14[%mul3A_2, %dma_start3A_603] : memref<10016x128xf32, #tpu.memory_space<vmem_shared>> -> memref<624x128xf32, #tpu.memory_space<vmem_shared>>
        tpu.enqueue_dma source(%dma_start3A_604 : memref<624x128xf32, #tpu.memory_space<vmem_shared>>) target(%dma_start3A_602 : memref<624x128xf32, #tpu.memory_space<hbm>>) target_semaphore(%run_scoped3A_596 : memref<!tpu.dma_semaphore, #tpu.memory_space<semaphore_mem>>)
        %dma_wait3A_605 = arith.constant 0 : i32
        %dma_wait3A_606 = arith.constant 0 : i32
        %dma_wait3A_607 = tpu.memref_slice %arg4[%run_scoped3A, %dma_wait3A_605, %dma_wait3A_606] : memref<2x10000x128xf32, #tpu.memory_space<hbm>> -> memref<1x10000x128xf32, #tpu.memory_space<hbm>>
        %dma_wait3A_608 = tpu.memref_squeeze %dma_wait3A_607 : memref<1x10000x128xf32, #tpu.memory_space<hbm>> -> memref<10000x128xf32, #tpu.memory_space<hbm>>
        %dma_wait3A_609 = arith.constant 0 : i32
        %dma_wait3A_610 = tpu.memref_slice %dma_wait3A_608[%mul3A_2, %dma_wait3A_609] : memref<10000x128xf32, #tpu.memory_space<hbm>> -> memref<624x128xf32, #tpu.memory_space<hbm>>
        %dma_wait3A_611 = arith.constant 0 : i32
        %dma_wait3A_612 = tpu.memref_slice %arg14[%mul3A_2, %dma_wait3A_611] : memref<10016x128xf32, #tpu.memory_space<vmem_shared>> -> memref<624x128xf32, #tpu.memory_space<vmem_shared>>
        tpu.wait_dma2 semaphore(%run_scoped3A_596 : memref<!tpu.dma_semaphore, #tpu.memory_space<semaphore_mem>>) src(%dma_wait3A_612 : memref<624x128xf32, #tpu.memory_space<vmem_shared>>) dst(%dma_wait3A_610 : memref<624x128xf32, #tpu.memory_space<hbm>>)
        tpu.yield
      }) : () -> ()
    } else {
    }
    %eq3A_572 = arith.constant 0 : i32
    %eq3A_573 = arith.cmpi eq, %arg0, %eq3A_572 : i32
    %eq3A_574 = arith.constant 15 : i32
    %eq3A_575 = arith.cmpi eq, %arg1, %eq3A_574 : i32
    %and3A_576 = arith.andi %eq3A_573, %eq3A_575 : i1
    %convert_element_type3A_577 = arith.extui %and3A_576 : i1 to i32
    %cond3A_578 = arith.constant 0 : i32
    %cond3A_579 = arith.cmpi ne, %convert_element_type3A_577, %cond3A_578 : i32
    scf.if %cond3A_579 {
      %run_scoped3A = arith.constant 0 : i32
      "tpu.region"() ({
        %run_scoped3A_596 = tpu.sem_alloc : memref<!tpu.dma_semaphore, #tpu.memory_space<semaphore_mem>>
        %dma_start3A_597 = arith.constant 0 : i32
        %dma_start3A_598 = arith.constant 0 : i32
        %dma_start3A_599 = tpu.memref_slice %arg4[%run_scoped3A, %dma_start3A_597, %dma_start3A_598] : memref<2x10000x128xf32, #tpu.memory_space<hbm>> -> memref<1x10000x128xf32, #tpu.memory_space<hbm>>
        %dma_start3A_600 = tpu.memref_squeeze %dma_start3A_599 : memref<1x10000x128xf32, #tpu.memory_space<hbm>> -> memref<10000x128xf32, #tpu.memory_space<hbm>>
        %dma_start3A_601 = arith.constant 9360 : i32
        %dma_start3A_602 = arith.constant 0 : i32
        %dma_start3A_603 = tpu.memref_slice %dma_start3A_600[%dma_start3A_601, %dma_start3A_602] : memref<10000x128xf32, #tpu.memory_space<hbm>> -> memref<640x128xf32, #tpu.memory_space<hbm>>
        %dma_start3A_604 = arith.constant 9360 : i32
        %dma_start3A_605 = arith.constant 0 : i32
        %dma_start3A_606 = tpu.memref_slice %arg14[%dma_start3A_604, %dma_start3A_605] : memref<10016x128xf32, #tpu.memory_space<vmem_shared>> -> memref<640x128xf32, #tpu.memory_space<vmem_shared>>
        tpu.enqueue_dma source(%dma_start3A_606 : memref<640x128xf32, #tpu.memory_space<vmem_shared>>) target(%dma_start3A_603 : memref<640x128xf32, #tpu.memory_space<hbm>>) target_semaphore(%run_scoped3A_596 : memref<!tpu.dma_semaphore, #tpu.memory_space<semaphore_mem>>)
        %dma_wait3A_607 = arith.constant 0 : i32
        %dma_wait3A_608 = arith.constant 0 : i32
        %dma_wait3A_609 = tpu.memref_slice %arg4[%run_scoped3A, %dma_wait3A_607, %dma_wait3A_608] : memref<2x10000x128xf32, #tpu.memory_space<hbm>> -> memref<1x10000x128xf32, #tpu.memory_space<hbm>>
        %dma_wait3A_610 = tpu.memref_squeeze %dma_wait3A_609 : memref<1x10000x128xf32, #tpu.memory_space<hbm>> -> memref<10000x128xf32, #tpu.memory_space<hbm>>
        %dma_wait3A_611 = arith.constant 9360 : i32
        %dma_wait3A_612 = arith.constant 0 : i32
        %dma_wait3A_613 = tpu.memref_slice %dma_wait3A_610[%dma_wait3A_611, %dma_wait3A_612] : memref<10000x128xf32, #tpu.memory_space<hbm>> -> memref<640x128xf32, #tpu.memory_space<hbm>>
        %dma_wait3A_614 = arith.constant 9360 : i32
        %dma_wait3A_615 = arith.constant 0 : i32
        %dma_wait3A_616 = tpu.memref_slice %arg14[%dma_wait3A_614, %dma_wait3A_615] : memref<10016x128xf32, #tpu.memory_space<vmem_shared>> -> memref<640x128xf32, #tpu.memory_space<vmem_shared>>
        tpu.wait_dma2 semaphore(%run_scoped3A_596 : memref<!tpu.dma_semaphore, #tpu.memory_space<semaphore_mem>>) src(%dma_wait3A_616 : memref<640x128xf32, #tpu.memory_space<vmem_shared>>) dst(%dma_wait3A_613 : memref<640x128xf32, #tpu.memory_space<hbm>>)
        tpu.yield
      }) : () -> ()
    } else {
    }
    %eq3A_580 = arith.constant 1 : i32
    %eq3A_581 = arith.cmpi eq, %arg0, %eq3A_580 : i32
    %lt3A_582 = arith.constant 15 : i32
    %lt3A_583 = arith.cmpi slt, %arg1, %lt3A_582 : i32
    %and3A_584 = arith.andi %eq3A_581, %lt3A_583 : i1
    %convert_element_type3A_585 = arith.extui %and3A_584 : i1 to i32
    %cond3A_586 = arith.constant 0 : i32
    %cond3A_587 = arith.cmpi ne, %convert_element_type3A_585, %cond3A_586 : i32
    scf.if %cond3A_587 {
      %run_scoped3A = arith.constant 1 : i32
      "tpu.region"() ({
        %run_scoped3A_596 = tpu.sem_alloc : memref<!tpu.dma_semaphore, #tpu.memory_space<semaphore_mem>>
        %dma_start3A_597 = arith.constant 0 : i32
        %dma_start3A_598 = arith.constant 0 : i32
        %dma_start3A_599 = tpu.memref_slice %arg4[%run_scoped3A, %dma_start3A_597, %dma_start3A_598] : memref<2x10000x128xf32, #tpu.memory_space<hbm>> -> memref<1x10000x128xf32, #tpu.memory_space<hbm>>
        %dma_start3A_600 = tpu.memref_squeeze %dma_start3A_599 : memref<1x10000x128xf32, #tpu.memory_space<hbm>> -> memref<10000x128xf32, #tpu.memory_space<hbm>>
        %dma_start3A_601 = arith.constant 0 : i32
        %dma_start3A_602 = tpu.memref_slice %dma_start3A_600[%mul3A_2, %dma_start3A_601] : memref<10000x128xf32, #tpu.memory_space<hbm>> -> memref<624x128xf32, #tpu.memory_space<hbm>>
        %dma_start3A_603 = arith.constant 0 : i32
        %dma_start3A_604 = tpu.memref_slice %arg14[%mul3A_2, %dma_start3A_603] : memref<10016x128xf32, #tpu.memory_space<vmem_shared>> -> memref<624x128xf32, #tpu.memory_space<vmem_shared>>
        tpu.enqueue_dma source(%dma_start3A_604 : memref<624x128xf32, #tpu.memory_space<vmem_shared>>) target(%dma_start3A_602 : memref<624x128xf32, #tpu.memory_space<hbm>>) target_semaphore(%run_scoped3A_596 : memref<!tpu.dma_semaphore, #tpu.memory_space<semaphore_mem>>)
        %dma_wait3A_605 = arith.constant 0 : i32
        %dma_wait3A_606 = arith.constant 0 : i32
        %dma_wait3A_607 = tpu.memref_slice %arg4[%run_scoped3A, %dma_wait3A_605, %dma_wait3A_606] : memref<2x10000x128xf32, #tpu.memory_space<hbm>> -> memref<1x10000x128xf32, #tpu.memory_space<hbm>>
        %dma_wait3A_608 = tpu.memref_squeeze %dma_wait3A_607 : memref<1x10000x128xf32, #tpu.memory_space<hbm>> -> memref<10000x128xf32, #tpu.memory_space<hbm>>
        %dma_wait3A_609 = arith.constant 0 : i32
        %dma_wait3A_610 = tpu.memref_slice %dma_wait3A_608[%mul3A_2, %dma_wait3A_609] : memref<10000x128xf32, #tpu.memory_space<hbm>> -> memref<624x128xf32, #tpu.memory_space<hbm>>
        %dma_wait3A_611 = arith.constant 0 : i32
        %dma_wait3A_612 = tpu.memref_slice %arg14[%mul3A_2, %dma_wait3A_611] : memref<10016x128xf32, #tpu.memory_space<vmem_shared>> -> memref<624x128xf32, #tpu.memory_space<vmem_shared>>
        tpu.wait_dma2 semaphore(%run_scoped3A_596 : memref<!tpu.dma_semaphore, #tpu.memory_space<semaphore_mem>>) src(%dma_wait3A_612 : memref<624x128xf32, #tpu.memory_space<vmem_shared>>) dst(%dma_wait3A_610 : memref<624x128xf32, #tpu.memory_space<hbm>>)
        tpu.yield
      }) : () -> ()
    } else {
    }
    %eq3A_588 = arith.constant 1 : i32
    %eq3A_589 = arith.cmpi eq, %arg0, %eq3A_588 : i32
    %eq3A_590 = arith.constant 15 : i32
    %eq3A_591 = arith.cmpi eq, %arg1, %eq3A_590 : i32
    %and3A_592 = arith.andi %eq3A_589, %eq3A_591 : i1
    %convert_element_type3A_593 = arith.extui %and3A_592 : i1 to i32
    %cond3A_594 = arith.constant 0 : i32
    %cond3A_595 = arith.cmpi ne, %convert_element_type3A_593, %cond3A_594 : i32
    scf.if %cond3A_595 {
      %run_scoped3A = arith.constant 1 : i32
      "tpu.region"() ({
        %run_scoped3A_596 = tpu.sem_alloc : memref<!tpu.dma_semaphore, #tpu.memory_space<semaphore_mem>>
        %dma_start3A_597 = arith.constant 0 : i32
        %dma_start3A_598 = arith.constant 0 : i32
        %dma_start3A_599 = tpu.memref_slice %arg4[%run_scoped3A, %dma_start3A_597, %dma_start3A_598] : memref<2x10000x128xf32, #tpu.memory_space<hbm>> -> memref<1x10000x128xf32, #tpu.memory_space<hbm>>
        %dma_start3A_600 = tpu.memref_squeeze %dma_start3A_599 : memref<1x10000x128xf32, #tpu.memory_space<hbm>> -> memref<10000x128xf32, #tpu.memory_space<hbm>>
        %dma_start3A_601 = arith.constant 9360 : i32
        %dma_start3A_602 = arith.constant 0 : i32
        %dma_start3A_603 = tpu.memref_slice %dma_start3A_600[%dma_start3A_601, %dma_start3A_602] : memref<10000x128xf32, #tpu.memory_space<hbm>> -> memref<640x128xf32, #tpu.memory_space<hbm>>
        %dma_start3A_604 = arith.constant 9360 : i32
        %dma_start3A_605 = arith.constant 0 : i32
        %dma_start3A_606 = tpu.memref_slice %arg14[%dma_start3A_604, %dma_start3A_605] : memref<10016x128xf32, #tpu.memory_space<vmem_shared>> -> memref<640x128xf32, #tpu.memory_space<vmem_shared>>
        tpu.enqueue_dma source(%dma_start3A_606 : memref<640x128xf32, #tpu.memory_space<vmem_shared>>) target(%dma_start3A_603 : memref<640x128xf32, #tpu.memory_space<hbm>>) target_semaphore(%run_scoped3A_596 : memref<!tpu.dma_semaphore, #tpu.memory_space<semaphore_mem>>)
        %dma_wait3A_607 = arith.constant 0 : i32
        %dma_wait3A_608 = arith.constant 0 : i32
        %dma_wait3A_609 = tpu.memref_slice %arg4[%run_scoped3A, %dma_wait3A_607, %dma_wait3A_608] : memref<2x10000x128xf32, #tpu.memory_space<hbm>> -> memref<1x10000x128xf32, #tpu.memory_space<hbm>>
        %dma_wait3A_610 = tpu.memref_squeeze %dma_wait3A_609 : memref<1x10000x128xf32, #tpu.memory_space<hbm>> -> memref<10000x128xf32, #tpu.memory_space<hbm>>
        %dma_wait3A_611 = arith.constant 9360 : i32
        %dma_wait3A_612 = arith.constant 0 : i32
        %dma_wait3A_613 = tpu.memref_slice %dma_wait3A_610[%dma_wait3A_611, %dma_wait3A_612] : memref<10000x128xf32, #tpu.memory_space<hbm>> -> memref<640x128xf32, #tpu.memory_space<hbm>>
        %dma_wait3A_614 = arith.constant 9360 : i32
        %dma_wait3A_615 = arith.constant 0 : i32
        %dma_wait3A_616 = tpu.memref_slice %arg14[%dma_wait3A_614, %dma_wait3A_615] : memref<10016x128xf32, #tpu.memory_space<vmem_shared>> -> memref<640x128xf32, #tpu.memory_space<vmem_shared>>
        tpu.wait_dma2 semaphore(%run_scoped3A_596 : memref<!tpu.dma_semaphore, #tpu.memory_space<semaphore_mem>>) src(%dma_wait3A_616 : memref<640x128xf32, #tpu.memory_space<vmem_shared>>) dst(%dma_wait3A_613 : memref<640x128xf32, #tpu.memory_space<hbm>>)
        tpu.yield
      }) : () -> ()
    } else {
    }
    return
  }
}

module attributes {stable_mosaic.version = 14 : i64} {
  func.func @_mlp_body(%arg0: i32, %arg1: memref<2000x128xf32, #tpu.memory_space<vmem>>, %arg2: memref<1x2000x128xf32, #tpu.memory_space<vmem>>, %arg3: memref<1x2000x128xf32, #tpu.memory_space<vmem>>, %arg4: memref<128x128xf32, #tpu.memory_space<vmem>>, %arg5: memref<1x128xf32, #tpu.memory_space<vmem>>, %arg6: memref<128x128xf32, #tpu.memory_space<vmem>>, %arg7: memref<1x128xf32, #tpu.memory_space<vmem>>, %arg8: memref<2000x128xf32, #tpu.memory_space<vmem>>) attributes {dimension_semantics = [#tpu.dimension_semantics<arbitrary>], iteration_bounds = array<i64: 5>, scalar_prefetch = 0 : i64, scratch_operands = 0 : i64, tpu.core_type = #tpu.core_type<tc>, window_params = [{transform_indices = @transform_0, window_bounds = array<i64: 2000, 128>}, {transform_indices = @transform_1, window_bounds = array<i64: 1, 2000, 128>}, {transform_indices = @transform_2, window_bounds = array<i64: 1, 2000, 128>}, {pipeline_mode = #tpu.pipeline_mode<synchronous>, transform_indices = @transform_3, window_bounds = array<i64: 128, 128>}, {pipeline_mode = #tpu.pipeline_mode<synchronous>, transform_indices = @transform_4, window_bounds = array<i64: 1, 128>}, {pipeline_mode = #tpu.pipeline_mode<synchronous>, transform_indices = @transform_5, window_bounds = array<i64: 128, 128>}, {pipeline_mode = #tpu.pipeline_mode<synchronous>, transform_indices = @transform_6, window_bounds = array<i64: 1, 128>}, {transform_indices = @transform_7, window_bounds = array<i64: 2000, 128>}]} {
    %get3A = arith.constant 0 : index
    %get3A_0 = arith.constant 0 : index
    %get3A_1 = vector.load %arg1[%get3A, %get3A_0] : memref<2000x128xf32, #tpu.memory_space<vmem>>, vector<2000x128xf32>
    %get3A_2 = arith.constant 0 : index
    %get3A_3 = arith.constant 0 : index
    %get3A_4 = arith.constant 0 : index
    %get3A_5 = vector.load %arg2[%get3A_2, %get3A_3, %get3A_4] : memref<1x2000x128xf32, #tpu.memory_space<vmem>>, vector<1x2000x128xf32>
    %reshape3A = vector.shape_cast %get3A_5 : vector<1x2000x128xf32> to vector<2000x128xf32>
    %add3A = arith.addf %get3A_1, %reshape3A : vector<2000x128xf32>
    %get3A_6 = arith.constant 0 : index
    %get3A_7 = arith.constant 0 : index
    %get3A_8 = arith.constant 0 : index
    %get3A_9 = vector.load %arg3[%get3A_6, %get3A_7, %get3A_8] : memref<1x2000x128xf32, #tpu.memory_space<vmem>>, vector<1x2000x128xf32>
    %reshape3A_10 = vector.shape_cast %get3A_9 : vector<1x2000x128xf32> to vector<2000x128xf32>
    %add3A_11 = arith.addf %add3A, %reshape3A_10 : vector<2000x128xf32>
    %get3A_12 = arith.constant 0 : index
    %get3A_13 = arith.constant 0 : index
    %get3A_14 = vector.load %arg4[%get3A_12, %get3A_13] : memref<128x128xf32, #tpu.memory_space<vmem>>, vector<128x128xf32>
    %dot_general3A = arith.constant dense<0.000000e+00> : vector<2000x128xf32>
    %dot_general3A_15 = tpu.matmul %add3A_11, %get3A_14, %dot_general3A {dimension_numbers = #tpu.dot_dimension_numbers<[1], [0], [0], [1], [0, 0, 1, 1], [], []>, transpose_lhs_hint = false} : vector<2000x128xf32>, vector<128x128xf32>, vector<2000x128xf32> -> vector<2000x128xf32>
    %get3A_16 = arith.constant 0 : index
    %get3A_17 = arith.constant 0 : index
    %get3A_18 = vector.load %arg5[%get3A_16, %get3A_17] : memref<1x128xf32, #tpu.memory_space<vmem>>, vector<1x128xf32>
    %add3A_19 = vector.broadcast %get3A_18 : vector<1x128xf32> to vector<2000x128xf32>
    %add3A_20 = arith.addf %dot_general3A_15, %add3A_19 : vector<2000x128xf32>
    %max3A = arith.constant 0.000000e+00 : f32
    %max3A_21 = vector.broadcast %max3A : f32 to vector<2000x128xf32>
    %max3A_22 = arith.maximumf %add3A_20, %max3A_21 : vector<2000x128xf32>
    %get3A_23 = arith.constant 0 : index
    %get3A_24 = arith.constant 0 : index
    %get3A_25 = vector.load %arg6[%get3A_23, %get3A_24] : memref<128x128xf32, #tpu.memory_space<vmem>>, vector<128x128xf32>
    %dot_general3A_26 = arith.constant dense<0.000000e+00> : vector<2000x128xf32>
    %dot_general3A_27 = tpu.matmul %max3A_22, %get3A_25, %dot_general3A_26 {dimension_numbers = #tpu.dot_dimension_numbers<[1], [0], [0], [1], [0, 0, 1, 1], [], []>, transpose_lhs_hint = false} : vector<2000x128xf32>, vector<128x128xf32>, vector<2000x128xf32> -> vector<2000x128xf32>
    %get3A_28 = arith.constant 0 : index
    %get3A_29 = arith.constant 0 : index
    %get3A_30 = vector.load %arg7[%get3A_28, %get3A_29] : memref<1x128xf32, #tpu.memory_space<vmem>>, vector<1x128xf32>
    %add3A_31 = vector.broadcast %get3A_30 : vector<1x128xf32> to vector<2000x128xf32>
    %add3A_32 = arith.addf %dot_general3A_27, %add3A_31 : vector<2000x128xf32>
    %max3A_33 = arith.constant 0.000000e+00 : f32
    %max3A_34 = vector.broadcast %max3A_33 : f32 to vector<2000x128xf32>
    %max3A_35 = arith.maximumf %add3A_32, %max3A_34 : vector<2000x128xf32>
    %swap3A = arith.constant 0 : index
    %swap3A_36 = arith.constant 0 : index
    %swap3A_37 = vector.load %arg8[%swap3A, %swap3A_36] : memref<2000x128xf32, #tpu.memory_space<vmem>>, vector<2000x128xf32>
    tpu.vector_store %arg8[%swap3A, %swap3A_36], %max3A_35 {strides = array<i32>} : memref<2000x128xf32, #tpu.memory_space<vmem>>, vector<2000x128xf32>,
    return
  }
  func.func @transform_0(%arg0: i32) -> (i32, i32) {
    %c0_i32 = arith.constant 0 : i32
    %c0_i32_0 = arith.constant 0 : i32
    return %arg0, %c0_i32 : i32, i32
  }
  func.func @transform_1(%arg0: i32) -> (i32, i32, i32) {
    %c0_i32 = arith.constant 0 : i32
    %c0_i32_0 = arith.constant 0 : i32
    %c0_i32_1 = arith.constant 0 : i32
    return %c0_i32, %arg0, %c0_i32_0 : i32, i32, i32
  }
  func.func @transform_2(%arg0: i32) -> (i32, i32, i32) {
    %c1_i32 = arith.constant 1 : i32
    %c0_i32 = arith.constant 0 : i32
    %c0_i32_0 = arith.constant 0 : i32
    return %c1_i32, %arg0, %c0_i32 : i32, i32, i32
  }
  func.func @transform_3(%arg0: i32) -> (i32, i32) {
    %c0_i32 = arith.constant 0 : i32
    %c0_i32_0 = arith.constant 0 : i32
    %c0_i32_1 = arith.constant 0 : i32
    return %c0_i32, %c0_i32_0 : i32, i32
  }
  func.func @transform_4(%arg0: i32) -> (i32, i32) {
    %c0_i32 = arith.constant 0 : i32
    %c0_i32_0 = arith.constant 0 : i32
    %c0_i32_1 = arith.constant 0 : i32
    return %c0_i32, %c0_i32_0 : i32, i32
  }
  func.func @transform_5(%arg0: i32) -> (i32, i32) {
    %c0_i32 = arith.constant 0 : i32
    %c0_i32_0 = arith.constant 0 : i32
    %c0_i32_1 = arith.constant 0 : i32
    return %c0_i32, %c0_i32_0 : i32, i32
  }
  func.func @transform_6(%arg0: i32) -> (i32, i32) {
    %c0_i32 = arith.constant 0 : i32
    %c0_i32_0 = arith.constant 0 : i32
    %c0_i32_1 = arith.constant 0 : i32
    return %c0_i32, %c0_i32_0 : i32, i32
  }
  func.func @transform_7(%arg0: i32) -> (i32, i32) {
    %c0_i32 = arith.constant 0 : i32
    %c0_i32_0 = arith.constant 0 : i32
    return %arg0, %c0_i32 : i32, i32
  }
}

module attributes {stable_mosaic.version = 14 : i64} {
  func.func @_final_body(%arg0: i32, %arg1: memref<2000x128xf32, #tpu.memory_space<vmem>>, %arg2: memref<1x2000x128xf32, #tpu.memory_space<vmem>>, %arg3: memref<1x2000x128xf32, #tpu.memory_space<vmem>>, %arg4: memref<128x128xf32, #tpu.memory_space<vmem>>, %arg5: memref<1x128xf32, #tpu.memory_space<vmem>>, %arg6: memref<128x128xf32, #tpu.memory_space<vmem>>, %arg7: memref<1x128xf32, #tpu.memory_space<vmem>>, %arg8: memref<1x1x2000xi32, #tpu.memory_space<vmem>>, %arg9: memref<256x128xf32, #tpu.memory_space<vmem>>, %arg10: memref<1x128xf32, #tpu.memory_space<vmem>>, %arg11: memref<64x128xf32, #tpu.memory_space<vmem>>, %arg12: memref<64x128xf32, #tpu.memory_space<vmem>>, %arg13: memref<64x128xf32, #tpu.memory_space<vmem>>) attributes {dimension_semantics = [#tpu.dimension_semantics<arbitrary>], iteration_bounds = array<i64: 5>, scalar_prefetch = 0 : i64, scratch_operands = 2 : i64, tpu.core_type = #tpu.core_type<tc>, window_params = [{transform_indices = @transform_0, window_bounds = array<i64: 2000, 128>}, {transform_indices = @transform_1, window_bounds = array<i64: 1, 2000, 128>}, {transform_indices = @transform_2, window_bounds = array<i64: 1, 2000, 128>}, {pipeline_mode = #tpu.pipeline_mode<synchronous>, transform_indices = @transform_3, window_bounds = array<i64: 128, 128>}, {pipeline_mode = #tpu.pipeline_mode<synchronous>, transform_indices = @transform_4, window_bounds = array<i64: 1, 128>}, {pipeline_mode = #tpu.pipeline_mode<synchronous>, transform_indices = @transform_5, window_bounds = array<i64: 128, 128>}, {pipeline_mode = #tpu.pipeline_mode<synchronous>, transform_indices = @transform_6, window_bounds = array<i64: 1, 128>}, {transform_indices = @transform_7, window_bounds = array<i64: 1, 1, 2000>}, {pipeline_mode = #tpu.pipeline_mode<synchronous>, transform_indices = @transform_8, window_bounds = array<i64: 256, 128>}, {pipeline_mode = #tpu.pipeline_mode<synchronous>, transform_indices = @transform_9, window_bounds = array<i64: 1, 128>}, {pipeline_mode = #tpu.pipeline_mode<synchronous>, transform_indices = @transform_10, window_bounds = array<i64: 64, 128>}]} {
    %eq3A = arith.constant 0 : i32
    %eq3A_0 = arith.cmpi eq, %arg0, %eq3A : i32
    %convert_element_type3A = arith.extui %eq3A_0 : i1 to i32
    %cond3A = arith.constant 0 : i32
    %cond3A_1 = arith.cmpi ne, %convert_element_type3A, %cond3A : i32
    scf.if %cond3A_1 {
      %broadcast_in_dim3A = arith.constant 0.000000e+00 : f32
      %broadcast_in_dim3A_69 = vector.broadcast %broadcast_in_dim3A : f32 to vector<64x128xf32>
      %swap3A_70 = arith.constant 0 : index
      %swap3A_71 = arith.constant 0 : index
      %swap3A_72 = vector.load %arg12[%swap3A_70, %swap3A_71] : memref<64x128xf32, #tpu.memory_space<vmem>>, vector<64x128xf32>
      tpu.vector_store %arg12[%swap3A_70, %swap3A_71], %broadcast_in_dim3A_69 {strides = array<i32>} : memref<64x128xf32, #tpu.memory_space<vmem>>, vector<64x128xf32>,
      %broadcast_in_dim3A_73 = arith.constant 0.000000e+00 : f32
      %broadcast_in_dim3A_74 = vector.broadcast %broadcast_in_dim3A_73 : f32 to vector<64x128xf32>
      %swap3A_75 = arith.constant 0 : index
      %swap3A_76 = arith.constant 0 : index
      %swap3A_77 = vector.load %arg13[%swap3A_75, %swap3A_76] : memref<64x128xf32, #tpu.memory_space<vmem>>, vector<64x128xf32>
      tpu.vector_store %arg13[%swap3A_75, %swap3A_76], %broadcast_in_dim3A_74 {strides = array<i32>} : memref<64x128xf32, #tpu.memory_space<vmem>>, vector<64x128xf32>,
    } else {
    }
    %get3A = arith.constant 0 : index
    %get3A_2 = arith.constant 0 : index
    %get3A_3 = vector.load %arg1[%get3A, %get3A_2] : memref<2000x128xf32, #tpu.memory_space<vmem>>, vector<2000x128xf32>
    %get3A_4 = arith.constant 0 : index
    %get3A_5 = arith.constant 0 : index
    %get3A_6 = arith.constant 0 : index
    %get3A_7 = vector.load %arg2[%get3A_4, %get3A_5, %get3A_6] : memref<1x2000x128xf32, #tpu.memory_space<vmem>>, vector<1x2000x128xf32>
    %reshape3A = vector.shape_cast %get3A_7 : vector<1x2000x128xf32> to vector<2000x128xf32>
    %add3A = arith.addf %get3A_3, %reshape3A : vector<2000x128xf32>
    %get3A_8 = arith.constant 0 : index
    %get3A_9 = arith.constant 0 : index
    %get3A_10 = arith.constant 0 : index
    %get3A_11 = vector.load %arg3[%get3A_8, %get3A_9, %get3A_10] : memref<1x2000x128xf32, #tpu.memory_space<vmem>>, vector<1x2000x128xf32>
    %reshape3A_12 = vector.shape_cast %get3A_11 : vector<1x2000x128xf32> to vector<2000x128xf32>
    %add3A_13 = arith.addf %add3A, %reshape3A_12 : vector<2000x128xf32>
    %get3A_14 = arith.constant 0 : index
    %get3A_15 = arith.constant 0 : index
    %get3A_16 = vector.load %arg4[%get3A_14, %get3A_15] : memref<128x128xf32, #tpu.memory_space<vmem>>, vector<128x128xf32>
    %dot_general3A = arith.constant dense<0.000000e+00> : vector<2000x128xf32>
    %dot_general3A_17 = tpu.matmul %add3A_13, %get3A_16, %dot_general3A {dimension_numbers = #tpu.dot_dimension_numbers<[1], [0], [0], [1], [0, 0, 1, 1], [], []>, transpose_lhs_hint = false} : vector<2000x128xf32>, vector<128x128xf32>, vector<2000x128xf32> -> vector<2000x128xf32>
    %get3A_18 = arith.constant 0 : index
    %get3A_19 = arith.constant 0 : index
    %get3A_20 = vector.load %arg5[%get3A_18, %get3A_19] : memref<1x128xf32, #tpu.memory_space<vmem>>, vector<1x128xf32>
    %add3A_21 = vector.broadcast %get3A_20 : vector<1x128xf32> to vector<2000x128xf32>
    %add3A_22 = arith.addf %dot_general3A_17, %add3A_21 : vector<2000x128xf32>
    %max3A = arith.constant 0.000000e+00 : f32
    %max3A_23 = vector.broadcast %max3A : f32 to vector<2000x128xf32>
    %max3A_24 = arith.maximumf %add3A_22, %max3A_23 : vector<2000x128xf32>
    %get3A_25 = arith.constant 0 : index
    %get3A_26 = arith.constant 0 : index
    %get3A_27 = vector.load %arg6[%get3A_25, %get3A_26] : memref<128x128xf32, #tpu.memory_space<vmem>>, vector<128x128xf32>
    %dot_general3A_28 = arith.constant dense<0.000000e+00> : vector<2000x128xf32>
    %dot_general3A_29 = tpu.matmul %max3A_24, %get3A_27, %dot_general3A_28 {dimension_numbers = #tpu.dot_dimension_numbers<[1], [0], [0], [1], [0, 0, 1, 1], [], []>, transpose_lhs_hint = false} : vector<2000x128xf32>, vector<128x128xf32>, vector<2000x128xf32> -> vector<2000x128xf32>
    %get3A_30 = arith.constant 0 : index
    %get3A_31 = arith.constant 0 : index
    %get3A_32 = vector.load %arg7[%get3A_30, %get3A_31] : memref<1x128xf32, #tpu.memory_space<vmem>>, vector<1x128xf32>
    %add3A_33 = vector.broadcast %get3A_32 : vector<1x128xf32> to vector<2000x128xf32>
    %add3A_34 = arith.addf %dot_general3A_29, %add3A_33 : vector<2000x128xf32>
    %max3A_35 = arith.constant 0.000000e+00 : f32
    %max3A_36 = vector.broadcast %max3A_35 : f32 to vector<2000x128xf32>
    %max3A_37 = arith.maximumf %add3A_34, %max3A_36 : vector<2000x128xf32>
    %get3A_38 = arith.constant 0 : index
    %get3A_39 = arith.constant 0 : index
    %get3A_40 = arith.constant 0 : index
    %get3A_41 = vector.load %arg8[%get3A_38, %get3A_39, %get3A_40] : memref<1x1x2000xi32, #tpu.memory_space<vmem>>, vector<1x1x2000xi32>
    %reshape3A_42 = vector.shape_cast %get3A_41 : vector<1x1x2000xi32> to vector<1x2000xi32>
    %iota3A = tpu.iota {dimensions = array<i32: 0>} : vector<64x2000xi32>
    %eq3A_43 = vector.broadcast %reshape3A_42 : vector<1x2000xi32> to vector<64x2000xi32>
    %eq3A_44 = arith.cmpi eq, %iota3A, %eq3A_43 : vector<64x2000xi32>
    %convert_element_type3A_45 = arith.extui %eq3A_44 : vector<64x2000xi1> to vector<64x2000xi32>
    %convert_element_type3A_46 = arith.sitofp %convert_element_type3A_45 : vector<64x2000xi32> to vector<64x2000xf32>
    %get3A_47 = arith.constant 0 : index
    %get3A_48 = arith.constant 0 : index
    %get3A_49 = vector.load %arg12[%get3A_47, %get3A_48] : memref<64x128xf32, #tpu.memory_space<vmem>>, vector<64x128xf32>
    %dot_general3A_50 = arith.constant dense<0.000000e+00> : vector<64x128xf32>
    %dot_general3A_51 = tpu.matmul %convert_element_type3A_46, %get3A_3, %dot_general3A_50 {dimension_numbers = #tpu.dot_dimension_numbers<[1], [0], [0], [1], [0, 0, 1, 1], [], []>, transpose_lhs_hint = false} : vector<64x2000xf32>, vector<2000x128xf32>, vector<64x128xf32> -> vector<64x128xf32>
    %add3A_52 = arith.addf %get3A_49, %dot_general3A_51 : vector<64x128xf32>
    %swap3A = arith.constant 0 : index
    %swap3A_53 = arith.constant 0 : index
    %swap3A_54 = vector.load %arg12[%swap3A, %swap3A_53] : memref<64x128xf32, #tpu.memory_space<vmem>>, vector<64x128xf32>
    tpu.vector_store %arg12[%swap3A, %swap3A_53], %add3A_52 {strides = array<i32>} : memref<64x128xf32, #tpu.memory_space<vmem>>, vector<64x128xf32>,
    %get3A_55 = arith.constant 0 : index
    %get3A_56 = arith.constant 0 : index
    %get3A_57 = vector.load %arg13[%get3A_55, %get3A_56] : memref<64x128xf32, #tpu.memory_space<vmem>>, vector<64x128xf32>
    %dot_general3A_58 = arith.constant dense<0.000000e+00> : vector<64x128xf32>
    %dot_general3A_59 = tpu.matmul %convert_element_type3A_46, %max3A_37, %dot_general3A_58 {dimension_numbers = #tpu.dot_dimension_numbers<[1], [0], [0], [1], [0, 0, 1, 1], [], []>, transpose_lhs_hint = false} : vector<64x2000xf32>, vector<2000x128xf32>, vector<64x128xf32> -> vector<64x128xf32>
    %add3A_60 = arith.addf %get3A_57, %dot_general3A_59 : vector<64x128xf32>
    %swap3A_61 = arith.constant 0 : index
    %swap3A_62 = arith.constant 0 : index
    %swap3A_63 = vector.load %arg13[%swap3A_61, %swap3A_62] : memref<64x128xf32, #tpu.memory_space<vmem>>, vector<64x128xf32>
    tpu.vector_store %arg13[%swap3A_61, %swap3A_62], %add3A_60 {strides = array<i32>} : memref<64x128xf32, #tpu.memory_space<vmem>>, vector<64x128xf32>,
    %eq3A_64 = arith.constant 4 : i32
    %eq3A_65 = arith.cmpi eq, %arg0, %eq3A_64 : i32
    %convert_element_type3A_66 = arith.extui %eq3A_65 : i1 to i32
    %cond3A_67 = arith.constant 0 : i32
    %cond3A_68 = arith.cmpi ne, %convert_element_type3A_66, %cond3A_67 : i32
    scf.if %cond3A_68 {
      %get3A_69 = arith.constant 0 : index
      %get3A_70 = arith.constant 0 : index
      %get3A_71 = vector.load %arg12[%get3A_69, %get3A_70] : memref<64x128xf32, #tpu.memory_space<vmem>>, vector<64x128xf32>
      %get3A_72 = arith.constant 0 : index
      %get3A_73 = arith.constant 0 : index
      %get3A_74 = vector.load %arg9[%get3A_72, %get3A_73] : memref<256x128xf32, #tpu.memory_space<vmem>>, vector<128x128xf32>
      %dot_general3A_75 = arith.constant dense<0.000000e+00> : vector<64x128xf32>
      %dot_general3A_76 = tpu.matmul %get3A_71, %get3A_74, %dot_general3A_75 {dimension_numbers = #tpu.dot_dimension_numbers<[1], [0], [0], [1], [0, 0, 1, 1], [], []>, transpose_lhs_hint = false} : vector<64x128xf32>, vector<128x128xf32>, vector<64x128xf32> -> vector<64x128xf32>
      %get3A_77 = arith.constant 0 : index
      %get3A_78 = arith.constant 0 : index
      %get3A_79 = vector.load %arg13[%get3A_77, %get3A_78] : memref<64x128xf32, #tpu.memory_space<vmem>>, vector<64x128xf32>
      %get3A_80 = arith.constant 128 : index
      %get3A_81 = arith.constant 0 : index
      %get3A_82 = vector.load %arg9[%get3A_80, %get3A_81] : memref<256x128xf32, #tpu.memory_space<vmem>>, vector<128x128xf32>
      %dot_general3A_83 = arith.constant dense<0.000000e+00> : vector<64x128xf32>
      %dot_general3A_84 = tpu.matmul %get3A_79, %get3A_82, %dot_general3A_83 {dimension_numbers = #tpu.dot_dimension_numbers<[1], [0], [0], [1], [0, 0, 1, 1], [], []>, transpose_lhs_hint = false} : vector<64x128xf32>, vector<128x128xf32>, vector<64x128xf32> -> vector<64x128xf32>
      %add3A_85 = arith.addf %dot_general3A_76, %dot_general3A_84 : vector<64x128xf32>
      %get3A_86 = arith.constant 0 : index
      %get3A_87 = arith.constant 0 : index
      %get3A_88 = vector.load %arg10[%get3A_86, %get3A_87] : memref<1x128xf32, #tpu.memory_space<vmem>>, vector<1x128xf32>
      %add3A_89 = vector.broadcast %get3A_88 : vector<1x128xf32> to vector<64x128xf32>
      %add3A_90 = arith.addf %add3A_85, %add3A_89 : vector<64x128xf32>
      %reduce_max3A = arith.constant dense<0xFF800000> : vector<64xf32>
      %reduce_max3A_91 = vector.multi_reduction <maximumf>, %add3A_90, %reduce_max3A [1] : vector<64x128xf32> to vector<64xf32>
      %broadcast_in_dim3A = vector.shape_cast %reduce_max3A_91 : vector<64xf32> to vector<64x1xf32>
      %sub3A = vector.broadcast %broadcast_in_dim3A : vector<64x1xf32> to vector<64x128xf32>
      %sub3A_92 = arith.subf %add3A_90, %sub3A : vector<64x128xf32>
      %exp3A = math.exp %sub3A_92 : vector<64x128xf32>
      %reduce_sum3A = arith.constant dense<0.000000e+00> : vector<64xf32>
      %reduce_sum3A_93 = vector.multi_reduction <add>, %exp3A, %reduce_sum3A [1] : vector<64x128xf32> to vector<64xf32>
      %broadcast_in_dim3A_94 = vector.shape_cast %reduce_sum3A_93 : vector<64xf32> to vector<64x1xf32>
      %log3A = math.log %broadcast_in_dim3A_94 : vector<64x1xf32>
      %add3A_95 = arith.addf %log3A, %broadcast_in_dim3A : vector<64x1xf32>
      %sub3A_96 = vector.broadcast %add3A_95 : vector<64x1xf32> to vector<64x128xf32>
      %sub3A_97 = arith.subf %add3A_90, %sub3A_96 : vector<64x128xf32>
      %swap3A_98 = arith.constant 0 : index
      %swap3A_99 = arith.constant 0 : index
      %swap3A_100 = vector.load %arg11[%swap3A_98, %swap3A_99] : memref<64x128xf32, #tpu.memory_space<vmem>>, vector<64x128xf32>
      tpu.vector_store %arg11[%swap3A_98, %swap3A_99], %sub3A_97 {strides = array<i32>} : memref<64x128xf32, #tpu.memory_space<vmem>>, vector<64x128xf32>,
    } else {
    }
    return
  }
  func.func @transform_0(%arg0: i32) -> (i32, i32) {
    %c0_i32 = arith.constant 0 : i32
    %c0_i32_0 = arith.constant 0 : i32
    return %arg0, %c0_i32 : i32, i32
  }
  func.func @transform_1(%arg0: i32) -> (i32, i32, i32) {
    %c0_i32 = arith.constant 0 : i32
    %c0_i32_0 = arith.constant 0 : i32
    %c0_i32_1 = arith.constant 0 : i32
    return %c0_i32, %arg0, %c0_i32_0 : i32, i32, i32
  }
  func.func @transform_2(%arg0: i32) -> (i32, i32, i32) {
    %c1_i32 = arith.constant 1 : i32
    %c0_i32 = arith.constant 0 : i32
    %c0_i32_0 = arith.constant 0 : i32
    return %c1_i32, %arg0, %c0_i32 : i32, i32, i32
  }
  func.func @transform_3(%arg0: i32) -> (i32, i32) {
    %c0_i32 = arith.constant 0 : i32
    %c0_i32_0 = arith.constant 0 : i32
    %c0_i32_1 = arith.constant 0 : i32
    return %c0_i32, %c0_i32_0 : i32, i32
  }
  func.func @transform_4(%arg0: i32) -> (i32, i32) {
    %c0_i32 = arith.constant 0 : i32
    %c0_i32_0 = arith.constant 0 : i32
    %c0_i32_1 = arith.constant 0 : i32
    return %c0_i32, %c0_i32_0 : i32, i32
  }
  func.func @transform_5(%arg0: i32) -> (i32, i32) {
    %c0_i32 = arith.constant 0 : i32
    %c0_i32_0 = arith.constant 0 : i32
    %c0_i32_1 = arith.constant 0 : i32
    return %c0_i32, %c0_i32_0 : i32, i32
  }
  func.func @transform_6(%arg0: i32) -> (i32, i32) {
    %c0_i32 = arith.constant 0 : i32
    %c0_i32_0 = arith.constant 0 : i32
    %c0_i32_1 = arith.constant 0 : i32
    return %c0_i32, %c0_i32_0 : i32, i32
  }
  func.func @transform_7(%arg0: i32) -> (i32, i32, i32) {
    %c0_i32 = arith.constant 0 : i32
    %c0_i32_0 = arith.constant 0 : i32
    %c0_i32_1 = arith.constant 0 : i32
    return %arg0, %c0_i32, %c0_i32_0 : i32, i32, i32
  }
  func.func @transform_8(%arg0: i32) -> (i32, i32) {
    %c0_i32 = arith.constant 0 : i32
    %c0_i32_0 = arith.constant 0 : i32
    %c0_i32_1 = arith.constant 0 : i32
    return %c0_i32, %c0_i32_0 : i32, i32
  }
  func.func @transform_9(%arg0: i32) -> (i32, i32) {
    %c0_i32 = arith.constant 0 : i32
    %c0_i32_0 = arith.constant 0 : i32
    %c0_i32_1 = arith.constant 0 : i32
    return %c0_i32, %c0_i32_0 : i32, i32
  }
  func.func @transform_10(%arg0: i32) -> (i32, i32) {
    %c0_i32 = arith.constant 0 : i32
    %c0_i32_0 = arith.constant 0 : i32
    %c0_i32_1 = arith.constant 0 : i32
    return %c0_i32, %c0_i32_0 : i32, i32
  }
}

</mosaic_0001>

<sc_bundles>
// kernel: kernel.6.cloned.1.call-start
scs
__scs_entry_jumppad:
0x0: {  	(pc) =	sbr.rel $0x88, $3  }
0x1: {  	(tag) =	ssettag $0x0;
	lr =	simm.s32 $0x1  }
0x2: {  	[smem:$0x3F94] =	sst lr;
	_ =	strace $0xD0000000  }
0x3: {  	_ = 	snop  }
0x4: {  	_ = 	snop  }
0x5: {  	_ = 	snop  }
0x6: {  	_ = 	snop  }
0x7: {  	_ = 	snop  }
__scs_overlays_trampoline_lowered:
0x8: {  	[smem:$0x3FA3] =	sst s0  }
0x9: {  	[smem:$0x3FA4] =	sst s1  }
0xa: {  	[smem:$0x3FA5] =	sst s2  }
0xb: {  	[smem:$0x3FA6] =	sst s3  }
0xc: {  	[smem:$0x3FA7] =	sst s4  }
0xd: {  	[smem:$0x3FA8] =	sst s5  }
0xe: {  	[smem:$0x3FA9] =	sst s6  }
0xf: {  	[smem:$0x3FAA] =	sst s7  }
0x10: {  	[smem:$0x3FAB] =	sst s8  }
0x11: {  	[smem:$0x3FAC] =	sst s9;
	s0 =	simm.s32 @!p0 $0x0  }
0x12: {  	s1 =	sld [smem:$0x3F92];
	s0 =	simm.s32 @p0 $0x1  }
0x13: {  	[smem:$0x3FAD] =	sst s0;
	s0 =	simm.s32 @!p1 $0x0  }
0x14: {  	s2 =	sld [smem:$0x3F91];
	s0 =	simm.s32 @p1 $0x1  }
0x15: {  	[smem:$0x3FAE] =	sst s0;
	s0 =	simm.s32 @!p2 $0x0  }
0x16: {  	s3 =	sld [smem:$0x3FDB];
	s0 =	simm.s32 @p2 $0x1  }
0x17: {  	s4 =	simm.s32 $0x1BF5;
	[smem:$0x3FB0] =	sst s0  }
0x18: {  	s0 =	sld [smem:$0x3F93];
	_ =	swait.ge [sflag:s4], $0x0  }
0x19: {  	s7 =	sld [smem:$0x3F94]  }
0x1a: {  	s8 =	sadd.s32 $0xFFFFE003, lr  }
0x1b: {  	s9 =	sadd.s32 $0xFFFFFEF7, lr;
	s5 =	simm.s32 $0xFFFFFFFF;
	p2 =	slt.u32 s8, $0xFFFFF086  }
0x1c: {  	p1 =	slt.u32 s9, $0xF7A;
	s5 =	simm.s32 @!p2 $0x0  }
0x1d: {  	s5 =	simm.s32 @p1 $0x1;
	p0 =	seq.s32 s7, s2  }
0x1e: {  	s7 =	smul.u32 @!p0 $0xF7A, s2;
	p2 =	seq.s32 @!p0 s5, $0x0  }
0x1f: {  	s9 =	smul.u32 $0xF7A, s1;
	s8 =	simm.s32 @!p0 $0x1BF5;
	p2 =	por !p2, p0  }
0x20: {  	[sflag:s8] =	ssyncset.s32 @!p0 $0xFFFFF086;
	s6 =	sadd.s32 @!p0 s3, s7;
	s7 =	simm.s32 @!p0 $0x108  }
0x21: {  	s3 =	sadd.s32 s3, s9;
	s6 =	sadd.s32 @!p0 $0x88, s6;
	s7 =	simm.s32 @p2 $0x1082  }
0x22: {  	[simem:s7], [sflag:s8] =	dma.local @!p0 [hbm:s6], $0xF7A  }
0x23: {  	s9 =	sor.u32 $0xD0000000, s2;
	s6 =	simm.s32 $0x108;
	_ =	swait.ge @!p0 [sflag:s8], $0x0  }
0x24: {  	s3 =	sadd.s32 $0x88, s3;
	s6 =	simm.s32 @!p1 $0x1082;
	[sflag:s4] =	ssyncset.s32 $0xFFFFF086  }
0x25: {  	[simem:s6], [sflag:s4] =	dma.local [hbm:s3], $0xF7A  }
0x26: {  	[smem:$0x3F94] =	sst s1;
	(tag) =	ssettag s2;
	_ =	strace s9  }
0x27: {  	s1 =	sld [smem:$0x3FA4]  }
0x28: {  	s2 =	sld [smem:$0x3FA5]  }
0x29: {  	s4 =	sld [smem:$0x3FA7]  }
0x2a: {  	p0 =	seq.s32 s5, $0x0;
	s5 =	sld [smem:$0x3FA8]  }
0x2b: {  	s6 =	sld [smem:$0x3FA9]  }
0x2c: {  	s7 =	sld [smem:$0x3FAA]  }
0x2d: {  	s3 =	simm.s32 $0x108;
	s8 =	sld [smem:$0x3FAB]  }
0x2e: {  	s3 =	simm.s32 @!p0 $0x1082;
	s9 =	sld [smem:$0x3FAC]  }
0x2f: {  	lr =	sadd.s32 s0, s3;
	s0 =	sld [smem:$0x3FA3]  }
0x30: {  	s3 =	sld [smem:$0x3FA6]  }
0x31: {  	[smem:$0x3FAF] =	sst s10  }
0x32: {  	s10 =	sld [smem:$0x3FAD];
	_ =	sdelay $0x3  }
0x33: {  	p0 =	seq.s32 s10, $0x1;
	s10 =	sld [smem:$0x3FAF];
	_ =	sdelay $0x3  }
0x34: {  	[smem:$0x3FAF] =	sst s10  }
0x35: {  	s10 =	sld [smem:$0x3FAE];
	_ =	sdelay $0x3  }
0x36: {  	p1 =	seq.s32 s10, $0x1;
	s10 =	sld [smem:$0x3FAF];
	_ =	sdelay $0x3  }
0x37: {  	[smem:$0x3FAF] =	sst s10  }
0x38: {  	s10 =	sld [smem:$0x3FB0]  }
0x39: {  	_ = 	snop;
	(pc) =	sbr.ind lr, $3  }
0x3a: {  	_ = 	snop  }
0x3b: {  	_ = 	snop  }
0x3c: {  	p2 =	seq.s32 s10, $0x1;
	s10 =	sld [smem:$0x3FAF]  }
0x3d: {  	_ =	shalt  }
0x3e: {  	_ =	shalt  }
0x3f: {  	_ =	shalt  }
0x40: {  	_ =	shalt  }
0x41: {  	_ =	shalt  }
0x42: {  	_ =	shalt  }
0x43: {  	_ =	shalt  }
0x44: {  	_ =	shalt  }
0x45: {  	_ =	shalt  }
0x46: {  	_ =	shalt  }
0x47: {  	_ =	shalt  }
0x48: {  	_ =	shalt  }
0x49: {  	_ =	shalt  }
0x4a: {  	_ =	shalt  }
0x4b: {  	_ =	shalt  }
0x4c: {  	_ =	shalt  }
0x4d: {  	_ =	shalt  }
0x4e: {  	_ =	shalt  }
0x4f: {  	_ =	shalt  }
0x50: {  	_ =	shalt  }
0x51: {  	_ =	shalt  }
0x52: {  	_ =	shalt  }
0x53: {  	_ =	shalt  }
0x54: {  	_ =	shalt  }
0x55: {  	_ =	shalt  }
0x56: {  	_ =	shalt  }
0x57: {  	_ =	shalt  }
0x58: {  	_ =	shalt  }
0x59: {  	_ =	shalt  }
0x5a: {  	_ =	shalt  }
0x5b: {  	_ =	shalt  }
0x5c: {  	_ =	shalt  }
0x5d: {  	_ =	shalt  }
0x5e: {  	_ =	shalt  }
0x5f: {  	_ =	shalt  }
0x60: {  	_ =	shalt  }
0x61: {  	_ =	shalt  }
0x62: {  	_ =	shalt  }
0x63: {  	_ =	shalt  }
0x64: {  	_ =	shalt  }
0x65: {  	_ =	shalt  }
0x66: {  	_ =	shalt  }
0x67: {  	_ =	shalt  }
0x68: {  	_ =	shalt  }
0x69: {  	_ =	shalt  }
0x6a: {  	_ =	shalt  }
0x6b: {  	_ =	shalt  }
0x6c: {  	_ =	shalt  }
0x6d: {  	_ =	shalt  }
0x6e: {  	_ =	shalt  }
0x6f: {  	_ =	shalt  }
0x70: {  	_ =	shalt  }
0x71: {  	_ =	shalt  }
0x72: {  	_ =	shalt  }
0x73: {  	_ =	shalt  }
0x74: {  	_ =	shalt  }
0x75: {  	_ =	shalt  }
0x76: {  	_ =	shalt  }
0x77: {  	_ =	shalt  }
0x78: {  	_ =	shalt  }
0x79: {  	_ =	shalt  }
0x7a: {  	_ =	shalt  }
0x7b: {  	_ =	shalt  }
0x7c: {  	_ =	shalt  }
0x7d: {  	_ =	shalt  }
0x7e: {  	_ =	shalt  }
0x7f: {  	_ =	shalt  }
0x80: {  	_ =	shalt  }
0x81: {  	_ =	shalt  }
0x82: {  	_ =	shalt  }
0x83: {  	_ =	shalt  }
0x84: {  	_ =	shalt  }
0x85: {  	_ =	shalt  }
0x86: {  	_ =	shalt  }
0x87: {  	_ =	shalt  }
.Lfunc_end0:
.L_simem_size_0:
called_computation_lowered:
.L_overlay_start_0:
0x88: {  	s2 =	sld [smem:$0x3FD9]  }
0x89: {  	s3 =	sld [smem:$0x3FFE];
	_ =	sdelay $0x1  }
0x8a: {  	s1 =	srdreg.scid  }
0x8b: {  	s0 =	sand.u32 $0x1, s1  }
0x8c: {  	s17 =	sshll.u32 s0, $0xA;
	s2 =	sadd.s32 s3, s2  }
0x8d: {  	s2 =	sadd.s32 s2, s17  }
0x8e: {  	[smem:$0x3FBB] =	sst s2  }
0x8f: {  	_ = 	snop  }
0x90: {  	s2 =	sld [smem:$0x3FC9];
	(tm) =	ssettm $0x1  }
0x91: {  	s18 =	sld [smem:$0x3FFB];
	_ =	sdelay $0x3  }
0x92: {  	_ =	strace s18  }
0x93: {  	s3 =	sld [smem:$0x3FFC];
	_ =	sdelay $0x3  }
0x94: {  	_ =	strace s3  }
0x95: {  	s3 =	sld [smem:$0x3FFD];
	_ =	sdelay $0x3  }
0x96: {  	_ =	strace s3  }
0x97: {  	_ =	strace $0x8FFFFFFF  }
0x98: {  	s19 =	sld [smem:$0x3FDB];
	_ =	sdelay $0x1  }
0x99: {  	s4 =	simm.s32 $_scs_section_size  }
0x9a: {  	s5 =	simm.s32 $_size__tile_overlayer_lowered;
	s6 =	simm.s32 $_tile_overlayer_lowered  }
0x9b: {  	s22 =	simm.s32 $0x1BFF;
	s21 =	sshll.u32 s6, $0x1;
	s3 =	sadd.s32 s4, s19  }
0x9c: {  	s7 =	simm.s32 $0x0;
	s20 =	sshll.u32 s5, $0x1;
	s5 =	sadd.s32 s21, s3  }
0x9d: {  	[timem:s7], [sflag:s22] =	dma.local [hbm:s5], s20  }
0x9e: {  	_ =	swait.ge [sflag:s22], s20  }
0x9f: {  	s4 =	ssub.s32 $0x0, s20;
	[sflag:s22] =	ssyncset.done $0x0  }
0xa0: {  	[sflag:s22] =	ssyncadd.s32 s4;
	_ =	sdelay $0x1  }
0xa1: {  	s23 =	simm.s32 $0x1B8B  }
0xa2: {  	_ =	swait.ge [sflag:s23], $0x1  }
0xa3: {  	[sflag:s23] =	ssyncset.done $0x0  }
0xa4: {  	s25 =	simm.s32 $0x1B8E;
	s24 =	sld [smem:$0x3FFE];
	[sflag:s23] =	ssyncadd.s32 $0xFFFFFFFF  }
0xa5: {  	s26 =	simm.s32 $execute0_lowered;
	[smem:$0x3FD2] =	sst s25  }
0xa6: {  	s5 =	sshll.u32 s26, $0x1;
	_ =	strace $0x80000046;
	[dreg:$0x1] =	wrdreg $0xFFFFFFFF  }
0xa7: {  	s28 =	simm.s32 $_size_execute0_lowered;
	s3 =	sadd.s32 s3, s5;
	[dreg:$0x0] =	wrdreg $0x0  }
0xa8: {  	s5 =	sshll.u32 s28, $0x1;
	[dreg:$0x2] =	wrdreg s3  }
0xa9: {  	[dreg:$0x3] =	wrdreg s5  }
0xaa: {  	[dreg:$0x4] =	wrdreg $0xC0  }
0xab: {  	_ =	task [dreg:s7], $0x5FFFF  }
0xac: {  	[dreg:$0x1] =	wrdreg $0xFFFFFFFF  }
0xad: {  	[dreg:$0x0] =	wrdreg $0x60  }
0xae: {  	[dreg:$0x2] =	wrdreg s2  }
0xaf: {  	[dreg:$0x3] =	wrdreg s24  }
0xb0: {  	[dreg:$0x4] =	wrdreg $0xB2200  }
0xb1: {  	[dreg:$0x5] =	wrdreg $0x9  }
0xb2: {  	_ =	task.clear_ibuf [dreg:s7], $0x6FFFF;
	_ =	strace $0x90000046  }
0xb3: {  	s29 =	simm.s32 $0x9;
	_ =	strace $0x80000048  }
0xb4: {  	_ =	swait.ge [sflag:s29], $0x1  }
0xb5: {  	[sflag:s29] =	ssyncadd.s32 $0xFFFFFFFF  }
0xb6: {  	_ =	strace $0x90000048  }
0xb7: {  	_ =	sfence  }
0xb8: {  	s30 =	sld [smem:$0x0];
	_ =	sdelay $0x2  }
0xb9: {  	s31 =	sshll.u32 s1, $0xD;
	s1 =	sshrl.u32 s1, $0x2  }
0xba: {  	s3 =	sand.u32 $0x4000, s31;
	s1 =	sadd.s32 s1, s30  }
0xbb: {  	s0 =	sor.u32 s3, s0;
	s1 =	sshll.u32 s1, $0x11  }
0xbc: {  	s0 =	sor.u32 s1, s0  }
0xbd: {  	s0 =	sadd.s32 $0x8F2B, s0  }
0xbe: {  	[sflag:s0] =	ssyncadd.remote.s32 $0x1  }
0xbf: {  	_ =	sfence.sel $0xFFFF  }
0xc0: {  	[dreg:$0x0] =	wrdreg $0xFFFFFFFF;
	(pc) =	sbr.abs _section_cstart, $3  }
0xc1: {  	[dreg:$0x1] =	wrdreg $0xFFFFFFFF  }
0xc2: {  	_ =	task.clear_ibuf [dreg:s7], $0x2FFFF;
	_ =	strace $0x9FFFFFFF  }
0xc3: {  	(tm) =	ssettm $0x7FFFFFFF  }
tec
execute0_lowered:
.L_overlay_start_1:
0x0: {  	(tag) =	ssettag $0x1  }
0x1: {  	s2 =	rddreg [dreg:$0x0]  }
0x2: {  	s0 =	rddreg [dreg:$0x1]  }
0x3: {  	s3 =	rddreg [dreg:$0x2];
	s9 =	stileid.u32  }
0x4: {  	s1 =	srdreg.scid;
	s5 =	simm.s32 $0x0;
	s4 =	smul.u32 $0x13800, s9  }
0x5: {  	s1 =	sand.u32 $0x1, s1;
	[smem:$0x7FF] =	sst s5;
	s6 =	smul.u32 $0x4E000, s9  }
0x6: {  	p4 =	seq.s32 s9, $0xF;
	p0 =	sne.s32 s9, $0xF;
	s28 =	sadd.s32 $0xCA40, s0  }
0x7: {  	s30 =	sadd.s32 $0x3D900, s0;
	s29 =	sadd.s32 $0x124800, s3;
	s22 =	ssub.s32 $0x2, s1  }
0x8: {  	_ =	strace $0x80000047;
	s23 =	sshll.u32 s1, $0x4;
	p2 =	seq.s32 s1, $0x0  }
0x9: {  	p5 =	seq.s32 s1, $0x1;
	s10 =	sshrl.u32 s4, $0x3;
	s8 =	sshrl.u32 s6, $0x2  }
0xa: {  	s7 =	sshrl.u32 s22, $0x1;
	s6 =	sadd.s32 s4, s3;
	s24 =	sadd.s32 s8, s3  }
0xb: {  	p1 =	por !p2, !p0;
	[dreg:$0x4] =	wrdreg s10;
	s8 =	sadd.s32 $0x1400, s24  }
0xc: {  	p2 =	por !p2, !p4;
	s25 =	sadd.s32 $0x2800, s24;
	[dreg:$0x5] =	wrdreg s8  }
0xd: {  	p3 =	por !p0, !p5;
	s26 =	sadd.s32 $0x3C00, s24;
	[dreg:$0x6] =	wrdreg s25  }
0xe: {  	p4 =	por !p4, !p5;
	s31 =	sadd.s32 $0x5000, s24;
	[dreg:$0x7] =	wrdreg s26  }
0xf: {  	s5 =	ssub.s32 s22, s7;
	s11 =	sadd.s32 $0x6400, s24;
	[dreg:$0x8] =	wrdreg s31  }
0x10: {  	s7 =	sor.u32 s9, s23;
	s12 =	sadd.s32 $0x7800, s24;
	[dreg:$0x9] =	wrdreg s11  }
0x11: {  	s23 =	sadd.s32 $0x2E00, s0;
	s13 =	sadd.s32 $0x8C00, s24;
	[dreg:$0xa] =	wrdreg s12  }
0x12: {  	p1 =	por !p1, !p1;
	s14 =	sadd.s32 $0xA000, s24;
	[dreg:$0xb] =	wrdreg s13  }
0x13: {  	p2 =	por !p2, !p2;
	s15 =	sadd.s32 $0xB400, s24;
	[dreg:$0xc] =	wrdreg s14  }
0x14: {  	p3 =	por !p3, !p3;
	s16 =	sadd.s32 $0xC800, s24;
	[dreg:$0xd] =	wrdreg s15  }
0x15: {  	p4 =	por !p4, !p4;
	s17 =	sadd.s32 $0xDC00, s24;
	[dreg:$0xe] =	wrdreg s16  }
0x16: {  	s9 =	simm.s32 $0x8A20;
	s18 =	sadd.s32 $0xF000, s24;
	[dreg:$0xf] =	wrdreg s17  }
0x17: {  	s19 =	sadd.s32 $0x10400, s24;
	s20 =	sadd.s32 $0x11800, s24;
	[dreg:$0x10] =	wrdreg s18  }
0x18: {  	s7 =	smul.u32 $0x2710, s7;
	s4 =	sadd.s32 $0x12C00, s24;
	[dreg:$0x11] =	wrdreg s19  }
0x19: {  	s24 =	sadd.s32 s10, s0;
	p4 =	por !p4, p3;
	[dreg:$0x12] =	wrdreg s20  }
0x1a: {  	s10 =	simm.s32 $0x9E20;
	[dreg:$0x13] =	wrdreg s4;
	s25 =	sadd.s32 $0x3B100, s0  }
0x1b: {  	s26 =	smax.u32 s5, $0x1;
	s31 =	sadd.s32 $0x138000, s3;
	s5 =	simm.s32 $0xB  }
0x1c: {  	s8 =	simm.s32 $0x7620;
	s11 =	simm.s32 $0x1388;
	s12 =	simm.s32 $0x2  }
0x1d: {  	s13 =	simm.s32 $0x3;
	s14 =	simm.s32 $0x4;
	s15 =	simm.s32 $0x5  }
0x1e: {  	s16 =	simm.s32 $0x6;
	s17 =	simm.s32 $0x7;
	s18 =	simm.s32 $0x8  }
0x1f: {  	s19 =	simm.s32 $0x9;
	s20 =	simm.s32 $0xA;
	[dreg:$0x19] =	wrdreg s25  }
0x20: {  	s21 =	sshrl.u32 s7, $0x3;
	s22 =	sadd.s32 $0x1388, s7;
	[dreg:$0x1a] =	wrdreg s26  }
0x21: {  	[dreg:$0x1b] =	wrdreg s31;
	s26 =	simm.s32 $0x4E20;
	s25 =	simm.s32 $0x0  }
.Ltmp0:
0x22: {  	[dreg:$0x14] =	wrdreg s21;
	s4 =	sadd.s32 s23, s21;
	(pc) =	sbr.rel .LBB2_1-.Ltmp0, $4  }
0x23: {  	s7 =	sshrl.u32 s22, $0x3;
	s21 =	simm.s32 $0xC;
	[dreg:$0x16] =	wrdreg s4  }
0x24: {  	[dreg:$0x15] =	wrdreg s7;
	s1 =	sadd.s32 s23, s7;
	s4 =	simm.s32 $0x28  }
0x25: {  	s7 =	simm.s32 $0x6220;
	[dreg:$0x17] =	wrdreg s1;
	s1 =	sadd.s32 $0x16800, s24  }
0x26: {  	v0 =	vimm.f32 $0.0e+00;
	s24 =	simm.s32 $0xD;
	[dreg:$0x18] =	wrdreg s1;
	s1 =	simm.s32 $0x1  }
.LBB2_11:
0x27: {  	s0 =	sshrl.u32 s29, $0x3;
	s22 =	rddreg [dreg:$0x19];
	s23 =	simm.s32 $0x1FCD  }
0x28: {  	[hbm:s22], [sflag:s23] =	dma.local [spmem:s0], $0x2800  }
0x29: {  	_ =	swait.ge [sflag:s24], $0x2800  }
0x2a: {  	[sflag:s24] =	ssyncset.done $0x0  }
0x2b: {  	[sflag:s24] =	ssyncadd.s32 $0xFFFFD800  }
.LBB2_12:
0x2c: {  	s25 =	sadd.s32 $0x1, s25;
	s0 =	rddreg [dreg:$0x1a]  }
0x2d: {  	p5 =	sne.s32 s25, s0  }
.Ltmp1:
0x2e: {  	_ = 	snop;
	(pc) =	sbr.rel @!p5 .LBB2_13-.Ltmp1, $1  }
0x2f: {  	_ =	sdelay $0x3  }
.LBB2_1:
0x30: {  	s0 =	simm.s32 $0x0  }
0x31: {  	s22 =	sand.u32 $0x7E00, s0  }
0x32: {  	s23 =	sand.u32 $0x70, s0;
	s31 =	sshrl.u32 s22, $0x2  }
0x33: {  	s22 =	simm.s32 $0x40;
	s23 =	sor.u32 s23, s31;
	s31 =	simm.s32 $0x0  }
.LBB2_2:
0x34: {  	p5 =	sne.s32 s22, $0x4FC0  }
0x35: {  	[tilespmem:s23+$0x4E20] =	vst v0;
	s31 =	sadd.s32 $0x10, s31;
	s23 =	smov.u32 s22;
	s22 =	sadd.s32 $0x40, s22  }
.Ltmp2:
0x36: {  	(pc) =	sbr.rel @p5 .LBB2_2-.Ltmp2, $4  }
0x37: {  	_ = 	snop  }
0x38: {  	s23 =	sand.u32 $0x7E00, s23  }
0x39: {  	s0 =	sand.u32 $0x70, s31;
	s23 =	sshrl.u32 s23, $0x2  }
0x3a: {  	s23 =	sor.u32 s0, s23  }
0x3b: {  	[tilespmem:s23+$0x4E20] =	vst v0  }
0x3c: {  	[spmem:s6] =	stream.linear.scatter [tilespmem:s26], [sflag:$0x1], $0x1400, $0x38;
	[tilespmem:$0x1EB20] =	vst v63  }
0x3d: {  	s0 =	rddreg [dreg:$0x5]  }
0x3e: {  	[spmem:s0] =	stream.linear.scatter [tilespmem:s26], [sflag:$0x1], $0x1400, $0x38;
	[tilespmem:$0x1EB20] =	vst v63  }
0x3f: {  	s22 =	rddreg [dreg:$0x6]  }
0x40: {  	[spmem:s22] =	stream.linear.scatter [tilespmem:s26], [sflag:$0x1], $0x1400, $0x38;
	[tilespmem:$0x1EB20] =	vst v63  }
0x41: {  	s23 =	rddreg [dreg:$0x7]  }
0x42: {  	[spmem:s23] =	stream.linear.scatter [tilespmem:s26], [sflag:$0x1], $0x1400, $0x38;
	[tilespmem:$0x1EB20] =	vst v63  }
0x43: {  	s31 =	rddreg [dreg:$0x8]  }
0x44: {  	[spmem:s31] =	stream.linear.scatter [tilespmem:s26], [sflag:$0x1], $0x1400, $0x38;
	[tilespmem:$0x1EB20] =	vst v63  }
0x45: {  	s22 =	rddreg [dreg:$0x9]  }
0x46: {  	[spmem:s22] =	stream.linear.scatter [tilespmem:s26], [sflag:$0x1], $0x1400, $0x38;
	[tilespmem:$0x1EB20] =	vst v63  }
0x47: {  	s23 =	rddreg [dreg:$0xa]  }
0x48: {  	[spmem:s23] =	stream.linear.scatter [tilespmem:s26], [sflag:$0x1], $0x1400, $0x38;
	[tilespmem:$0x1EB20] =	vst v63  }
0x49: {  	s31 =	rddreg [dreg:$0xb]  }
0x4a: {  	[spmem:s31] =	stream.linear.scatter [tilespmem:s26], [sflag:$0x1], $0x1400, $0x38;
	[tilespmem:$0x1EB20] =	vst v63  }
0x4b: {  	s22 =	rddreg [dreg:$0xc]  }
0x4c: {  	[spmem:s22] =	stream.linear.scatter [tilespmem:s26], [sflag:$0x1], $0x1400, $0x38;
	[tilespmem:$0x1EB20] =	vst v63  }
0x4d: {  	s23 =	rddreg [dreg:$0xd]  }
0x4e: {  	[spmem:s23] =	stream.linear.scatter [tilespmem:s26], [sflag:$0x1], $0x1400, $0x38;
	[tilespmem:$0x1EB20] =	vst v63  }
0x4f: {  	s31 =	rddreg [dreg:$0xe]  }
0x50: {  	[spmem:s31] =	stream.linear.scatter [tilespmem:s26], [sflag:$0x1], $0x1400, $0x38;
	[tilespmem:$0x1EB20] =	vst v63  }
0x51: {  	s22 =	rddreg [dreg:$0xf]  }
0x52: {  	[spmem:s22] =	stream.linear.scatter [tilespmem:s26], [sflag:$0x1], $0x1400, $0x38;
	[tilespmem:$0x1EB20] =	vst v63  }
0x53: {  	s23 =	rddreg [dreg:$0x10]  }
0x54: {  	[spmem:s23] =	stream.linear.scatter [tilespmem:s26], [sflag:$0x1], $0x1400, $0x38;
	[tilespmem:$0x1EB20] =	vst v63  }
0x55: {  	s31 =	rddreg [dreg:$0x11]  }
0x56: {  	[spmem:s31] =	stream.linear.scatter [tilespmem:s26], [sflag:$0x1], $0x1400, $0x38;
	[tilespmem:$0x1EB20] =	vst v63  }
0x57: {  	s22 =	rddreg [dreg:$0x12]  }
0x58: {  	[spmem:s22] =	stream.linear.scatter [tilespmem:s26], [sflag:$0x1], $0x1400, $0x38;
	[tilespmem:$0x1EB20] =	vst v63  }
0x59: {  	s23 =	rddreg [dreg:$0x13]  }
0x5a: {  	[spmem:s23] =	stream.linear.scatter [tilespmem:s26], [sflag:$0x1], $0xC00, $0x38;
	[tilespmem:$0x1EB20] =	vst v63  }
0x5b: {  	s0 =	simm.s32 @!p0 $0x4E20;
	s22 =	rddreg [dreg:$0x1b]  }
0x5c: {  	[spmem:s22] =	stream.linear.scatter @!p0 [tilespmem:s0], [sflag:$0x1], $0x1000, $0x38;
	[tilespmem:$0x1EB20] =	vst v63  }
0x5d: {  	_ =	swait.ge [sflag:s1], $0x1400  }
0x5e: {  	[sflag:s1] =	ssyncset.done $0x0  }
0x5f: {  	[sflag:s1] =	ssyncadd.s32 $0xFFFFEC00  }
0x60: {  	_ =	swait.ge [sflag:s1], $0x1400  }
0x61: {  	[sflag:s1] =	ssyncset.done $0x0  }
0x62: {  	[sflag:s1] =	ssyncadd.s32 $0xFFFFEC00  }
0x63: {  	_ =	swait.ge [sflag:s1], $0x1400  }
0x64: {  	[sflag:s1] =	ssyncset.done $0x0  }
0x65: {  	[sflag:s1] =	ssyncadd.s32 $0xFFFFEC00  }
0x66: {  	_ =	swait.ge [sflag:s1], $0x1400  }
0x67: {  	[sflag:s1] =	ssyncset.done $0x0  }
0x68: {  	[sflag:s1] =	ssyncadd.s32 $0xFFFFEC00  }
0x69: {  	_ =	swait.ge [sflag:s1], $0x1400  }
0x6a: {  	[sflag:s1] =	ssyncset.done $0x0  }
0x6b: {  	[sflag:s1] =	ssyncadd.s32 $0xFFFFEC00  }
0x6c: {  	_ =	swait.ge [sflag:s1], $0x1400  }
0x6d: {  	[sflag:s1] =	ssyncset.done $0x0  }
0x6e: {  	[sflag:s1] =	ssyncadd.s32 $0xFFFFEC00  }
0x6f: {  	_ =	swait.ge [sflag:s1], $0x1400  }
0x70: {  	[sflag:s1] =	ssyncset.done $0x0  }
0x71: {  	[sflag:s1] =	ssyncadd.s32 $0xFFFFEC00  }
0x72: {  	_ =	swait.ge [sflag:s1], $0x1400  }
0x73: {  	[sflag:s1] =	ssyncset.done $0x0  }
0x74: {  	[sflag:s1] =	ssyncadd.s32 $0xFFFFEC00  }
0x75: {  	_ =	swait.ge [sflag:s1], $0x1400  }
0x76: {  	[sflag:s1] =	ssyncset.done $0x0  }
0x77: {  	[sflag:s1] =	ssyncadd.s32 $0xFFFFEC00  }
0x78: {  	_ =	swait.ge [sflag:s1], $0x1400  }
0x79: {  	[sflag:s1] =	ssyncset.done $0x0  }
0x7a: {  	[sflag:s1] =	ssyncadd.s32 $0xFFFFEC00  }
0x7b: {  	_ =	swait.ge [sflag:s1], $0x1400  }
0x7c: {  	[sflag:s1] =	ssyncset.done $0x0  }
0x7d: {  	[sflag:s1] =	ssyncadd.s32 $0xFFFFEC00  }
0x7e: {  	_ =	swait.ge [sflag:s1], $0x1400  }
0x7f: {  	[sflag:s1] =	ssyncset.done $0x0  }
0x80: {  	[sflag:s1] =	ssyncadd.s32 $0xFFFFEC00  }
0x81: {  	_ =	swait.ge [sflag:s1], $0x1400  }
0x82: {  	[sflag:s1] =	ssyncset.done $0x0  }
0x83: {  	[sflag:s1] =	ssyncadd.s32 $0xFFFFEC00  }
0x84: {  	_ =	swait.ge [sflag:s1], $0x1400  }
0x85: {  	[sflag:s1] =	ssyncset.done $0x0  }
0x86: {  	[sflag:s1] =	ssyncadd.s32 $0xFFFFEC00  }
0x87: {  	_ =	swait.ge [sflag:s1], $0x1400  }
0x88: {  	[sflag:s1] =	ssyncset.done $0x0  }
0x89: {  	[sflag:s1] =	ssyncadd.s32 $0xFFFFEC00  }
0x8a: {  	_ =	swait.ge [sflag:s1], $0xC00  }
0x8b: {  	[sflag:s1] =	ssyncset.done $0x0  }
0x8c: {  	s0 =	simm.s32 @!p0 $0x1;
	[sflag:s1] =	ssyncadd.s32 $0xFFFFF400  }
0x8d: {  	_ =	swait.ge @!p0 [sflag:s0], $0x1000  }
0x8e: {  	[sflag:s0] =	ssyncset.done @!p0 $0x0  }
0x8f: {  	[sflag:s0] =	ssyncadd.s32 @!p0 $0xFFFFF000  }
0x90: {  	[bflag:$0x0] =	sbarrier.arrive $0xFFFF  }
0x91: {  	s31 =	rddreg [dreg:$0x16]  }
0x92: {  	s0 =	simm.s32 $0x0;
	s23 =	rddreg [dreg:$0x14]  }
0x93: {  	[tilespmem:s0], [sflag:$0xB] =	stream.linear.gather [hbm4b:s31+s0], $0x1388, $0x38;
	[tilespmem:$0x1EB20] =	vst v63  }
0x94: {  	s22 =	sadd.s32 s23, s28;
	s31 =	simm.s32 $0x2710  }
0x95: {  	[tilespmem:s31], [sflag:$0xB] =	stream.linear.gather [hbm4b:s22+s0], $0x1388, $0x38;
	[tilespmem:$0x1EB20] =	vst v63  }
0x96: {  	_ =	swait.ge [sflag:s5], $0x1388  }
0x97: {  	[sflag:s5] =	ssyncset.done $0x0  }
0x98: {  	[sflag:s5] =	ssyncadd.s32 $0xFFFFEC78  }
0x99: {  	_ =	swait.ge [sflag:s5], $0x1388  }
0x9a: {  	[sflag:s5] =	ssyncset.done $0x0  }
0x9b: {  	[sflag:s5] =	ssyncadd.s32 $0xFFFFEC78  }
0x9c: {  	[tilespmem:s26], [sflag:$0x1] =	stream.indirect.gather [hbm4b:s2+s4], $0x80, s0, s4, $0xb8;
	[tilespmem:$0x1EB20] =	vst v63  }
0x9d: {  	_ = 	snop  }
0x9e: {  	[tilespmem:s7], [sflag:$0x2] =	stream.indirect.gather [hbm4b:s2+s4], $0x80, s4, s4, $0xb8;
	[tilespmem:$0x1EB20] =	vst v63  }
0x9f: {  	s23 =	simm.s32 $0x50  }
0xa0: {  	[tilespmem:s8], [sflag:$0x3] =	stream.indirect.gather [hbm4b:s2+s4], $0x80, s23, s4, $0xb8;
	[tilespmem:$0x1EB20] =	vst v63  }
0xa1: {  	s31 =	simm.s32 $0x78  }
0xa2: {  	[tilespmem:s9], [sflag:$0x4] =	stream.indirect.gather [hbm4b:s2+s4], $0x80, s31, s4, $0xb8;
	[tilespmem:$0x1EB20] =	vst v63  }
0xa3: {  	s23 =	simm.s32 $0xA0;
	s31 =	rddreg [dreg:$0x17]  }
0xa4: {  	[tilespmem:s10], [sflag:$0x5] =	stream.indirect.gather [hbm4b:s2+s4], $0x80, s23, s4, $0xb8;
	[tilespmem:$0x1EB20] =	vst v63  }
0xa5: {  	s23 =	rddreg [dreg:$0x15]  }
0xa6: {  	[tilespmem:s11], [sflag:$0xC] =	stream.linear.gather [hbm4b:s31+s0], $0x1388, $0x38;
	[tilespmem:$0x1EB20] =	vst v63  }
0xa7: {  	s22 =	sadd.s32 s23, s28;
	s31 =	simm.s32 $0x3A98  }
0xa8: {  	[tilespmem:s31], [sflag:$0xC] =	stream.linear.gather [hbm4b:s22+s0], $0x1388, $0x38;
	[tilespmem:$0x1EB20] =	vst v63  }
0xa9: {  	_ =	swait.ge [sflag:s1], $0x1400  }
0xaa: {  	[sflag:s1] =	ssyncset.done $0x0  }
0xab: {  	s22 =	simm.s32 $0x2710;
	[sflag:s1] =	ssyncadd.s32 $0xFFFFEC00  }
0xac: {  	[spmem:s3] =	stream.indirect.scatter.add.f32 [tilespmem:s26], [sflag:$0x6], $0x80, s22, s4, $0xb8;
	[tilespmem:$0x1EB20] =	vst v63  }
0xad: {  	_ =	swait.ge [sflag:s12], $0x1400  }
0xae: {  	[sflag:s12] =	ssyncset.done $0x0  }
0xaf: {  	s23 =	simm.s32 $0x2738;
	[sflag:s12] =	ssyncadd.s32 $0xFFFFEC00  }
0xb0: {  	[spmem:s3] =	stream.indirect.scatter.add.f32 [tilespmem:s7], [sflag:$0x7], $0x80, s23, s4, $0xb8;
	[tilespmem:$0x1EB20] =	vst v63  }
0xb1: {  	_ =	swait.ge [sflag:s13], $0x1400  }
0xb2: {  	[sflag:s13] =	ssyncset.done $0x0  }
0xb3: {  	s31 =	simm.s32 $0x2760;
	[sflag:s13] =	ssyncadd.s32 $0xFFFFEC00  }
0xb4: {  	[spmem:s3] =	stream.indirect.scatter.add.f32 [tilespmem:s8], [sflag:$0x8], $0x80, s31, s4, $0xb8;
	[tilespmem:$0x1EB20] =	vst v63  }
0xb5: {  	_ =	swait.ge [sflag:s14], $0x1400  }
0xb6: {  	[sflag:s14] =	ssyncset.done $0x0  }
0xb7: {  	s22 =	simm.s32 $0x2788;
	[sflag:s14] =	ssyncadd.s32 $0xFFFFEC00  }
0xb8: {  	[spmem:s3] =	stream.indirect.scatter.add.f32 [tilespmem:s9], [sflag:$0x9], $0x80, s22, s4, $0xb8;
	[tilespmem:$0x1EB20] =	vst v63  }
0xb9: {  	_ =	swait.ge [sflag:s15], $0x1400  }
0xba: {  	[sflag:s15] =	ssyncset.done $0x0  }
0xbb: {  	s23 =	simm.s32 $0x27B0;
	[sflag:s15] =	ssyncadd.s32 $0xFFFFEC00  }
0xbc: {  	[spmem:s3] =	stream.indirect.scatter.add.f32 [tilespmem:s10], [sflag:$0xA], $0x80, s23, s4, $0xb8;
	[tilespmem:$0x1EB20] =	vst v63  }
0xbd: {  	_ =	swait.ge [sflag:s16], $0x1400  }
0xbe: {  	[sflag:s16] =	ssyncset.done $0x0  }
0xbf: {  	s31 =	simm.s32 $0xC8;
	[sflag:s16] =	ssyncadd.s32 $0xFFFFEC00  }
0xc0: {  	[tilespmem:s26], [sflag:$0x1] =	stream.indirect.gather [hbm4b:s2+s4], $0x80, s31, s4, $0xb8;
	[tilespmem:$0x1EB20] =	vst v63  }
0xc1: {  	_ =	swait.ge [sflag:s17], $0x1400  }
0xc2: {  	[sflag:s17] =	ssyncset.done $0x0  }
0xc3: {  	s22 =	simm.s32 $0xF0;
	[sflag:s17] =	ssyncadd.s32 $0xFFFFEC00  }
0xc4: {  	[tilespmem:s7], [sflag:$0x2] =	stream.indirect.gather [hbm4b:s2+s4], $0x80, s22, s4, $0xb8;
	[tilespmem:$0x1EB20] =	vst v63  }
0xc5: {  	_ =	swait.ge [sflag:s18], $0x1400  }
0xc6: {  	[sflag:s18] =	ssyncset.done $0x0  }
0xc7: {  	s23 =	simm.s32 $0x118;
	[sflag:s18] =	ssyncadd.s32 $0xFFFFEC00  }
0xc8: {  	[tilespmem:s8], [sflag:$0x3] =	stream.indirect.gather [hbm4b:s2+s4], $0x80, s23, s4, $0xb8;
	[tilespmem:$0x1EB20] =	vst v63  }
0xc9: {  	_ =	swait.ge [sflag:s19], $0x1400  }
0xca: {  	[sflag:s19] =	ssyncset.done $0x0  }
0xcb: {  	s31 =	simm.s32 $0x140;
	[sflag:s19] =	ssyncadd.s32 $0xFFFFEC00  }
0xcc: {  	[tilespmem:s9], [sflag:$0x4] =	stream.indirect.gather [hbm4b:s2+s4], $0x80, s31, s4, $0xb8;
	[tilespmem:$0x1EB20] =	vst v63  }
0xcd: {  	_ =	swait.ge [sflag:s20], $0x1400  }
0xce: {  	[sflag:s20] =	ssyncset.done $0x0  }
0xcf: {  	s22 =	simm.s32 $0x320;
	s23 =	simm.s32 $0x168;
	[sflag:s20] =	ssyncadd.s32 $0xFFFFEC00  }
.LBB2_4:
0xd0: {  	[tilespmem:s10], [sflag:$0x5] =	stream.indirect.gather [hbm4b:s2+s4], $0x80, s23, s4, $0xb8;
	[tilespmem:$0x1EB20] =	vst v63  }
0xd1: {  	s0 =	smov.u32 s22  }
0xd2: {  	p5 =	sne.s32 s22, $0x47E0;
	s22 =	sadd.s32 $0x320, s22;
	_ =	swait.ge [sflag:s1], $0x1400  }
0xd3: {  	s31 =	sshra.s32 s0, $0x2;
	[sflag:s1] =	ssyncset.done $0x0  }
0xd4: {  	s0 =	sadd.s32 $0x2710, s31;
	[sflag:s1] =	ssyncadd.s32 $0xFFFFEC00  }
0xd5: {  	[spmem:s3] =	stream.indirect.scatter.add.f32 [tilespmem:s26], [sflag:$0x6], $0x80, s0, s4, $0xb8;
	[tilespmem:$0x1EB20] =	vst v63  }
0xd6: {  	_ =	swait.ge [sflag:s12], $0x1400  }
0xd7: {  	[sflag:s12] =	ssyncset.done $0x0  }
0xd8: {  	s0 =	sadd.s32 $0x2738, s31;
	[sflag:s12] =	ssyncadd.s32 $0xFFFFEC00  }
0xd9: {  	[spmem:s3] =	stream.indirect.scatter.add.f32 [tilespmem:s7], [sflag:$0x7], $0x80, s0, s4, $0xb8;
	[tilespmem:$0x1EB20] =	vst v63  }
0xda: {  	_ =	swait.ge [sflag:s13], $0x1400  }
0xdb: {  	[sflag:s13] =	ssyncset.done $0x0  }
0xdc: {  	s0 =	sadd.s32 $0x2760, s31;
	[sflag:s13] =	ssyncadd.s32 $0xFFFFEC00  }
0xdd: {  	[spmem:s3] =	stream.indirect.scatter.add.f32 [tilespmem:s8], [sflag:$0x8], $0x80, s0, s4, $0xb8;
	[tilespmem:$0x1EB20] =	vst v63  }
0xde: {  	_ =	swait.ge [sflag:s14], $0x1400  }
0xdf: {  	[sflag:s14] =	ssyncset.done $0x0  }
0xe0: {  	s0 =	sadd.s32 $0x2788, s31;
	[sflag:s14] =	ssyncadd.s32 $0xFFFFEC00  }
0xe1: {  	[spmem:s3] =	stream.indirect.scatter.add.f32 [tilespmem:s9], [sflag:$0x9], $0x80, s0, s4, $0xb8;
	[tilespmem:$0x1EB20] =	vst v63  }
0xe2: {  	_ =	swait.ge [sflag:s15], $0x1400  }
0xe3: {  	[sflag:s15] =	ssyncset.done $0x0  }
0xe4: {  	s0 =	sadd.s32 $0x27B0, s31;
	[sflag:s15] =	ssyncadd.s32 $0xFFFFEC00  }
0xe5: {  	[spmem:s3] =	stream.indirect.scatter.add.f32 [tilespmem:s10], [sflag:$0xA], $0x80, s0, s4, $0xb8;
	[tilespmem:$0x1EB20] =	vst v63  }
0xe6: {  	_ =	swait.ge [sflag:s16], $0x1400  }
0xe7: {  	[sflag:s16] =	ssyncset.done $0x0  }
0xe8: {  	s0 =	sadd.s32 $0xC8, s31;
	[sflag:s16] =	ssyncadd.s32 $0xFFFFEC00  }
0xe9: {  	[tilespmem:s26], [sflag:$0x1] =	stream.indirect.gather [hbm4b:s2+s4], $0x80, s0, s4, $0xb8;
	[tilespmem:$0x1EB20] =	vst v63  }
0xea: {  	_ =	swait.ge [sflag:s17], $0x1400  }
0xeb: {  	[sflag:s17] =	ssyncset.done $0x0  }
0xec: {  	s0 =	sadd.s32 $0xF0, s31;
	[sflag:s17] =	ssyncadd.s32 $0xFFFFEC00  }
0xed: {  	[tilespmem:s7], [sflag:$0x2] =	stream.indirect.gather [hbm4b:s2+s4], $0x80, s0, s4, $0xb8;
	[tilespmem:$0x1EB20] =	vst v63  }
0xee: {  	_ =	swait.ge [sflag:s18], $0x1400  }
0xef: {  	[sflag:s18] =	ssyncset.done $0x0  }
0xf0: {  	s0 =	sadd.s32 $0x118, s31;
	[sflag:s18] =	ssyncadd.s32 $0xFFFFEC00  }
0xf1: {  	[tilespmem:s8], [sflag:$0x3] =	stream.indirect.gather [hbm4b:s2+s4], $0x80, s0, s4, $0xb8;
	[tilespmem:$0x1EB20] =	vst v63  }
0xf2: {  	_ =	swait.ge [sflag:s19], $0x1400  }
0xf3: {  	[sflag:s19] =	ssyncset.done $0x0  }
.Ltmp3:
0xf4: {  	s0 =	sadd.s32 $0x140, s31;
	[sflag:s19] =	ssyncadd.s32 $0xFFFFEC00;
	(pc) =	sbr.rel @p5 .LBB2_4-.Ltmp3, $4  }
0xf5: {  	[tilespmem:s9], [sflag:$0x4] =	stream.indirect.gather [hbm4b:s2+s4], $0x80, s0, s4, $0xb8;
	[tilespmem:$0x1EB20] =	vst v63  }
0xf6: {  	_ =	swait.ge [sflag:s20], $0x1400  }
0xf7: {  	[sflag:s20] =	ssyncset.done $0x0  }
0xf8: {  	s23 =	sadd.s32 $0x168, s31;
	[sflag:s20] =	ssyncadd.s32 $0xFFFFEC00  }
0xf9: {  	[tilespmem:s10], [sflag:$0x5] =	stream.indirect.gather [hbm4b:s2+s4], $0x80, s23, s4, $0xb8;
	[tilespmem:$0x1EB20] =	vst v63  }
0xfa: {  	_ =	swait.ge [sflag:s1], $0x1400  }
0xfb: {  	[sflag:s1] =	ssyncset.done $0x0  }
0xfc: {  	s0 =	simm.s32 $0x39D0;
	[sflag:s1] =	ssyncadd.s32 $0xFFFFEC00  }
0xfd: {  	[spmem:s3] =	stream.indirect.scatter.add.f32 [tilespmem:s26], [sflag:$0x6], $0x80, s0, s4, $0xb8;
	[tilespmem:$0x1EB20] =	vst v63  }
0xfe: {  	_ =	swait.ge [sflag:s12], $0x1400  }
0xff: {  	[sflag:s12] =	ssyncset.done $0x0  }
0x100: {  	s23 =	simm.s32 $0x39F8;
	[sflag:s12] =	ssyncadd.s32 $0xFFFFEC00  }
0x101: {  	[spmem:s3] =	stream.indirect.scatter.add.f32 [tilespmem:s7], [sflag:$0x7], $0x80, s23, s4, $0xb8;
	[tilespmem:$0x1EB20] =	vst v63  }
0x102: {  	_ =	swait.ge [sflag:s13], $0x1400  }
0x103: {  	[sflag:s13] =	ssyncset.done $0x0  }
0x104: {  	s31 =	simm.s32 $0x3A20;
	[sflag:s13] =	ssyncadd.s32 $0xFFFFEC00  }
0x105: {  	[spmem:s3] =	stream.indirect.scatter.add.f32 [tilespmem:s8], [sflag:$0x8], $0x80, s31, s4, $0xb8;
	[tilespmem:$0x1EB20] =	vst v63  }
0x106: {  	_ =	swait.ge [sflag:s14], $0x1400  }
0x107: {  	[sflag:s14] =	ssyncset.done $0x0  }
0x108: {  	s22 =	simm.s32 $0x3A48;
	[sflag:s14] =	ssyncadd.s32 $0xFFFFEC00  }
0x109: {  	[spmem:s3] =	stream.indirect.scatter.add.f32 [tilespmem:s9], [sflag:$0x9], $0x80, s22, s4, $0xb8;
	[tilespmem:$0x1EB20] =	vst v63  }
0x10a: {  	_ =	swait.ge [sflag:s15], $0x1400  }
0x10b: {  	[sflag:s15] =	ssyncset.done $0x0  }
0x10c: {  	s23 =	simm.s32 $0x3A70;
	[sflag:s15] =	ssyncadd.s32 $0xFFFFEC00  }
0x10d: {  	[spmem:s3] =	stream.indirect.scatter.add.f32 [tilespmem:s10], [sflag:$0xA], $0x80, s23, s4, $0xb8;
	[tilespmem:$0x1EB20] =	vst v63  }
0x10e: {  	_ =	swait.ge [sflag:s21], $0x1388  }
0x10f: {  	[sflag:s21] =	ssyncset.done $0x0  }
0x110: {  	[sflag:s21] =	ssyncadd.s32 $0xFFFFEC78  }
0x111: {  	_ =	swait.ge [sflag:s21], $0x1388  }
0x112: {  	[sflag:s21] =	ssyncset.done $0x0  }
0x113: {  	[sflag:s21] =	ssyncadd.s32 $0xFFFFEC78  }
0x114: {  	_ =	swait.ge [sflag:s16], $0x1400  }
0x115: {  	[sflag:s16] =	ssyncset.done $0x0  }
0x116: {  	[sflag:s16] =	ssyncadd.s32 $0xFFFFEC00  }
0x117: {  	[tilespmem:s26], [sflag:$0x1] =	stream.indirect.gather [hbm4b:s2+s4], $0x80, s11, s4, $0xb8;
	[tilespmem:$0x1EB20] =	vst v63  }
0x118: {  	_ =	swait.ge [sflag:s17], $0x1400  }
0x119: {  	[sflag:s17] =	ssyncset.done $0x0  }
0x11a: {  	s31 =	simm.s32 $0x13B0;
	[sflag:s17] =	ssyncadd.s32 $0xFFFFEC00  }
0x11b: {  	[tilespmem:s7], [sflag:$0x2] =	stream.indirect.gather [hbm4b:s2+s4], $0x80, s31, s4, $0xb8;
	[tilespmem:$0x1EB20] =	vst v63  }
0x11c: {  	_ =	swait.ge [sflag:s18], $0x1400  }
0x11d: {  	[sflag:s18] =	ssyncset.done $0x0  }
0x11e: {  	s22 =	simm.s32 $0x13D8;
	[sflag:s18] =	ssyncadd.s32 $0xFFFFEC00  }
0x11f: {  	[tilespmem:s8], [sflag:$0x3] =	stream.indirect.gather [hbm4b:s2+s4], $0x80, s22, s4, $0xb8;
	[tilespmem:$0x1EB20] =	vst v63  }
0x120: {  	_ =	swait.ge [sflag:s19], $0x1400  }
0x121: {  	[sflag:s19] =	ssyncset.done $0x0  }
0x122: {  	s23 =	simm.s32 $0x1400;
	[sflag:s19] =	ssyncadd.s32 $0xFFFFEC00  }
0x123: {  	[tilespmem:s9], [sflag:$0x4] =	stream.indirect.gather [hbm4b:s2+s4], $0x80, s23, s4, $0xb8;
	[tilespmem:$0x1EB20] =	vst v63  }
0x124: {  	_ =	swait.ge [sflag:s20], $0x1400  }
0x125: {  	[sflag:s20] =	ssyncset.done $0x0  }
0x126: {  	s31 =	simm.s32 $0x1428;
	[sflag:s20] =	ssyncadd.s32 $0xFFFFEC00  }
0x127: {  	[tilespmem:s10], [sflag:$0x5] =	stream.indirect.gather [hbm4b:s2+s4], $0x80, s31, s4, $0xb8;
	[tilespmem:$0x1EB20] =	vst v63  }
0x128: {  	_ =	swait.ge [sflag:s1], $0x1400  }
0x129: {  	[sflag:s1] =	ssyncset.done $0x0  }
0x12a: {  	s22 =	simm.s32 $0x3A98;
	[sflag:s1] =	ssyncadd.s32 $0xFFFFEC00  }
0x12b: {  	[spmem:s3] =	stream.indirect.scatter.add.f32 [tilespmem:s26], [sflag:$0x6], $0x80, s22, s4, $0xb8;
	[tilespmem:$0x1EB20] =	vst v63  }
0x12c: {  	_ =	swait.ge [sflag:s12], $0x1400  }
0x12d: {  	[sflag:s12] =	ssyncset.done $0x0  }
0x12e: {  	s23 =	simm.s32 $0x3AC0;
	[sflag:s12] =	ssyncadd.s32 $0xFFFFEC00  }
0x12f: {  	[spmem:s3] =	stream.indirect.scatter.add.f32 [tilespmem:s7], [sflag:$0x7], $0x80, s23, s4, $0xb8;
	[tilespmem:$0x1EB20] =	vst v63  }
0x130: {  	_ =	swait.ge [sflag:s13], $0x1400  }
0x131: {  	[sflag:s13] =	ssyncset.done $0x0  }
0x132: {  	s31 =	simm.s32 $0x3AE8;
	[sflag:s13] =	ssyncadd.s32 $0xFFFFEC00  }
0x133: {  	[spmem:s3] =	stream.indirect.scatter.add.f32 [tilespmem:s8], [sflag:$0x8], $0x80, s31, s4, $0xb8;
	[tilespmem:$0x1EB20] =	vst v63  }
0x134: {  	_ =	swait.ge [sflag:s14], $0x1400  }
0x135: {  	[sflag:s14] =	ssyncset.done $0x0  }
0x136: {  	s22 =	simm.s32 $0x3B10;
	[sflag:s14] =	ssyncadd.s32 $0xFFFFEC00  }
0x137: {  	[spmem:s3] =	stream.indirect.scatter.add.f32 [tilespmem:s9], [sflag:$0x9], $0x80, s22, s4, $0xb8;
	[tilespmem:$0x1EB20] =	vst v63  }
0x138: {  	_ =	swait.ge [sflag:s15], $0x1400  }
0x139: {  	[sflag:s15] =	ssyncset.done $0x0  }
0x13a: {  	s23 =	simm.s32 $0x3B38;
	[sflag:s15] =	ssyncadd.s32 $0xFFFFEC00  }
0x13b: {  	[spmem:s3] =	stream.indirect.scatter.add.f32 [tilespmem:s10], [sflag:$0xA], $0x80, s23, s4, $0xb8;
	[tilespmem:$0x1EB20] =	vst v63  }
0x13c: {  	_ =	swait.ge [sflag:s16], $0x1400  }
0x13d: {  	[sflag:s16] =	ssyncset.done $0x0  }
0x13e: {  	s31 =	simm.s32 $0x1450;
	[sflag:s16] =	ssyncadd.s32 $0xFFFFEC00  }
0x13f: {  	[tilespmem:s26], [sflag:$0x1] =	stream.indirect.gather [hbm4b:s2+s4], $0x80, s31, s4, $0xb8;
	[tilespmem:$0x1EB20] =	vst v63  }
0x140: {  	_ =	swait.ge [sflag:s17], $0x1400  }
0x141: {  	[sflag:s17] =	ssyncset.done $0x0  }
0x142: {  	s22 =	simm.s32 $0x1478;
	[sflag:s17] =	ssyncadd.s32 $0xFFFFEC00  }
0x143: {  	[tilespmem:s7], [sflag:$0x2] =	stream.indirect.gather [hbm4b:s2+s4], $0x80, s22, s4, $0xb8;
	[tilespmem:$0x1EB20] =	vst v63  }
0x144: {  	_ =	swait.ge [sflag:s18], $0x1400  }
0x145: {  	[sflag:s18] =	ssyncset.done $0x0  }
0x146: {  	s23 =	simm.s32 $0x14A0;
	[sflag:s18] =	ssyncadd.s32 $0xFFFFEC00  }
0x147: {  	[tilespmem:s8], [sflag:$0x3] =	stream.indirect.gather [hbm4b:s2+s4], $0x80, s23, s4, $0xb8;
	[tilespmem:$0x1EB20] =	vst v63  }
0x148: {  	_ =	swait.ge [sflag:s19], $0x1400  }
0x149: {  	[sflag:s19] =	ssyncset.done $0x0  }
0x14a: {  	s31 =	simm.s32 $0x14C8;
	[sflag:s19] =	ssyncadd.s32 $0xFFFFEC00  }
0x14b: {  	[tilespmem:s9], [sflag:$0x4] =	stream.indirect.gather [hbm4b:s2+s4], $0x80, s31, s4, $0xb8;
	[tilespmem:$0x1EB20] =	vst v63  }
0x14c: {  	_ =	swait.ge [sflag:s20], $0x1400  }
0x14d: {  	[sflag:s20] =	ssyncset.done $0x0  }
0x14e: {  	s22 =	simm.s32 $0x320;
	s23 =	simm.s32 $0x14F0;
	[sflag:s20] =	ssyncadd.s32 $0xFFFFEC00  }
.LBB2_6:
0x14f: {  	[tilespmem:s10], [sflag:$0x5] =	stream.indirect.gather [hbm4b:s2+s4], $0x80, s23, s4, $0xb8;
	[tilespmem:$0x1EB20] =	vst v63  }
0x150: {  	s0 =	smov.u32 s22  }
0x151: {  	p5 =	sne.s32 s22, $0x47E0;
	s22 =	sadd.s32 $0x320, s22;
	_ =	swait.ge [sflag:s1], $0x1400  }
0x152: {  	s31 =	sshra.s32 s0, $0x2;
	[sflag:s1] =	ssyncset.done $0x0  }
0x153: {  	s0 =	sadd.s32 $0x3A98, s31;
	[sflag:s1] =	ssyncadd.s32 $0xFFFFEC00  }
0x154: {  	[spmem:s3] =	stream.indirect.scatter.add.f32 [tilespmem:s26], [sflag:$0x6], $0x80, s0, s4, $0xb8;
	[tilespmem:$0x1EB20] =	vst v63  }
0x155: {  	_ =	swait.ge [sflag:s12], $0x1400  }
0x156: {  	[sflag:s12] =	ssyncset.done $0x0  }
0x157: {  	s0 =	sadd.s32 $0x3AC0, s31;
	[sflag:s12] =	ssyncadd.s32 $0xFFFFEC00  }
0x158: {  	[spmem:s3] =	stream.indirect.scatter.add.f32 [tilespmem:s7], [sflag:$0x7], $0x80, s0, s4, $0xb8;
	[tilespmem:$0x1EB20] =	vst v63  }
0x159: {  	_ =	swait.ge [sflag:s13], $0x1400  }
0x15a: {  	[sflag:s13] =	ssyncset.done $0x0  }
0x15b: {  	s0 =	sadd.s32 $0x3AE8, s31;
	[sflag:s13] =	ssyncadd.s32 $0xFFFFEC00  }
0x15c: {  	[spmem:s3] =	stream.indirect.scatter.add.f32 [tilespmem:s8], [sflag:$0x8], $0x80, s0, s4, $0xb8;
	[tilespmem:$0x1EB20] =	vst v63  }
0x15d: {  	_ =	swait.ge [sflag:s14], $0x1400  }
0x15e: {  	[sflag:s14] =	ssyncset.done $0x0  }
0x15f: {  	s0 =	sadd.s32 $0x3B10, s31;
	[sflag:s14] =	ssyncadd.s32 $0xFFFFEC00  }
0x160: {  	[spmem:s3] =	stream.indirect.scatter.add.f32 [tilespmem:s9], [sflag:$0x9], $0x80, s0, s4, $0xb8;
	[tilespmem:$0x1EB20] =	vst v63  }
0x161: {  	_ =	swait.ge [sflag:s15], $0x1400  }
0x162: {  	[sflag:s15] =	ssyncset.done $0x0  }
0x163: {  	s0 =	sadd.s32 $0x3B38, s31;
	[sflag:s15] =	ssyncadd.s32 $0xFFFFEC00  }
0x164: {  	[spmem:s3] =	stream.indirect.scatter.add.f32 [tilespmem:s10], [sflag:$0xA], $0x80, s0, s4, $0xb8;
	[tilespmem:$0x1EB20] =	vst v63  }
0x165: {  	_ =	swait.ge [sflag:s16], $0x1400  }
0x166: {  	[sflag:s16] =	ssyncset.done $0x0  }
0x167: {  	s0 =	sadd.s32 $0x1450, s31;
	[sflag:s16] =	ssyncadd.s32 $0xFFFFEC00  }
0x168: {  	[tilespmem:s26], [sflag:$0x1] =	stream.indirect.gather [hbm4b:s2+s4], $0x80, s0, s4, $0xb8;
	[tilespmem:$0x1EB20] =	vst v63  }
0x169: {  	_ =	swait.ge [sflag:s17], $0x1400  }
0x16a: {  	[sflag:s17] =	ssyncset.done $0x0  }
0x16b: {  	s0 =	sadd.s32 $0x1478, s31;
	[sflag:s17] =	ssyncadd.s32 $0xFFFFEC00  }
0x16c: {  	[tilespmem:s7], [sflag:$0x2] =	stream.indirect.gather [hbm4b:s2+s4], $0x80, s0, s4, $0xb8;
	[tilespmem:$0x1EB20] =	vst v63  }
0x16d: {  	_ =	swait.ge [sflag:s18], $0x1400  }
0x16e: {  	[sflag:s18] =	ssyncset.done $0x0  }
0x16f: {  	s0 =	sadd.s32 $0x14A0, s31;
	[sflag:s18] =	ssyncadd.s32 $0xFFFFEC00  }
0x170: {  	[tilespmem:s8], [sflag:$0x3] =	stream.indirect.gather [hbm4b:s2+s4], $0x80, s0, s4, $0xb8;
	[tilespmem:$0x1EB20] =	vst v63  }
0x171: {  	_ =	swait.ge [sflag:s19], $0x1400  }
0x172: {  	[sflag:s19] =	ssyncset.done $0x0  }
.Ltmp4:
0x173: {  	s0 =	sadd.s32 $0x14C8, s31;
	[sflag:s19] =	ssyncadd.s32 $0xFFFFEC00;
	(pc) =	sbr.rel @p5 .LBB2_6-.Ltmp4, $4  }
0x174: {  	[tilespmem:s9], [sflag:$0x4] =	stream.indirect.gather [hbm4b:s2+s4], $0x80, s0, s4, $0xb8;
	[tilespmem:$0x1EB20] =	vst v63  }
0x175: {  	_ =	swait.ge [sflag:s20], $0x1400  }
0x176: {  	[sflag:s20] =	ssyncset.done $0x0  }
0x177: {  	s23 =	sadd.s32 $0x14F0, s31;
	[sflag:s20] =	ssyncadd.s32 $0xFFFFEC00  }
0x178: {  	[tilespmem:s10], [sflag:$0x5] =	stream.indirect.gather [hbm4b:s2+s4], $0x80, s23, s4, $0xb8;
	[tilespmem:$0x1EB20] =	vst v63  }
0x179: {  	_ =	swait.ge [sflag:s1], $0x1400  }
0x17a: {  	[sflag:s1] =	ssyncset.done $0x0  }
0x17b: {  	s0 =	simm.s32 $0x4D58;
	[sflag:s1] =	ssyncadd.s32 $0xFFFFEC00  }
0x17c: {  	[spmem:s3] =	stream.indirect.scatter.add.f32 [tilespmem:s26], [sflag:$0x6], $0x80, s0, s4, $0xb8;
	[tilespmem:$0x1EB20] =	vst v63  }
0x17d: {  	_ =	swait.ge [sflag:s12], $0x1400  }
0x17e: {  	[sflag:s12] =	ssyncset.done $0x0  }
0x17f: {  	s31 =	simm.s32 $0x4D80;
	[sflag:s12] =	ssyncadd.s32 $0xFFFFEC00  }
0x180: {  	[spmem:s3] =	stream.indirect.scatter.add.f32 [tilespmem:s7], [sflag:$0x7], $0x80, s31, s4, $0xb8;
	[tilespmem:$0x1EB20] =	vst v63  }
0x181: {  	_ =	swait.ge [sflag:s13], $0x1400  }
0x182: {  	[sflag:s13] =	ssyncset.done $0x0  }
0x183: {  	s22 =	simm.s32 $0x4DA8;
	[sflag:s13] =	ssyncadd.s32 $0xFFFFEC00  }
0x184: {  	[spmem:s3] =	stream.indirect.scatter.add.f32 [tilespmem:s8], [sflag:$0x8], $0x80, s22, s4, $0xb8;
	[tilespmem:$0x1EB20] =	vst v63  }
0x185: {  	_ =	swait.ge [sflag:s14], $0x1400  }
0x186: {  	[sflag:s14] =	ssyncset.done $0x0  }
0x187: {  	s23 =	simm.s32 $0x4DD0;
	[sflag:s14] =	ssyncadd.s32 $0xFFFFEC00  }
0x188: {  	[spmem:s3] =	stream.indirect.scatter.add.f32 [tilespmem:s9], [sflag:$0x9], $0x80, s23, s4, $0xb8;
	[tilespmem:$0x1EB20] =	vst v63  }
0x189: {  	_ =	swait.ge [sflag:s15], $0x1400  }
0x18a: {  	[sflag:s15] =	ssyncset.done $0x0  }
0x18b: {  	s31 =	simm.s32 $0x4DF8;
	[sflag:s15] =	ssyncadd.s32 $0xFFFFEC00  }
0x18c: {  	[spmem:s3] =	stream.indirect.scatter.add.f32 [tilespmem:s10], [sflag:$0xA], $0x80, s31, s4, $0xb8;
	[tilespmem:$0x1EB20] =	vst v63  }
0x18d: {  	_ =	swait.ge [sflag:s16], $0x1400  }
0x18e: {  	[sflag:s16] =	ssyncset.done $0x0  }
0x18f: {  	[sflag:s16] =	ssyncadd.s32 $0xFFFFEC00  }
0x190: {  	_ =	swait.ge [sflag:s17], $0x1400  }
0x191: {  	[sflag:s17] =	ssyncset.done $0x0  }
0x192: {  	[sflag:s17] =	ssyncadd.s32 $0xFFFFEC00  }
0x193: {  	_ =	swait.ge [sflag:s18], $0x1400  }
0x194: {  	[sflag:s18] =	ssyncset.done $0x0  }
0x195: {  	[sflag:s18] =	ssyncadd.s32 $0xFFFFEC00  }
0x196: {  	_ =	swait.ge [sflag:s19], $0x1400  }
0x197: {  	[sflag:s19] =	ssyncset.done $0x0  }
0x198: {  	[sflag:s19] =	ssyncadd.s32 $0xFFFFEC00  }
.Ltmp5:
0x199: {  	_ =	swait.ge [sflag:s20], $0x1400;
	(pc) =	sbr.rel @!p1 .LBB2_10-.Ltmp5, $3  }
0x19a: {  	[sflag:s20] =	ssyncset.done $0x0  }
0x19b: {  	[sflag:s20] =	ssyncadd.s32 $0xFFFFEC00  }
0x19c: {  	[bflag:$0x0] =	sbarrier.arrive $0xFFFF;
	_ =	sdelay $0x1  }
0x19d: {  	s0 =	stileid.u32  }
0x19e: {  	s22 =	sshrl.u32 s6, $0x3;
	s0 =	sshll.u32 s0, $0x6  }
.Ltmp6:
0x19f: {  	s23 =	rddreg [dreg:$0x18];
	s0 =	sor.u32 $0x1C0D, s0;
	(pc) =	sbr.rel .LBB2_9-.Ltmp6, $4  }
0x1a0: {  	[hbm:s23], [sflag:s0] =	dma.local [spmem:s22], $0x2700  }
0x1a1: {  	_ =	swait.ge [sflag:s24], $0x2700  }
0x1a2: {  	[sflag:s24] =	ssyncset.done $0x0  }
0x1a3: {  	[sflag:s24] =	ssyncadd.s32 $0xFFFFD900  }
.LBB2_10:
.Ltmp7:
0x1a4: {  	(pc) =	sbr.rel @p2 .LBB2_11-.Ltmp7, $1  }
0x1a5: {  	_ =	sdelay $0x3  }
.LBB2_9:
0x1a6: {  	s0 =	sadd.s32 @!p4 $0x24900, s30;
	s22 =	sshrl.u32 @!p4 s29, $0x3;
	s23 =	simm.s32 @!p4 $0x1FCD  }
0x1a7: {  	[hbm:s0], [sflag:s23] =	dma.local @!p4 [spmem:s22], $0x2800  }
0x1a8: {  	s0 =	simm.s32 @!p4 $0xD  }
0x1a9: {  	_ =	swait.ge @!p4 [sflag:s0], $0x2800  }
0x1aa: {  	[sflag:s0] =	ssyncset.done @!p4 $0x0  }
0x1ab: {  	[sflag:s0] =	ssyncadd.s32 @!p4 $0xFFFFD800;
	s0 =	stileid.u32  }
0x1ac: {  	s22 =	rddreg [dreg:$0x4];
	s0 =	sshll.u32 @p3 s0, $0x6  }
0x1ad: {  	s23 =	sshrl.u32 @p3 s6, $0x3;
	s22 =	sadd.s32 @p3 s22, s30;
	s0 =	sor.u32 @p3 $0x1C0D, s0  }
0x1ae: {  	[hbm:s22], [sflag:s0] =	dma.local @p3 [spmem:s23], $0x2700  }
.Ltmp8:
0x1af: {  	_ = 	snop;
	(pc) =	sbr.rel .LBB2_12-.Ltmp8, $4  }
0x1b0: {  	s0 =	simm.s32 @p3 $0xD  }
0x1b1: {  	_ =	swait.ge @p3 [sflag:s0], $0x2700  }
0x1b2: {  	[sflag:s0] =	ssyncset.done @p3 $0x0  }
0x1b3: {  	[sflag:s0] =	ssyncadd.s32 @p3 $0xFFFFD900  }
.LBB2_13:
0x1b4: {  	_ =	sfence.sel $0x180000  }
0x1b5: {  	[bflag:$0x0] =	sbarrier.arrive $0xFFFF  }
0x1b6: {  	_ =	strace $0x90000047  }
0x1b7: {  	s0 =	stileid.u32;
	[bflag:$0x2] =	sbarrier.arrive $0xFFFF  }
0x1b8: {  	p0 =	sne.s32 s0, $0x0;
	s0 =	rddreg [dreg:$0x3]  }
0x1b9: {  	s0 =	sadd.s32 @!p0 $0x100000, s0  }
0x1ba: {  	[sflag:s0] =	ssyncadd.tile.s32 @!p0 $0x1;
	_ =	shalt  }
.Lfunc_end2:
_tile_overlayer_lowered:
.L_overlay_start_2:
0x1bb: {  	(tag) =	ssettag $0x2  }
0x1bc: {  	s0 =	rddreg [dreg:$0x0];
	s2 =	stileid.u32  }
0x1bd: {  	s1 =	rddreg [dreg:$0x1];
	p0 =	sne.s32 s2, $0x0  }
0x1be: {  	s3 =	rddreg [dreg:$0x2];
	[bflag:$0x3] =	sbarrier.arrive $0xFFFF;
	s2 =	simm.s32 @!p0 $0x1C0D  }
0x1bf: {  	[timem:s3], [sflag:s2] =	dma.local @!p0 [hbm:s0], s1  }
0x1c0: {  	s0 =	simm.s32 @!p0 $0xD  }
0x1c1: {  	_ =	swait.ge @!p0 [sflag:s0], s1  }
0x1c2: {  	s1 =	ssub.s32 @!p0 $0x0, s1;
	[sflag:s0] =	ssyncset.done @!p0 $0x0  }
0x1c3: {  	[sflag:s0] =	ssyncadd.s32 @!p0 s1  }
0x1c4: {  	[bflag:$0x3] =	sbarrier.arrive $0xFFFF  }
0x1c5: {  	_ =	shalt  }

// kernel: kernel.9.cloned.1.call-start
scs
__scs_entry_jumppad:
0x0: {  	(pc) =	sbr.rel $0x88, $3  }
0x1: {  	(tag) =	ssettag $0x0;
	lr =	simm.s32 $0x1  }
0x2: {  	[smem:$0x3F94] =	sst lr;
	_ =	strace $0xD0000000  }
0x3: {  	_ = 	snop  }
0x4: {  	_ = 	snop  }
0x5: {  	_ = 	snop  }
0x6: {  	_ = 	snop  }
0x7: {  	_ = 	snop  }
__scs_overlays_trampoline_lowered:
0x8: {  	[smem:$0x3FA3] =	sst s0  }
0x9: {  	[smem:$0x3FA4] =	sst s1  }
0xa: {  	[smem:$0x3FA5] =	sst s2  }
0xb: {  	[smem:$0x3FA6] =	sst s3  }
0xc: {  	[smem:$0x3FA7] =	sst s4  }
0xd: {  	[smem:$0x3FA8] =	sst s5  }
0xe: {  	[smem:$0x3FA9] =	sst s6  }
0xf: {  	[smem:$0x3FAA] =	sst s7  }
0x10: {  	[smem:$0x3FAB] =	sst s8  }
0x11: {  	[smem:$0x3FAC] =	sst s9;
	s0 =	simm.s32 @!p0 $0x0  }
0x12: {  	s1 =	sld [smem:$0x3F92];
	s0 =	simm.s32 @p0 $0x1  }
0x13: {  	[smem:$0x3FAD] =	sst s0;
	s0 =	simm.s32 @!p1 $0x0  }
0x14: {  	s2 =	sld [smem:$0x3F91];
	s0 =	simm.s32 @p1 $0x1  }
0x15: {  	[smem:$0x3FAE] =	sst s0;
	s0 =	simm.s32 @!p2 $0x0  }
0x16: {  	s3 =	sld [smem:$0x3FDB];
	s0 =	simm.s32 @p2 $0x1  }
0x17: {  	s4 =	simm.s32 $0x1BF5;
	[smem:$0x3FB0] =	sst s0  }
0x18: {  	s0 =	sld [smem:$0x3F93];
	_ =	swait.ge [sflag:s4], $0x0  }
0x19: {  	s7 =	sld [smem:$0x3F94]  }
0x1a: {  	s8 =	sadd.s32 $0xFFFFE003, lr  }
0x1b: {  	s9 =	sadd.s32 $0xFFFFFEF7, lr;
	s5 =	simm.s32 $0xFFFFFFFF;
	p2 =	slt.u32 s8, $0xFFFFF086  }
0x1c: {  	p1 =	slt.u32 s9, $0xF7A;
	s5 =	simm.s32 @!p2 $0x0  }
0x1d: {  	s5 =	simm.s32 @p1 $0x1;
	p0 =	seq.s32 s7, s2  }
0x1e: {  	s7 =	smul.u32 @!p0 $0xF7A, s2;
	p2 =	seq.s32 @!p0 s5, $0x0  }
0x1f: {  	s9 =	smul.u32 $0xF7A, s1;
	s8 =	simm.s32 @!p0 $0x1BF5;
	p2 =	por !p2, p0  }
0x20: {  	[sflag:s8] =	ssyncset.s32 @!p0 $0xFFFFF086;
	s6 =	sadd.s32 @!p0 s3, s7;
	s7 =	simm.s32 @!p0 $0x108  }
0x21: {  	s3 =	sadd.s32 s3, s9;
	s6 =	sadd.s32 @!p0 $0x88, s6;
	s7 =	simm.s32 @p2 $0x1082  }
0x22: {  	[simem:s7], [sflag:s8] =	dma.local @!p0 [hbm:s6], $0xF7A  }
0x23: {  	s9 =	sor.u32 $0xD0000000, s2;
	s6 =	simm.s32 $0x108;
	_ =	swait.ge @!p0 [sflag:s8], $0x0  }
0x24: {  	s3 =	sadd.s32 $0x88, s3;
	s6 =	simm.s32 @!p1 $0x1082;
	[sflag:s4] =	ssyncset.s32 $0xFFFFF086  }
0x25: {  	[simem:s6], [sflag:s4] =	dma.local [hbm:s3], $0xF7A  }
0x26: {  	[smem:$0x3F94] =	sst s1;
	(tag) =	ssettag s2;
	_ =	strace s9  }
0x27: {  	s1 =	sld [smem:$0x3FA4]  }
0x28: {  	s2 =	sld [smem:$0x3FA5]  }
0x29: {  	s4 =	sld [smem:$0x3FA7]  }
0x2a: {  	p0 =	seq.s32 s5, $0x0;
	s5 =	sld [smem:$0x3FA8]  }
0x2b: {  	s6 =	sld [smem:$0x3FA9]  }
0x2c: {  	s7 =	sld [smem:$0x3FAA]  }
0x2d: {  	s3 =	simm.s32 $0x108;
	s8 =	sld [smem:$0x3FAB]  }
0x2e: {  	s3 =	simm.s32 @!p0 $0x1082;
	s9 =	sld [smem:$0x3FAC]  }
0x2f: {  	lr =	sadd.s32 s0, s3;
	s0 =	sld [smem:$0x3FA3]  }
0x30: {  	s3 =	sld [smem:$0x3FA6]  }
0x31: {  	[smem:$0x3FAF] =	sst s10  }
0x32: {  	s10 =	sld [smem:$0x3FAD];
	_ =	sdelay $0x3  }
0x33: {  	p0 =	seq.s32 s10, $0x1;
	s10 =	sld [smem:$0x3FAF];
	_ =	sdelay $0x3  }
0x34: {  	[smem:$0x3FAF] =	sst s10  }
0x35: {  	s10 =	sld [smem:$0x3FAE];
	_ =	sdelay $0x3  }
0x36: {  	p1 =	seq.s32 s10, $0x1;
	s10 =	sld [smem:$0x3FAF];
	_ =	sdelay $0x3  }
0x37: {  	[smem:$0x3FAF] =	sst s10  }
0x38: {  	s10 =	sld [smem:$0x3FB0]  }
0x39: {  	_ = 	snop;
	(pc) =	sbr.ind lr, $3  }
0x3a: {  	_ = 	snop  }
0x3b: {  	_ = 	snop  }
0x3c: {  	p2 =	seq.s32 s10, $0x1;
	s10 =	sld [smem:$0x3FAF]  }
0x3d: {  	_ =	shalt  }
0x3e: {  	_ =	shalt  }
0x3f: {  	_ =	shalt  }
0x40: {  	_ =	shalt  }
0x41: {  	_ =	shalt  }
0x42: {  	_ =	shalt  }
0x43: {  	_ =	shalt  }
0x44: {  	_ =	shalt  }
0x45: {  	_ =	shalt  }
0x46: {  	_ =	shalt  }
0x47: {  	_ =	shalt  }
0x48: {  	_ =	shalt  }
0x49: {  	_ =	shalt  }
0x4a: {  	_ =	shalt  }
0x4b: {  	_ =	shalt  }
0x4c: {  	_ =	shalt  }
0x4d: {  	_ =	shalt  }
0x4e: {  	_ =	shalt  }
0x4f: {  	_ =	shalt  }
0x50: {  	_ =	shalt  }
0x51: {  	_ =	shalt  }
0x52: {  	_ =	shalt  }
0x53: {  	_ =	shalt  }
0x54: {  	_ =	shalt  }
0x55: {  	_ =	shalt  }
0x56: {  	_ =	shalt  }
0x57: {  	_ =	shalt  }
0x58: {  	_ =	shalt  }
0x59: {  	_ =	shalt  }
0x5a: {  	_ =	shalt  }
0x5b: {  	_ =	shalt  }
0x5c: {  	_ =	shalt  }
0x5d: {  	_ =	shalt  }
0x5e: {  	_ =	shalt  }
0x5f: {  	_ =	shalt  }
0x60: {  	_ =	shalt  }
0x61: {  	_ =	shalt  }
0x62: {  	_ =	shalt  }
0x63: {  	_ =	shalt  }
0x64: {  	_ =	shalt  }
0x65: {  	_ =	shalt  }
0x66: {  	_ =	shalt  }
0x67: {  	_ =	shalt  }
0x68: {  	_ =	shalt  }
0x69: {  	_ =	shalt  }
0x6a: {  	_ =	shalt  }
0x6b: {  	_ =	shalt  }
0x6c: {  	_ =	shalt  }
0x6d: {  	_ =	shalt  }
0x6e: {  	_ =	shalt  }
0x6f: {  	_ =	shalt  }
0x70: {  	_ =	shalt  }
0x71: {  	_ =	shalt  }
0x72: {  	_ =	shalt  }
0x73: {  	_ =	shalt  }
0x74: {  	_ =	shalt  }
0x75: {  	_ =	shalt  }
0x76: {  	_ =	shalt  }
0x77: {  	_ =	shalt  }
0x78: {  	_ =	shalt  }
0x79: {  	_ =	shalt  }
0x7a: {  	_ =	shalt  }
0x7b: {  	_ =	shalt  }
0x7c: {  	_ =	shalt  }
0x7d: {  	_ =	shalt  }
0x7e: {  	_ =	shalt  }
0x7f: {  	_ =	shalt  }
0x80: {  	_ =	shalt  }
0x81: {  	_ =	shalt  }
0x82: {  	_ =	shalt  }
0x83: {  	_ =	shalt  }
0x84: {  	_ =	shalt  }
0x85: {  	_ =	shalt  }
0x86: {  	_ =	shalt  }
0x87: {  	_ =	shalt  }
.Lfunc_end0:
.L_simem_size_0:
called_computation.1_lowered:
.L_overlay_start_0:
0x88: {  	s2 =	sld [smem:$0x3FD9]  }
0x89: {  	s3 =	sld [smem:$0x3FFE];
	_ =	sdelay $0x1  }
0x8a: {  	s1 =	srdreg.scid  }
0x8b: {  	s0 =	sand.u32 $0x1, s1  }
0x8c: {  	s16 =	sshll.u32 s0, $0xA;
	s2 =	sadd.s32 s3, s2  }
0x8d: {  	s2 =	sadd.s32 s2, s16  }
0x8e: {  	[smem:$0x3FBB] =	sst s2  }
0x8f: {  	_ = 	snop  }
0x90: {  	(tm) =	ssettm $0x1  }
0x91: {  	s17 =	sld [smem:$0x3FFB];
	_ =	sdelay $0x3  }
0x92: {  	_ =	strace s17  }
0x93: {  	s2 =	sld [smem:$0x3FFC];
	_ =	sdelay $0x3  }
0x94: {  	_ =	strace s2  }
0x95: {  	s2 =	sld [smem:$0x3FFD];
	_ =	sdelay $0x3  }
0x96: {  	_ =	strace s2  }
0x97: {  	_ =	strace $0x8FFFFFFF  }
0x98: {  	s18 =	sld [smem:$0x3FDB];
	_ =	sdelay $0x1  }
0x99: {  	s19 =	simm.s32 $_scs_section_size  }
0x9a: {  	s4 =	simm.s32 $_size__tile_overlayer_lowered;
	s5 =	simm.s32 $_tile_overlayer_lowered  }
0x9b: {  	s22 =	simm.s32 $0x1BFF;
	s21 =	sshll.u32 s5, $0x1;
	s2 =	sadd.s32 s19, s18  }
0x9c: {  	s6 =	simm.s32 $0x0;
	s20 =	sshll.u32 s4, $0x1;
	s4 =	sadd.s32 s21, s2  }
0x9d: {  	[timem:s6], [sflag:s22] =	dma.local [hbm:s4], s20  }
0x9e: {  	_ =	swait.ge [sflag:s22], s20  }
0x9f: {  	s3 =	ssub.s32 $0x0, s20;
	[sflag:s22] =	ssyncset.done $0x0  }
0xa0: {  	[sflag:s22] =	ssyncadd.s32 s3;
	_ =	sdelay $0x1  }
0xa1: {  	s23 =	simm.s32 $0x1B8B  }
0xa2: {  	_ =	swait.ge [sflag:s23], $0x1  }
0xa3: {  	[sflag:s23] =	ssyncset.done $0x0  }
0xa4: {  	s25 =	simm.s32 $0x1B8E;
	s24 =	sld [smem:$0x3FFE];
	[sflag:s23] =	ssyncadd.s32 $0xFFFFFFFF  }
0xa5: {  	s26 =	simm.s32 $execute0_lowered;
	[smem:$0x3FD2] =	sst s25  }
0xa6: {  	s4 =	sshll.u32 s26, $0x1;
	_ =	strace $0x80000049;
	[dreg:$0x1] =	wrdreg $0xFFFFFFFF  }
0xa7: {  	s28 =	simm.s32 $_size_execute0_lowered;
	s2 =	sadd.s32 s2, s4;
	[dreg:$0x0] =	wrdreg $0x0  }
0xa8: {  	s4 =	sshll.u32 s28, $0x1;
	[dreg:$0x2] =	wrdreg s2  }
0xa9: {  	[dreg:$0x3] =	wrdreg s4  }
0xaa: {  	[dreg:$0x4] =	wrdreg $0xC0  }
0xab: {  	_ =	task [dreg:s6], $0x5FFFF  }
0xac: {  	[dreg:$0x1] =	wrdreg $0xFFFFFFFF  }
0xad: {  	[dreg:$0x0] =	wrdreg $0x60  }
0xae: {  	[dreg:$0x2] =	wrdreg s24  }
0xaf: {  	[dreg:$0x3] =	wrdreg $0xB2200  }
0xb0: {  	[dreg:$0x4] =	wrdreg $0x9  }
0xb1: {  	_ =	task.clear_ibuf [dreg:s6], $0x5FFFF;
	_ =	strace $0x90000049  }
0xb2: {  	s29 =	simm.s32 $0x9;
	_ =	strace $0x8000004B  }
0xb3: {  	_ =	swait.ge [sflag:s29], $0x1  }
0xb4: {  	[sflag:s29] =	ssyncadd.s32 $0xFFFFFFFF  }
0xb5: {  	_ =	strace $0x9000004B  }
0xb6: {  	_ =	sfence  }
0xb7: {  	s30 =	sld [smem:$0x0];
	_ =	sdelay $0x2  }
0xb8: {  	s31 =	sshll.u32 s1, $0xD;
	s1 =	sshrl.u32 s1, $0x2  }
0xb9: {  	s3 =	sand.u32 $0x4000, s31;
	s1 =	sadd.s32 s1, s30  }
0xba: {  	s0 =	sor.u32 s3, s0;
	s1 =	sshll.u32 s1, $0x11  }
0xbb: {  	s0 =	sor.u32 s1, s0  }
0xbc: {  	s0 =	sadd.s32 $0x8F2B, s0  }
0xbd: {  	[sflag:s0] =	ssyncadd.remote.s32 $0x1  }
0xbe: {  	_ =	sfence.sel $0xFFFF  }
0xbf: {  	[dreg:$0x0] =	wrdreg $0xFFFFFFFF;
	(pc) =	sbr.abs _section_cstart, $3  }
0xc0: {  	[dreg:$0x1] =	wrdreg $0xFFFFFFFF  }
0xc1: {  	_ =	task.clear_ibuf [dreg:s6], $0x2FFFF;
	_ =	strace $0x9FFFFFFF  }
0xc2: {  	(tm) =	ssettm $0x7FFFFFFF  }
0xc3: {  	_ =	shalt  }
tec
execute0_lowered:
.L_overlay_start_1:
0x0: {  	(tag) =	ssettag $0x1  }
0x1: {  	s0 =	rddreg [dreg:$0x0]  }
0x2: {  	s2 =	rddreg [dreg:$0x1]  }
0x3: {  	s3 =	simm.s32 $0x0;
	s9 =	stileid.u32;
	s1 =	srdreg.scid  }
0x4: {  	[smem:$0x7FF] =	sst s3;
	s22 =	smul.u32 $0x13800, s9  }
0x5: {  	s5 =	smul.u32 $0x4E000, s9;
	s6 =	sadd.s32 $0x2E00, s0;
	p4 =	seq.s32 s9, $0xF  }
0x6: {  	p0 =	sne.s32 s9, $0xF;
	s28 =	sadd.s32 $0xCA40, s0;
	s30 =	sadd.s32 $0x64B00, s0  }
0x7: {  	s1 =	sand.u32 $0x1, s1;
	s29 =	sadd.s32 $0x124800, s2;
	_ =	strace $0x8000004A  }
0x8: {  	s4 =	ssub.s32 $0x2, s1;
	s23 =	sshll.u32 s1, $0x4;
	p2 =	seq.s32 s1, $0x0  }
0x9: {  	p5 =	seq.s32 s1, $0x1;
	s10 =	sshrl.u32 s22, $0x3;
	s8 =	sshrl.u32 s5, $0x2  }
0xa: {  	s7 =	sshrl.u32 s4, $0x1;
	s5 =	sadd.s32 s22, s2;
	s24 =	sadd.s32 s8, s2  }
0xb: {  	p1 =	por !p2, !p0;
	[dreg:$0x3] =	wrdreg s10;
	s8 =	sadd.s32 $0x1400, s24  }
0xc: {  	p2 =	por !p2, !p4;
	s25 =	sadd.s32 $0x2800, s24;
	[dreg:$0x4] =	wrdreg s8  }
0xd: {  	p3 =	por !p0, !p5;
	s26 =	sadd.s32 $0x3C00, s24;
	[dreg:$0x5] =	wrdreg s25  }
0xe: {  	p4 =	por !p4, !p5;
	s31 =	sadd.s32 $0x5000, s24;
	[dreg:$0x6] =	wrdreg s26  }
0xf: {  	s4 =	ssub.s32 s4, s7;
	s11 =	sadd.s32 $0x6400, s24;
	[dreg:$0x7] =	wrdreg s31  }
0x10: {  	s7 =	sor.u32 s9, s23;
	s12 =	sadd.s32 $0x7800, s24;
	[dreg:$0x8] =	wrdreg s11  }
0x11: {  	p1 =	por !p1, !p1;
	s13 =	sadd.s32 $0x8C00, s24;
	[dreg:$0x9] =	wrdreg s12  }
0x12: {  	s23 =	sadd.s32 s10, s0;
	s14 =	sadd.s32 $0xA000, s24;
	[dreg:$0xa] =	wrdreg s13  }
0x13: {  	p2 =	por !p2, !p2;
	s15 =	sadd.s32 $0xB400, s24;
	[dreg:$0xb] =	wrdreg s14  }
0x14: {  	p3 =	por !p3, !p3;
	s16 =	sadd.s32 $0xC800, s24;
	[dreg:$0xc] =	wrdreg s15  }
0x15: {  	p4 =	por !p4, !p4;
	s17 =	sadd.s32 $0xDC00, s24;
	[dreg:$0xd] =	wrdreg s16  }
0x16: {  	s9 =	simm.s32 $0x9E20;
	s18 =	sadd.s32 $0xF000, s24;
	[dreg:$0xe] =	wrdreg s17  }
0x17: {  	s10 =	simm.s32 $0x1388;
	s19 =	sadd.s32 $0x10400, s24;
	[dreg:$0xf] =	wrdreg s18  }
0x18: {  	s20 =	sadd.s32 $0x11800, s24;
	s7 =	smul.u32 $0x2710, s7;
	[dreg:$0x10] =	wrdreg s19  }
0x19: {  	s3 =	sadd.s32 $0x12C00, s24;
	s24 =	sadd.s32 $0x62300, s0;
	[dreg:$0x11] =	wrdreg s20  }
0x1a: {  	p4 =	por !p4, p3;
	[dreg:$0x12] =	wrdreg s3;
	s26 =	sadd.s32 $0x16800, s0  }
0x1b: {  	[dreg:$0x18] =	wrdreg s24;
	s25 =	smax.u32 s4, $0x1;
	s31 =	sadd.s32 $0x138000, s2  }
0x1c: {  	s4 =	simm.s32 $0xB;
	s8 =	simm.s32 $0x8A20;
	s11 =	simm.s32 $0x2  }
0x1d: {  	s12 =	simm.s32 $0x3;
	s13 =	simm.s32 $0x4;
	s14 =	simm.s32 $0x5  }
0x1e: {  	s15 =	simm.s32 $0x6;
	s16 =	simm.s32 $0x7;
	s17 =	simm.s32 $0x8  }
0x1f: {  	s18 =	simm.s32 $0x9;
	s19 =	simm.s32 $0xA;
	s20 =	simm.s32 $0xC  }
0x20: {  	s24 =	simm.s32 $0x0;
	s21 =	sadd.s32 $0x1388, s7;
	[dreg:$0x19] =	wrdreg s25  }
0x21: {  	s22 =	sshrl.u32 s7, $0x3;
	[dreg:$0x1a] =	wrdreg s31;
	s25 =	simm.s32 $0x4E20  }
.Ltmp0:
0x22: {  	[dreg:$0x13] =	wrdreg s22;
	s3 =	sadd.s32 s6, s22;
	(pc) =	sbr.rel .LBB2_1-.Ltmp0, $4  }
0x23: {  	s7 =	simm.s32 $0x7620;
	s1 =	sshrl.u32 s21, $0x3;
	[dreg:$0x15] =	wrdreg s3  }
0x24: {  	[dreg:$0x14] =	wrdreg s1;
	s1 =	sadd.s32 s6, s1;
	s3 =	simm.s32 $0x28  }
0x25: {  	s6 =	simm.s32 $0x6220;
	[dreg:$0x16] =	wrdreg s1;
	s1 =	sadd.s32 $0x3DA00, s23  }
0x26: {  	v0 =	vimm.f32 $0.0e+00;
	s23 =	simm.s32 $0xD;
	[dreg:$0x17] =	wrdreg s1;
	s1 =	simm.s32 $0x1  }
.LBB2_11:
0x27: {  	s0 =	sshrl.u32 s29, $0x3;
	s21 =	rddreg [dreg:$0x18];
	s22 =	simm.s32 $0x1FCD  }
0x28: {  	[hbm:s21], [sflag:s22] =	dma.local [spmem:s0], $0x2800  }
0x29: {  	_ =	swait.ge [sflag:s23], $0x2800  }
0x2a: {  	[sflag:s23] =	ssyncset.done $0x0  }
0x2b: {  	[sflag:s23] =	ssyncadd.s32 $0xFFFFD800  }
.LBB2_12:
0x2c: {  	s24 =	sadd.s32 $0x1, s24;
	s0 =	rddreg [dreg:$0x19]  }
0x2d: {  	p5 =	sne.s32 s24, s0  }
.Ltmp1:
0x2e: {  	_ = 	snop;
	(pc) =	sbr.rel @!p5 .LBB2_13-.Ltmp1, $1  }
0x2f: {  	_ =	sdelay $0x3  }
.LBB2_1:
0x30: {  	s0 =	simm.s32 $0x0  }
0x31: {  	s21 =	sand.u32 $0x7E00, s0  }
0x32: {  	s22 =	sand.u32 $0x70, s0;
	s31 =	sshrl.u32 s21, $0x2  }
0x33: {  	s21 =	simm.s32 $0x40;
	s22 =	sor.u32 s22, s31;
	s31 =	simm.s32 $0x0  }
.LBB2_2:
0x34: {  	p5 =	sne.s32 s21, $0x4FC0  }
0x35: {  	[tilespmem:s22+$0x4E20] =	vst v0;
	s31 =	sadd.s32 $0x10, s31;
	s22 =	smov.u32 s21;
	s21 =	sadd.s32 $0x40, s21  }
.Ltmp2:
0x36: {  	(pc) =	sbr.rel @p5 .LBB2_2-.Ltmp2, $4  }
0x37: {  	_ = 	snop  }
0x38: {  	s22 =	sand.u32 $0x7E00, s22  }
0x39: {  	s0 =	sand.u32 $0x70, s31;
	s22 =	sshrl.u32 s22, $0x2  }
0x3a: {  	s22 =	sor.u32 s0, s22  }
0x3b: {  	[tilespmem:s22+$0x4E20] =	vst v0  }
0x3c: {  	[spmem:s5] =	stream.linear.scatter [tilespmem:s25], [sflag:$0x1], $0x1400, $0x38;
	[tilespmem:$0x1EB20] =	vst v63  }
0x3d: {  	s0 =	rddreg [dreg:$0x4]  }
0x3e: {  	[spmem:s0] =	stream.linear.scatter [tilespmem:s25], [sflag:$0x1], $0x1400, $0x38;
	[tilespmem:$0x1EB20] =	vst v63  }
0x3f: {  	s22 =	rddreg [dreg:$0x5]  }
0x40: {  	[spmem:s22] =	stream.linear.scatter [tilespmem:s25], [sflag:$0x1], $0x1400, $0x38;
	[tilespmem:$0x1EB20] =	vst v63  }
0x41: {  	s21 =	rddreg [dreg:$0x6]  }
0x42: {  	[spmem:s21] =	stream.linear.scatter [tilespmem:s25], [sflag:$0x1], $0x1400, $0x38;
	[tilespmem:$0x1EB20] =	vst v63  }
0x43: {  	s22 =	rddreg [dreg:$0x7]  }
0x44: {  	[spmem:s22] =	stream.linear.scatter [tilespmem:s25], [sflag:$0x1], $0x1400, $0x38;
	[tilespmem:$0x1EB20] =	vst v63  }
0x45: {  	s21 =	rddreg [dreg:$0x8]  }
0x46: {  	[spmem:s21] =	stream.linear.scatter [tilespmem:s25], [sflag:$0x1], $0x1400, $0x38;
	[tilespmem:$0x1EB20] =	vst v63  }
0x47: {  	s22 =	rddreg [dreg:$0x9]  }
0x48: {  	[spmem:s22] =	stream.linear.scatter [tilespmem:s25], [sflag:$0x1], $0x1400, $0x38;
	[tilespmem:$0x1EB20] =	vst v63  }
0x49: {  	s21 =	rddreg [dreg:$0xa]  }
0x4a: {  	[spmem:s21] =	stream.linear.scatter [tilespmem:s25], [sflag:$0x1], $0x1400, $0x38;
	[tilespmem:$0x1EB20] =	vst v63  }
0x4b: {  	s22 =	rddreg [dreg:$0xb]  }
0x4c: {  	[spmem:s22] =	stream.linear.scatter [tilespmem:s25], [sflag:$0x1], $0x1400, $0x38;
	[tilespmem:$0x1EB20] =	vst v63  }
0x4d: {  	s21 =	rddreg [dreg:$0xc]  }
0x4e: {  	[spmem:s21] =	stream.linear.scatter [tilespmem:s25], [sflag:$0x1], $0x1400, $0x38;
	[tilespmem:$0x1EB20] =	vst v63  }
0x4f: {  	s22 =	rddreg [dreg:$0xd]  }
0x50: {  	[spmem:s22] =	stream.linear.scatter [tilespmem:s25], [sflag:$0x1], $0x1400, $0x38;
	[tilespmem:$0x1EB20] =	vst v63  }
0x51: {  	s21 =	rddreg [dreg:$0xe]  }
0x52: {  	[spmem:s21] =	stream.linear.scatter [tilespmem:s25], [sflag:$0x1], $0x1400, $0x38;
	[tilespmem:$0x1EB20] =	vst v63  }
0x53: {  	s22 =	rddreg [dreg:$0xf]  }
0x54: {  	[spmem:s22] =	stream.linear.scatter [tilespmem:s25], [sflag:$0x1], $0x1400, $0x38;
	[tilespmem:$0x1EB20] =	vst v63  }
0x55: {  	s21 =	rddreg [dreg:$0x10]  }
0x56: {  	[spmem:s21] =	stream.linear.scatter [tilespmem:s25], [sflag:$0x1], $0x1400, $0x38;
	[tilespmem:$0x1EB20] =	vst v63  }
0x57: {  	s22 =	rddreg [dreg:$0x11]  }
0x58: {  	[spmem:s22] =	stream.linear.scatter [tilespmem:s25], [sflag:$0x1], $0x1400, $0x38;
	[tilespmem:$0x1EB20] =	vst v63  }
0x59: {  	s21 =	rddreg [dreg:$0x12]  }
0x5a: {  	[spmem:s21] =	stream.linear.scatter [tilespmem:s25], [sflag:$0x1], $0xC00, $0x38;
	[tilespmem:$0x1EB20] =	vst v63  }
0x5b: {  	s0 =	simm.s32 @!p0 $0x4E20;
	s21 =	rddreg [dreg:$0x1a]  }
0x5c: {  	[spmem:s21] =	stream.linear.scatter @!p0 [tilespmem:s0], [sflag:$0x1], $0x1000, $0x38;
	[tilespmem:$0x1EB20] =	vst v63  }
0x5d: {  	_ =	swait.ge [sflag:s1], $0x1400  }
0x5e: {  	[sflag:s1] =	ssyncset.done $0x0  }
0x5f: {  	[sflag:s1] =	ssyncadd.s32 $0xFFFFEC00  }
0x60: {  	_ =	swait.ge [sflag:s1], $0x1400  }
0x61: {  	[sflag:s1] =	ssyncset.done $0x0  }
0x62: {  	[sflag:s1] =	ssyncadd.s32 $0xFFFFEC00  }
0x63: {  	_ =	swait.ge [sflag:s1], $0x1400  }
0x64: {  	[sflag:s1] =	ssyncset.done $0x0  }
0x65: {  	[sflag:s1] =	ssyncadd.s32 $0xFFFFEC00  }
0x66: {  	_ =	swait.ge [sflag:s1], $0x1400  }
0x67: {  	[sflag:s1] =	ssyncset.done $0x0  }
0x68: {  	[sflag:s1] =	ssyncadd.s32 $0xFFFFEC00  }
0x69: {  	_ =	swait.ge [sflag:s1], $0x1400  }
0x6a: {  	[sflag:s1] =	ssyncset.done $0x0  }
0x6b: {  	[sflag:s1] =	ssyncadd.s32 $0xFFFFEC00  }
0x6c: {  	_ =	swait.ge [sflag:s1], $0x1400  }
0x6d: {  	[sflag:s1] =	ssyncset.done $0x0  }
0x6e: {  	[sflag:s1] =	ssyncadd.s32 $0xFFFFEC00  }
0x6f: {  	_ =	swait.ge [sflag:s1], $0x1400  }
0x70: {  	[sflag:s1] =	ssyncset.done $0x0  }
0x71: {  	[sflag:s1] =	ssyncadd.s32 $0xFFFFEC00  }
0x72: {  	_ =	swait.ge [sflag:s1], $0x1400  }
0x73: {  	[sflag:s1] =	ssyncset.done $0x0  }
0x74: {  	[sflag:s1] =	ssyncadd.s32 $0xFFFFEC00  }
0x75: {  	_ =	swait.ge [sflag:s1], $0x1400  }
0x76: {  	[sflag:s1] =	ssyncset.done $0x0  }
0x77: {  	[sflag:s1] =	ssyncadd.s32 $0xFFFFEC00  }
0x78: {  	_ =	swait.ge [sflag:s1], $0x1400  }
0x79: {  	[sflag:s1] =	ssyncset.done $0x0  }
0x7a: {  	[sflag:s1] =	ssyncadd.s32 $0xFFFFEC00  }
0x7b: {  	_ =	swait.ge [sflag:s1], $0x1400  }
0x7c: {  	[sflag:s1] =	ssyncset.done $0x0  }
0x7d: {  	[sflag:s1] =	ssyncadd.s32 $0xFFFFEC00  }
0x7e: {  	_ =	swait.ge [sflag:s1], $0x1400  }
0x7f: {  	[sflag:s1] =	ssyncset.done $0x0  }
0x80: {  	[sflag:s1] =	ssyncadd.s32 $0xFFFFEC00  }
0x81: {  	_ =	swait.ge [sflag:s1], $0x1400  }
0x82: {  	[sflag:s1] =	ssyncset.done $0x0  }
0x83: {  	[sflag:s1] =	ssyncadd.s32 $0xFFFFEC00  }
0x84: {  	_ =	swait.ge [sflag:s1], $0x1400  }
0x85: {  	[sflag:s1] =	ssyncset.done $0x0  }
0x86: {  	[sflag:s1] =	ssyncadd.s32 $0xFFFFEC00  }
0x87: {  	_ =	swait.ge [sflag:s1], $0x1400  }
0x88: {  	[sflag:s1] =	ssyncset.done $0x0  }
0x89: {  	[sflag:s1] =	ssyncadd.s32 $0xFFFFEC00  }
0x8a: {  	_ =	swait.ge [sflag:s1], $0xC00  }
0x8b: {  	[sflag:s1] =	ssyncset.done $0x0  }
0x8c: {  	s0 =	simm.s32 @!p0 $0x1;
	[sflag:s1] =	ssyncadd.s32 $0xFFFFF400  }
0x8d: {  	_ =	swait.ge @!p0 [sflag:s0], $0x1000  }
0x8e: {  	[sflag:s0] =	ssyncset.done @!p0 $0x0  }
0x8f: {  	[sflag:s0] =	ssyncadd.s32 @!p0 $0xFFFFF000  }
0x90: {  	[bflag:$0x0] =	sbarrier.arrive $0xFFFF  }
0x91: {  	s0 =	simm.s32 $0x0;
	s22 =	rddreg [dreg:$0x15]  }
0x92: {  	[tilespmem:s0], [sflag:$0xB] =	stream.linear.gather [hbm4b:s22+s0], $0x1388, $0x38;
	[tilespmem:$0x1EB20] =	vst v63  }
0x93: {  	s22 =	rddreg [dreg:$0x13]  }
0x94: {  	s21 =	sadd.s32 s22, s28;
	s22 =	simm.s32 $0x2710  }
0x95: {  	[tilespmem:s22], [sflag:$0xB] =	stream.linear.gather [hbm4b:s21+s0], $0x1388, $0x38;
	[tilespmem:$0x1EB20] =	vst v63  }
0x96: {  	_ =	swait.ge [sflag:s4], $0x1388  }
0x97: {  	[sflag:s4] =	ssyncset.done $0x0  }
0x98: {  	[sflag:s4] =	ssyncadd.s32 $0xFFFFEC78  }
0x99: {  	_ =	swait.ge [sflag:s4], $0x1388  }
0x9a: {  	[sflag:s4] =	ssyncset.done $0x0  }
0x9b: {  	[sflag:s4] =	ssyncadd.s32 $0xFFFFEC78  }
0x9c: {  	[tilespmem:s25], [sflag:$0x1] =	stream.indirect.gather [hbm4b:s26+s3], $0x80, s0, s3, $0xb8;
	[tilespmem:$0x1EB20] =	vst v63  }
0x9d: {  	_ = 	snop  }
0x9e: {  	[tilespmem:s6], [sflag:$0x2] =	stream.indirect.gather [hbm4b:s26+s3], $0x80, s3, s3, $0xb8;
	[tilespmem:$0x1EB20] =	vst v63  }
0x9f: {  	s22 =	simm.s32 $0x50  }
0xa0: {  	[tilespmem:s7], [sflag:$0x3] =	stream.indirect.gather [hbm4b:s26+s3], $0x80, s22, s3, $0xb8;
	[tilespmem:$0x1EB20] =	vst v63  }
0xa1: {  	s22 =	simm.s32 $0x78  }
0xa2: {  	[tilespmem:s8], [sflag:$0x4] =	stream.indirect.gather [hbm4b:s26+s3], $0x80, s22, s3, $0xb8;
	[tilespmem:$0x1EB20] =	vst v63  }
0xa3: {  	s22 =	simm.s32 $0xA0  }
0xa4: {  	[tilespmem:s9], [sflag:$0x5] =	stream.indirect.gather [hbm4b:s26+s3], $0x80, s22, s3, $0xb8;
	[tilespmem:$0x1EB20] =	vst v63  }
0xa5: {  	s22 =	rddreg [dreg:$0x16]  }
0xa6: {  	[tilespmem:s10], [sflag:$0xC] =	stream.linear.gather [hbm4b:s22+s0], $0x1388, $0x38;
	[tilespmem:$0x1EB20] =	vst v63  }
0xa7: {  	s22 =	rddreg [dreg:$0x14]  }
0xa8: {  	s21 =	sadd.s32 s22, s28;
	s22 =	simm.s32 $0x3A98  }
0xa9: {  	[tilespmem:s22], [sflag:$0xC] =	stream.linear.gather [hbm4b:s21+s0], $0x1388, $0x38;
	[tilespmem:$0x1EB20] =	vst v63  }
0xaa: {  	_ =	swait.ge [sflag:s1], $0x1400  }
0xab: {  	[sflag:s1] =	ssyncset.done $0x0  }
0xac: {  	s22 =	simm.s32 $0x2710;
	[sflag:s1] =	ssyncadd.s32 $0xFFFFEC00  }
0xad: {  	[spmem:s2] =	stream.indirect.scatter.add.f32 [tilespmem:s25], [sflag:$0x6], $0x80, s22, s3, $0xb8;
	[tilespmem:$0x1EB20] =	vst v63  }
0xae: {  	_ =	swait.ge [sflag:s11], $0x1400  }
0xaf: {  	[sflag:s11] =	ssyncset.done $0x0  }
0xb0: {  	s21 =	simm.s32 $0x2738;
	[sflag:s11] =	ssyncadd.s32 $0xFFFFEC00  }
0xb1: {  	[spmem:s2] =	stream.indirect.scatter.add.f32 [tilespmem:s6], [sflag:$0x7], $0x80, s21, s3, $0xb8;
	[tilespmem:$0x1EB20] =	vst v63  }
0xb2: {  	_ =	swait.ge [sflag:s12], $0x1400  }
0xb3: {  	[sflag:s12] =	ssyncset.done $0x0  }
0xb4: {  	s22 =	simm.s32 $0x2760;
	[sflag:s12] =	ssyncadd.s32 $0xFFFFEC00  }
0xb5: {  	[spmem:s2] =	stream.indirect.scatter.add.f32 [tilespmem:s7], [sflag:$0x8], $0x80, s22, s3, $0xb8;
	[tilespmem:$0x1EB20] =	vst v63  }
0xb6: {  	_ =	swait.ge [sflag:s13], $0x1400  }
0xb7: {  	[sflag:s13] =	ssyncset.done $0x0  }
0xb8: {  	s21 =	simm.s32 $0x2788;
	[sflag:s13] =	ssyncadd.s32 $0xFFFFEC00  }
0xb9: {  	[spmem:s2] =	stream.indirect.scatter.add.f32 [tilespmem:s8], [sflag:$0x9], $0x80, s21, s3, $0xb8;
	[tilespmem:$0x1EB20] =	vst v63  }
0xba: {  	_ =	swait.ge [sflag:s14], $0x1400  }
0xbb: {  	[sflag:s14] =	ssyncset.done $0x0  }
0xbc: {  	s22 =	simm.s32 $0x27B0;
	[sflag:s14] =	ssyncadd.s32 $0xFFFFEC00  }
0xbd: {  	[spmem:s2] =	stream.indirect.scatter.add.f32 [tilespmem:s9], [sflag:$0xA], $0x80, s22, s3, $0xb8;
	[tilespmem:$0x1EB20] =	vst v63  }
0xbe: {  	_ =	swait.ge [sflag:s15], $0x1400  }
0xbf: {  	[sflag:s15] =	ssyncset.done $0x0  }
0xc0: {  	s21 =	simm.s32 $0xC8;
	[sflag:s15] =	ssyncadd.s32 $0xFFFFEC00  }
0xc1: {  	[tilespmem:s25], [sflag:$0x1] =	stream.indirect.gather [hbm4b:s26+s3], $0x80, s21, s3, $0xb8;
	[tilespmem:$0x1EB20] =	vst v63  }
0xc2: {  	_ =	swait.ge [sflag:s16], $0x1400  }
0xc3: {  	[sflag:s16] =	ssyncset.done $0x0  }
0xc4: {  	s22 =	simm.s32 $0xF0;
	[sflag:s16] =	ssyncadd.s32 $0xFFFFEC00  }
0xc5: {  	[tilespmem:s6], [sflag:$0x2] =	stream.indirect.gather [hbm4b:s26+s3], $0x80, s22, s3, $0xb8;
	[tilespmem:$0x1EB20] =	vst v63  }
0xc6: {  	_ =	swait.ge [sflag:s17], $0x1400  }
0xc7: {  	[sflag:s17] =	ssyncset.done $0x0  }
0xc8: {  	s21 =	simm.s32 $0x118;
	[sflag:s17] =	ssyncadd.s32 $0xFFFFEC00  }
0xc9: {  	[tilespmem:s7], [sflag:$0x3] =	stream.indirect.gather [hbm4b:s26+s3], $0x80, s21, s3, $0xb8;
	[tilespmem:$0x1EB20] =	vst v63  }
0xca: {  	_ =	swait.ge [sflag:s18], $0x1400  }
0xcb: {  	[sflag:s18] =	ssyncset.done $0x0  }
0xcc: {  	s22 =	simm.s32 $0x140;
	[sflag:s18] =	ssyncadd.s32 $0xFFFFEC00  }
0xcd: {  	[tilespmem:s8], [sflag:$0x4] =	stream.indirect.gather [hbm4b:s26+s3], $0x80, s22, s3, $0xb8;
	[tilespmem:$0x1EB20] =	vst v63  }
0xce: {  	_ =	swait.ge [sflag:s19], $0x1400  }
0xcf: {  	[sflag:s19] =	ssyncset.done $0x0  }
0xd0: {  	s31 =	simm.s32 $0x320;
	s21 =	simm.s32 $0x168;
	[sflag:s19] =	ssyncadd.s32 $0xFFFFEC00  }
.LBB2_4:
0xd1: {  	[tilespmem:s9], [sflag:$0x5] =	stream.indirect.gather [hbm4b:s26+s3], $0x80, s21, s3, $0xb8;
	[tilespmem:$0x1EB20] =	vst v63  }
0xd2: {  	s0 =	smov.u32 s31  }
0xd3: {  	p5 =	sne.s32 s31, $0x47E0;
	s31 =	sadd.s32 $0x320, s31;
	_ =	swait.ge [sflag:s1], $0x1400  }
0xd4: {  	s21 =	sshra.s32 s0, $0x2;
	[sflag:s1] =	ssyncset.done $0x0  }
0xd5: {  	s0 =	sadd.s32 $0x2710, s21;
	[sflag:s1] =	ssyncadd.s32 $0xFFFFEC00  }
0xd6: {  	[spmem:s2] =	stream.indirect.scatter.add.f32 [tilespmem:s25], [sflag:$0x6], $0x80, s0, s3, $0xb8;
	[tilespmem:$0x1EB20] =	vst v63  }
0xd7: {  	_ =	swait.ge [sflag:s11], $0x1400  }
0xd8: {  	[sflag:s11] =	ssyncset.done $0x0  }
0xd9: {  	s0 =	sadd.s32 $0x2738, s21;
	[sflag:s11] =	ssyncadd.s32 $0xFFFFEC00  }
0xda: {  	[spmem:s2] =	stream.indirect.scatter.add.f32 [tilespmem:s6], [sflag:$0x7], $0x80, s0, s3, $0xb8;
	[tilespmem:$0x1EB20] =	vst v63  }
0xdb: {  	_ =	swait.ge [sflag:s12], $0x1400  }
0xdc: {  	[sflag:s12] =	ssyncset.done $0x0  }
0xdd: {  	s0 =	sadd.s32 $0x2760, s21;
	[sflag:s12] =	ssyncadd.s32 $0xFFFFEC00  }
0xde: {  	[spmem:s2] =	stream.indirect.scatter.add.f32 [tilespmem:s7], [sflag:$0x8], $0x80, s0, s3, $0xb8;
	[tilespmem:$0x1EB20] =	vst v63  }
0xdf: {  	_ =	swait.ge [sflag:s13], $0x1400  }
0xe0: {  	[sflag:s13] =	ssyncset.done $0x0  }
0xe1: {  	s0 =	sadd.s32 $0x2788, s21;
	[sflag:s13] =	ssyncadd.s32 $0xFFFFEC00  }
0xe2: {  	[spmem:s2] =	stream.indirect.scatter.add.f32 [tilespmem:s8], [sflag:$0x9], $0x80, s0, s3, $0xb8;
	[tilespmem:$0x1EB20] =	vst v63  }
0xe3: {  	_ =	swait.ge [sflag:s14], $0x1400  }
0xe4: {  	[sflag:s14] =	ssyncset.done $0x0  }
0xe5: {  	s0 =	sadd.s32 $0x27B0, s21;
	[sflag:s14] =	ssyncadd.s32 $0xFFFFEC00  }
0xe6: {  	[spmem:s2] =	stream.indirect.scatter.add.f32 [tilespmem:s9], [sflag:$0xA], $0x80, s0, s3, $0xb8;
	[tilespmem:$0x1EB20] =	vst v63  }
0xe7: {  	_ =	swait.ge [sflag:s15], $0x1400  }
0xe8: {  	[sflag:s15] =	ssyncset.done $0x0  }
0xe9: {  	s0 =	sadd.s32 $0xC8, s21;
	[sflag:s15] =	ssyncadd.s32 $0xFFFFEC00  }
0xea: {  	[tilespmem:s25], [sflag:$0x1] =	stream.indirect.gather [hbm4b:s26+s3], $0x80, s0, s3, $0xb8;
	[tilespmem:$0x1EB20] =	vst v63  }
0xeb: {  	_ =	swait.ge [sflag:s16], $0x1400  }
0xec: {  	[sflag:s16] =	ssyncset.done $0x0  }
0xed: {  	s0 =	sadd.s32 $0xF0, s21;
	[sflag:s16] =	ssyncadd.s32 $0xFFFFEC00  }
0xee: {  	[tilespmem:s6], [sflag:$0x2] =	stream.indirect.gather [hbm4b:s26+s3], $0x80, s0, s3, $0xb8;
	[tilespmem:$0x1EB20] =	vst v63  }
0xef: {  	_ =	swait.ge [sflag:s17], $0x1400  }
0xf0: {  	[sflag:s17] =	ssyncset.done $0x0  }
0xf1: {  	s0 =	sadd.s32 $0x118, s21;
	[sflag:s17] =	ssyncadd.s32 $0xFFFFEC00  }
0xf2: {  	[tilespmem:s7], [sflag:$0x3] =	stream.indirect.gather [hbm4b:s26+s3], $0x80, s0, s3, $0xb8;
	[tilespmem:$0x1EB20] =	vst v63  }
0xf3: {  	_ =	swait.ge [sflag:s18], $0x1400  }
0xf4: {  	[sflag:s18] =	ssyncset.done $0x0  }
.Ltmp3:
0xf5: {  	s0 =	sadd.s32 $0x140, s21;
	[sflag:s18] =	ssyncadd.s32 $0xFFFFEC00;
	(pc) =	sbr.rel @p5 .LBB2_4-.Ltmp3, $4  }
0xf6: {  	[tilespmem:s8], [sflag:$0x4] =	stream.indirect.gather [hbm4b:s26+s3], $0x80, s0, s3, $0xb8;
	[tilespmem:$0x1EB20] =	vst v63  }
0xf7: {  	_ =	swait.ge [sflag:s19], $0x1400  }
0xf8: {  	[sflag:s19] =	ssyncset.done $0x0  }
0xf9: {  	s21 =	sadd.s32 $0x168, s21;
	[sflag:s19] =	ssyncadd.s32 $0xFFFFEC00  }
0xfa: {  	[tilespmem:s9], [sflag:$0x5] =	stream.indirect.gather [hbm4b:s26+s3], $0x80, s21, s3, $0xb8;
	[tilespmem:$0x1EB20] =	vst v63  }
0xfb: {  	_ =	swait.ge [sflag:s1], $0x1400  }
0xfc: {  	[sflag:s1] =	ssyncset.done $0x0  }
0xfd: {  	s0 =	simm.s32 $0x39D0;
	[sflag:s1] =	ssyncadd.s32 $0xFFFFEC00  }
0xfe: {  	[spmem:s2] =	stream.indirect.scatter.add.f32 [tilespmem:s25], [sflag:$0x6], $0x80, s0, s3, $0xb8;
	[tilespmem:$0x1EB20] =	vst v63  }
0xff: {  	_ =	swait.ge [sflag:s11], $0x1400  }
0x100: {  	[sflag:s11] =	ssyncset.done $0x0  }
0x101: {  	s22 =	simm.s32 $0x39F8;
	[sflag:s11] =	ssyncadd.s32 $0xFFFFEC00  }
0x102: {  	[spmem:s2] =	stream.indirect.scatter.add.f32 [tilespmem:s6], [sflag:$0x7], $0x80, s22, s3, $0xb8;
	[tilespmem:$0x1EB20] =	vst v63  }
0x103: {  	_ =	swait.ge [sflag:s12], $0x1400  }
0x104: {  	[sflag:s12] =	ssyncset.done $0x0  }
0x105: {  	s21 =	simm.s32 $0x3A20;
	[sflag:s12] =	ssyncadd.s32 $0xFFFFEC00  }
0x106: {  	[spmem:s2] =	stream.indirect.scatter.add.f32 [tilespmem:s7], [sflag:$0x8], $0x80, s21, s3, $0xb8;
	[tilespmem:$0x1EB20] =	vst v63  }
0x107: {  	_ =	swait.ge [sflag:s13], $0x1400  }
0x108: {  	[sflag:s13] =	ssyncset.done $0x0  }
0x109: {  	s22 =	simm.s32 $0x3A48;
	[sflag:s13] =	ssyncadd.s32 $0xFFFFEC00  }
0x10a: {  	[spmem:s2] =	stream.indirect.scatter.add.f32 [tilespmem:s8], [sflag:$0x9], $0x80, s22, s3, $0xb8;
	[tilespmem:$0x1EB20] =	vst v63  }
0x10b: {  	_ =	swait.ge [sflag:s14], $0x1400  }
0x10c: {  	[sflag:s14] =	ssyncset.done $0x0  }
0x10d: {  	s21 =	simm.s32 $0x3A70;
	[sflag:s14] =	ssyncadd.s32 $0xFFFFEC00  }
0x10e: {  	[spmem:s2] =	stream.indirect.scatter.add.f32 [tilespmem:s9], [sflag:$0xA], $0x80, s21, s3, $0xb8;
	[tilespmem:$0x1EB20] =	vst v63  }
0x10f: {  	_ =	swait.ge [sflag:s20], $0x1388  }
0x110: {  	[sflag:s20] =	ssyncset.done $0x0  }
0x111: {  	[sflag:s20] =	ssyncadd.s32 $0xFFFFEC78  }
0x112: {  	_ =	swait.ge [sflag:s20], $0x1388  }
0x113: {  	[sflag:s20] =	ssyncset.done $0x0  }
0x114: {  	[sflag:s20] =	ssyncadd.s32 $0xFFFFEC78  }
0x115: {  	_ =	swait.ge [sflag:s15], $0x1400  }
0x116: {  	[sflag:s15] =	ssyncset.done $0x0  }
0x117: {  	[sflag:s15] =	ssyncadd.s32 $0xFFFFEC00  }
0x118: {  	[tilespmem:s25], [sflag:$0x1] =	stream.indirect.gather [hbm4b:s26+s3], $0x80, s10, s3, $0xb8;
	[tilespmem:$0x1EB20] =	vst v63  }
0x119: {  	_ =	swait.ge [sflag:s16], $0x1400  }
0x11a: {  	[sflag:s16] =	ssyncset.done $0x0  }
0x11b: {  	s22 =	simm.s32 $0x13B0;
	[sflag:s16] =	ssyncadd.s32 $0xFFFFEC00  }
0x11c: {  	[tilespmem:s6], [sflag:$0x2] =	stream.indirect.gather [hbm4b:s26+s3], $0x80, s22, s3, $0xb8;
	[tilespmem:$0x1EB20] =	vst v63  }
0x11d: {  	_ =	swait.ge [sflag:s17], $0x1400  }
0x11e: {  	[sflag:s17] =	ssyncset.done $0x0  }
0x11f: {  	s21 =	simm.s32 $0x13D8;
	[sflag:s17] =	ssyncadd.s32 $0xFFFFEC00  }
0x120: {  	[tilespmem:s7], [sflag:$0x3] =	stream.indirect.gather [hbm4b:s26+s3], $0x80, s21, s3, $0xb8;
	[tilespmem:$0x1EB20] =	vst v63  }
0x121: {  	_ =	swait.ge [sflag:s18], $0x1400  }
0x122: {  	[sflag:s18] =	ssyncset.done $0x0  }
0x123: {  	s22 =	simm.s32 $0x1400;
	[sflag:s18] =	ssyncadd.s32 $0xFFFFEC00  }
0x124: {  	[tilespmem:s8], [sflag:$0x4] =	stream.indirect.gather [hbm4b:s26+s3], $0x80, s22, s3, $0xb8;
	[tilespmem:$0x1EB20] =	vst v63  }
0x125: {  	_ =	swait.ge [sflag:s19], $0x1400  }
0x126: {  	[sflag:s19] =	ssyncset.done $0x0  }
0x127: {  	s21 =	simm.s32 $0x1428;
	[sflag:s19] =	ssyncadd.s32 $0xFFFFEC00  }
0x128: {  	[tilespmem:s9], [sflag:$0x5] =	stream.indirect.gather [hbm4b:s26+s3], $0x80, s21, s3, $0xb8;
	[tilespmem:$0x1EB20] =	vst v63  }
0x129: {  	_ =	swait.ge [sflag:s1], $0x1400  }
0x12a: {  	[sflag:s1] =	ssyncset.done $0x0  }
0x12b: {  	s22 =	simm.s32 $0x3A98;
	[sflag:s1] =	ssyncadd.s32 $0xFFFFEC00  }
0x12c: {  	[spmem:s2] =	stream.indirect.scatter.add.f32 [tilespmem:s25], [sflag:$0x6], $0x80, s22, s3, $0xb8;
	[tilespmem:$0x1EB20] =	vst v63  }
0x12d: {  	_ =	swait.ge [sflag:s11], $0x1400  }
0x12e: {  	[sflag:s11] =	ssyncset.done $0x0  }
0x12f: {  	s21 =	simm.s32 $0x3AC0;
	[sflag:s11] =	ssyncadd.s32 $0xFFFFEC00  }
0x130: {  	[spmem:s2] =	stream.indirect.scatter.add.f32 [tilespmem:s6], [sflag:$0x7], $0x80, s21, s3, $0xb8;
	[tilespmem:$0x1EB20] =	vst v63  }
0x131: {  	_ =	swait.ge [sflag:s12], $0x1400  }
0x132: {  	[sflag:s12] =	ssyncset.done $0x0  }
0x133: {  	s22 =	simm.s32 $0x3AE8;
	[sflag:s12] =	ssyncadd.s32 $0xFFFFEC00  }
0x134: {  	[spmem:s2] =	stream.indirect.scatter.add.f32 [tilespmem:s7], [sflag:$0x8], $0x80, s22, s3, $0xb8;
	[tilespmem:$0x1EB20] =	vst v63  }
0x135: {  	_ =	swait.ge [sflag:s13], $0x1400  }
0x136: {  	[sflag:s13] =	ssyncset.done $0x0  }
0x137: {  	s21 =	simm.s32 $0x3B10;
	[sflag:s13] =	ssyncadd.s32 $0xFFFFEC00  }
0x138: {  	[spmem:s2] =	stream.indirect.scatter.add.f32 [tilespmem:s8], [sflag:$0x9], $0x80, s21, s3, $0xb8;
	[tilespmem:$0x1EB20] =	vst v63  }
0x139: {  	_ =	swait.ge [sflag:s14], $0x1400  }
0x13a: {  	[sflag:s14] =	ssyncset.done $0x0  }
0x13b: {  	s22 =	simm.s32 $0x3B38;
	[sflag:s14] =	ssyncadd.s32 $0xFFFFEC00  }
0x13c: {  	[spmem:s2] =	stream.indirect.scatter.add.f32 [tilespmem:s9], [sflag:$0xA], $0x80, s22, s3, $0xb8;
	[tilespmem:$0x1EB20] =	vst v63  }
0x13d: {  	_ =	swait.ge [sflag:s15], $0x1400  }
0x13e: {  	[sflag:s15] =	ssyncset.done $0x0  }
0x13f: {  	s21 =	simm.s32 $0x1450;
	[sflag:s15] =	ssyncadd.s32 $0xFFFFEC00  }
0x140: {  	[tilespmem:s25], [sflag:$0x1] =	stream.indirect.gather [hbm4b:s26+s3], $0x80, s21, s3, $0xb8;
	[tilespmem:$0x1EB20] =	vst v63  }
0x141: {  	_ =	swait.ge [sflag:s16], $0x1400  }
0x142: {  	[sflag:s16] =	ssyncset.done $0x0  }
0x143: {  	s22 =	simm.s32 $0x1478;
	[sflag:s16] =	ssyncadd.s32 $0xFFFFEC00  }
0x144: {  	[tilespmem:s6], [sflag:$0x2] =	stream.indirect.gather [hbm4b:s26+s3], $0x80, s22, s3, $0xb8;
	[tilespmem:$0x1EB20] =	vst v63  }
0x145: {  	_ =	swait.ge [sflag:s17], $0x1400  }
0x146: {  	[sflag:s17] =	ssyncset.done $0x0  }
0x147: {  	s21 =	simm.s32 $0x14A0;
	[sflag:s17] =	ssyncadd.s32 $0xFFFFEC00  }
0x148: {  	[tilespmem:s7], [sflag:$0x3] =	stream.indirect.gather [hbm4b:s26+s3], $0x80, s21, s3, $0xb8;
	[tilespmem:$0x1EB20] =	vst v63  }
0x149: {  	_ =	swait.ge [sflag:s18], $0x1400  }
0x14a: {  	[sflag:s18] =	ssyncset.done $0x0  }
0x14b: {  	s22 =	simm.s32 $0x14C8;
	[sflag:s18] =	ssyncadd.s32 $0xFFFFEC00  }
0x14c: {  	[tilespmem:s8], [sflag:$0x4] =	stream.indirect.gather [hbm4b:s26+s3], $0x80, s22, s3, $0xb8;
	[tilespmem:$0x1EB20] =	vst v63  }
0x14d: {  	_ =	swait.ge [sflag:s19], $0x1400  }
0x14e: {  	[sflag:s19] =	ssyncset.done $0x0  }
0x14f: {  	s31 =	simm.s32 $0x320;
	s21 =	simm.s32 $0x14F0;
	[sflag:s19] =	ssyncadd.s32 $0xFFFFEC00  }
.LBB2_6:
0x150: {  	[tilespmem:s9], [sflag:$0x5] =	stream.indirect.gather [hbm4b:s26+s3], $0x80, s21, s3, $0xb8;
	[tilespmem:$0x1EB20] =	vst v63  }
0x151: {  	s0 =	smov.u32 s31  }
0x152: {  	p5 =	sne.s32 s31, $0x47E0;
	s31 =	sadd.s32 $0x320, s31;
	_ =	swait.ge [sflag:s1], $0x1400  }
0x153: {  	s21 =	sshra.s32 s0, $0x2;
	[sflag:s1] =	ssyncset.done $0x0  }
0x154: {  	s0 =	sadd.s32 $0x3A98, s21;
	[sflag:s1] =	ssyncadd.s32 $0xFFFFEC00  }
0x155: {  	[spmem:s2] =	stream.indirect.scatter.add.f32 [tilespmem:s25], [sflag:$0x6], $0x80, s0, s3, $0xb8;
	[tilespmem:$0x1EB20] =	vst v63  }
0x156: {  	_ =	swait.ge [sflag:s11], $0x1400  }
0x157: {  	[sflag:s11] =	ssyncset.done $0x0  }
0x158: {  	s0 =	sadd.s32 $0x3AC0, s21;
	[sflag:s11] =	ssyncadd.s32 $0xFFFFEC00  }
0x159: {  	[spmem:s2] =	stream.indirect.scatter.add.f32 [tilespmem:s6], [sflag:$0x7], $0x80, s0, s3, $0xb8;
	[tilespmem:$0x1EB20] =	vst v63  }
0x15a: {  	_ =	swait.ge [sflag:s12], $0x1400  }
0x15b: {  	[sflag:s12] =	ssyncset.done $0x0  }
0x15c: {  	s0 =	sadd.s32 $0x3AE8, s21;
	[sflag:s12] =	ssyncadd.s32 $0xFFFFEC00  }
0x15d: {  	[spmem:s2] =	stream.indirect.scatter.add.f32 [tilespmem:s7], [sflag:$0x8], $0x80, s0, s3, $0xb8;
	[tilespmem:$0x1EB20] =	vst v63  }
0x15e: {  	_ =	swait.ge [sflag:s13], $0x1400  }
0x15f: {  	[sflag:s13] =	ssyncset.done $0x0  }
0x160: {  	s0 =	sadd.s32 $0x3B10, s21;
	[sflag:s13] =	ssyncadd.s32 $0xFFFFEC00  }
0x161: {  	[spmem:s2] =	stream.indirect.scatter.add.f32 [tilespmem:s8], [sflag:$0x9], $0x80, s0, s3, $0xb8;
	[tilespmem:$0x1EB20] =	vst v63  }
0x162: {  	_ =	swait.ge [sflag:s14], $0x1400  }
0x163: {  	[sflag:s14] =	ssyncset.done $0x0  }
0x164: {  	s0 =	sadd.s32 $0x3B38, s21;
	[sflag:s14] =	ssyncadd.s32 $0xFFFFEC00  }
0x165: {  	[spmem:s2] =	stream.indirect.scatter.add.f32 [tilespmem:s9], [sflag:$0xA], $0x80, s0, s3, $0xb8;
	[tilespmem:$0x1EB20] =	vst v63  }
0x166: {  	_ =	swait.ge [sflag:s15], $0x1400  }
0x167: {  	[sflag:s15] =	ssyncset.done $0x0  }
0x168: {  	s0 =	sadd.s32 $0x1450, s21;
	[sflag:s15] =	ssyncadd.s32 $0xFFFFEC00  }
0x169: {  	[tilespmem:s25], [sflag:$0x1] =	stream.indirect.gather [hbm4b:s26+s3], $0x80, s0, s3, $0xb8;
	[tilespmem:$0x1EB20] =	vst v63  }
0x16a: {  	_ =	swait.ge [sflag:s16], $0x1400  }
0x16b: {  	[sflag:s16] =	ssyncset.done $0x0  }
0x16c: {  	s0 =	sadd.s32 $0x1478, s21;
	[sflag:s16] =	ssyncadd.s32 $0xFFFFEC00  }
0x16d: {  	[tilespmem:s6], [sflag:$0x2] =	stream.indirect.gather [hbm4b:s26+s3], $0x80, s0, s3, $0xb8;
	[tilespmem:$0x1EB20] =	vst v63  }
0x16e: {  	_ =	swait.ge [sflag:s17], $0x1400  }
0x16f: {  	[sflag:s17] =	ssyncset.done $0x0  }
0x170: {  	s0 =	sadd.s32 $0x14A0, s21;
	[sflag:s17] =	ssyncadd.s32 $0xFFFFEC00  }
0x171: {  	[tilespmem:s7], [sflag:$0x3] =	stream.indirect.gather [hbm4b:s26+s3], $0x80, s0, s3, $0xb8;
	[tilespmem:$0x1EB20] =	vst v63  }
0x172: {  	_ =	swait.ge [sflag:s18], $0x1400  }
0x173: {  	[sflag:s18] =	ssyncset.done $0x0  }
.Ltmp4:
0x174: {  	s0 =	sadd.s32 $0x14C8, s21;
	[sflag:s18] =	ssyncadd.s32 $0xFFFFEC00;
	(pc) =	sbr.rel @p5 .LBB2_6-.Ltmp4, $4  }
0x175: {  	[tilespmem:s8], [sflag:$0x4] =	stream.indirect.gather [hbm4b:s26+s3], $0x80, s0, s3, $0xb8;
	[tilespmem:$0x1EB20] =	vst v63  }
0x176: {  	_ =	swait.ge [sflag:s19], $0x1400  }
0x177: {  	[sflag:s19] =	ssyncset.done $0x0  }
0x178: {  	s21 =	sadd.s32 $0x14F0, s21;
	[sflag:s19] =	ssyncadd.s32 $0xFFFFEC00  }
0x179: {  	[tilespmem:s9], [sflag:$0x5] =	stream.indirect.gather [hbm4b:s26+s3], $0x80, s21, s3, $0xb8;
	[tilespmem:$0x1EB20] =	vst v63  }
0x17a: {  	_ =	swait.ge [sflag:s1], $0x1400  }
0x17b: {  	[sflag:s1] =	ssyncset.done $0x0  }
0x17c: {  	s0 =	simm.s32 $0x4D58;
	[sflag:s1] =	ssyncadd.s32 $0xFFFFEC00  }
0x17d: {  	[spmem:s2] =	stream.indirect.scatter.add.f32 [tilespmem:s25], [sflag:$0x6], $0x80, s0, s3, $0xb8;
	[tilespmem:$0x1EB20] =	vst v63  }
0x17e: {  	_ =	swait.ge [sflag:s11], $0x1400  }
0x17f: {  	[sflag:s11] =	ssyncset.done $0x0  }
0x180: {  	s31 =	simm.s32 $0x4D80;
	[sflag:s11] =	ssyncadd.s32 $0xFFFFEC00  }
0x181: {  	[spmem:s2] =	stream.indirect.scatter.add.f32 [tilespmem:s6], [sflag:$0x7], $0x80, s31, s3, $0xb8;
	[tilespmem:$0x1EB20] =	vst v63  }
0x182: {  	_ =	swait.ge [sflag:s12], $0x1400  }
0x183: {  	[sflag:s12] =	ssyncset.done $0x0  }
0x184: {  	s21 =	simm.s32 $0x4DA8;
	[sflag:s12] =	ssyncadd.s32 $0xFFFFEC00  }
0x185: {  	[spmem:s2] =	stream.indirect.scatter.add.f32 [tilespmem:s7], [sflag:$0x8], $0x80, s21, s3, $0xb8;
	[tilespmem:$0x1EB20] =	vst v63  }
0x186: {  	_ =	swait.ge [sflag:s13], $0x1400  }
0x187: {  	[sflag:s13] =	ssyncset.done $0x0  }
0x188: {  	s22 =	simm.s32 $0x4DD0;
	[sflag:s13] =	ssyncadd.s32 $0xFFFFEC00  }
0x189: {  	[spmem:s2] =	stream.indirect.scatter.add.f32 [tilespmem:s8], [sflag:$0x9], $0x80, s22, s3, $0xb8;
	[tilespmem:$0x1EB20] =	vst v63  }
0x18a: {  	_ =	swait.ge [sflag:s14], $0x1400  }
0x18b: {  	[sflag:s14] =	ssyncset.done $0x0  }
0x18c: {  	s31 =	simm.s32 $0x4DF8;
	[sflag:s14] =	ssyncadd.s32 $0xFFFFEC00  }
0x18d: {  	[spmem:s2] =	stream.indirect.scatter.add.f32 [tilespmem:s9], [sflag:$0xA], $0x80, s31, s3, $0xb8;
	[tilespmem:$0x1EB20] =	vst v63  }
0x18e: {  	_ =	swait.ge [sflag:s15], $0x1400  }
0x18f: {  	[sflag:s15] =	ssyncset.done $0x0  }
0x190: {  	[sflag:s15] =	ssyncadd.s32 $0xFFFFEC00  }
0x191: {  	_ =	swait.ge [sflag:s16], $0x1400  }
0x192: {  	[sflag:s16] =	ssyncset.done $0x0  }
0x193: {  	[sflag:s16] =	ssyncadd.s32 $0xFFFFEC00  }
0x194: {  	_ =	swait.ge [sflag:s17], $0x1400  }
0x195: {  	[sflag:s17] =	ssyncset.done $0x0  }
0x196: {  	[sflag:s17] =	ssyncadd.s32 $0xFFFFEC00  }
0x197: {  	_ =	swait.ge [sflag:s18], $0x1400  }
0x198: {  	[sflag:s18] =	ssyncset.done $0x0  }
0x199: {  	[sflag:s18] =	ssyncadd.s32 $0xFFFFEC00  }
.Ltmp5:
0x19a: {  	_ =	swait.ge [sflag:s19], $0x1400;
	(pc) =	sbr.rel @!p1 .LBB2_10-.Ltmp5, $3  }
0x19b: {  	[sflag:s19] =	ssyncset.done $0x0  }
0x19c: {  	[sflag:s19] =	ssyncadd.s32 $0xFFFFEC00  }
0x19d: {  	[bflag:$0x0] =	sbarrier.arrive $0xFFFF;
	_ =	sdelay $0x1  }
0x19e: {  	s0 =	stileid.u32  }
0x19f: {  	s21 =	sshrl.u32 s5, $0x3;
	s0 =	sshll.u32 s0, $0x6  }
.Ltmp6:
0x1a0: {  	s22 =	rddreg [dreg:$0x17];
	s0 =	sor.u32 $0x1C0D, s0;
	(pc) =	sbr.rel .LBB2_9-.Ltmp6, $4  }
0x1a1: {  	[hbm:s22], [sflag:s0] =	dma.local [spmem:s21], $0x2700  }
0x1a2: {  	_ =	swait.ge [sflag:s23], $0x2700  }
0x1a3: {  	[sflag:s23] =	ssyncset.done $0x0  }
0x1a4: {  	[sflag:s23] =	ssyncadd.s32 $0xFFFFD900  }
.LBB2_10:
.Ltmp7:
0x1a5: {  	(pc) =	sbr.rel @p2 .LBB2_11-.Ltmp7, $1  }
0x1a6: {  	_ =	sdelay $0x3  }
.LBB2_9:
0x1a7: {  	s0 =	sadd.s32 @!p4 $0x24900, s30;
	s21 =	sshrl.u32 @!p4 s29, $0x3;
	s22 =	simm.s32 @!p4 $0x1FCD  }
0x1a8: {  	[hbm:s0], [sflag:s22] =	dma.local @!p4 [spmem:s21], $0x2800  }
0x1a9: {  	s0 =	simm.s32 @!p4 $0xD  }
0x1aa: {  	_ =	swait.ge @!p4 [sflag:s0], $0x2800  }
0x1ab: {  	[sflag:s0] =	ssyncset.done @!p4 $0x0  }
0x1ac: {  	[sflag:s0] =	ssyncadd.s32 @!p4 $0xFFFFD800;
	s0 =	stileid.u32  }
0x1ad: {  	s21 =	rddreg [dreg:$0x3];
	s0 =	sshll.u32 @p3 s0, $0x6  }
0x1ae: {  	s22 =	sshrl.u32 @p3 s5, $0x3;
	s21 =	sadd.s32 @p3 s21, s30;
	s0 =	sor.u32 @p3 $0x1C0D, s0  }
0x1af: {  	[hbm:s21], [sflag:s0] =	dma.local @p3 [spmem:s22], $0x2700  }
.Ltmp8:
0x1b0: {  	_ = 	snop;
	(pc) =	sbr.rel .LBB2_12-.Ltmp8, $4  }
0x1b1: {  	s0 =	simm.s32 @p3 $0xD  }
0x1b2: {  	_ =	swait.ge @p3 [sflag:s0], $0x2700  }
0x1b3: {  	[sflag:s0] =	ssyncset.done @p3 $0x0  }
0x1b4: {  	[sflag:s0] =	ssyncadd.s32 @p3 $0xFFFFD900  }
.LBB2_13:
0x1b5: {  	_ =	sfence.sel $0x180000  }
0x1b6: {  	[bflag:$0x0] =	sbarrier.arrive $0xFFFF  }
0x1b7: {  	_ =	strace $0x9000004A  }
0x1b8: {  	s0 =	stileid.u32;
	[bflag:$0x2] =	sbarrier.arrive $0xFFFF  }
0x1b9: {  	p0 =	sne.s32 s0, $0x0;
	s0 =	rddreg [dreg:$0x2]  }
0x1ba: {  	s0 =	sadd.s32 @!p0 $0x100000, s0  }
0x1bb: {  	[sflag:s0] =	ssyncadd.tile.s32 @!p0 $0x1;
	_ =	shalt  }
.Lfunc_end2:
_tile_overlayer_lowered:
.L_overlay_start_2:
0x1bc: {  	(tag) =	ssettag $0x2  }
0x1bd: {  	s0 =	rddreg [dreg:$0x0];
	s2 =	stileid.u32  }
0x1be: {  	s1 =	rddreg [dreg:$0x1];
	p0 =	sne.s32 s2, $0x0  }
0x1bf: {  	s3 =	rddreg [dreg:$0x2];
	[bflag:$0x3] =	sbarrier.arrive $0xFFFF;
	s2 =	simm.s32 @!p0 $0x1C0D  }
0x1c0: {  	[timem:s3], [sflag:s2] =	dma.local @!p0 [hbm:s0], s1  }
0x1c1: {  	s0 =	simm.s32 @!p0 $0xD  }
0x1c2: {  	_ =	swait.ge @!p0 [sflag:s0], s1  }
0x1c3: {  	s1 =	ssub.s32 @!p0 $0x0, s1;
	[sflag:s0] =	ssyncset.done @!p0 $0x0  }
0x1c4: {  	[sflag:s0] =	ssyncadd.s32 @!p0 s1  }
0x1c5: {  	[bflag:$0x3] =	sbarrier.arrive $0xFFFF  }
0x1c6: {  	_ =	shalt  }

</sc_bundles>
